<compile_context>
chip_gen: v7x
topology: tpu7x:2x2x1
jax: 0.10.2.dev20260603
libtpu: 0.0.44.dev20260713+nightly
codegen_flags: <defaults>
</compile_context>

<pallas_src>
import functools

import jax
import jax.numpy as jnp
from jax import lax
from jax.experimental import pallas as pl
from jax.experimental.pallas import tpu as pltpu
from jax.experimental.pallas import tpu_sc as plsc

N = 10000
F = 128
E = 320000

NC = 2
NS = 16
NW = NC * NS
CH = 128
NCHUNK = 79
EW = CH * NCHUNK
E_PAD = EW * NW
NP = 10240
RPT = NP // NS

_mesh = plsc.VectorSubcoreMesh(core_axis_name="c", subcore_axis_name="s")


@functools.partial(
    pl.kernel,
    out_type=jax.ShapeDtypeStruct((NC, NP), jnp.float32),
    mesh=_mesh,
    scratch_types=[
        pltpu.VMEM((RPT,), jnp.float32),
        pltpu.VMEM((CH,), jnp.int32),
        pltpu.VMEM((CH,), jnp.float32),
        pltpu.VMEM_SHARED((NP,), jnp.float32),
    ],
)
def _deg_kernel(col_hbm, ew_hbm, out_hbm, zb, col_v, ew_v, deg_sh):
    cid = lax.axis_index("c")
    sid = lax.axis_index("s")
    wid = cid * NS + sid

    @pl.loop(0, RPT, step=16)
    def _(i):
        zb[pl.ds(i, 16)] = jnp.zeros((16,), jnp.float32)

    pltpu.sync_copy(zb, deg_sh.at[pl.ds(sid * RPT, RPT)])
    plsc.subcore_barrier()

    base = wid * EW

    @pl.loop(0, NCHUNK)
    def _(j):
        off = base + j * CH
        pltpu.sync_copy(col_hbm.at[pl.ds(off, CH)], col_v)
        pltpu.sync_copy(ew_hbm.at[pl.ds(off, CH)], ew_v)
        pltpu.sync_copy(ew_v, deg_sh.at[col_v], add=True)

    plsc.subcore_barrier()
    pltpu.sync_copy(
        deg_sh.at[pl.ds(sid * RPT, RPT)],
        out_hbm.at[cid, pl.ds(sid * RPT, RPT)],
    )


@functools.partial(
    pl.kernel,
    out_type=jax.ShapeDtypeStruct((NC, NP, F), jnp.float32),
    mesh=_mesh,
    scratch_types=[
        pltpu.VMEM((CH, F), jnp.float32),
        pltpu.VMEM((CH,), jnp.int32),
        pltpu.VMEM((CH,), jnp.int32),
        pltpu.VMEM((CH,), jnp.float32),
        pltpu.VMEM_SHARED((NP, F), jnp.float32),
        pltpu.SemaphoreType.DMA,
    ],
)
def _agg_kernel(xs_hbm, row_hbm, col_hbm, ew_hbm, out_hbm,
                rows_v, row_v, col_v, ew_v, acc_sh, sem):
    cid = lax.axis_index("c")
    sid = lax.axis_index("s")
    wid = cid * NS + sid

    @pl.loop(0, CH)
    def _(r):
        for j in range(F // 16):
            rows_v[r, pl.ds(j * 16, 16)] = jnp.zeros((16,), jnp.float32)

    for k in range(RPT // CH):
        pltpu.sync_copy(rows_v, acc_sh.at[pl.ds(sid * RPT + k * CH, CH)])
    plsc.subcore_barrier()

    base = wid * EW

    @pl.loop(0, NCHUNK)
    def _(j):
        off = base + j * CH
        pltpu.sync_copy(row_hbm.at[pl.ds(off, CH)], row_v)
        pltpu.sync_copy(col_hbm.at[pl.ds(off, CH)], col_v)
        pltpu.sync_copy(ew_hbm.at[pl.ds(off, CH)], ew_v)
        pltpu.async_copy(xs_hbm.at[row_v], rows_v, sem).wait()

        @pl.loop(0, CH, step=16)
        def _(g):
            ew16 = ew_v[pl.ds(g, 16)]
            for e16 in range(16):
                w = lax.gather(
                    ew16, jnp.full((16, 1), e16, jnp.int32),
                    lax.GatherDimensionNumbers(
                        offset_dims=(), collapsed_slice_dims=(0,),
                        start_index_map=(0,)),
                    (1,), mode=lax.GatherScatterMode.PROMISE_IN_BOUNDS)
                for j2 in range(F // 16):
                    rows_v[g + e16, pl.ds(j2 * 16, 16)] = (
                        rows_v[g + e16, pl.ds(j2 * 16, 16)] * w)

        pltpu.sync_copy(rows_v, acc_sh.at[col_v], add=True)

    plsc.subcore_barrier()
    pltpu.sync_copy(
        acc_sh.at[pl.ds(sid * RPT, RPT)],
        out_hbm.at[cid, pl.ds(sid * RPT, RPT)],
    )


def _mm_body(x_ref, w_ref, o_ref):
    o_ref[...] = lax.dot_general(
        x_ref[...], w_ref[...], (((1,), (1,)), ((), ())),
        preferred_element_type=jnp.float32)


_mm = pl.pallas_call(
    _mm_body, out_shape=jax.ShapeDtypeStruct((N, F), jnp.float32))


def _scale_body(dp_ref, xp_ref, dinvb_ref, xs_ref):
    deg = dp_ref[0] + dp_ref[1] + 1.0
    dinv = jnp.where(deg > 0, lax.rsqrt(deg), 0.0)
    dinvb = jnp.broadcast_to(dinv, (N, F))
    dinvb_ref[...] = dinvb
    xs_ref[...] = dinvb * xp_ref[...]


_scale = pl.pallas_call(
    _scale_body,
    out_shape=(jax.ShapeDtypeStruct((N, F), jnp.float32),
               jax.ShapeDtypeStruct((N, F), jnp.float32)))


def _mid_body(a0_ref, a1_ref, xs1_ref, dinvb_ref, b1_ref, g_ref, be_ref,
              w2_ref, xs2_ref):
    dinvb = dinvb_ref[...]
    pre = dinvb * (a0_ref[...] + a1_ref[...] + xs1_ref[...]) + b1_ref[...]
    mean = jnp.mean(pre, axis=0, keepdims=True)
    cen = pre - mean
    var = jnp.mean(cen * cen, axis=0, keepdims=True)
    h = cen * lax.rsqrt(var + 1e-5) * g_ref[...] + be_ref[...]
    h = jnp.maximum(h, 0.0)
    xp2 = lax.dot_general(
        h, w2_ref[...], (((1,), (1,)), ((), ())),
        preferred_element_type=jnp.float32)
    xs2_ref[...] = dinvb * xp2


_mid = pl.pallas_call(
    _mid_body, out_shape=jax.ShapeDtypeStruct((N, F), jnp.float32))


def _out_body(a0_ref, a1_ref, xs2_ref, dinvb_ref, b2_ref, o_ref):
    o_ref[...] = (dinvb_ref[...] * (a0_ref[...] + a1_ref[...] + xs2_ref[...])
                  + b2_ref[...])


_out = pl.pallas_call(
    _out_body, out_shape=jax.ShapeDtypeStruct((N, F), jnp.float32))


def kernel(x, edge_index, edge_weight, W1, b1, gamma, beta, W2, b2):
    ei = edge_index.astype(jnp.int32)
    row, col = ei[0], ei[1]
    pad = E_PAD - E
    pad_idx = jnp.arange(pad, dtype=jnp.int32) % N
    row_p = jnp.concatenate([row, pad_idx])
    col_p = jnp.concatenate([col, pad_idx])
    ew_p = jnp.concatenate([edge_weight.astype(jnp.float32),
                            jnp.zeros((pad,), jnp.float32)])

    deg_parts = _deg_kernel(col_p, ew_p)
    xp1 = _mm(x, W1)
    dp = deg_parts[:, :N].reshape(NC, N, 1)
    dinvb, xs1 = _scale(dp, xp1)
    acc1 = _agg_kernel(xs1, row_p, col_p, ew_p)
    xs2 = _mid(acc1[0, :N], acc1[1, :N], xs1, dinvb,
               b1.reshape(1, F), gamma.reshape(1, F), beta.reshape(1, F),
               W2)
    acc2 = _agg_kernel(xs2, row_p, col_p, ew_p)
    return _out(acc2[0, :N], acc2[1, :N], xs2, dinvb, b2.reshape(1, F))

# --- scband reference (transcript-rebuilt; emitter-appended) ---
"""Pipeline reference for scband-gcn-25555055411697 (READ-ONLY COPY).

The authoritative reference and input builder live on the scoring server;
editing this copy changes nothing except your own understanding.
"""

import jax, jax.numpy as jnp
import numpy as np

N = 10000
E = 320000
IN = 128
HID = 128
OUT = 128


def setup_inputs(seed: int = 0) -> dict:
    key = jax.random.key(seed)
    ks = jax.random.split(key, 10)
    x = jax.random.normal(ks[0], (N, IN), dtype=jnp.float32)
    edge_index = jax.random.randint(ks[1], (2, E), 0, N, dtype=jnp.int64)
    edge_weight = jax.random.uniform(ks[2], (E,), dtype=jnp.float32)
    W1 = jax.random.normal(ks[3], (HID, IN), dtype=jnp.float32) * (1.0 / np.sqrt(IN))
    b1 = jnp.zeros((HID,), dtype=jnp.float32)
    gamma = jnp.ones((HID,), dtype=jnp.float32)
    beta = jnp.zeros((HID,), dtype=jnp.float32)
    W2 = jax.random.normal(ks[4], (OUT, HID), dtype=jnp.float32) * (1.0 / np.sqrt(HID))
    b2 = jnp.zeros((OUT,), dtype=jnp.float32)
    return {"x": x, "edge_index": edge_index, "edge_weight": edge_weight,
            "W1": W1, "b1": b1, "gamma": gamma, "beta": beta, "W2": W2, "b2": b2}


def _gcn_conv(x, edge_index, edge_weight, W, b):
    # GCNConv with add_self_loops=True, normalize=True (PyG semantics)
    n = x.shape[0]
    row = edge_index[0]
    col = edge_index[1]
    loop = jnp.arange(n, dtype=row.dtype)
    row = jnp.concatenate([row, loop])
    col = jnp.concatenate([col, loop])
    ew = jnp.concatenate([edge_weight, jnp.ones((n,), dtype=x.dtype)])
    deg = jax.ops.segment_sum(ew, col, num_segments=n)
    deg_inv_sqrt = jnp.where(deg > 0, 1.0 / jnp.sqrt(deg), 0.0)
    norm = deg_inv_sqrt[row] * ew * deg_inv_sqrt[col]
    xp = x @ W.T  # linear (no bias inside lin)
    msg = norm[:, None] * jnp.take(xp, row, axis=0)
    out = jax.ops.segment_sum(msg, col, num_segments=n)
    return out + b


def reference(x, edge_index, edge_weight, W1, b1, gamma, beta, W2, b2):
    h = _gcn_conv(x, edge_index, edge_weight, W1, b1)
    # BatchNorm1d in training mode (batch statistics, biased variance)
    mean = jnp.mean(h, axis=0)
    var = jnp.mean((h - mean) ** 2, axis=0)
    h = (h - mean) / jnp.sqrt(var + 1e-5) * gamma + beta
    h = jax.nn.relu(h)
    # dropout p=0.0 -> identity
    out = _gcn_conv(h, edge_index, edge_weight, W2, b2)
    return out

if __name__ == "__main__":
    import jax
    _d = setup_inputs()
    print(jax.jit(kernel)(*tuple(_d.values())))

</pallas_src>

<mosaic_0001>
#map = affine_map<(d0, d1) -> (0, 0)>
#map1 = affine_map<(d0, d1) -> (0)>
#map2 = affine_map<(d0, d1) -> (0, 0, 0)>
module attributes {stable_mosaic.version = 14 : i64} {
  func.func @_agg_kernel(%arg0: i32, %arg1: i32, %arg2: memref<10000x128xf32, #tpu.memory_space<hbm>>, %arg3: memref<323584xi32, #tpu.memory_space<hbm>>, %arg4: memref<323584xi32, #tpu.memory_space<hbm>>, %arg5: memref<323584xf32, #tpu.memory_space<hbm>>, %arg6: memref<2x10240x128xf32, #tpu.memory_space<hbm>>, %arg7: memref<128x128xf32, #tpu.memory_space<vmem>>, %arg8: memref<128xi32, #tpu.memory_space<vmem>>, %arg9: memref<128xi32, #tpu.memory_space<vmem>>, %arg10: memref<128xf32, #tpu.memory_space<vmem>>, %arg11: memref<10240x128xf32, #tpu.memory_space<vmem_shared>>, %arg12: memref<!tpu.dma_semaphore, #tpu.memory_space<semaphore_mem>>) attributes {dimension_semantics = [#tpu.dimension_semantics<core_parallel>, #tpu.dimension_semantics<subcore_parallel>], iteration_bounds = array<i64: 2, 16>, scalar_prefetch = 0 : i64, scratch_operands = 6 : i64, tpu.core_type = #tpu.core_type<sc_vector_subcore>, window_params = [{transform_indices = #map}, {transform_indices = #map1}, {transform_indices = #map1}, {transform_indices = #map1}, {transform_indices = #map2}]} {
    %mul3A = arith.constant 16 : i32
    %mul3A_0 = arith.muli %arg0, %mul3A : i32
    %add3A = arith.addi %mul3A_0, %arg1 : i32
    %scan3A = arith.constant 0 : i32
    %scan3A_1 = arith.constant 128 : i32
    %scan3A_2 = arith.addi %scan3A, %scan3A_1 : i32
    %scan3A_3 = arith.constant 1 : i32
    scf.for %scan3A_37 = %scan3A to %scan3A_2 step %scan3A_3  : i32 {
      %mul3A_38 = arith.constant 1 : i32
      %mul3A_39 = arith.muli %scan3A_37, %mul3A_38 : i32
      %add3A_40 = arith.constant 0 : i32
      %add3A_41 = arith.addi %add3A_40, %mul3A_39 : i32
      %broadcast_in_dim3A = arith.constant 0.000000e+00 : f32
      %broadcast_in_dim3A_42 = vector.broadcast %broadcast_in_dim3A : f32 to vector<16xf32>
      %swap3A = arith.index_cast %add3A_41 : i32 to index
      %swap3A_43 = arith.constant 0 : index
      %swap3A_44 = tpu.vector_load %arg7[%swap3A, %swap3A_43] {strides = array<i32>} : memref<128x128xf32, #tpu.memory_space<vmem>>, vector<1x16xf32>,
      %swap3A_45 = vector.shape_cast %swap3A_44 : vector<1x16xf32> to vector<16xf32>
      %swap3A_46 = vector.shape_cast %broadcast_in_dim3A_42 : vector<16xf32> to vector<1x16xf32>
      tpu.vector_store %arg7[%swap3A, %swap3A_43], %swap3A_46 {strides = array<i32>} : memref<128x128xf32, #tpu.memory_space<vmem>>, vector<1x16xf32>,
      %broadcast_in_dim3A_47 = arith.constant 0.000000e+00 : f32
      %broadcast_in_dim3A_48 = vector.broadcast %broadcast_in_dim3A_47 : f32 to vector<16xf32>
      %swap3A_49 = arith.index_cast %add3A_41 : i32 to index
      %swap3A_50 = arith.constant 16 : index
      %swap3A_51 = tpu.vector_load %arg7[%swap3A_49, %swap3A_50] {strides = array<i32>} : memref<128x128xf32, #tpu.memory_space<vmem>>, vector<1x16xf32>,
      %swap3A_52 = vector.shape_cast %swap3A_51 : vector<1x16xf32> to vector<16xf32>
      %swap3A_53 = vector.shape_cast %broadcast_in_dim3A_48 : vector<16xf32> to vector<1x16xf32>
      tpu.vector_store %arg7[%swap3A_49, %swap3A_50], %swap3A_53 {strides = array<i32>} : memref<128x128xf32, #tpu.memory_space<vmem>>, vector<1x16xf32>,
      %broadcast_in_dim3A_54 = arith.constant 0.000000e+00 : f32
      %broadcast_in_dim3A_55 = vector.broadcast %broadcast_in_dim3A_54 : f32 to vector<16xf32>
      %swap3A_56 = arith.index_cast %add3A_41 : i32 to index
      %swap3A_57 = arith.constant 32 : index
      %swap3A_58 = tpu.vector_load %arg7[%swap3A_56, %swap3A_57] {strides = array<i32>} : memref<128x128xf32, #tpu.memory_space<vmem>>, vector<1x16xf32>,
      %swap3A_59 = vector.shape_cast %swap3A_58 : vector<1x16xf32> to vector<16xf32>
      %swap3A_60 = vector.shape_cast %broadcast_in_dim3A_55 : vector<16xf32> to vector<1x16xf32>
      tpu.vector_store %arg7[%swap3A_56, %swap3A_57], %swap3A_60 {strides = array<i32>} : memref<128x128xf32, #tpu.memory_space<vmem>>, vector<1x16xf32>,
      %broadcast_in_dim3A_61 = arith.constant 0.000000e+00 : f32
      %broadcast_in_dim3A_62 = vector.broadcast %broadcast_in_dim3A_61 : f32 to vector<16xf32>
      %swap3A_63 = arith.index_cast %add3A_41 : i32 to index
      %swap3A_64 = arith.constant 48 : index
      %swap3A_65 = tpu.vector_load %arg7[%swap3A_63, %swap3A_64] {strides = array<i32>} : memref<128x128xf32, #tpu.memory_space<vmem>>, vector<1x16xf32>,
      %swap3A_66 = vector.shape_cast %swap3A_65 : vector<1x16xf32> to vector<16xf32>
      %swap3A_67 = vector.shape_cast %broadcast_in_dim3A_62 : vector<16xf32> to vector<1x16xf32>
      tpu.vector_store %arg7[%swap3A_63, %swap3A_64], %swap3A_67 {strides = array<i32>} : memref<128x128xf32, #tpu.memory_space<vmem>>, vector<1x16xf32>,
      %broadcast_in_dim3A_68 = arith.constant 0.000000e+00 : f32
      %broadcast_in_dim3A_69 = vector.broadcast %broadcast_in_dim3A_68 : f32 to vector<16xf32>
      %swap3A_70 = arith.index_cast %add3A_41 : i32 to index
      %swap3A_71 = arith.constant 64 : index
      %swap3A_72 = tpu.vector_load %arg7[%swap3A_70, %swap3A_71] {strides = array<i32>} : memref<128x128xf32, #tpu.memory_space<vmem>>, vector<1x16xf32>,
      %swap3A_73 = vector.shape_cast %swap3A_72 : vector<1x16xf32> to vector<16xf32>
      %swap3A_74 = vector.shape_cast %broadcast_in_dim3A_69 : vector<16xf32> to vector<1x16xf32>
      tpu.vector_store %arg7[%swap3A_70, %swap3A_71], %swap3A_74 {strides = array<i32>} : memref<128x128xf32, #tpu.memory_space<vmem>>, vector<1x16xf32>,
      %broadcast_in_dim3A_75 = arith.constant 0.000000e+00 : f32
      %broadcast_in_dim3A_76 = vector.broadcast %broadcast_in_dim3A_75 : f32 to vector<16xf32>
      %swap3A_77 = arith.index_cast %add3A_41 : i32 to index
      %swap3A_78 = arith.constant 80 : index
      %swap3A_79 = tpu.vector_load %arg7[%swap3A_77, %swap3A_78] {strides = array<i32>} : memref<128x128xf32, #tpu.memory_space<vmem>>, vector<1x16xf32>,
      %swap3A_80 = vector.shape_cast %swap3A_79 : vector<1x16xf32> to vector<16xf32>
      %swap3A_81 = vector.shape_cast %broadcast_in_dim3A_76 : vector<16xf32> to vector<1x16xf32>
      tpu.vector_store %arg7[%swap3A_77, %swap3A_78], %swap3A_81 {strides = array<i32>} : memref<128x128xf32, #tpu.memory_space<vmem>>, vector<1x16xf32>,
      %broadcast_in_dim3A_82 = arith.constant 0.000000e+00 : f32
      %broadcast_in_dim3A_83 = vector.broadcast %broadcast_in_dim3A_82 : f32 to vector<16xf32>
      %swap3A_84 = arith.index_cast %add3A_41 : i32 to index
      %swap3A_85 = arith.constant 96 : index
      %swap3A_86 = tpu.vector_load %arg7[%swap3A_84, %swap3A_85] {strides = array<i32>} : memref<128x128xf32, #tpu.memory_space<vmem>>, vector<1x16xf32>,
      %swap3A_87 = vector.shape_cast %swap3A_86 : vector<1x16xf32> to vector<16xf32>
      %swap3A_88 = vector.shape_cast %broadcast_in_dim3A_83 : vector<16xf32> to vector<1x16xf32>
      tpu.vector_store %arg7[%swap3A_84, %swap3A_85], %swap3A_88 {strides = array<i32>} : memref<128x128xf32, #tpu.memory_space<vmem>>, vector<1x16xf32>,
      %broadcast_in_dim3A_89 = arith.constant 0.000000e+00 : f32
      %broadcast_in_dim3A_90 = vector.broadcast %broadcast_in_dim3A_89 : f32 to vector<16xf32>
      %swap3A_91 = arith.index_cast %add3A_41 : i32 to index
      %swap3A_92 = arith.constant 112 : index
      %swap3A_93 = tpu.vector_load %arg7[%swap3A_91, %swap3A_92] {strides = array<i32>} : memref<128x128xf32, #tpu.memory_space<vmem>>, vector<1x16xf32>,
      %swap3A_94 = vector.shape_cast %swap3A_93 : vector<1x16xf32> to vector<16xf32>
      %swap3A_95 = vector.shape_cast %broadcast_in_dim3A_90 : vector<16xf32> to vector<1x16xf32>
      tpu.vector_store %arg7[%swap3A_91, %swap3A_92], %swap3A_95 {strides = array<i32>} : memref<128x128xf32, #tpu.memory_space<vmem>>, vector<1x16xf32>,
    }
    %scan3A_4 = arith.constant 128 : i32
    %mul3A_5 = arith.constant 640 : i32
    %mul3A_6 = arith.muli %arg1, %mul3A_5 : i32
    %add3A_7 = arith.constant 0 : i32
    %add3A_8 = arith.addi %mul3A_6, %add3A_7 : i32
    "tpu.region"() ({
      %run_scoped3A = tpu.sem_alloc : memref<!tpu.dma_semaphore, #tpu.memory_space<semaphore_mem>>
      %dma_start3A = arith.constant 0 : i32
      %dma_start3A_37 = tpu.memref_slice %arg11[%add3A_8, %dma_start3A] : memref<10240x128xf32, #tpu.memory_space<vmem_shared>> -> memref<128x128xf32, #tpu.memory_space<vmem_shared>>
      %dma_start3A_38 = arith.constant 0 : i32
      %dma_start3A_39 = tpu.memref_slice %arg11[%add3A_8, %dma_start3A_38] : memref<10240x128xf32, #tpu.memory_space<vmem_shared>> -> memref<128x128xf32, #tpu.memory_space<vmem_shared>>
      tpu.enqueue_dma source(%arg7 : memref<128x128xf32, #tpu.memory_space<vmem>>) target(%dma_start3A_39 : memref<128x128xf32, #tpu.memory_space<vmem_shared>>) target_semaphore(%run_scoped3A : memref<!tpu.dma_semaphore, #tpu.memory_space<semaphore_mem>>)
      %dma_wait3A = arith.constant 0 : i32
      %dma_wait3A_40 = tpu.memref_slice %arg11[%add3A_8, %dma_wait3A] : memref<10240x128xf32, #tpu.memory_space<vmem_shared>> -> memref<128x128xf32, #tpu.memory_space<vmem_shared>>
      %dma_wait3A_41 = arith.constant 0 : i32
      %dma_wait3A_42 = tpu.memref_slice %arg11[%add3A_8, %dma_wait3A_41] : memref<10240x128xf32, #tpu.memory_space<vmem_shared>> -> memref<128x128xf32, #tpu.memory_space<vmem_shared>>
      tpu.wait_dma2 semaphore(%run_scoped3A : memref<!tpu.dma_semaphore, #tpu.memory_space<semaphore_mem>>) src(%arg7 : memref<128x128xf32, #tpu.memory_space<vmem>>) dst(%dma_wait3A_42 : memref<128x128xf32, #tpu.memory_space<vmem_shared>>)
      tpu.yield
    }) : () -> ()
    %mul3A_9 = arith.constant 640 : i32
    %mul3A_10 = arith.muli %arg1, %mul3A_9 : i32
    %add3A_11 = arith.constant 128 : i32
    %add3A_12 = arith.addi %mul3A_10, %add3A_11 : i32
    "tpu.region"() ({
      %run_scoped3A = tpu.sem_alloc : memref<!tpu.dma_semaphore, #tpu.memory_space<semaphore_mem>>
      %dma_start3A = arith.constant 0 : i32
      %dma_start3A_37 = tpu.memref_slice %arg11[%add3A_12, %dma_start3A] : memref<10240x128xf32, #tpu.memory_space<vmem_shared>> -> memref<128x128xf32, #tpu.memory_space<vmem_shared>>
      %dma_start3A_38 = arith.constant 0 : i32
      %dma_start3A_39 = tpu.memref_slice %arg11[%add3A_12, %dma_start3A_38] : memref<10240x128xf32, #tpu.memory_space<vmem_shared>> -> memref<128x128xf32, #tpu.memory_space<vmem_shared>>
      tpu.enqueue_dma source(%arg7 : memref<128x128xf32, #tpu.memory_space<vmem>>) target(%dma_start3A_39 : memref<128x128xf32, #tpu.memory_space<vmem_shared>>) target_semaphore(%run_scoped3A : memref<!tpu.dma_semaphore, #tpu.memory_space<semaphore_mem>>)
      %dma_wait3A = arith.constant 0 : i32
      %dma_wait3A_40 = tpu.memref_slice %arg11[%add3A_12, %dma_wait3A] : memref<10240x128xf32, #tpu.memory_space<vmem_shared>> -> memref<128x128xf32, #tpu.memory_space<vmem_shared>>
      %dma_wait3A_41 = arith.constant 0 : i32
      %dma_wait3A_42 = tpu.memref_slice %arg11[%add3A_12, %dma_wait3A_41] : memref<10240x128xf32, #tpu.memory_space<vmem_shared>> -> memref<128x128xf32, #tpu.memory_space<vmem_shared>>
      tpu.wait_dma2 semaphore(%run_scoped3A : memref<!tpu.dma_semaphore, #tpu.memory_space<semaphore_mem>>) src(%arg7 : memref<128x128xf32, #tpu.memory_space<vmem>>) dst(%dma_wait3A_42 : memref<128x128xf32, #tpu.memory_space<vmem_shared>>)
      tpu.yield
    }) : () -> ()
    %mul3A_13 = arith.constant 640 : i32
    %mul3A_14 = arith.muli %arg1, %mul3A_13 : i32
    %add3A_15 = arith.constant 256 : i32
    %add3A_16 = arith.addi %mul3A_14, %add3A_15 : i32
    "tpu.region"() ({
      %run_scoped3A = tpu.sem_alloc : memref<!tpu.dma_semaphore, #tpu.memory_space<semaphore_mem>>
      %dma_start3A = arith.constant 0 : i32
      %dma_start3A_37 = tpu.memref_slice %arg11[%add3A_16, %dma_start3A] : memref<10240x128xf32, #tpu.memory_space<vmem_shared>> -> memref<128x128xf32, #tpu.memory_space<vmem_shared>>
      %dma_start3A_38 = arith.constant 0 : i32
      %dma_start3A_39 = tpu.memref_slice %arg11[%add3A_16, %dma_start3A_38] : memref<10240x128xf32, #tpu.memory_space<vmem_shared>> -> memref<128x128xf32, #tpu.memory_space<vmem_shared>>
      tpu.enqueue_dma source(%arg7 : memref<128x128xf32, #tpu.memory_space<vmem>>) target(%dma_start3A_39 : memref<128x128xf32, #tpu.memory_space<vmem_shared>>) target_semaphore(%run_scoped3A : memref<!tpu.dma_semaphore, #tpu.memory_space<semaphore_mem>>)
      %dma_wait3A = arith.constant 0 : i32
      %dma_wait3A_40 = tpu.memref_slice %arg11[%add3A_16, %dma_wait3A] : memref<10240x128xf32, #tpu.memory_space<vmem_shared>> -> memref<128x128xf32, #tpu.memory_space<vmem_shared>>
      %dma_wait3A_41 = arith.constant 0 : i32
      %dma_wait3A_42 = tpu.memref_slice %arg11[%add3A_16, %dma_wait3A_41] : memref<10240x128xf32, #tpu.memory_space<vmem_shared>> -> memref<128x128xf32, #tpu.memory_space<vmem_shared>>
      tpu.wait_dma2 semaphore(%run_scoped3A : memref<!tpu.dma_semaphore, #tpu.memory_space<semaphore_mem>>) src(%arg7 : memref<128x128xf32, #tpu.memory_space<vmem>>) dst(%dma_wait3A_42 : memref<128x128xf32, #tpu.memory_space<vmem_shared>>)
      tpu.yield
    }) : () -> ()
    %mul3A_17 = arith.constant 640 : i32
    %mul3A_18 = arith.muli %arg1, %mul3A_17 : i32
    %add3A_19 = arith.constant 384 : i32
    %add3A_20 = arith.addi %mul3A_18, %add3A_19 : i32
    "tpu.region"() ({
      %run_scoped3A = tpu.sem_alloc : memref<!tpu.dma_semaphore, #tpu.memory_space<semaphore_mem>>
      %dma_start3A = arith.constant 0 : i32
      %dma_start3A_37 = tpu.memref_slice %arg11[%add3A_20, %dma_start3A] : memref<10240x128xf32, #tpu.memory_space<vmem_shared>> -> memref<128x128xf32, #tpu.memory_space<vmem_shared>>
      %dma_start3A_38 = arith.constant 0 : i32
      %dma_start3A_39 = tpu.memref_slice %arg11[%add3A_20, %dma_start3A_38] : memref<10240x128xf32, #tpu.memory_space<vmem_shared>> -> memref<128x128xf32, #tpu.memory_space<vmem_shared>>
      tpu.enqueue_dma source(%arg7 : memref<128x128xf32, #tpu.memory_space<vmem>>) target(%dma_start3A_39 : memref<128x128xf32, #tpu.memory_space<vmem_shared>>) target_semaphore(%run_scoped3A : memref<!tpu.dma_semaphore, #tpu.memory_space<semaphore_mem>>)
      %dma_wait3A = arith.constant 0 : i32
      %dma_wait3A_40 = tpu.memref_slice %arg11[%add3A_20, %dma_wait3A] : memref<10240x128xf32, #tpu.memory_space<vmem_shared>> -> memref<128x128xf32, #tpu.memory_space<vmem_shared>>
      %dma_wait3A_41 = arith.constant 0 : i32
      %dma_wait3A_42 = tpu.memref_slice %arg11[%add3A_20, %dma_wait3A_41] : memref<10240x128xf32, #tpu.memory_space<vmem_shared>> -> memref<128x128xf32, #tpu.memory_space<vmem_shared>>
      tpu.wait_dma2 semaphore(%run_scoped3A : memref<!tpu.dma_semaphore, #tpu.memory_space<semaphore_mem>>) src(%arg7 : memref<128x128xf32, #tpu.memory_space<vmem>>) dst(%dma_wait3A_42 : memref<128x128xf32, #tpu.memory_space<vmem_shared>>)
      tpu.yield
    }) : () -> ()
    %mul3A_21 = arith.constant 640 : i32
    %mul3A_22 = arith.muli %arg1, %mul3A_21 : i32
    %add3A_23 = arith.constant 512 : i32
    %add3A_24 = arith.addi %mul3A_22, %add3A_23 : i32
    "tpu.region"() ({
      %run_scoped3A = tpu.sem_alloc : memref<!tpu.dma_semaphore, #tpu.memory_space<semaphore_mem>>
      %dma_start3A = arith.constant 0 : i32
      %dma_start3A_37 = tpu.memref_slice %arg11[%add3A_24, %dma_start3A] : memref<10240x128xf32, #tpu.memory_space<vmem_shared>> -> memref<128x128xf32, #tpu.memory_space<vmem_shared>>
      %dma_start3A_38 = arith.constant 0 : i32
      %dma_start3A_39 = tpu.memref_slice %arg11[%add3A_24, %dma_start3A_38] : memref<10240x128xf32, #tpu.memory_space<vmem_shared>> -> memref<128x128xf32, #tpu.memory_space<vmem_shared>>
      tpu.enqueue_dma source(%arg7 : memref<128x128xf32, #tpu.memory_space<vmem>>) target(%dma_start3A_39 : memref<128x128xf32, #tpu.memory_space<vmem_shared>>) target_semaphore(%run_scoped3A : memref<!tpu.dma_semaphore, #tpu.memory_space<semaphore_mem>>)
      %dma_wait3A = arith.constant 0 : i32
      %dma_wait3A_40 = tpu.memref_slice %arg11[%add3A_24, %dma_wait3A] : memref<10240x128xf32, #tpu.memory_space<vmem_shared>> -> memref<128x128xf32, #tpu.memory_space<vmem_shared>>
      %dma_wait3A_41 = arith.constant 0 : i32
      %dma_wait3A_42 = tpu.memref_slice %arg11[%add3A_24, %dma_wait3A_41] : memref<10240x128xf32, #tpu.memory_space<vmem_shared>> -> memref<128x128xf32, #tpu.memory_space<vmem_shared>>
      tpu.wait_dma2 semaphore(%run_scoped3A : memref<!tpu.dma_semaphore, #tpu.memory_space<semaphore_mem>>) src(%arg7 : memref<128x128xf32, #tpu.memory_space<vmem>>) dst(%dma_wait3A_42 : memref<128x128xf32, #tpu.memory_space<vmem_shared>>)
      tpu.yield
    }) : () -> ()
    %barrier3A = arith.constant 0 : index
    tpu.barrier barrier_id(%barrier3A)
    %mul3A_25 = arith.constant 10112 : i32
    %mul3A_26 = arith.muli %add3A, %mul3A_25 : i32
    %scan3A_27 = arith.constant 0 : i32
    %scan3A_28 = arith.constant 79 : i32
    %scan3A_29 = arith.addi %scan3A_27, %scan3A_28 : i32
    %scan3A_30 = arith.constant 1 : i32
    scf.for %scan3A_37 = %scan3A_27 to %scan3A_29 step %scan3A_30  : i32 {
      %mul3A_38 = arith.constant 1 : i32
      %mul3A_39 = arith.muli %scan3A_37, %mul3A_38 : i32
      %add3A_40 = arith.constant 0 : i32
      %add3A_41 = arith.addi %add3A_40, %mul3A_39 : i32
      %mul3A_42 = arith.constant 128 : i32
      %mul3A_43 = arith.muli %add3A_41, %mul3A_42 : i32
      %add3A_44 = arith.addi %mul3A_26, %mul3A_43 : i32
      "tpu.region"() ({
        %run_scoped3A = tpu.sem_alloc : memref<!tpu.dma_semaphore, #tpu.memory_space<semaphore_mem>>
        %dma_start3A_54 = tpu.memref_slice %arg3[%add3A_44] : memref<323584xi32, #tpu.memory_space<hbm>> -> memref<128xi32, #tpu.memory_space<hbm>>
        %dma_start3A_55 = tpu.memref_slice %arg3[%add3A_44] : memref<323584xi32, #tpu.memory_space<hbm>> -> memref<128xi32, #tpu.memory_space<hbm>>
        tpu.enqueue_dma source(%dma_start3A_55 : memref<128xi32, #tpu.memory_space<hbm>>) target(%arg8 : memref<128xi32, #tpu.memory_space<vmem>>) target_semaphore(%run_scoped3A : memref<!tpu.dma_semaphore, #tpu.memory_space<semaphore_mem>>)
        %dma_wait3A_56 = tpu.memref_slice %arg3[%add3A_44] : memref<323584xi32, #tpu.memory_space<hbm>> -> memref<128xi32, #tpu.memory_space<hbm>>
        %dma_wait3A_57 = tpu.memref_slice %arg3[%add3A_44] : memref<323584xi32, #tpu.memory_space<hbm>> -> memref<128xi32, #tpu.memory_space<hbm>>
        tpu.wait_dma2 semaphore(%run_scoped3A : memref<!tpu.dma_semaphore, #tpu.memory_space<semaphore_mem>>) src(%dma_wait3A_57 : memref<128xi32, #tpu.memory_space<hbm>>) dst(%arg8 : memref<128xi32, #tpu.memory_space<vmem>>)
        tpu.yield
      }) : () -> ()
      "tpu.region"() ({
        %run_scoped3A = tpu.sem_alloc : memref<!tpu.dma_semaphore, #tpu.memory_space<semaphore_mem>>
        %dma_start3A_54 = tpu.memref_slice %arg4[%add3A_44] : memref<323584xi32, #tpu.memory_space<hbm>> -> memref<128xi32, #tpu.memory_space<hbm>>
        %dma_start3A_55 = tpu.memref_slice %arg4[%add3A_44] : memref<323584xi32, #tpu.memory_space<hbm>> -> memref<128xi32, #tpu.memory_space<hbm>>
        tpu.enqueue_dma source(%dma_start3A_55 : memref<128xi32, #tpu.memory_space<hbm>>) target(%arg9 : memref<128xi32, #tpu.memory_space<vmem>>) target_semaphore(%run_scoped3A : memref<!tpu.dma_semaphore, #tpu.memory_space<semaphore_mem>>)
        %dma_wait3A_56 = tpu.memref_slice %arg4[%add3A_44] : memref<323584xi32, #tpu.memory_space<hbm>> -> memref<128xi32, #tpu.memory_space<hbm>>
        %dma_wait3A_57 = tpu.memref_slice %arg4[%add3A_44] : memref<323584xi32, #tpu.memory_space<hbm>> -> memref<128xi32, #tpu.memory_space<hbm>>
        tpu.wait_dma2 semaphore(%run_scoped3A : memref<!tpu.dma_semaphore, #tpu.memory_space<semaphore_mem>>) src(%dma_wait3A_57 : memref<128xi32, #tpu.memory_space<hbm>>) dst(%arg9 : memref<128xi32, #tpu.memory_space<vmem>>)
        tpu.yield
      }) : () -> ()
      "tpu.region"() ({
        %run_scoped3A = tpu.sem_alloc : memref<!tpu.dma_semaphore, #tpu.memory_space<semaphore_mem>>
        %dma_start3A_54 = tpu.memref_slice %arg5[%add3A_44] : memref<323584xf32, #tpu.memory_space<hbm>> -> memref<128xf32, #tpu.memory_space<hbm>>
        %dma_start3A_55 = tpu.memref_slice %arg5[%add3A_44] : memref<323584xf32, #tpu.memory_space<hbm>> -> memref<128xf32, #tpu.memory_space<hbm>>
        tpu.enqueue_dma source(%dma_start3A_55 : memref<128xf32, #tpu.memory_space<hbm>>) target(%arg10 : memref<128xf32, #tpu.memory_space<vmem>>) target_semaphore(%run_scoped3A : memref<!tpu.dma_semaphore, #tpu.memory_space<semaphore_mem>>)
        %dma_wait3A_56 = tpu.memref_slice %arg5[%add3A_44] : memref<323584xf32, #tpu.memory_space<hbm>> -> memref<128xf32, #tpu.memory_space<hbm>>
        %dma_wait3A_57 = tpu.memref_slice %arg5[%add3A_44] : memref<323584xf32, #tpu.memory_space<hbm>> -> memref<128xf32, #tpu.memory_space<hbm>>
        tpu.wait_dma2 semaphore(%run_scoped3A : memref<!tpu.dma_semaphore, #tpu.memory_space<semaphore_mem>>) src(%dma_wait3A_57 : memref<128xf32, #tpu.memory_space<hbm>>) dst(%arg10 : memref<128xf32, #tpu.memory_space<vmem>>)
        tpu.yield
      }) : () -> ()
      %dma_start3A = arith.constant 0 : i32
      %dma_start3A_45 = arith.constant 0 : i32
      %dma_start3A_46 = tpu.memref_slice %arg2[%dma_start3A, %dma_start3A_45] : memref<10000x128xf32, #tpu.memory_space<hbm>> -> memref<10000x128xf32, #tpu.memory_space<hbm>>
      tpu.enqueue_indirect_dma source(%dma_start3A_46 : memref<10000x128xf32, #tpu.memory_space<hbm>>) target(%arg7 : memref<128x128xf32, #tpu.memory_space<vmem>>) offsets(%arg8 : memref<128xi32, #tpu.memory_space<vmem>>) semaphore(%arg12 : memref<!tpu.dma_semaphore, #tpu.memory_space<semaphore_mem>>)
      %dma_wait3A = arith.constant 0 : i32
      %dma_wait3A_47 = arith.constant 0 : i32
      %dma_wait3A_48 = tpu.memref_slice %arg2[%dma_wait3A, %dma_wait3A_47] : memref<10000x128xf32, #tpu.memory_space<hbm>> -> memref<10000x128xf32, #tpu.memory_space<hbm>>
      tpu.wait_indirect_dma semaphore(%arg12 : memref<!tpu.dma_semaphore, #tpu.memory_space<semaphore_mem>>) src(%dma_wait3A_48 : memref<10000x128xf32, #tpu.memory_space<hbm>>) dst(%arg7 : memref<128x128xf32, #tpu.memory_space<vmem>>)
      %scan3A_49 = arith.constant 0 : i32
      %scan3A_50 = arith.constant 8 : i32
      %scan3A_51 = arith.addi %scan3A_49, %scan3A_50 : i32
      %scan3A_52 = arith.constant 1 : i32
      scf.for %scan3A_54 = %scan3A_49 to %scan3A_51 step %scan3A_52  : i32 {
        %mul3A_55 = arith.constant 16 : i32
        %mul3A_56 = arith.muli %scan3A_54, %mul3A_55 : i32
        %add3A_57 = arith.constant 0 : i32
        %add3A_58 = arith.addi %add3A_57, %mul3A_56 : i32
        %get3A = arith.index_cast %add3A_58 : i32 to index
        %get3A_59 = tpu.vector_load %arg10[%get3A] {strides = array<i32>} : memref<128xf32, #tpu.memory_space<vmem>>, vector<16xf32>,
        %get3A_60 = vector.shape_cast %get3A_59 : vector<16xf32> to vector<16xf32>
        %broadcast_in_dim3A = arith.constant 0 : i32
        %broadcast_in_dim3A_61 = vector.broadcast %broadcast_in_dim3A : i32 to vector<16x1xi32>
        %gather3A = vector.shape_cast %broadcast_in_dim3A_61 : vector<16x1xi32> to vector<16xi32>
        %gather3A_62 = tpu.dynamic_gather %get3A_60[%gather3A] in [0] : vector<16xf32>, vector<16xi32> -> vector<16xf32>
        %add3A_63 = arith.constant 0 : i32
        %add3A_64 = arith.addi %add3A_58, %add3A_63 : i32
        %get3A_65 = arith.index_cast %add3A_64 : i32 to index
        %get3A_66 = arith.constant 0 : index
        %get3A_67 = tpu.vector_load %arg7[%get3A_65, %get3A_66] {strides = array<i32>} : memref<128x128xf32, #tpu.memory_space<vmem>>, vector<1x16xf32>,
        %get3A_68 = vector.shape_cast %get3A_67 : vector<1x16xf32> to vector<16xf32>
        %mul3A_69 = arith.mulf %get3A_68, %gather3A_62 : vector<16xf32>
        %add3A_70 = arith.constant 0 : i32
        %add3A_71 = arith.addi %add3A_58, %add3A_70 : i32
        %swap3A = arith.index_cast %add3A_71 : i32 to index
        %swap3A_72 = arith.constant 0 : index
        %swap3A_73 = tpu.vector_load %arg7[%swap3A, %swap3A_72] {strides = array<i32>} : memref<128x128xf32, #tpu.memory_space<vmem>>, vector<1x16xf32>,
        %swap3A_74 = vector.shape_cast %swap3A_73 : vector<1x16xf32> to vector<16xf32>
        %swap3A_75 = vector.shape_cast %mul3A_69 : vector<16xf32> to vector<1x16xf32>
        tpu.vector_store %arg7[%swap3A, %swap3A_72], %swap3A_75 {strides = array<i32>} : memref<128x128xf32, #tpu.memory_space<vmem>>, vector<1x16xf32>,
        %add3A_76 = arith.constant 0 : i32
        %add3A_77 = arith.addi %add3A_58, %add3A_76 : i32
        %get3A_78 = arith.index_cast %add3A_77 : i32 to index
        %get3A_79 = arith.constant 16 : index
        %get3A_80 = tpu.vector_load %arg7[%get3A_78, %get3A_79] {strides = array<i32>} : memref<128x128xf32, #tpu.memory_space<vmem>>, vector<1x16xf32>,
        %get3A_81 = vector.shape_cast %get3A_80 : vector<1x16xf32> to vector<16xf32>
        %mul3A_82 = arith.mulf %get3A_81, %gather3A_62 : vector<16xf32>
        %add3A_83 = arith.constant 0 : i32
        %add3A_84 = arith.addi %add3A_58, %add3A_83 : i32
        %swap3A_85 = arith.index_cast %add3A_84 : i32 to index
        %swap3A_86 = arith.constant 16 : index
        %swap3A_87 = tpu.vector_load %arg7[%swap3A_85, %swap3A_86] {strides = array<i32>} : memref<128x128xf32, #tpu.memory_space<vmem>>, vector<1x16xf32>,
        %swap3A_88 = vector.shape_cast %swap3A_87 : vector<1x16xf32> to vector<16xf32>
        %swap3A_89 = vector.shape_cast %mul3A_82 : vector<16xf32> to vector<1x16xf32>
        tpu.vector_store %arg7[%swap3A_85, %swap3A_86], %swap3A_89 {strides = array<i32>} : memref<128x128xf32, #tpu.memory_space<vmem>>, vector<1x16xf32>,
        %add3A_90 = arith.constant 0 : i32
        %add3A_91 = arith.addi %add3A_58, %add3A_90 : i32
        %get3A_92 = arith.index_cast %add3A_91 : i32 to index
        %get3A_93 = arith.constant 32 : index
        %get3A_94 = tpu.vector_load %arg7[%get3A_92, %get3A_93] {strides = array<i32>} : memref<128x128xf32, #tpu.memory_space<vmem>>, vector<1x16xf32>,
        %get3A_95 = vector.shape_cast %get3A_94 : vector<1x16xf32> to vector<16xf32>
        %mul3A_96 = arith.mulf %get3A_95, %gather3A_62 : vector<16xf32>
        %add3A_97 = arith.constant 0 : i32
        %add3A_98 = arith.addi %add3A_58, %add3A_97 : i32
        %swap3A_99 = arith.index_cast %add3A_98 : i32 to index
        %swap3A_100 = arith.constant 32 : index
        %swap3A_101 = tpu.vector_load %arg7[%swap3A_99, %swap3A_100] {strides = array<i32>} : memref<128x128xf32, #tpu.memory_space<vmem>>, vector<1x16xf32>,
        %swap3A_102 = vector.shape_cast %swap3A_101 : vector<1x16xf32> to vector<16xf32>
        %swap3A_103 = vector.shape_cast %mul3A_96 : vector<16xf32> to vector<1x16xf32>
        tpu.vector_store %arg7[%swap3A_99, %swap3A_100], %swap3A_103 {strides = array<i32>} : memref<128x128xf32, #tpu.memory_space<vmem>>, vector<1x16xf32>,
        %add3A_104 = arith.constant 0 : i32
        %add3A_105 = arith.addi %add3A_58, %add3A_104 : i32
        %get3A_106 = arith.index_cast %add3A_105 : i32 to index
        %get3A_107 = arith.constant 48 : index
        %get3A_108 = tpu.vector_load %arg7[%get3A_106, %get3A_107] {strides = array<i32>} : memref<128x128xf32, #tpu.memory_space<vmem>>, vector<1x16xf32>,
        %get3A_109 = vector.shape_cast %get3A_108 : vector<1x16xf32> to vector<16xf32>
        %mul3A_110 = arith.mulf %get3A_109, %gather3A_62 : vector<16xf32>
        %add3A_111 = arith.constant 0 : i32
        %add3A_112 = arith.addi %add3A_58, %add3A_111 : i32
        %swap3A_113 = arith.index_cast %add3A_112 : i32 to index
        %swap3A_114 = arith.constant 48 : index
        %swap3A_115 = tpu.vector_load %arg7[%swap3A_113, %swap3A_114] {strides = array<i32>} : memref<128x128xf32, #tpu.memory_space<vmem>>, vector<1x16xf32>,
        %swap3A_116 = vector.shape_cast %swap3A_115 : vector<1x16xf32> to vector<16xf32>
        %swap3A_117 = vector.shape_cast %mul3A_110 : vector<16xf32> to vector<1x16xf32>
        tpu.vector_store %arg7[%swap3A_113, %swap3A_114], %swap3A_117 {strides = array<i32>} : memref<128x128xf32, #tpu.memory_space<vmem>>, vector<1x16xf32>,
        %add3A_118 = arith.constant 0 : i32
        %add3A_119 = arith.addi %add3A_58, %add3A_118 : i32
        %get3A_120 = arith.index_cast %add3A_119 : i32 to index
        %get3A_121 = arith.constant 64 : index
        %get3A_122 = tpu.vector_load %arg7[%get3A_120, %get3A_121] {strides = array<i32>} : memref<128x128xf32, #tpu.memory_space<vmem>>, vector<1x16xf32>,
        %get3A_123 = vector.shape_cast %get3A_122 : vector<1x16xf32> to vector<16xf32>
        %mul3A_124 = arith.mulf %get3A_123, %gather3A_62 : vector<16xf32>
        %add3A_125 = arith.constant 0 : i32
        %add3A_126 = arith.addi %add3A_58, %add3A_125 : i32
        %swap3A_127 = arith.index_cast %add3A_126 : i32 to index
        %swap3A_128 = arith.constant 64 : index
        %swap3A_129 = tpu.vector_load %arg7[%swap3A_127, %swap3A_128] {strides = array<i32>} : memref<128x128xf32, #tpu.memory_space<vmem>>, vector<1x16xf32>,
        %swap3A_130 = vector.shape_cast %swap3A_129 : vector<1x16xf32> to vector<16xf32>
        %swap3A_131 = vector.shape_cast %mul3A_124 : vector<16xf32> to vector<1x16xf32>
        tpu.vector_store %arg7[%swap3A_127, %swap3A_128], %swap3A_131 {strides = array<i32>} : memref<128x128xf32, #tpu.memory_space<vmem>>, vector<1x16xf32>,
        %add3A_132 = arith.constant 0 : i32
        %add3A_133 = arith.addi %add3A_58, %add3A_132 : i32
        %get3A_134 = arith.index_cast %add3A_133 : i32 to index
        %get3A_135 = arith.constant 80 : index
        %get3A_136 = tpu.vector_load %arg7[%get3A_134, %get3A_135] {strides = array<i32>} : memref<128x128xf32, #tpu.memory_space<vmem>>, vector<1x16xf32>,
        %get3A_137 = vector.shape_cast %get3A_136 : vector<1x16xf32> to vector<16xf32>
        %mul3A_138 = arith.mulf %get3A_137, %gather3A_62 : vector<16xf32>
        %add3A_139 = arith.constant 0 : i32
        %add3A_140 = arith.addi %add3A_58, %add3A_139 : i32
        %swap3A_141 = arith.index_cast %add3A_140 : i32 to index
        %swap3A_142 = arith.constant 80 : index
        %swap3A_143 = tpu.vector_load %arg7[%swap3A_141, %swap3A_142] {strides = array<i32>} : memref<128x128xf32, #tpu.memory_space<vmem>>, vector<1x16xf32>,
        %swap3A_144 = vector.shape_cast %swap3A_143 : vector<1x16xf32> to vector<16xf32>
        %swap3A_145 = vector.shape_cast %mul3A_138 : vector<16xf32> to vector<1x16xf32>
        tpu.vector_store %arg7[%swap3A_141, %swap3A_142], %swap3A_145 {strides = array<i32>} : memref<128x128xf32, #tpu.memory_space<vmem>>, vector<1x16xf32>,
        %add3A_146 = arith.constant 0 : i32
        %add3A_147 = arith.addi %add3A_58, %add3A_146 : i32
        %get3A_148 = arith.index_cast %add3A_147 : i32 to index
        %get3A_149 = arith.constant 96 : index
        %get3A_150 = tpu.vector_load %arg7[%get3A_148, %get3A_149] {strides = array<i32>} : memref<128x128xf32, #tpu.memory_space<vmem>>, vector<1x16xf32>,
        %get3A_151 = vector.shape_cast %get3A_150 : vector<1x16xf32> to vector<16xf32>
        %mul3A_152 = arith.mulf %get3A_151, %gather3A_62 : vector<16xf32>
        %add3A_153 = arith.constant 0 : i32
        %add3A_154 = arith.addi %add3A_58, %add3A_153 : i32
        %swap3A_155 = arith.index_cast %add3A_154 : i32 to index
        %swap3A_156 = arith.constant 96 : index
        %swap3A_157 = tpu.vector_load %arg7[%swap3A_155, %swap3A_156] {strides = array<i32>} : memref<128x128xf32, #tpu.memory_space<vmem>>, vector<1x16xf32>,
        %swap3A_158 = vector.shape_cast %swap3A_157 : vector<1x16xf32> to vector<16xf32>
        %swap3A_159 = vector.shape_cast %mul3A_152 : vector<16xf32> to vector<1x16xf32>
        tpu.vector_store %arg7[%swap3A_155, %swap3A_156], %swap3A_159 {strides = array<i32>} : memref<128x128xf32, #tpu.memory_space<vmem>>, vector<1x16xf32>,
        %add3A_160 = arith.constant 0 : i32
        %add3A_161 = arith.addi %add3A_58, %add3A_160 : i32
        %get3A_162 = arith.index_cast %add3A_161 : i32 to index
        %get3A_163 = arith.constant 112 : index
        %get3A_164 = tpu.vector_load %arg7[%get3A_162, %get3A_163] {strides = array<i32>} : memref<128x128xf32, #tpu.memory_space<vmem>>, vector<1x16xf32>,
        %get3A_165 = vector.shape_cast %get3A_164 : vector<1x16xf32> to vector<16xf32>
        %mul3A_166 = arith.mulf %get3A_165, %gather3A_62 : vector<16xf32>
        %add3A_167 = arith.constant 0 : i32
        %add3A_168 = arith.addi %add3A_58, %add3A_167 : i32
        %swap3A_169 = arith.index_cast %add3A_168 : i32 to index
        %swap3A_170 = arith.constant 112 : index
        %swap3A_171 = tpu.vector_load %arg7[%swap3A_169, %swap3A_170] {strides = array<i32>} : memref<128x128xf32, #tpu.memory_space<vmem>>, vector<1x16xf32>,
        %swap3A_172 = vector.shape_cast %swap3A_171 : vector<1x16xf32> to vector<16xf32>
        %swap3A_173 = vector.shape_cast %mul3A_166 : vector<16xf32> to vector<1x16xf32>
        tpu.vector_store %arg7[%swap3A_169, %swap3A_170], %swap3A_173 {strides = array<i32>} : memref<128x128xf32, #tpu.memory_space<vmem>>, vector<1x16xf32>,
        %broadcast_in_dim3A_174 = arith.constant 1 : i32
        %broadcast_in_dim3A_175 = vector.broadcast %broadcast_in_dim3A_174 : i32 to vector<16x1xi32>
        %gather3A_176 = vector.shape_cast %broadcast_in_dim3A_175 : vector<16x1xi32> to vector<16xi32>
        %gather3A_177 = tpu.dynamic_gather %get3A_60[%gather3A_176] in [0] : vector<16xf32>, vector<16xi32> -> vector<16xf32>
        %add3A_178 = arith.constant 1 : i32
        %add3A_179 = arith.addi %add3A_58, %add3A_178 : i32
        %get3A_180 = arith.index_cast %add3A_179 : i32 to index
        %get3A_181 = arith.constant 0 : index
        %get3A_182 = tpu.vector_load %arg7[%get3A_180, %get3A_181] {strides = array<i32>} : memref<128x128xf32, #tpu.memory_space<vmem>>, vector<1x16xf32>,
        %get3A_183 = vector.shape_cast %get3A_182 : vector<1x16xf32> to vector<16xf32>
        %mul3A_184 = arith.mulf %get3A_183, %gather3A_177 : vector<16xf32>
        %add3A_185 = arith.constant 1 : i32
        %add3A_186 = arith.addi %add3A_58, %add3A_185 : i32
        %swap3A_187 = arith.index_cast %add3A_186 : i32 to index
        %swap3A_188 = arith.constant 0 : index
        %swap3A_189 = tpu.vector_load %arg7[%swap3A_187, %swap3A_188] {strides = array<i32>} : memref<128x128xf32, #tpu.memory_space<vmem>>, vector<1x16xf32>,
        %swap3A_190 = vector.shape_cast %swap3A_189 : vector<1x16xf32> to vector<16xf32>
        %swap3A_191 = vector.shape_cast %mul3A_184 : vector<16xf32> to vector<1x16xf32>
        tpu.vector_store %arg7[%swap3A_187, %swap3A_188], %swap3A_191 {strides = array<i32>} : memref<128x128xf32, #tpu.memory_space<vmem>>, vector<1x16xf32>,
        %add3A_192 = arith.constant 1 : i32
        %add3A_193 = arith.addi %add3A_58, %add3A_192 : i32
        %get3A_194 = arith.index_cast %add3A_193 : i32 to index
        %get3A_195 = arith.constant 16 : index
        %get3A_196 = tpu.vector_load %arg7[%get3A_194, %get3A_195] {strides = array<i32>} : memref<128x128xf32, #tpu.memory_space<vmem>>, vector<1x16xf32>,
        %get3A_197 = vector.shape_cast %get3A_196 : vector<1x16xf32> to vector<16xf32>
        %mul3A_198 = arith.mulf %get3A_197, %gather3A_177 : vector<16xf32>
        %add3A_199 = arith.constant 1 : i32
        %add3A_200 = arith.addi %add3A_58, %add3A_199 : i32
        %swap3A_201 = arith.index_cast %add3A_200 : i32 to index
        %swap3A_202 = arith.constant 16 : index
        %swap3A_203 = tpu.vector_load %arg7[%swap3A_201, %swap3A_202] {strides = array<i32>} : memref<128x128xf32, #tpu.memory_space<vmem>>, vector<1x16xf32>,
        %swap3A_204 = vector.shape_cast %swap3A_203 : vector<1x16xf32> to vector<16xf32>
        %swap3A_205 = vector.shape_cast %mul3A_198 : vector<16xf32> to vector<1x16xf32>
        tpu.vector_store %arg7[%swap3A_201, %swap3A_202], %swap3A_205 {strides = array<i32>} : memref<128x128xf32, #tpu.memory_space<vmem>>, vector<1x16xf32>,
        %add3A_206 = arith.constant 1 : i32
        %add3A_207 = arith.addi %add3A_58, %add3A_206 : i32
        %get3A_208 = arith.index_cast %add3A_207 : i32 to index
        %get3A_209 = arith.constant 32 : index
        %get3A_210 = tpu.vector_load %arg7[%get3A_208, %get3A_209] {strides = array<i32>} : memref<128x128xf32, #tpu.memory_space<vmem>>, vector<1x16xf32>,
        %get3A_211 = vector.shape_cast %get3A_210 : vector<1x16xf32> to vector<16xf32>
        %mul3A_212 = arith.mulf %get3A_211, %gather3A_177 : vector<16xf32>
        %add3A_213 = arith.constant 1 : i32
        %add3A_214 = arith.addi %add3A_58, %add3A_213 : i32
        %swap3A_215 = arith.index_cast %add3A_214 : i32 to index
        %swap3A_216 = arith.constant 32 : index
        %swap3A_217 = tpu.vector_load %arg7[%swap3A_215, %swap3A_216] {strides = array<i32>} : memref<128x128xf32, #tpu.memory_space<vmem>>, vector<1x16xf32>,
        %swap3A_218 = vector.shape_cast %swap3A_217 : vector<1x16xf32> to vector<16xf32>
        %swap3A_219 = vector.shape_cast %mul3A_212 : vector<16xf32> to vector<1x16xf32>
        tpu.vector_store %arg7[%swap3A_215, %swap3A_216], %swap3A_219 {strides = array<i32>} : memref<128x128xf32, #tpu.memory_space<vmem>>, vector<1x16xf32>,
        %add3A_220 = arith.constant 1 : i32
        %add3A_221 = arith.addi %add3A_58, %add3A_220 : i32
        %get3A_222 = arith.index_cast %add3A_221 : i32 to index
        %get3A_223 = arith.constant 48 : index
        %get3A_224 = tpu.vector_load %arg7[%get3A_222, %get3A_223] {strides = array<i32>} : memref<128x128xf32, #tpu.memory_space<vmem>>, vector<1x16xf32>,
        %get3A_225 = vector.shape_cast %get3A_224 : vector<1x16xf32> to vector<16xf32>
        %mul3A_226 = arith.mulf %get3A_225, %gather3A_177 : vector<16xf32>
        %add3A_227 = arith.constant 1 : i32
        %add3A_228 = arith.addi %add3A_58, %add3A_227 : i32
        %swap3A_229 = arith.index_cast %add3A_228 : i32 to index
        %swap3A_230 = arith.constant 48 : index
        %swap3A_231 = tpu.vector_load %arg7[%swap3A_229, %swap3A_230] {strides = array<i32>} : memref<128x128xf32, #tpu.memory_space<vmem>>, vector<1x16xf32>,
        %swap3A_232 = vector.shape_cast %swap3A_231 : vector<1x16xf32> to vector<16xf32>
        %swap3A_233 = vector.shape_cast %mul3A_226 : vector<16xf32> to vector<1x16xf32>
        tpu.vector_store %arg7[%swap3A_229, %swap3A_230], %swap3A_233 {strides = array<i32>} : memref<128x128xf32, #tpu.memory_space<vmem>>, vector<1x16xf32>,
        %add3A_234 = arith.constant 1 : i32
        %add3A_235 = arith.addi %add3A_58, %add3A_234 : i32
        %get3A_236 = arith.index_cast %add3A_235 : i32 to index
        %get3A_237 = arith.constant 64 : index
        %get3A_238 = tpu.vector_load %arg7[%get3A_236, %get3A_237] {strides = array<i32>} : memref<128x128xf32, #tpu.memory_space<vmem>>, vector<1x16xf32>,
        %get3A_239 = vector.shape_cast %get3A_238 : vector<1x16xf32> to vector<16xf32>
        %mul3A_240 = arith.mulf %get3A_239, %gather3A_177 : vector<16xf32>
        %add3A_241 = arith.constant 1 : i32
        %add3A_242 = arith.addi %add3A_58, %add3A_241 : i32
        %swap3A_243 = arith.index_cast %add3A_242 : i32 to index
        %swap3A_244 = arith.constant 64 : index
        %swap3A_245 = tpu.vector_load %arg7[%swap3A_243, %swap3A_244] {strides = array<i32>} : memref<128x128xf32, #tpu.memory_space<vmem>>, vector<1x16xf32>,
        %swap3A_246 = vector.shape_cast %swap3A_245 : vector<1x16xf32> to vector<16xf32>
        %swap3A_247 = vector.shape_cast %mul3A_240 : vector<16xf32> to vector<1x16xf32>
        tpu.vector_store %arg7[%swap3A_243, %swap3A_244], %swap3A_247 {strides = array<i32>} : memref<128x128xf32, #tpu.memory_space<vmem>>, vector<1x16xf32>,
        %add3A_248 = arith.constant 1 : i32
        %add3A_249 = arith.addi %add3A_58, %add3A_248 : i32
        %get3A_250 = arith.index_cast %add3A_249 : i32 to index
        %get3A_251 = arith.constant 80 : index
        %get3A_252 = tpu.vector_load %arg7[%get3A_250, %get3A_251] {strides = array<i32>} : memref<128x128xf32, #tpu.memory_space<vmem>>, vector<1x16xf32>,
        %get3A_253 = vector.shape_cast %get3A_252 : vector<1x16xf32> to vector<16xf32>
        %mul3A_254 = arith.mulf %get3A_253, %gather3A_177 : vector<16xf32>
        %add3A_255 = arith.constant 1 : i32
        %add3A_256 = arith.addi %add3A_58, %add3A_255 : i32
        %swap3A_257 = arith.index_cast %add3A_256 : i32 to index
        %swap3A_258 = arith.constant 80 : index
        %swap3A_259 = tpu.vector_load %arg7[%swap3A_257, %swap3A_258] {strides = array<i32>} : memref<128x128xf32, #tpu.memory_space<vmem>>, vector<1x16xf32>,
        %swap3A_260 = vector.shape_cast %swap3A_259 : vector<1x16xf32> to vector<16xf32>
        %swap3A_261 = vector.shape_cast %mul3A_254 : vector<16xf32> to vector<1x16xf32>
        tpu.vector_store %arg7[%swap3A_257, %swap3A_258], %swap3A_261 {strides = array<i32>} : memref<128x128xf32, #tpu.memory_space<vmem>>, vector<1x16xf32>,
        %add3A_262 = arith.constant 1 : i32
        %add3A_263 = arith.addi %add3A_58, %add3A_262 : i32
        %get3A_264 = arith.index_cast %add3A_263 : i32 to index
        %get3A_265 = arith.constant 96 : index
        %get3A_266 = tpu.vector_load %arg7[%get3A_264, %get3A_265] {strides = array<i32>} : memref<128x128xf32, #tpu.memory_space<vmem>>, vector<1x16xf32>,
        %get3A_267 = vector.shape_cast %get3A_266 : vector<1x16xf32> to vector<16xf32>
        %mul3A_268 = arith.mulf %get3A_267, %gather3A_177 : vector<16xf32>
        %add3A_269 = arith.constant 1 : i32
        %add3A_270 = arith.addi %add3A_58, %add3A_269 : i32
        %swap3A_271 = arith.index_cast %add3A_270 : i32 to index
        %swap3A_272 = arith.constant 96 : index
        %swap3A_273 = tpu.vector_load %arg7[%swap3A_271, %swap3A_272] {strides = array<i32>} : memref<128x128xf32, #tpu.memory_space<vmem>>, vector<1x16xf32>,
        %swap3A_274 = vector.shape_cast %swap3A_273 : vector<1x16xf32> to vector<16xf32>
        %swap3A_275 = vector.shape_cast %mul3A_268 : vector<16xf32> to vector<1x16xf32>
        tpu.vector_store %arg7[%swap3A_271, %swap3A_272], %swap3A_275 {strides = array<i32>} : memref<128x128xf32, #tpu.memory_space<vmem>>, vector<1x16xf32>,
        %add3A_276 = arith.constant 1 : i32
        %add3A_277 = arith.addi %add3A_58, %add3A_276 : i32
        %get3A_278 = arith.index_cast %add3A_277 : i32 to index
        %get3A_279 = arith.constant 112 : index
        %get3A_280 = tpu.vector_load %arg7[%get3A_278, %get3A_279] {strides = array<i32>} : memref<128x128xf32, #tpu.memory_space<vmem>>, vector<1x16xf32>,
        %get3A_281 = vector.shape_cast %get3A_280 : vector<1x16xf32> to vector<16xf32>
        %mul3A_282 = arith.mulf %get3A_281, %gather3A_177 : vector<16xf32>
        %add3A_283 = arith.constant 1 : i32
        %add3A_284 = arith.addi %add3A_58, %add3A_283 : i32
        %swap3A_285 = arith.index_cast %add3A_284 : i32 to index
        %swap3A_286 = arith.constant 112 : index
        %swap3A_287 = tpu.vector_load %arg7[%swap3A_285, %swap3A_286] {strides = array<i32>} : memref<128x128xf32, #tpu.memory_space<vmem>>, vector<1x16xf32>,
        %swap3A_288 = vector.shape_cast %swap3A_287 : vector<1x16xf32> to vector<16xf32>
        %swap3A_289 = vector.shape_cast %mul3A_282 : vector<16xf32> to vector<1x16xf32>
        tpu.vector_store %arg7[%swap3A_285, %swap3A_286], %swap3A_289 {strides = array<i32>} : memref<128x128xf32, #tpu.memory_space<vmem>>, vector<1x16xf32>,
        %broadcast_in_dim3A_290 = arith.constant 2 : i32
        %broadcast_in_dim3A_291 = vector.broadcast %broadcast_in_dim3A_290 : i32 to vector<16x1xi32>
        %gather3A_292 = vector.shape_cast %broadcast_in_dim3A_291 : vector<16x1xi32> to vector<16xi32>
        %gather3A_293 = tpu.dynamic_gather %get3A_60[%gather3A_292] in [0] : vector<16xf32>, vector<16xi32> -> vector<16xf32>
        %add3A_294 = arith.constant 2 : i32
        %add3A_295 = arith.addi %add3A_58, %add3A_294 : i32
        %get3A_296 = arith.index_cast %add3A_295 : i32 to index
        %get3A_297 = arith.constant 0 : index
        %get3A_298 = tpu.vector_load %arg7[%get3A_296, %get3A_297] {strides = array<i32>} : memref<128x128xf32, #tpu.memory_space<vmem>>, vector<1x16xf32>,
        %get3A_299 = vector.shape_cast %get3A_298 : vector<1x16xf32> to vector<16xf32>
        %mul3A_300 = arith.mulf %get3A_299, %gather3A_293 : vector<16xf32>
        %add3A_301 = arith.constant 2 : i32
        %add3A_302 = arith.addi %add3A_58, %add3A_301 : i32
        %swap3A_303 = arith.index_cast %add3A_302 : i32 to index
        %swap3A_304 = arith.constant 0 : index
        %swap3A_305 = tpu.vector_load %arg7[%swap3A_303, %swap3A_304] {strides = array<i32>} : memref<128x128xf32, #tpu.memory_space<vmem>>, vector<1x16xf32>,
        %swap3A_306 = vector.shape_cast %swap3A_305 : vector<1x16xf32> to vector<16xf32>
        %swap3A_307 = vector.shape_cast %mul3A_300 : vector<16xf32> to vector<1x16xf32>
        tpu.vector_store %arg7[%swap3A_303, %swap3A_304], %swap3A_307 {strides = array<i32>} : memref<128x128xf32, #tpu.memory_space<vmem>>, vector<1x16xf32>,
        %add3A_308 = arith.constant 2 : i32
        %add3A_309 = arith.addi %add3A_58, %add3A_308 : i32
        %get3A_310 = arith.index_cast %add3A_309 : i32 to index
        %get3A_311 = arith.constant 16 : index
        %get3A_312 = tpu.vector_load %arg7[%get3A_310, %get3A_311] {strides = array<i32>} : memref<128x128xf32, #tpu.memory_space<vmem>>, vector<1x16xf32>,
        %get3A_313 = vector.shape_cast %get3A_312 : vector<1x16xf32> to vector<16xf32>
        %mul3A_314 = arith.mulf %get3A_313, %gather3A_293 : vector<16xf32>
        %add3A_315 = arith.constant 2 : i32
        %add3A_316 = arith.addi %add3A_58, %add3A_315 : i32
        %swap3A_317 = arith.index_cast %add3A_316 : i32 to index
        %swap3A_318 = arith.constant 16 : index
        %swap3A_319 = tpu.vector_load %arg7[%swap3A_317, %swap3A_318] {strides = array<i32>} : memref<128x128xf32, #tpu.memory_space<vmem>>, vector<1x16xf32>,
        %swap3A_320 = vector.shape_cast %swap3A_319 : vector<1x16xf32> to vector<16xf32>
        %swap3A_321 = vector.shape_cast %mul3A_314 : vector<16xf32> to vector<1x16xf32>
        tpu.vector_store %arg7[%swap3A_317, %swap3A_318], %swap3A_321 {strides = array<i32>} : memref<128x128xf32, #tpu.memory_space<vmem>>, vector<1x16xf32>,
        %add3A_322 = arith.constant 2 : i32
        %add3A_323 = arith.addi %add3A_58, %add3A_322 : i32
        %get3A_324 = arith.index_cast %add3A_323 : i32 to index
        %get3A_325 = arith.constant 32 : index
        %get3A_326 = tpu.vector_load %arg7[%get3A_324, %get3A_325] {strides = array<i32>} : memref<128x128xf32, #tpu.memory_space<vmem>>, vector<1x16xf32>,
        %get3A_327 = vector.shape_cast %get3A_326 : vector<1x16xf32> to vector<16xf32>
        %mul3A_328 = arith.mulf %get3A_327, %gather3A_293 : vector<16xf32>
        %add3A_329 = arith.constant 2 : i32
        %add3A_330 = arith.addi %add3A_58, %add3A_329 : i32
        %swap3A_331 = arith.index_cast %add3A_330 : i32 to index
        %swap3A_332 = arith.constant 32 : index
        %swap3A_333 = tpu.vector_load %arg7[%swap3A_331, %swap3A_332] {strides = array<i32>} : memref<128x128xf32, #tpu.memory_space<vmem>>, vector<1x16xf32>,
        %swap3A_334 = vector.shape_cast %swap3A_333 : vector<1x16xf32> to vector<16xf32>
        %swap3A_335 = vector.shape_cast %mul3A_328 : vector<16xf32> to vector<1x16xf32>
        tpu.vector_store %arg7[%swap3A_331, %swap3A_332], %swap3A_335 {strides = array<i32>} : memref<128x128xf32, #tpu.memory_space<vmem>>, vector<1x16xf32>,
        %add3A_336 = arith.constant 2 : i32
        %add3A_337 = arith.addi %add3A_58, %add3A_336 : i32
        %get3A_338 = arith.index_cast %add3A_337 : i32 to index
        %get3A_339 = arith.constant 48 : index
        %get3A_340 = tpu.vector_load %arg7[%get3A_338, %get3A_339] {strides = array<i32>} : memref<128x128xf32, #tpu.memory_space<vmem>>, vector<1x16xf32>,
        %get3A_341 = vector.shape_cast %get3A_340 : vector<1x16xf32> to vector<16xf32>
        %mul3A_342 = arith.mulf %get3A_341, %gather3A_293 : vector<16xf32>
        %add3A_343 = arith.constant 2 : i32
        %add3A_344 = arith.addi %add3A_58, %add3A_343 : i32
        %swap3A_345 = arith.index_cast %add3A_344 : i32 to index
        %swap3A_346 = arith.constant 48 : index
        %swap3A_347 = tpu.vector_load %arg7[%swap3A_345, %swap3A_346] {strides = array<i32>} : memref<128x128xf32, #tpu.memory_space<vmem>>, vector<1x16xf32>,
        %swap3A_348 = vector.shape_cast %swap3A_347 : vector<1x16xf32> to vector<16xf32>
        %swap3A_349 = vector.shape_cast %mul3A_342 : vector<16xf32> to vector<1x16xf32>
        tpu.vector_store %arg7[%swap3A_345, %swap3A_346], %swap3A_349 {strides = array<i32>} : memref<128x128xf32, #tpu.memory_space<vmem>>, vector<1x16xf32>,
        %add3A_350 = arith.constant 2 : i32
        %add3A_351 = arith.addi %add3A_58, %add3A_350 : i32
        %get3A_352 = arith.index_cast %add3A_351 : i32 to index
        %get3A_353 = arith.constant 64 : index
        %get3A_354 = tpu.vector_load %arg7[%get3A_352, %get3A_353] {strides = array<i32>} : memref<128x128xf32, #tpu.memory_space<vmem>>, vector<1x16xf32>,
        %get3A_355 = vector.shape_cast %get3A_354 : vector<1x16xf32> to vector<16xf32>
        %mul3A_356 = arith.mulf %get3A_355, %gather3A_293 : vector<16xf32>
        %add3A_357 = arith.constant 2 : i32
        %add3A_358 = arith.addi %add3A_58, %add3A_357 : i32
        %swap3A_359 = arith.index_cast %add3A_358 : i32 to index
        %swap3A_360 = arith.constant 64 : index
        %swap3A_361 = tpu.vector_load %arg7[%swap3A_359, %swap3A_360] {strides = array<i32>} : memref<128x128xf32, #tpu.memory_space<vmem>>, vector<1x16xf32>,
        %swap3A_362 = vector.shape_cast %swap3A_361 : vector<1x16xf32> to vector<16xf32>
        %swap3A_363 = vector.shape_cast %mul3A_356 : vector<16xf32> to vector<1x16xf32>
        tpu.vector_store %arg7[%swap3A_359, %swap3A_360], %swap3A_363 {strides = array<i32>} : memref<128x128xf32, #tpu.memory_space<vmem>>, vector<1x16xf32>,
        %add3A_364 = arith.constant 2 : i32
        %add3A_365 = arith.addi %add3A_58, %add3A_364 : i32
        %get3A_366 = arith.index_cast %add3A_365 : i32 to index
        %get3A_367 = arith.constant 80 : index
        %get3A_368 = tpu.vector_load %arg7[%get3A_366, %get3A_367] {strides = array<i32>} : memref<128x128xf32, #tpu.memory_space<vmem>>, vector<1x16xf32>,
        %get3A_369 = vector.shape_cast %get3A_368 : vector<1x16xf32> to vector<16xf32>
        %mul3A_370 = arith.mulf %get3A_369, %gather3A_293 : vector<16xf32>
        %add3A_371 = arith.constant 2 : i32
        %add3A_372 = arith.addi %add3A_58, %add3A_371 : i32
        %swap3A_373 = arith.index_cast %add3A_372 : i32 to index
        %swap3A_374 = arith.constant 80 : index
        %swap3A_375 = tpu.vector_load %arg7[%swap3A_373, %swap3A_374] {strides = array<i32>} : memref<128x128xf32, #tpu.memory_space<vmem>>, vector<1x16xf32>,
        %swap3A_376 = vector.shape_cast %swap3A_375 : vector<1x16xf32> to vector<16xf32>
        %swap3A_377 = vector.shape_cast %mul3A_370 : vector<16xf32> to vector<1x16xf32>
        tpu.vector_store %arg7[%swap3A_373, %swap3A_374], %swap3A_377 {strides = array<i32>} : memref<128x128xf32, #tpu.memory_space<vmem>>, vector<1x16xf32>,
        %add3A_378 = arith.constant 2 : i32
        %add3A_379 = arith.addi %add3A_58, %add3A_378 : i32
        %get3A_380 = arith.index_cast %add3A_379 : i32 to index
        %get3A_381 = arith.constant 96 : index
        %get3A_382 = tpu.vector_load %arg7[%get3A_380, %get3A_381] {strides = array<i32>} : memref<128x128xf32, #tpu.memory_space<vmem>>, vector<1x16xf32>,
        %get3A_383 = vector.shape_cast %get3A_382 : vector<1x16xf32> to vector<16xf32>
        %mul3A_384 = arith.mulf %get3A_383, %gather3A_293 : vector<16xf32>
        %add3A_385 = arith.constant 2 : i32
        %add3A_386 = arith.addi %add3A_58, %add3A_385 : i32
        %swap3A_387 = arith.index_cast %add3A_386 : i32 to index
        %swap3A_388 = arith.constant 96 : index
        %swap3A_389 = tpu.vector_load %arg7[%swap3A_387, %swap3A_388] {strides = array<i32>} : memref<128x128xf32, #tpu.memory_space<vmem>>, vector<1x16xf32>,
        %swap3A_390 = vector.shape_cast %swap3A_389 : vector<1x16xf32> to vector<16xf32>
        %swap3A_391 = vector.shape_cast %mul3A_384 : vector<16xf32> to vector<1x16xf32>
        tpu.vector_store %arg7[%swap3A_387, %swap3A_388], %swap3A_391 {strides = array<i32>} : memref<128x128xf32, #tpu.memory_space<vmem>>, vector<1x16xf32>,
        %add3A_392 = arith.constant 2 : i32
        %add3A_393 = arith.addi %add3A_58, %add3A_392 : i32
        %get3A_394 = arith.index_cast %add3A_393 : i32 to index
        %get3A_395 = arith.constant 112 : index
        %get3A_396 = tpu.vector_load %arg7[%get3A_394, %get3A_395] {strides = array<i32>} : memref<128x128xf32, #tpu.memory_space<vmem>>, vector<1x16xf32>,
        %get3A_397 = vector.shape_cast %get3A_396 : vector<1x16xf32> to vector<16xf32>
        %mul3A_398 = arith.mulf %get3A_397, %gather3A_293 : vector<16xf32>
        %add3A_399 = arith.constant 2 : i32
        %add3A_400 = arith.addi %add3A_58, %add3A_399 : i32
        %swap3A_401 = arith.index_cast %add3A_400 : i32 to index
        %swap3A_402 = arith.constant 112 : index
        %swap3A_403 = tpu.vector_load %arg7[%swap3A_401, %swap3A_402] {strides = array<i32>} : memref<128x128xf32, #tpu.memory_space<vmem>>, vector<1x16xf32>,
        %swap3A_404 = vector.shape_cast %swap3A_403 : vector<1x16xf32> to vector<16xf32>
        %swap3A_405 = vector.shape_cast %mul3A_398 : vector<16xf32> to vector<1x16xf32>
        tpu.vector_store %arg7[%swap3A_401, %swap3A_402], %swap3A_405 {strides = array<i32>} : memref<128x128xf32, #tpu.memory_space<vmem>>, vector<1x16xf32>,
        %broadcast_in_dim3A_406 = arith.constant 3 : i32
        %broadcast_in_dim3A_407 = vector.broadcast %broadcast_in_dim3A_406 : i32 to vector<16x1xi32>
        %gather3A_408 = vector.shape_cast %broadcast_in_dim3A_407 : vector<16x1xi32> to vector<16xi32>
        %gather3A_409 = tpu.dynamic_gather %get3A_60[%gather3A_408] in [0] : vector<16xf32>, vector<16xi32> -> vector<16xf32>
        %add3A_410 = arith.constant 3 : i32
        %add3A_411 = arith.addi %add3A_58, %add3A_410 : i32
        %get3A_412 = arith.index_cast %add3A_411 : i32 to index
        %get3A_413 = arith.constant 0 : index
        %get3A_414 = tpu.vector_load %arg7[%get3A_412, %get3A_413] {strides = array<i32>} : memref<128x128xf32, #tpu.memory_space<vmem>>, vector<1x16xf32>,
        %get3A_415 = vector.shape_cast %get3A_414 : vector<1x16xf32> to vector<16xf32>
        %mul3A_416 = arith.mulf %get3A_415, %gather3A_409 : vector<16xf32>
        %add3A_417 = arith.constant 3 : i32
        %add3A_418 = arith.addi %add3A_58, %add3A_417 : i32
        %swap3A_419 = arith.index_cast %add3A_418 : i32 to index
        %swap3A_420 = arith.constant 0 : index
        %swap3A_421 = tpu.vector_load %arg7[%swap3A_419, %swap3A_420] {strides = array<i32>} : memref<128x128xf32, #tpu.memory_space<vmem>>, vector<1x16xf32>,
        %swap3A_422 = vector.shape_cast %swap3A_421 : vector<1x16xf32> to vector<16xf32>
        %swap3A_423 = vector.shape_cast %mul3A_416 : vector<16xf32> to vector<1x16xf32>
        tpu.vector_store %arg7[%swap3A_419, %swap3A_420], %swap3A_423 {strides = array<i32>} : memref<128x128xf32, #tpu.memory_space<vmem>>, vector<1x16xf32>,
        %add3A_424 = arith.constant 3 : i32
        %add3A_425 = arith.addi %add3A_58, %add3A_424 : i32
        %get3A_426 = arith.index_cast %add3A_425 : i32 to index
        %get3A_427 = arith.constant 16 : index
        %get3A_428 = tpu.vector_load %arg7[%get3A_426, %get3A_427] {strides = array<i32>} : memref<128x128xf32, #tpu.memory_space<vmem>>, vector<1x16xf32>,
        %get3A_429 = vector.shape_cast %get3A_428 : vector<1x16xf32> to vector<16xf32>
        %mul3A_430 = arith.mulf %get3A_429, %gather3A_409 : vector<16xf32>
        %add3A_431 = arith.constant 3 : i32
        %add3A_432 = arith.addi %add3A_58, %add3A_431 : i32
        %swap3A_433 = arith.index_cast %add3A_432 : i32 to index
        %swap3A_434 = arith.constant 16 : index
        %swap3A_435 = tpu.vector_load %arg7[%swap3A_433, %swap3A_434] {strides = array<i32>} : memref<128x128xf32, #tpu.memory_space<vmem>>, vector<1x16xf32>,
        %swap3A_436 = vector.shape_cast %swap3A_435 : vector<1x16xf32> to vector<16xf32>
        %swap3A_437 = vector.shape_cast %mul3A_430 : vector<16xf32> to vector<1x16xf32>
        tpu.vector_store %arg7[%swap3A_433, %swap3A_434], %swap3A_437 {strides = array<i32>} : memref<128x128xf32, #tpu.memory_space<vmem>>, vector<1x16xf32>,
        %add3A_438 = arith.constant 3 : i32
        %add3A_439 = arith.addi %add3A_58, %add3A_438 : i32
        %get3A_440 = arith.index_cast %add3A_439 : i32 to index
        %get3A_441 = arith.constant 32 : index
        %get3A_442 = tpu.vector_load %arg7[%get3A_440, %get3A_441] {strides = array<i32>} : memref<128x128xf32, #tpu.memory_space<vmem>>, vector<1x16xf32>,
        %get3A_443 = vector.shape_cast %get3A_442 : vector<1x16xf32> to vector<16xf32>
        %mul3A_444 = arith.mulf %get3A_443, %gather3A_409 : vector<16xf32>
        %add3A_445 = arith.constant 3 : i32
        %add3A_446 = arith.addi %add3A_58, %add3A_445 : i32
        %swap3A_447 = arith.index_cast %add3A_446 : i32 to index
        %swap3A_448 = arith.constant 32 : index
        %swap3A_449 = tpu.vector_load %arg7[%swap3A_447, %swap3A_448] {strides = array<i32>} : memref<128x128xf32, #tpu.memory_space<vmem>>, vector<1x16xf32>,
        %swap3A_450 = vector.shape_cast %swap3A_449 : vector<1x16xf32> to vector<16xf32>
        %swap3A_451 = vector.shape_cast %mul3A_444 : vector<16xf32> to vector<1x16xf32>
        tpu.vector_store %arg7[%swap3A_447, %swap3A_448], %swap3A_451 {strides = array<i32>} : memref<128x128xf32, #tpu.memory_space<vmem>>, vector<1x16xf32>,
        %add3A_452 = arith.constant 3 : i32
        %add3A_453 = arith.addi %add3A_58, %add3A_452 : i32
        %get3A_454 = arith.index_cast %add3A_453 : i32 to index
        %get3A_455 = arith.constant 48 : index
        %get3A_456 = tpu.vector_load %arg7[%get3A_454, %get3A_455] {strides = array<i32>} : memref<128x128xf32, #tpu.memory_space<vmem>>, vector<1x16xf32>,
        %get3A_457 = vector.shape_cast %get3A_456 : vector<1x16xf32> to vector<16xf32>
        %mul3A_458 = arith.mulf %get3A_457, %gather3A_409 : vector<16xf32>
        %add3A_459 = arith.constant 3 : i32
        %add3A_460 = arith.addi %add3A_58, %add3A_459 : i32
        %swap3A_461 = arith.index_cast %add3A_460 : i32 to index
        %swap3A_462 = arith.constant 48 : index
        %swap3A_463 = tpu.vector_load %arg7[%swap3A_461, %swap3A_462] {strides = array<i32>} : memref<128x128xf32, #tpu.memory_space<vmem>>, vector<1x16xf32>,
        %swap3A_464 = vector.shape_cast %swap3A_463 : vector<1x16xf32> to vector<16xf32>
        %swap3A_465 = vector.shape_cast %mul3A_458 : vector<16xf32> to vector<1x16xf32>
        tpu.vector_store %arg7[%swap3A_461, %swap3A_462], %swap3A_465 {strides = array<i32>} : memref<128x128xf32, #tpu.memory_space<vmem>>, vector<1x16xf32>,
        %add3A_466 = arith.constant 3 : i32
        %add3A_467 = arith.addi %add3A_58, %add3A_466 : i32
        %get3A_468 = arith.index_cast %add3A_467 : i32 to index
        %get3A_469 = arith.constant 64 : index
        %get3A_470 = tpu.vector_load %arg7[%get3A_468, %get3A_469] {strides = array<i32>} : memref<128x128xf32, #tpu.memory_space<vmem>>, vector<1x16xf32>,
        %get3A_471 = vector.shape_cast %get3A_470 : vector<1x16xf32> to vector<16xf32>
        %mul3A_472 = arith.mulf %get3A_471, %gather3A_409 : vector<16xf32>
        %add3A_473 = arith.constant 3 : i32
        %add3A_474 = arith.addi %add3A_58, %add3A_473 : i32
        %swap3A_475 = arith.index_cast %add3A_474 : i32 to index
        %swap3A_476 = arith.constant 64 : index
        %swap3A_477 = tpu.vector_load %arg7[%swap3A_475, %swap3A_476] {strides = array<i32>} : memref<128x128xf32, #tpu.memory_space<vmem>>, vector<1x16xf32>,
        %swap3A_478 = vector.shape_cast %swap3A_477 : vector<1x16xf32> to vector<16xf32>
        %swap3A_479 = vector.shape_cast %mul3A_472 : vector<16xf32> to vector<1x16xf32>
        tpu.vector_store %arg7[%swap3A_475, %swap3A_476], %swap3A_479 {strides = array<i32>} : memref<128x128xf32, #tpu.memory_space<vmem>>, vector<1x16xf32>,
        %add3A_480 = arith.constant 3 : i32
        %add3A_481 = arith.addi %add3A_58, %add3A_480 : i32
        %get3A_482 = arith.index_cast %add3A_481 : i32 to index
        %get3A_483 = arith.constant 80 : index
        %get3A_484 = tpu.vector_load %arg7[%get3A_482, %get3A_483] {strides = array<i32>} : memref<128x128xf32, #tpu.memory_space<vmem>>, vector<1x16xf32>,
        %get3A_485 = vector.shape_cast %get3A_484 : vector<1x16xf32> to vector<16xf32>
        %mul3A_486 = arith.mulf %get3A_485, %gather3A_409 : vector<16xf32>
        %add3A_487 = arith.constant 3 : i32
        %add3A_488 = arith.addi %add3A_58, %add3A_487 : i32
        %swap3A_489 = arith.index_cast %add3A_488 : i32 to index
        %swap3A_490 = arith.constant 80 : index
        %swap3A_491 = tpu.vector_load %arg7[%swap3A_489, %swap3A_490] {strides = array<i32>} : memref<128x128xf32, #tpu.memory_space<vmem>>, vector<1x16xf32>,
        %swap3A_492 = vector.shape_cast %swap3A_491 : vector<1x16xf32> to vector<16xf32>
        %swap3A_493 = vector.shape_cast %mul3A_486 : vector<16xf32> to vector<1x16xf32>
        tpu.vector_store %arg7[%swap3A_489, %swap3A_490], %swap3A_493 {strides = array<i32>} : memref<128x128xf32, #tpu.memory_space<vmem>>, vector<1x16xf32>,
        %add3A_494 = arith.constant 3 : i32
        %add3A_495 = arith.addi %add3A_58, %add3A_494 : i32
        %get3A_496 = arith.index_cast %add3A_495 : i32 to index
        %get3A_497 = arith.constant 96 : index
        %get3A_498 = tpu.vector_load %arg7[%get3A_496, %get3A_497] {strides = array<i32>} : memref<128x128xf32, #tpu.memory_space<vmem>>, vector<1x16xf32>,
        %get3A_499 = vector.shape_cast %get3A_498 : vector<1x16xf32> to vector<16xf32>
        %mul3A_500 = arith.mulf %get3A_499, %gather3A_409 : vector<16xf32>
        %add3A_501 = arith.constant 3 : i32
        %add3A_502 = arith.addi %add3A_58, %add3A_501 : i32
        %swap3A_503 = arith.index_cast %add3A_502 : i32 to index
        %swap3A_504 = arith.constant 96 : index
        %swap3A_505 = tpu.vector_load %arg7[%swap3A_503, %swap3A_504] {strides = array<i32>} : memref<128x128xf32, #tpu.memory_space<vmem>>, vector<1x16xf32>,
        %swap3A_506 = vector.shape_cast %swap3A_505 : vector<1x16xf32> to vector<16xf32>
        %swap3A_507 = vector.shape_cast %mul3A_500 : vector<16xf32> to vector<1x16xf32>
        tpu.vector_store %arg7[%swap3A_503, %swap3A_504], %swap3A_507 {strides = array<i32>} : memref<128x128xf32, #tpu.memory_space<vmem>>, vector<1x16xf32>,
        %add3A_508 = arith.constant 3 : i32
        %add3A_509 = arith.addi %add3A_58, %add3A_508 : i32
        %get3A_510 = arith.index_cast %add3A_509 : i32 to index
        %get3A_511 = arith.constant 112 : index
        %get3A_512 = tpu.vector_load %arg7[%get3A_510, %get3A_511] {strides = array<i32>} : memref<128x128xf32, #tpu.memory_space<vmem>>, vector<1x16xf32>,
        %get3A_513 = vector.shape_cast %get3A_512 : vector<1x16xf32> to vector<16xf32>
        %mul3A_514 = arith.mulf %get3A_513, %gather3A_409 : vector<16xf32>
        %add3A_515 = arith.constant 3 : i32
        %add3A_516 = arith.addi %add3A_58, %add3A_515 : i32
        %swap3A_517 = arith.index_cast %add3A_516 : i32 to index
        %swap3A_518 = arith.constant 112 : index
        %swap3A_519 = tpu.vector_load %arg7[%swap3A_517, %swap3A_518] {strides = array<i32>} : memref<128x128xf32, #tpu.memory_space<vmem>>, vector<1x16xf32>,
        %swap3A_520 = vector.shape_cast %swap3A_519 : vector<1x16xf32> to vector<16xf32>
        %swap3A_521 = vector.shape_cast %mul3A_514 : vector<16xf32> to vector<1x16xf32>
        tpu.vector_store %arg7[%swap3A_517, %swap3A_518], %swap3A_521 {strides = array<i32>} : memref<128x128xf32, #tpu.memory_space<vmem>>, vector<1x16xf32>,
        %broadcast_in_dim3A_522 = arith.constant 4 : i32
        %broadcast_in_dim3A_523 = vector.broadcast %broadcast_in_dim3A_522 : i32 to vector<16x1xi32>
        %gather3A_524 = vector.shape_cast %broadcast_in_dim3A_523 : vector<16x1xi32> to vector<16xi32>
        %gather3A_525 = tpu.dynamic_gather %get3A_60[%gather3A_524] in [0] : vector<16xf32>, vector<16xi32> -> vector<16xf32>
        %add3A_526 = arith.constant 4 : i32
        %add3A_527 = arith.addi %add3A_58, %add3A_526 : i32
        %get3A_528 = arith.index_cast %add3A_527 : i32 to index
        %get3A_529 = arith.constant 0 : index
        %get3A_530 = tpu.vector_load %arg7[%get3A_528, %get3A_529] {strides = array<i32>} : memref<128x128xf32, #tpu.memory_space<vmem>>, vector<1x16xf32>,
        %get3A_531 = vector.shape_cast %get3A_530 : vector<1x16xf32> to vector<16xf32>
        %mul3A_532 = arith.mulf %get3A_531, %gather3A_525 : vector<16xf32>
        %add3A_533 = arith.constant 4 : i32
        %add3A_534 = arith.addi %add3A_58, %add3A_533 : i32
        %swap3A_535 = arith.index_cast %add3A_534 : i32 to index
        %swap3A_536 = arith.constant 0 : index
        %swap3A_537 = tpu.vector_load %arg7[%swap3A_535, %swap3A_536] {strides = array<i32>} : memref<128x128xf32, #tpu.memory_space<vmem>>, vector<1x16xf32>,
        %swap3A_538 = vector.shape_cast %swap3A_537 : vector<1x16xf32> to vector<16xf32>
        %swap3A_539 = vector.shape_cast %mul3A_532 : vector<16xf32> to vector<1x16xf32>
        tpu.vector_store %arg7[%swap3A_535, %swap3A_536], %swap3A_539 {strides = array<i32>} : memref<128x128xf32, #tpu.memory_space<vmem>>, vector<1x16xf32>,
        %add3A_540 = arith.constant 4 : i32
        %add3A_541 = arith.addi %add3A_58, %add3A_540 : i32
        %get3A_542 = arith.index_cast %add3A_541 : i32 to index
        %get3A_543 = arith.constant 16 : index
        %get3A_544 = tpu.vector_load %arg7[%get3A_542, %get3A_543] {strides = array<i32>} : memref<128x128xf32, #tpu.memory_space<vmem>>, vector<1x16xf32>,
        %get3A_545 = vector.shape_cast %get3A_544 : vector<1x16xf32> to vector<16xf32>
        %mul3A_546 = arith.mulf %get3A_545, %gather3A_525 : vector<16xf32>
        %add3A_547 = arith.constant 4 : i32
        %add3A_548 = arith.addi %add3A_58, %add3A_547 : i32
        %swap3A_549 = arith.index_cast %add3A_548 : i32 to index
        %swap3A_550 = arith.constant 16 : index
        %swap3A_551 = tpu.vector_load %arg7[%swap3A_549, %swap3A_550] {strides = array<i32>} : memref<128x128xf32, #tpu.memory_space<vmem>>, vector<1x16xf32>,
        %swap3A_552 = vector.shape_cast %swap3A_551 : vector<1x16xf32> to vector<16xf32>
        %swap3A_553 = vector.shape_cast %mul3A_546 : vector<16xf32> to vector<1x16xf32>
        tpu.vector_store %arg7[%swap3A_549, %swap3A_550], %swap3A_553 {strides = array<i32>} : memref<128x128xf32, #tpu.memory_space<vmem>>, vector<1x16xf32>,
        %add3A_554 = arith.constant 4 : i32
        %add3A_555 = arith.addi %add3A_58, %add3A_554 : i32
        %get3A_556 = arith.index_cast %add3A_555 : i32 to index
        %get3A_557 = arith.constant 32 : index
        %get3A_558 = tpu.vector_load %arg7[%get3A_556, %get3A_557] {strides = array<i32>} : memref<128x128xf32, #tpu.memory_space<vmem>>, vector<1x16xf32>,
        %get3A_559 = vector.shape_cast %get3A_558 : vector<1x16xf32> to vector<16xf32>
        %mul3A_560 = arith.mulf %get3A_559, %gather3A_525 : vector<16xf32>
        %add3A_561 = arith.constant 4 : i32
        %add3A_562 = arith.addi %add3A_58, %add3A_561 : i32
        %swap3A_563 = arith.index_cast %add3A_562 : i32 to index
        %swap3A_564 = arith.constant 32 : index
        %swap3A_565 = tpu.vector_load %arg7[%swap3A_563, %swap3A_564] {strides = array<i32>} : memref<128x128xf32, #tpu.memory_space<vmem>>, vector<1x16xf32>,
        %swap3A_566 = vector.shape_cast %swap3A_565 : vector<1x16xf32> to vector<16xf32>
        %swap3A_567 = vector.shape_cast %mul3A_560 : vector<16xf32> to vector<1x16xf32>
        tpu.vector_store %arg7[%swap3A_563, %swap3A_564], %swap3A_567 {strides = array<i32>} : memref<128x128xf32, #tpu.memory_space<vmem>>, vector<1x16xf32>,
        %add3A_568 = arith.constant 4 : i32
        %add3A_569 = arith.addi %add3A_58, %add3A_568 : i32
        %get3A_570 = arith.index_cast %add3A_569 : i32 to index
        %get3A_571 = arith.constant 48 : index
        %get3A_572 = tpu.vector_load %arg7[%get3A_570, %get3A_571] {strides = array<i32>} : memref<128x128xf32, #tpu.memory_space<vmem>>, vector<1x16xf32>,
        %get3A_573 = vector.shape_cast %get3A_572 : vector<1x16xf32> to vector<16xf32>
        %mul3A_574 = arith.mulf %get3A_573, %gather3A_525 : vector<16xf32>
        %add3A_575 = arith.constant 4 : i32
        %add3A_576 = arith.addi %add3A_58, %add3A_575 : i32
        %swap3A_577 = arith.index_cast %add3A_576 : i32 to index
        %swap3A_578 = arith.constant 48 : index
        %swap3A_579 = tpu.vector_load %arg7[%swap3A_577, %swap3A_578] {strides = array<i32>} : memref<128x128xf32, #tpu.memory_space<vmem>>, vector<1x16xf32>,
        %swap3A_580 = vector.shape_cast %swap3A_579 : vector<1x16xf32> to vector<16xf32>
        %swap3A_581 = vector.shape_cast %mul3A_574 : vector<16xf32> to vector<1x16xf32>
        tpu.vector_store %arg7[%swap3A_577, %swap3A_578], %swap3A_581 {strides = array<i32>} : memref<128x128xf32, #tpu.memory_space<vmem>>, vector<1x16xf32>,
        %add3A_582 = arith.constant 4 : i32
        %add3A_583 = arith.addi %add3A_58, %add3A_582 : i32
        %get3A_584 = arith.index_cast %add3A_583 : i32 to index
        %get3A_585 = arith.constant 64 : index
        %get3A_586 = tpu.vector_load %arg7[%get3A_584, %get3A_585] {strides = array<i32>} : memref<128x128xf32, #tpu.memory_space<vmem>>, vector<1x16xf32>,
        %get3A_587 = vector.shape_cast %get3A_586 : vector<1x16xf32> to vector<16xf32>
        %mul3A_588 = arith.mulf %get3A_587, %gather3A_525 : vector<16xf32>
        %add3A_589 = arith.constant 4 : i32
        %add3A_590 = arith.addi %add3A_58, %add3A_589 : i32
        %swap3A_591 = arith.index_cast %add3A_590 : i32 to index
        %swap3A_592 = arith.constant 64 : index
        %swap3A_593 = tpu.vector_load %arg7[%swap3A_591, %swap3A_592] {strides = array<i32>} : memref<128x128xf32, #tpu.memory_space<vmem>>, vector<1x16xf32>,
        %swap3A_594 = vector.shape_cast %swap3A_593 : vector<1x16xf32> to vector<16xf32>
        %swap3A_595 = vector.shape_cast %mul3A_588 : vector<16xf32> to vector<1x16xf32>
        tpu.vector_store %arg7[%swap3A_591, %swap3A_592], %swap3A_595 {strides = array<i32>} : memref<128x128xf32, #tpu.memory_space<vmem>>, vector<1x16xf32>,
        %add3A_596 = arith.constant 4 : i32
        %add3A_597 = arith.addi %add3A_58, %add3A_596 : i32
        %get3A_598 = arith.index_cast %add3A_597 : i32 to index
        %get3A_599 = arith.constant 80 : index
        %get3A_600 = tpu.vector_load %arg7[%get3A_598, %get3A_599] {strides = array<i32>} : memref<128x128xf32, #tpu.memory_space<vmem>>, vector<1x16xf32>,
        %get3A_601 = vector.shape_cast %get3A_600 : vector<1x16xf32> to vector<16xf32>
        %mul3A_602 = arith.mulf %get3A_601, %gather3A_525 : vector<16xf32>
        %add3A_603 = arith.constant 4 : i32
        %add3A_604 = arith.addi %add3A_58, %add3A_603 : i32
        %swap3A_605 = arith.index_cast %add3A_604 : i32 to index
        %swap3A_606 = arith.constant 80 : index
        %swap3A_607 = tpu.vector_load %arg7[%swap3A_605, %swap3A_606] {strides = array<i32>} : memref<128x128xf32, #tpu.memory_space<vmem>>, vector<1x16xf32>,
        %swap3A_608 = vector.shape_cast %swap3A_607 : vector<1x16xf32> to vector<16xf32>
        %swap3A_609 = vector.shape_cast %mul3A_602 : vector<16xf32> to vector<1x16xf32>
        tpu.vector_store %arg7[%swap3A_605, %swap3A_606], %swap3A_609 {strides = array<i32>} : memref<128x128xf32, #tpu.memory_space<vmem>>, vector<1x16xf32>,
        %add3A_610 = arith.constant 4 : i32
        %add3A_611 = arith.addi %add3A_58, %add3A_610 : i32
        %get3A_612 = arith.index_cast %add3A_611 : i32 to index
        %get3A_613 = arith.constant 96 : index
        %get3A_614 = tpu.vector_load %arg7[%get3A_612, %get3A_613] {strides = array<i32>} : memref<128x128xf32, #tpu.memory_space<vmem>>, vector<1x16xf32>,
        %get3A_615 = vector.shape_cast %get3A_614 : vector<1x16xf32> to vector<16xf32>
        %mul3A_616 = arith.mulf %get3A_615, %gather3A_525 : vector<16xf32>
        %add3A_617 = arith.constant 4 : i32
        %add3A_618 = arith.addi %add3A_58, %add3A_617 : i32
        %swap3A_619 = arith.index_cast %add3A_618 : i32 to index
        %swap3A_620 = arith.constant 96 : index
        %swap3A_621 = tpu.vector_load %arg7[%swap3A_619, %swap3A_620] {strides = array<i32>} : memref<128x128xf32, #tpu.memory_space<vmem>>, vector<1x16xf32>,
        %swap3A_622 = vector.shape_cast %swap3A_621 : vector<1x16xf32> to vector<16xf32>
        %swap3A_623 = vector.shape_cast %mul3A_616 : vector<16xf32> to vector<1x16xf32>
        tpu.vector_store %arg7[%swap3A_619, %swap3A_620], %swap3A_623 {strides = array<i32>} : memref<128x128xf32, #tpu.memory_space<vmem>>, vector<1x16xf32>,
        %add3A_624 = arith.constant 4 : i32
        %add3A_625 = arith.addi %add3A_58, %add3A_624 : i32
        %get3A_626 = arith.index_cast %add3A_625 : i32 to index
        %get3A_627 = arith.constant 112 : index
        %get3A_628 = tpu.vector_load %arg7[%get3A_626, %get3A_627] {strides = array<i32>} : memref<128x128xf32, #tpu.memory_space<vmem>>, vector<1x16xf32>,
        %get3A_629 = vector.shape_cast %get3A_628 : vector<1x16xf32> to vector<16xf32>
        %mul3A_630 = arith.mulf %get3A_629, %gather3A_525 : vector<16xf32>
        %add3A_631 = arith.constant 4 : i32
        %add3A_632 = arith.addi %add3A_58, %add3A_631 : i32
        %swap3A_633 = arith.index_cast %add3A_632 : i32 to index
        %swap3A_634 = arith.constant 112 : index
        %swap3A_635 = tpu.vector_load %arg7[%swap3A_633, %swap3A_634] {strides = array<i32>} : memref<128x128xf32, #tpu.memory_space<vmem>>, vector<1x16xf32>,
        %swap3A_636 = vector.shape_cast %swap3A_635 : vector<1x16xf32> to vector<16xf32>
        %swap3A_637 = vector.shape_cast %mul3A_630 : vector<16xf32> to vector<1x16xf32>
        tpu.vector_store %arg7[%swap3A_633, %swap3A_634], %swap3A_637 {strides = array<i32>} : memref<128x128xf32, #tpu.memory_space<vmem>>, vector<1x16xf32>,
        %broadcast_in_dim3A_638 = arith.constant 5 : i32
        %broadcast_in_dim3A_639 = vector.broadcast %broadcast_in_dim3A_638 : i32 to vector<16x1xi32>
        %gather3A_640 = vector.shape_cast %broadcast_in_dim3A_639 : vector<16x1xi32> to vector<16xi32>
        %gather3A_641 = tpu.dynamic_gather %get3A_60[%gather3A_640] in [0] : vector<16xf32>, vector<16xi32> -> vector<16xf32>
        %add3A_642 = arith.constant 5 : i32
        %add3A_643 = arith.addi %add3A_58, %add3A_642 : i32
        %get3A_644 = arith.index_cast %add3A_643 : i32 to index
        %get3A_645 = arith.constant 0 : index
        %get3A_646 = tpu.vector_load %arg7[%get3A_644, %get3A_645] {strides = array<i32>} : memref<128x128xf32, #tpu.memory_space<vmem>>, vector<1x16xf32>,
        %get3A_647 = vector.shape_cast %get3A_646 : vector<1x16xf32> to vector<16xf32>
        %mul3A_648 = arith.mulf %get3A_647, %gather3A_641 : vector<16xf32>
        %add3A_649 = arith.constant 5 : i32
        %add3A_650 = arith.addi %add3A_58, %add3A_649 : i32
        %swap3A_651 = arith.index_cast %add3A_650 : i32 to index
        %swap3A_652 = arith.constant 0 : index
        %swap3A_653 = tpu.vector_load %arg7[%swap3A_651, %swap3A_652] {strides = array<i32>} : memref<128x128xf32, #tpu.memory_space<vmem>>, vector<1x16xf32>,
        %swap3A_654 = vector.shape_cast %swap3A_653 : vector<1x16xf32> to vector<16xf32>
        %swap3A_655 = vector.shape_cast %mul3A_648 : vector<16xf32> to vector<1x16xf32>
        tpu.vector_store %arg7[%swap3A_651, %swap3A_652], %swap3A_655 {strides = array<i32>} : memref<128x128xf32, #tpu.memory_space<vmem>>, vector<1x16xf32>,
        %add3A_656 = arith.constant 5 : i32
        %add3A_657 = arith.addi %add3A_58, %add3A_656 : i32
        %get3A_658 = arith.index_cast %add3A_657 : i32 to index
        %get3A_659 = arith.constant 16 : index
        %get3A_660 = tpu.vector_load %arg7[%get3A_658, %get3A_659] {strides = array<i32>} : memref<128x128xf32, #tpu.memory_space<vmem>>, vector<1x16xf32>,
        %get3A_661 = vector.shape_cast %get3A_660 : vector<1x16xf32> to vector<16xf32>
        %mul3A_662 = arith.mulf %get3A_661, %gather3A_641 : vector<16xf32>
        %add3A_663 = arith.constant 5 : i32
        %add3A_664 = arith.addi %add3A_58, %add3A_663 : i32
        %swap3A_665 = arith.index_cast %add3A_664 : i32 to index
        %swap3A_666 = arith.constant 16 : index
        %swap3A_667 = tpu.vector_load %arg7[%swap3A_665, %swap3A_666] {strides = array<i32>} : memref<128x128xf32, #tpu.memory_space<vmem>>, vector<1x16xf32>,
        %swap3A_668 = vector.shape_cast %swap3A_667 : vector<1x16xf32> to vector<16xf32>
        %swap3A_669 = vector.shape_cast %mul3A_662 : vector<16xf32> to vector<1x16xf32>
        tpu.vector_store %arg7[%swap3A_665, %swap3A_666], %swap3A_669 {strides = array<i32>} : memref<128x128xf32, #tpu.memory_space<vmem>>, vector<1x16xf32>,
        %add3A_670 = arith.constant 5 : i32
        %add3A_671 = arith.addi %add3A_58, %add3A_670 : i32
        %get3A_672 = arith.index_cast %add3A_671 : i32 to index
        %get3A_673 = arith.constant 32 : index
        %get3A_674 = tpu.vector_load %arg7[%get3A_672, %get3A_673] {strides = array<i32>} : memref<128x128xf32, #tpu.memory_space<vmem>>, vector<1x16xf32>,
        %get3A_675 = vector.shape_cast %get3A_674 : vector<1x16xf32> to vector<16xf32>
        %mul3A_676 = arith.mulf %get3A_675, %gather3A_641 : vector<16xf32>
        %add3A_677 = arith.constant 5 : i32
        %add3A_678 = arith.addi %add3A_58, %add3A_677 : i32
        %swap3A_679 = arith.index_cast %add3A_678 : i32 to index
        %swap3A_680 = arith.constant 32 : index
        %swap3A_681 = tpu.vector_load %arg7[%swap3A_679, %swap3A_680] {strides = array<i32>} : memref<128x128xf32, #tpu.memory_space<vmem>>, vector<1x16xf32>,
        %swap3A_682 = vector.shape_cast %swap3A_681 : vector<1x16xf32> to vector<16xf32>
        %swap3A_683 = vector.shape_cast %mul3A_676 : vector<16xf32> to vector<1x16xf32>
        tpu.vector_store %arg7[%swap3A_679, %swap3A_680], %swap3A_683 {strides = array<i32>} : memref<128x128xf32, #tpu.memory_space<vmem>>, vector<1x16xf32>,
        %add3A_684 = arith.constant 5 : i32
        %add3A_685 = arith.addi %add3A_58, %add3A_684 : i32
        %get3A_686 = arith.index_cast %add3A_685 : i32 to index
        %get3A_687 = arith.constant 48 : index
        %get3A_688 = tpu.vector_load %arg7[%get3A_686, %get3A_687] {strides = array<i32>} : memref<128x128xf32, #tpu.memory_space<vmem>>, vector<1x16xf32>,
        %get3A_689 = vector.shape_cast %get3A_688 : vector<1x16xf32> to vector<16xf32>
        %mul3A_690 = arith.mulf %get3A_689, %gather3A_641 : vector<16xf32>
        %add3A_691 = arith.constant 5 : i32
        %add3A_692 = arith.addi %add3A_58, %add3A_691 : i32
        %swap3A_693 = arith.index_cast %add3A_692 : i32 to index
        %swap3A_694 = arith.constant 48 : index
        %swap3A_695 = tpu.vector_load %arg7[%swap3A_693, %swap3A_694] {strides = array<i32>} : memref<128x128xf32, #tpu.memory_space<vmem>>, vector<1x16xf32>,
        %swap3A_696 = vector.shape_cast %swap3A_695 : vector<1x16xf32> to vector<16xf32>
        %swap3A_697 = vector.shape_cast %mul3A_690 : vector<16xf32> to vector<1x16xf32>
        tpu.vector_store %arg7[%swap3A_693, %swap3A_694], %swap3A_697 {strides = array<i32>} : memref<128x128xf32, #tpu.memory_space<vmem>>, vector<1x16xf32>,
        %add3A_698 = arith.constant 5 : i32
        %add3A_699 = arith.addi %add3A_58, %add3A_698 : i32
        %get3A_700 = arith.index_cast %add3A_699 : i32 to index
        %get3A_701 = arith.constant 64 : index
        %get3A_702 = tpu.vector_load %arg7[%get3A_700, %get3A_701] {strides = array<i32>} : memref<128x128xf32, #tpu.memory_space<vmem>>, vector<1x16xf32>,
        %get3A_703 = vector.shape_cast %get3A_702 : vector<1x16xf32> to vector<16xf32>
        %mul3A_704 = arith.mulf %get3A_703, %gather3A_641 : vector<16xf32>
        %add3A_705 = arith.constant 5 : i32
        %add3A_706 = arith.addi %add3A_58, %add3A_705 : i32
        %swap3A_707 = arith.index_cast %add3A_706 : i32 to index
        %swap3A_708 = arith.constant 64 : index
        %swap3A_709 = tpu.vector_load %arg7[%swap3A_707, %swap3A_708] {strides = array<i32>} : memref<128x128xf32, #tpu.memory_space<vmem>>, vector<1x16xf32>,
        %swap3A_710 = vector.shape_cast %swap3A_709 : vector<1x16xf32> to vector<16xf32>
        %swap3A_711 = vector.shape_cast %mul3A_704 : vector<16xf32> to vector<1x16xf32>
        tpu.vector_store %arg7[%swap3A_707, %swap3A_708], %swap3A_711 {strides = array<i32>} : memref<128x128xf32, #tpu.memory_space<vmem>>, vector<1x16xf32>,
        %add3A_712 = arith.constant 5 : i32
        %add3A_713 = arith.addi %add3A_58, %add3A_712 : i32
        %get3A_714 = arith.index_cast %add3A_713 : i32 to index
        %get3A_715 = arith.constant 80 : index
        %get3A_716 = tpu.vector_load %arg7[%get3A_714, %get3A_715] {strides = array<i32>} : memref<128x128xf32, #tpu.memory_space<vmem>>, vector<1x16xf32>,
        %get3A_717 = vector.shape_cast %get3A_716 : vector<1x16xf32> to vector<16xf32>
        %mul3A_718 = arith.mulf %get3A_717, %gather3A_641 : vector<16xf32>
        %add3A_719 = arith.constant 5 : i32
        %add3A_720 = arith.addi %add3A_58, %add3A_719 : i32
        %swap3A_721 = arith.index_cast %add3A_720 : i32 to index
        %swap3A_722 = arith.constant 80 : index
        %swap3A_723 = tpu.vector_load %arg7[%swap3A_721, %swap3A_722] {strides = array<i32>} : memref<128x128xf32, #tpu.memory_space<vmem>>, vector<1x16xf32>,
        %swap3A_724 = vector.shape_cast %swap3A_723 : vector<1x16xf32> to vector<16xf32>
        %swap3A_725 = vector.shape_cast %mul3A_718 : vector<16xf32> to vector<1x16xf32>
        tpu.vector_store %arg7[%swap3A_721, %swap3A_722], %swap3A_725 {strides = array<i32>} : memref<128x128xf32, #tpu.memory_space<vmem>>, vector<1x16xf32>,
        %add3A_726 = arith.constant 5 : i32
        %add3A_727 = arith.addi %add3A_58, %add3A_726 : i32
        %get3A_728 = arith.index_cast %add3A_727 : i32 to index
        %get3A_729 = arith.constant 96 : index
        %get3A_730 = tpu.vector_load %arg7[%get3A_728, %get3A_729] {strides = array<i32>} : memref<128x128xf32, #tpu.memory_space<vmem>>, vector<1x16xf32>,
        %get3A_731 = vector.shape_cast %get3A_730 : vector<1x16xf32> to vector<16xf32>
        %mul3A_732 = arith.mulf %get3A_731, %gather3A_641 : vector<16xf32>
        %add3A_733 = arith.constant 5 : i32
        %add3A_734 = arith.addi %add3A_58, %add3A_733 : i32
        %swap3A_735 = arith.index_cast %add3A_734 : i32 to index
        %swap3A_736 = arith.constant 96 : index
        %swap3A_737 = tpu.vector_load %arg7[%swap3A_735, %swap3A_736] {strides = array<i32>} : memref<128x128xf32, #tpu.memory_space<vmem>>, vector<1x16xf32>,
        %swap3A_738 = vector.shape_cast %swap3A_737 : vector<1x16xf32> to vector<16xf32>
        %swap3A_739 = vector.shape_cast %mul3A_732 : vector<16xf32> to vector<1x16xf32>
        tpu.vector_store %arg7[%swap3A_735, %swap3A_736], %swap3A_739 {strides = array<i32>} : memref<128x128xf32, #tpu.memory_space<vmem>>, vector<1x16xf32>,
        %add3A_740 = arith.constant 5 : i32
        %add3A_741 = arith.addi %add3A_58, %add3A_740 : i32
        %get3A_742 = arith.index_cast %add3A_741 : i32 to index
        %get3A_743 = arith.constant 112 : index
        %get3A_744 = tpu.vector_load %arg7[%get3A_742, %get3A_743] {strides = array<i32>} : memref<128x128xf32, #tpu.memory_space<vmem>>, vector<1x16xf32>,
        %get3A_745 = vector.shape_cast %get3A_744 : vector<1x16xf32> to vector<16xf32>
        %mul3A_746 = arith.mulf %get3A_745, %gather3A_641 : vector<16xf32>
        %add3A_747 = arith.constant 5 : i32
        %add3A_748 = arith.addi %add3A_58, %add3A_747 : i32
        %swap3A_749 = arith.index_cast %add3A_748 : i32 to index
        %swap3A_750 = arith.constant 112 : index
        %swap3A_751 = tpu.vector_load %arg7[%swap3A_749, %swap3A_750] {strides = array<i32>} : memref<128x128xf32, #tpu.memory_space<vmem>>, vector<1x16xf32>,
        %swap3A_752 = vector.shape_cast %swap3A_751 : vector<1x16xf32> to vector<16xf32>
        %swap3A_753 = vector.shape_cast %mul3A_746 : vector<16xf32> to vector<1x16xf32>
        tpu.vector_store %arg7[%swap3A_749, %swap3A_750], %swap3A_753 {strides = array<i32>} : memref<128x128xf32, #tpu.memory_space<vmem>>, vector<1x16xf32>,
        %broadcast_in_dim3A_754 = arith.constant 6 : i32
        %broadcast_in_dim3A_755 = vector.broadcast %broadcast_in_dim3A_754 : i32 to vector<16x1xi32>
        %gather3A_756 = vector.shape_cast %broadcast_in_dim3A_755 : vector<16x1xi32> to vector<16xi32>
        %gather3A_757 = tpu.dynamic_gather %get3A_60[%gather3A_756] in [0] : vector<16xf32>, vector<16xi32> -> vector<16xf32>
        %add3A_758 = arith.constant 6 : i32
        %add3A_759 = arith.addi %add3A_58, %add3A_758 : i32
        %get3A_760 = arith.index_cast %add3A_759 : i32 to index
        %get3A_761 = arith.constant 0 : index
        %get3A_762 = tpu.vector_load %arg7[%get3A_760, %get3A_761] {strides = array<i32>} : memref<128x128xf32, #tpu.memory_space<vmem>>, vector<1x16xf32>,
        %get3A_763 = vector.shape_cast %get3A_762 : vector<1x16xf32> to vector<16xf32>
        %mul3A_764 = arith.mulf %get3A_763, %gather3A_757 : vector<16xf32>
        %add3A_765 = arith.constant 6 : i32
        %add3A_766 = arith.addi %add3A_58, %add3A_765 : i32
        %swap3A_767 = arith.index_cast %add3A_766 : i32 to index
        %swap3A_768 = arith.constant 0 : index
        %swap3A_769 = tpu.vector_load %arg7[%swap3A_767, %swap3A_768] {strides = array<i32>} : memref<128x128xf32, #tpu.memory_space<vmem>>, vector<1x16xf32>,
        %swap3A_770 = vector.shape_cast %swap3A_769 : vector<1x16xf32> to vector<16xf32>
        %swap3A_771 = vector.shape_cast %mul3A_764 : vector<16xf32> to vector<1x16xf32>
        tpu.vector_store %arg7[%swap3A_767, %swap3A_768], %swap3A_771 {strides = array<i32>} : memref<128x128xf32, #tpu.memory_space<vmem>>, vector<1x16xf32>,
        %add3A_772 = arith.constant 6 : i32
        %add3A_773 = arith.addi %add3A_58, %add3A_772 : i32
        %get3A_774 = arith.index_cast %add3A_773 : i32 to index
        %get3A_775 = arith.constant 16 : index
        %get3A_776 = tpu.vector_load %arg7[%get3A_774, %get3A_775] {strides = array<i32>} : memref<128x128xf32, #tpu.memory_space<vmem>>, vector<1x16xf32>,
        %get3A_777 = vector.shape_cast %get3A_776 : vector<1x16xf32> to vector<16xf32>
        %mul3A_778 = arith.mulf %get3A_777, %gather3A_757 : vector<16xf32>
        %add3A_779 = arith.constant 6 : i32
        %add3A_780 = arith.addi %add3A_58, %add3A_779 : i32
        %swap3A_781 = arith.index_cast %add3A_780 : i32 to index
        %swap3A_782 = arith.constant 16 : index
        %swap3A_783 = tpu.vector_load %arg7[%swap3A_781, %swap3A_782] {strides = array<i32>} : memref<128x128xf32, #tpu.memory_space<vmem>>, vector<1x16xf32>,
        %swap3A_784 = vector.shape_cast %swap3A_783 : vector<1x16xf32> to vector<16xf32>
        %swap3A_785 = vector.shape_cast %mul3A_778 : vector<16xf32> to vector<1x16xf32>
        tpu.vector_store %arg7[%swap3A_781, %swap3A_782], %swap3A_785 {strides = array<i32>} : memref<128x128xf32, #tpu.memory_space<vmem>>, vector<1x16xf32>,
        %add3A_786 = arith.constant 6 : i32
        %add3A_787 = arith.addi %add3A_58, %add3A_786 : i32
        %get3A_788 = arith.index_cast %add3A_787 : i32 to index
        %get3A_789 = arith.constant 32 : index
        %get3A_790 = tpu.vector_load %arg7[%get3A_788, %get3A_789] {strides = array<i32>} : memref<128x128xf32, #tpu.memory_space<vmem>>, vector<1x16xf32>,
        %get3A_791 = vector.shape_cast %get3A_790 : vector<1x16xf32> to vector<16xf32>
        %mul3A_792 = arith.mulf %get3A_791, %gather3A_757 : vector<16xf32>
        %add3A_793 = arith.constant 6 : i32
        %add3A_794 = arith.addi %add3A_58, %add3A_793 : i32
        %swap3A_795 = arith.index_cast %add3A_794 : i32 to index
        %swap3A_796 = arith.constant 32 : index
        %swap3A_797 = tpu.vector_load %arg7[%swap3A_795, %swap3A_796] {strides = array<i32>} : memref<128x128xf32, #tpu.memory_space<vmem>>, vector<1x16xf32>,
        %swap3A_798 = vector.shape_cast %swap3A_797 : vector<1x16xf32> to vector<16xf32>
        %swap3A_799 = vector.shape_cast %mul3A_792 : vector<16xf32> to vector<1x16xf32>
        tpu.vector_store %arg7[%swap3A_795, %swap3A_796], %swap3A_799 {strides = array<i32>} : memref<128x128xf32, #tpu.memory_space<vmem>>, vector<1x16xf32>,
        %add3A_800 = arith.constant 6 : i32
        %add3A_801 = arith.addi %add3A_58, %add3A_800 : i32
        %get3A_802 = arith.index_cast %add3A_801 : i32 to index
        %get3A_803 = arith.constant 48 : index
        %get3A_804 = tpu.vector_load %arg7[%get3A_802, %get3A_803] {strides = array<i32>} : memref<128x128xf32, #tpu.memory_space<vmem>>, vector<1x16xf32>,
        %get3A_805 = vector.shape_cast %get3A_804 : vector<1x16xf32> to vector<16xf32>
        %mul3A_806 = arith.mulf %get3A_805, %gather3A_757 : vector<16xf32>
        %add3A_807 = arith.constant 6 : i32
        %add3A_808 = arith.addi %add3A_58, %add3A_807 : i32
        %swap3A_809 = arith.index_cast %add3A_808 : i32 to index
        %swap3A_810 = arith.constant 48 : index
        %swap3A_811 = tpu.vector_load %arg7[%swap3A_809, %swap3A_810] {strides = array<i32>} : memref<128x128xf32, #tpu.memory_space<vmem>>, vector<1x16xf32>,
        %swap3A_812 = vector.shape_cast %swap3A_811 : vector<1x16xf32> to vector<16xf32>
        %swap3A_813 = vector.shape_cast %mul3A_806 : vector<16xf32> to vector<1x16xf32>
        tpu.vector_store %arg7[%swap3A_809, %swap3A_810], %swap3A_813 {strides = array<i32>} : memref<128x128xf32, #tpu.memory_space<vmem>>, vector<1x16xf32>,
        %add3A_814 = arith.constant 6 : i32
        %add3A_815 = arith.addi %add3A_58, %add3A_814 : i32
        %get3A_816 = arith.index_cast %add3A_815 : i32 to index
        %get3A_817 = arith.constant 64 : index
        %get3A_818 = tpu.vector_load %arg7[%get3A_816, %get3A_817] {strides = array<i32>} : memref<128x128xf32, #tpu.memory_space<vmem>>, vector<1x16xf32>,
        %get3A_819 = vector.shape_cast %get3A_818 : vector<1x16xf32> to vector<16xf32>
        %mul3A_820 = arith.mulf %get3A_819, %gather3A_757 : vector<16xf32>
        %add3A_821 = arith.constant 6 : i32
        %add3A_822 = arith.addi %add3A_58, %add3A_821 : i32
        %swap3A_823 = arith.index_cast %add3A_822 : i32 to index
        %swap3A_824 = arith.constant 64 : index
        %swap3A_825 = tpu.vector_load %arg7[%swap3A_823, %swap3A_824] {strides = array<i32>} : memref<128x128xf32, #tpu.memory_space<vmem>>, vector<1x16xf32>,
        %swap3A_826 = vector.shape_cast %swap3A_825 : vector<1x16xf32> to vector<16xf32>
        %swap3A_827 = vector.shape_cast %mul3A_820 : vector<16xf32> to vector<1x16xf32>
        tpu.vector_store %arg7[%swap3A_823, %swap3A_824], %swap3A_827 {strides = array<i32>} : memref<128x128xf32, #tpu.memory_space<vmem>>, vector<1x16xf32>,
        %add3A_828 = arith.constant 6 : i32
        %add3A_829 = arith.addi %add3A_58, %add3A_828 : i32
        %get3A_830 = arith.index_cast %add3A_829 : i32 to index
        %get3A_831 = arith.constant 80 : index
        %get3A_832 = tpu.vector_load %arg7[%get3A_830, %get3A_831] {strides = array<i32>} : memref<128x128xf32, #tpu.memory_space<vmem>>, vector<1x16xf32>,
        %get3A_833 = vector.shape_cast %get3A_832 : vector<1x16xf32> to vector<16xf32>
        %mul3A_834 = arith.mulf %get3A_833, %gather3A_757 : vector<16xf32>
        %add3A_835 = arith.constant 6 : i32
        %add3A_836 = arith.addi %add3A_58, %add3A_835 : i32
        %swap3A_837 = arith.index_cast %add3A_836 : i32 to index
        %swap3A_838 = arith.constant 80 : index
        %swap3A_839 = tpu.vector_load %arg7[%swap3A_837, %swap3A_838] {strides = array<i32>} : memref<128x128xf32, #tpu.memory_space<vmem>>, vector<1x16xf32>,
        %swap3A_840 = vector.shape_cast %swap3A_839 : vector<1x16xf32> to vector<16xf32>
        %swap3A_841 = vector.shape_cast %mul3A_834 : vector<16xf32> to vector<1x16xf32>
        tpu.vector_store %arg7[%swap3A_837, %swap3A_838], %swap3A_841 {strides = array<i32>} : memref<128x128xf32, #tpu.memory_space<vmem>>, vector<1x16xf32>,
        %add3A_842 = arith.constant 6 : i32
        %add3A_843 = arith.addi %add3A_58, %add3A_842 : i32
        %get3A_844 = arith.index_cast %add3A_843 : i32 to index
        %get3A_845 = arith.constant 96 : index
        %get3A_846 = tpu.vector_load %arg7[%get3A_844, %get3A_845] {strides = array<i32>} : memref<128x128xf32, #tpu.memory_space<vmem>>, vector<1x16xf32>,
        %get3A_847 = vector.shape_cast %get3A_846 : vector<1x16xf32> to vector<16xf32>
        %mul3A_848 = arith.mulf %get3A_847, %gather3A_757 : vector<16xf32>
        %add3A_849 = arith.constant 6 : i32
        %add3A_850 = arith.addi %add3A_58, %add3A_849 : i32
        %swap3A_851 = arith.index_cast %add3A_850 : i32 to index
        %swap3A_852 = arith.constant 96 : index
        %swap3A_853 = tpu.vector_load %arg7[%swap3A_851, %swap3A_852] {strides = array<i32>} : memref<128x128xf32, #tpu.memory_space<vmem>>, vector<1x16xf32>,
        %swap3A_854 = vector.shape_cast %swap3A_853 : vector<1x16xf32> to vector<16xf32>
        %swap3A_855 = vector.shape_cast %mul3A_848 : vector<16xf32> to vector<1x16xf32>
        tpu.vector_store %arg7[%swap3A_851, %swap3A_852], %swap3A_855 {strides = array<i32>} : memref<128x128xf32, #tpu.memory_space<vmem>>, vector<1x16xf32>,
        %add3A_856 = arith.constant 6 : i32
        %add3A_857 = arith.addi %add3A_58, %add3A_856 : i32
        %get3A_858 = arith.index_cast %add3A_857 : i32 to index
        %get3A_859 = arith.constant 112 : index
        %get3A_860 = tpu.vector_load %arg7[%get3A_858, %get3A_859] {strides = array<i32>} : memref<128x128xf32, #tpu.memory_space<vmem>>, vector<1x16xf32>,
        %get3A_861 = vector.shape_cast %get3A_860 : vector<1x16xf32> to vector<16xf32>
        %mul3A_862 = arith.mulf %get3A_861, %gather3A_757 : vector<16xf32>
        %add3A_863 = arith.constant 6 : i32
        %add3A_864 = arith.addi %add3A_58, %add3A_863 : i32
        %swap3A_865 = arith.index_cast %add3A_864 : i32 to index
        %swap3A_866 = arith.constant 112 : index
        %swap3A_867 = tpu.vector_load %arg7[%swap3A_865, %swap3A_866] {strides = array<i32>} : memref<128x128xf32, #tpu.memory_space<vmem>>, vector<1x16xf32>,
        %swap3A_868 = vector.shape_cast %swap3A_867 : vector<1x16xf32> to vector<16xf32>
        %swap3A_869 = vector.shape_cast %mul3A_862 : vector<16xf32> to vector<1x16xf32>
        tpu.vector_store %arg7[%swap3A_865, %swap3A_866], %swap3A_869 {strides = array<i32>} : memref<128x128xf32, #tpu.memory_space<vmem>>, vector<1x16xf32>,
        %broadcast_in_dim3A_870 = arith.constant 7 : i32
        %broadcast_in_dim3A_871 = vector.broadcast %broadcast_in_dim3A_870 : i32 to vector<16x1xi32>
        %gather3A_872 = vector.shape_cast %broadcast_in_dim3A_871 : vector<16x1xi32> to vector<16xi32>
        %gather3A_873 = tpu.dynamic_gather %get3A_60[%gather3A_872] in [0] : vector<16xf32>, vector<16xi32> -> vector<16xf32>
        %add3A_874 = arith.constant 7 : i32
        %add3A_875 = arith.addi %add3A_58, %add3A_874 : i32
        %get3A_876 = arith.index_cast %add3A_875 : i32 to index
        %get3A_877 = arith.constant 0 : index
        %get3A_878 = tpu.vector_load %arg7[%get3A_876, %get3A_877] {strides = array<i32>} : memref<128x128xf32, #tpu.memory_space<vmem>>, vector<1x16xf32>,
        %get3A_879 = vector.shape_cast %get3A_878 : vector<1x16xf32> to vector<16xf32>
        %mul3A_880 = arith.mulf %get3A_879, %gather3A_873 : vector<16xf32>
        %add3A_881 = arith.constant 7 : i32
        %add3A_882 = arith.addi %add3A_58, %add3A_881 : i32
        %swap3A_883 = arith.index_cast %add3A_882 : i32 to index
        %swap3A_884 = arith.constant 0 : index
        %swap3A_885 = tpu.vector_load %arg7[%swap3A_883, %swap3A_884] {strides = array<i32>} : memref<128x128xf32, #tpu.memory_space<vmem>>, vector<1x16xf32>,
        %swap3A_886 = vector.shape_cast %swap3A_885 : vector<1x16xf32> to vector<16xf32>
        %swap3A_887 = vector.shape_cast %mul3A_880 : vector<16xf32> to vector<1x16xf32>
        tpu.vector_store %arg7[%swap3A_883, %swap3A_884], %swap3A_887 {strides = array<i32>} : memref<128x128xf32, #tpu.memory_space<vmem>>, vector<1x16xf32>,
        %add3A_888 = arith.constant 7 : i32
        %add3A_889 = arith.addi %add3A_58, %add3A_888 : i32
        %get3A_890 = arith.index_cast %add3A_889 : i32 to index
        %get3A_891 = arith.constant 16 : index
        %get3A_892 = tpu.vector_load %arg7[%get3A_890, %get3A_891] {strides = array<i32>} : memref<128x128xf32, #tpu.memory_space<vmem>>, vector<1x16xf32>,
        %get3A_893 = vector.shape_cast %get3A_892 : vector<1x16xf32> to vector<16xf32>
        %mul3A_894 = arith.mulf %get3A_893, %gather3A_873 : vector<16xf32>
        %add3A_895 = arith.constant 7 : i32
        %add3A_896 = arith.addi %add3A_58, %add3A_895 : i32
        %swap3A_897 = arith.index_cast %add3A_896 : i32 to index
        %swap3A_898 = arith.constant 16 : index
        %swap3A_899 = tpu.vector_load %arg7[%swap3A_897, %swap3A_898] {strides = array<i32>} : memref<128x128xf32, #tpu.memory_space<vmem>>, vector<1x16xf32>,
        %swap3A_900 = vector.shape_cast %swap3A_899 : vector<1x16xf32> to vector<16xf32>
        %swap3A_901 = vector.shape_cast %mul3A_894 : vector<16xf32> to vector<1x16xf32>
        tpu.vector_store %arg7[%swap3A_897, %swap3A_898], %swap3A_901 {strides = array<i32>} : memref<128x128xf32, #tpu.memory_space<vmem>>, vector<1x16xf32>,
        %add3A_902 = arith.constant 7 : i32
        %add3A_903 = arith.addi %add3A_58, %add3A_902 : i32
        %get3A_904 = arith.index_cast %add3A_903 : i32 to index
        %get3A_905 = arith.constant 32 : index
        %get3A_906 = tpu.vector_load %arg7[%get3A_904, %get3A_905] {strides = array<i32>} : memref<128x128xf32, #tpu.memory_space<vmem>>, vector<1x16xf32>,
        %get3A_907 = vector.shape_cast %get3A_906 : vector<1x16xf32> to vector<16xf32>
        %mul3A_908 = arith.mulf %get3A_907, %gather3A_873 : vector<16xf32>
        %add3A_909 = arith.constant 7 : i32
        %add3A_910 = arith.addi %add3A_58, %add3A_909 : i32
        %swap3A_911 = arith.index_cast %add3A_910 : i32 to index
        %swap3A_912 = arith.constant 32 : index
        %swap3A_913 = tpu.vector_load %arg7[%swap3A_911, %swap3A_912] {strides = array<i32>} : memref<128x128xf32, #tpu.memory_space<vmem>>, vector<1x16xf32>,
        %swap3A_914 = vector.shape_cast %swap3A_913 : vector<1x16xf32> to vector<16xf32>
        %swap3A_915 = vector.shape_cast %mul3A_908 : vector<16xf32> to vector<1x16xf32>
        tpu.vector_store %arg7[%swap3A_911, %swap3A_912], %swap3A_915 {strides = array<i32>} : memref<128x128xf32, #tpu.memory_space<vmem>>, vector<1x16xf32>,
        %add3A_916 = arith.constant 7 : i32
        %add3A_917 = arith.addi %add3A_58, %add3A_916 : i32
        %get3A_918 = arith.index_cast %add3A_917 : i32 to index
        %get3A_919 = arith.constant 48 : index
        %get3A_920 = tpu.vector_load %arg7[%get3A_918, %get3A_919] {strides = array<i32>} : memref<128x128xf32, #tpu.memory_space<vmem>>, vector<1x16xf32>,
        %get3A_921 = vector.shape_cast %get3A_920 : vector<1x16xf32> to vector<16xf32>
        %mul3A_922 = arith.mulf %get3A_921, %gather3A_873 : vector<16xf32>
        %add3A_923 = arith.constant 7 : i32
        %add3A_924 = arith.addi %add3A_58, %add3A_923 : i32
        %swap3A_925 = arith.index_cast %add3A_924 : i32 to index
        %swap3A_926 = arith.constant 48 : index
        %swap3A_927 = tpu.vector_load %arg7[%swap3A_925, %swap3A_926] {strides = array<i32>} : memref<128x128xf32, #tpu.memory_space<vmem>>, vector<1x16xf32>,
        %swap3A_928 = vector.shape_cast %swap3A_927 : vector<1x16xf32> to vector<16xf32>
        %swap3A_929 = vector.shape_cast %mul3A_922 : vector<16xf32> to vector<1x16xf32>
        tpu.vector_store %arg7[%swap3A_925, %swap3A_926], %swap3A_929 {strides = array<i32>} : memref<128x128xf32, #tpu.memory_space<vmem>>, vector<1x16xf32>,
        %add3A_930 = arith.constant 7 : i32
        %add3A_931 = arith.addi %add3A_58, %add3A_930 : i32
        %get3A_932 = arith.index_cast %add3A_931 : i32 to index
        %get3A_933 = arith.constant 64 : index
        %get3A_934 = tpu.vector_load %arg7[%get3A_932, %get3A_933] {strides = array<i32>} : memref<128x128xf32, #tpu.memory_space<vmem>>, vector<1x16xf32>,
        %get3A_935 = vector.shape_cast %get3A_934 : vector<1x16xf32> to vector<16xf32>
        %mul3A_936 = arith.mulf %get3A_935, %gather3A_873 : vector<16xf32>
        %add3A_937 = arith.constant 7 : i32
        %add3A_938 = arith.addi %add3A_58, %add3A_937 : i32
        %swap3A_939 = arith.index_cast %add3A_938 : i32 to index
        %swap3A_940 = arith.constant 64 : index
        %swap3A_941 = tpu.vector_load %arg7[%swap3A_939, %swap3A_940] {strides = array<i32>} : memref<128x128xf32, #tpu.memory_space<vmem>>, vector<1x16xf32>,
        %swap3A_942 = vector.shape_cast %swap3A_941 : vector<1x16xf32> to vector<16xf32>
        %swap3A_943 = vector.shape_cast %mul3A_936 : vector<16xf32> to vector<1x16xf32>
        tpu.vector_store %arg7[%swap3A_939, %swap3A_940], %swap3A_943 {strides = array<i32>} : memref<128x128xf32, #tpu.memory_space<vmem>>, vector<1x16xf32>,
        %add3A_944 = arith.constant 7 : i32
        %add3A_945 = arith.addi %add3A_58, %add3A_944 : i32
        %get3A_946 = arith.index_cast %add3A_945 : i32 to index
        %get3A_947 = arith.constant 80 : index
        %get3A_948 = tpu.vector_load %arg7[%get3A_946, %get3A_947] {strides = array<i32>} : memref<128x128xf32, #tpu.memory_space<vmem>>, vector<1x16xf32>,
        %get3A_949 = vector.shape_cast %get3A_948 : vector<1x16xf32> to vector<16xf32>
        %mul3A_950 = arith.mulf %get3A_949, %gather3A_873 : vector<16xf32>
        %add3A_951 = arith.constant 7 : i32
        %add3A_952 = arith.addi %add3A_58, %add3A_951 : i32
        %swap3A_953 = arith.index_cast %add3A_952 : i32 to index
        %swap3A_954 = arith.constant 80 : index
        %swap3A_955 = tpu.vector_load %arg7[%swap3A_953, %swap3A_954] {strides = array<i32>} : memref<128x128xf32, #tpu.memory_space<vmem>>, vector<1x16xf32>,
        %swap3A_956 = vector.shape_cast %swap3A_955 : vector<1x16xf32> to vector<16xf32>
        %swap3A_957 = vector.shape_cast %mul3A_950 : vector<16xf32> to vector<1x16xf32>
        tpu.vector_store %arg7[%swap3A_953, %swap3A_954], %swap3A_957 {strides = array<i32>} : memref<128x128xf32, #tpu.memory_space<vmem>>, vector<1x16xf32>,
        %add3A_958 = arith.constant 7 : i32
        %add3A_959 = arith.addi %add3A_58, %add3A_958 : i32
        %get3A_960 = arith.index_cast %add3A_959 : i32 to index
        %get3A_961 = arith.constant 96 : index
        %get3A_962 = tpu.vector_load %arg7[%get3A_960, %get3A_961] {strides = array<i32>} : memref<128x128xf32, #tpu.memory_space<vmem>>, vector<1x16xf32>,
        %get3A_963 = vector.shape_cast %get3A_962 : vector<1x16xf32> to vector<16xf32>
        %mul3A_964 = arith.mulf %get3A_963, %gather3A_873 : vector<16xf32>
        %add3A_965 = arith.constant 7 : i32
        %add3A_966 = arith.addi %add3A_58, %add3A_965 : i32
        %swap3A_967 = arith.index_cast %add3A_966 : i32 to index
        %swap3A_968 = arith.constant 96 : index
        %swap3A_969 = tpu.vector_load %arg7[%swap3A_967, %swap3A_968] {strides = array<i32>} : memref<128x128xf32, #tpu.memory_space<vmem>>, vector<1x16xf32>,
        %swap3A_970 = vector.shape_cast %swap3A_969 : vector<1x16xf32> to vector<16xf32>
        %swap3A_971 = vector.shape_cast %mul3A_964 : vector<16xf32> to vector<1x16xf32>
        tpu.vector_store %arg7[%swap3A_967, %swap3A_968], %swap3A_971 {strides = array<i32>} : memref<128x128xf32, #tpu.memory_space<vmem>>, vector<1x16xf32>,
        %add3A_972 = arith.constant 7 : i32
        %add3A_973 = arith.addi %add3A_58, %add3A_972 : i32
        %get3A_974 = arith.index_cast %add3A_973 : i32 to index
        %get3A_975 = arith.constant 112 : index
        %get3A_976 = tpu.vector_load %arg7[%get3A_974, %get3A_975] {strides = array<i32>} : memref<128x128xf32, #tpu.memory_space<vmem>>, vector<1x16xf32>,
        %get3A_977 = vector.shape_cast %get3A_976 : vector<1x16xf32> to vector<16xf32>
        %mul3A_978 = arith.mulf %get3A_977, %gather3A_873 : vector<16xf32>
        %add3A_979 = arith.constant 7 : i32
        %add3A_980 = arith.addi %add3A_58, %add3A_979 : i32
        %swap3A_981 = arith.index_cast %add3A_980 : i32 to index
        %swap3A_982 = arith.constant 112 : index
        %swap3A_983 = tpu.vector_load %arg7[%swap3A_981, %swap3A_982] {strides = array<i32>} : memref<128x128xf32, #tpu.memory_space<vmem>>, vector<1x16xf32>,
        %swap3A_984 = vector.shape_cast %swap3A_983 : vector<1x16xf32> to vector<16xf32>
        %swap3A_985 = vector.shape_cast %mul3A_978 : vector<16xf32> to vector<1x16xf32>
        tpu.vector_store %arg7[%swap3A_981, %swap3A_982], %swap3A_985 {strides = array<i32>} : memref<128x128xf32, #tpu.memory_space<vmem>>, vector<1x16xf32>,
        %broadcast_in_dim3A_986 = arith.constant 8 : i32
        %broadcast_in_dim3A_987 = vector.broadcast %broadcast_in_dim3A_986 : i32 to vector<16x1xi32>
        %gather3A_988 = vector.shape_cast %broadcast_in_dim3A_987 : vector<16x1xi32> to vector<16xi32>
        %gather3A_989 = tpu.dynamic_gather %get3A_60[%gather3A_988] in [0] : vector<16xf32>, vector<16xi32> -> vector<16xf32>
        %add3A_990 = arith.constant 8 : i32
        %add3A_991 = arith.addi %add3A_58, %add3A_990 : i32
        %get3A_992 = arith.index_cast %add3A_991 : i32 to index
        %get3A_993 = arith.constant 0 : index
        %get3A_994 = tpu.vector_load %arg7[%get3A_992, %get3A_993] {strides = array<i32>} : memref<128x128xf32, #tpu.memory_space<vmem>>, vector<1x16xf32>,
        %get3A_995 = vector.shape_cast %get3A_994 : vector<1x16xf32> to vector<16xf32>
        %mul3A_996 = arith.mulf %get3A_995, %gather3A_989 : vector<16xf32>
        %add3A_997 = arith.constant 8 : i32
        %add3A_998 = arith.addi %add3A_58, %add3A_997 : i32
        %swap3A_999 = arith.index_cast %add3A_998 : i32 to index
        %swap3A_1000 = arith.constant 0 : index
        %swap3A_1001 = tpu.vector_load %arg7[%swap3A_999, %swap3A_1000] {strides = array<i32>} : memref<128x128xf32, #tpu.memory_space<vmem>>, vector<1x16xf32>,
        %swap3A_1002 = vector.shape_cast %swap3A_1001 : vector<1x16xf32> to vector<16xf32>
        %swap3A_1003 = vector.shape_cast %mul3A_996 : vector<16xf32> to vector<1x16xf32>
        tpu.vector_store %arg7[%swap3A_999, %swap3A_1000], %swap3A_1003 {strides = array<i32>} : memref<128x128xf32, #tpu.memory_space<vmem>>, vector<1x16xf32>,
        %add3A_1004 = arith.constant 8 : i32
        %add3A_1005 = arith.addi %add3A_58, %add3A_1004 : i32
        %get3A_1006 = arith.index_cast %add3A_1005 : i32 to index
        %get3A_1007 = arith.constant 16 : index
        %get3A_1008 = tpu.vector_load %arg7[%get3A_1006, %get3A_1007] {strides = array<i32>} : memref<128x128xf32, #tpu.memory_space<vmem>>, vector<1x16xf32>,
        %get3A_1009 = vector.shape_cast %get3A_1008 : vector<1x16xf32> to vector<16xf32>
        %mul3A_1010 = arith.mulf %get3A_1009, %gather3A_989 : vector<16xf32>
        %add3A_1011 = arith.constant 8 : i32
        %add3A_1012 = arith.addi %add3A_58, %add3A_1011 : i32
        %swap3A_1013 = arith.index_cast %add3A_1012 : i32 to index
        %swap3A_1014 = arith.constant 16 : index
        %swap3A_1015 = tpu.vector_load %arg7[%swap3A_1013, %swap3A_1014] {strides = array<i32>} : memref<128x128xf32, #tpu.memory_space<vmem>>, vector<1x16xf32>,
        %swap3A_1016 = vector.shape_cast %swap3A_1015 : vector<1x16xf32> to vector<16xf32>
        %swap3A_1017 = vector.shape_cast %mul3A_1010 : vector<16xf32> to vector<1x16xf32>
        tpu.vector_store %arg7[%swap3A_1013, %swap3A_1014], %swap3A_1017 {strides = array<i32>} : memref<128x128xf32, #tpu.memory_space<vmem>>, vector<1x16xf32>,
        %add3A_1018 = arith.constant 8 : i32
        %add3A_1019 = arith.addi %add3A_58, %add3A_1018 : i32
        %get3A_1020 = arith.index_cast %add3A_1019 : i32 to index
        %get3A_1021 = arith.constant 32 : index
        %get3A_1022 = tpu.vector_load %arg7[%get3A_1020, %get3A_1021] {strides = array<i32>} : memref<128x128xf32, #tpu.memory_space<vmem>>, vector<1x16xf32>,
        %get3A_1023 = vector.shape_cast %get3A_1022 : vector<1x16xf32> to vector<16xf32>
        %mul3A_1024 = arith.mulf %get3A_1023, %gather3A_989 : vector<16xf32>
        %add3A_1025 = arith.constant 8 : i32
        %add3A_1026 = arith.addi %add3A_58, %add3A_1025 : i32
        %swap3A_1027 = arith.index_cast %add3A_1026 : i32 to index
        %swap3A_1028 = arith.constant 32 : index
        %swap3A_1029 = tpu.vector_load %arg7[%swap3A_1027, %swap3A_1028] {strides = array<i32>} : memref<128x128xf32, #tpu.memory_space<vmem>>, vector<1x16xf32>,
        %swap3A_1030 = vector.shape_cast %swap3A_1029 : vector<1x16xf32> to vector<16xf32>
        %swap3A_1031 = vector.shape_cast %mul3A_1024 : vector<16xf32> to vector<1x16xf32>
        tpu.vector_store %arg7[%swap3A_1027, %swap3A_1028], %swap3A_1031 {strides = array<i32>} : memref<128x128xf32, #tpu.memory_space<vmem>>, vector<1x16xf32>,
        %add3A_1032 = arith.constant 8 : i32
        %add3A_1033 = arith.addi %add3A_58, %add3A_1032 : i32
        %get3A_1034 = arith.index_cast %add3A_1033 : i32 to index
        %get3A_1035 = arith.constant 48 : index
        %get3A_1036 = tpu.vector_load %arg7[%get3A_1034, %get3A_1035] {strides = array<i32>} : memref<128x128xf32, #tpu.memory_space<vmem>>, vector<1x16xf32>,
        %get3A_1037 = vector.shape_cast %get3A_1036 : vector<1x16xf32> to vector<16xf32>
        %mul3A_1038 = arith.mulf %get3A_1037, %gather3A_989 : vector<16xf32>
        %add3A_1039 = arith.constant 8 : i32
        %add3A_1040 = arith.addi %add3A_58, %add3A_1039 : i32
        %swap3A_1041 = arith.index_cast %add3A_1040 : i32 to index
        %swap3A_1042 = arith.constant 48 : index
        %swap3A_1043 = tpu.vector_load %arg7[%swap3A_1041, %swap3A_1042] {strides = array<i32>} : memref<128x128xf32, #tpu.memory_space<vmem>>, vector<1x16xf32>,
        %swap3A_1044 = vector.shape_cast %swap3A_1043 : vector<1x16xf32> to vector<16xf32>
        %swap3A_1045 = vector.shape_cast %mul3A_1038 : vector<16xf32> to vector<1x16xf32>
        tpu.vector_store %arg7[%swap3A_1041, %swap3A_1042], %swap3A_1045 {strides = array<i32>} : memref<128x128xf32, #tpu.memory_space<vmem>>, vector<1x16xf32>,
        %add3A_1046 = arith.constant 8 : i32
        %add3A_1047 = arith.addi %add3A_58, %add3A_1046 : i32
        %get3A_1048 = arith.index_cast %add3A_1047 : i32 to index
        %get3A_1049 = arith.constant 64 : index
        %get3A_1050 = tpu.vector_load %arg7[%get3A_1048, %get3A_1049] {strides = array<i32>} : memref<128x128xf32, #tpu.memory_space<vmem>>, vector<1x16xf32>,
        %get3A_1051 = vector.shape_cast %get3A_1050 : vector<1x16xf32> to vector<16xf32>
        %mul3A_1052 = arith.mulf %get3A_1051, %gather3A_989 : vector<16xf32>
        %add3A_1053 = arith.constant 8 : i32
        %add3A_1054 = arith.addi %add3A_58, %add3A_1053 : i32
        %swap3A_1055 = arith.index_cast %add3A_1054 : i32 to index
        %swap3A_1056 = arith.constant 64 : index
        %swap3A_1057 = tpu.vector_load %arg7[%swap3A_1055, %swap3A_1056] {strides = array<i32>} : memref<128x128xf32, #tpu.memory_space<vmem>>, vector<1x16xf32>,
        %swap3A_1058 = vector.shape_cast %swap3A_1057 : vector<1x16xf32> to vector<16xf32>
        %swap3A_1059 = vector.shape_cast %mul3A_1052 : vector<16xf32> to vector<1x16xf32>
        tpu.vector_store %arg7[%swap3A_1055, %swap3A_1056], %swap3A_1059 {strides = array<i32>} : memref<128x128xf32, #tpu.memory_space<vmem>>, vector<1x16xf32>,
        %add3A_1060 = arith.constant 8 : i32
        %add3A_1061 = arith.addi %add3A_58, %add3A_1060 : i32
        %get3A_1062 = arith.index_cast %add3A_1061 : i32 to index
        %get3A_1063 = arith.constant 80 : index
        %get3A_1064 = tpu.vector_load %arg7[%get3A_1062, %get3A_1063] {strides = array<i32>} : memref<128x128xf32, #tpu.memory_space<vmem>>, vector<1x16xf32>,
        %get3A_1065 = vector.shape_cast %get3A_1064 : vector<1x16xf32> to vector<16xf32>
        %mul3A_1066 = arith.mulf %get3A_1065, %gather3A_989 : vector<16xf32>
        %add3A_1067 = arith.constant 8 : i32
        %add3A_1068 = arith.addi %add3A_58, %add3A_1067 : i32
        %swap3A_1069 = arith.index_cast %add3A_1068 : i32 to index
        %swap3A_1070 = arith.constant 80 : index
        %swap3A_1071 = tpu.vector_load %arg7[%swap3A_1069, %swap3A_1070] {strides = array<i32>} : memref<128x128xf32, #tpu.memory_space<vmem>>, vector<1x16xf32>,
        %swap3A_1072 = vector.shape_cast %swap3A_1071 : vector<1x16xf32> to vector<16xf32>
        %swap3A_1073 = vector.shape_cast %mul3A_1066 : vector<16xf32> to vector<1x16xf32>
        tpu.vector_store %arg7[%swap3A_1069, %swap3A_1070], %swap3A_1073 {strides = array<i32>} : memref<128x128xf32, #tpu.memory_space<vmem>>, vector<1x16xf32>,
        %add3A_1074 = arith.constant 8 : i32
        %add3A_1075 = arith.addi %add3A_58, %add3A_1074 : i32
        %get3A_1076 = arith.index_cast %add3A_1075 : i32 to index
        %get3A_1077 = arith.constant 96 : index
        %get3A_1078 = tpu.vector_load %arg7[%get3A_1076, %get3A_1077] {strides = array<i32>} : memref<128x128xf32, #tpu.memory_space<vmem>>, vector<1x16xf32>,
        %get3A_1079 = vector.shape_cast %get3A_1078 : vector<1x16xf32> to vector<16xf32>
        %mul3A_1080 = arith.mulf %get3A_1079, %gather3A_989 : vector<16xf32>
        %add3A_1081 = arith.constant 8 : i32
        %add3A_1082 = arith.addi %add3A_58, %add3A_1081 : i32
        %swap3A_1083 = arith.index_cast %add3A_1082 : i32 to index
        %swap3A_1084 = arith.constant 96 : index
        %swap3A_1085 = tpu.vector_load %arg7[%swap3A_1083, %swap3A_1084] {strides = array<i32>} : memref<128x128xf32, #tpu.memory_space<vmem>>, vector<1x16xf32>,
        %swap3A_1086 = vector.shape_cast %swap3A_1085 : vector<1x16xf32> to vector<16xf32>
        %swap3A_1087 = vector.shape_cast %mul3A_1080 : vector<16xf32> to vector<1x16xf32>
        tpu.vector_store %arg7[%swap3A_1083, %swap3A_1084], %swap3A_1087 {strides = array<i32>} : memref<128x128xf32, #tpu.memory_space<vmem>>, vector<1x16xf32>,
        %add3A_1088 = arith.constant 8 : i32
        %add3A_1089 = arith.addi %add3A_58, %add3A_1088 : i32
        %get3A_1090 = arith.index_cast %add3A_1089 : i32 to index
        %get3A_1091 = arith.constant 112 : index
        %get3A_1092 = tpu.vector_load %arg7[%get3A_1090, %get3A_1091] {strides = array<i32>} : memref<128x128xf32, #tpu.memory_space<vmem>>, vector<1x16xf32>,
        %get3A_1093 = vector.shape_cast %get3A_1092 : vector<1x16xf32> to vector<16xf32>
        %mul3A_1094 = arith.mulf %get3A_1093, %gather3A_989 : vector<16xf32>
        %add3A_1095 = arith.constant 8 : i32
        %add3A_1096 = arith.addi %add3A_58, %add3A_1095 : i32
        %swap3A_1097 = arith.index_cast %add3A_1096 : i32 to index
        %swap3A_1098 = arith.constant 112 : index
        %swap3A_1099 = tpu.vector_load %arg7[%swap3A_1097, %swap3A_1098] {strides = array<i32>} : memref<128x128xf32, #tpu.memory_space<vmem>>, vector<1x16xf32>,
        %swap3A_1100 = vector.shape_cast %swap3A_1099 : vector<1x16xf32> to vector<16xf32>
        %swap3A_1101 = vector.shape_cast %mul3A_1094 : vector<16xf32> to vector<1x16xf32>
        tpu.vector_store %arg7[%swap3A_1097, %swap3A_1098], %swap3A_1101 {strides = array<i32>} : memref<128x128xf32, #tpu.memory_space<vmem>>, vector<1x16xf32>,
        %broadcast_in_dim3A_1102 = arith.constant 9 : i32
        %broadcast_in_dim3A_1103 = vector.broadcast %broadcast_in_dim3A_1102 : i32 to vector<16x1xi32>
        %gather3A_1104 = vector.shape_cast %broadcast_in_dim3A_1103 : vector<16x1xi32> to vector<16xi32>
        %gather3A_1105 = tpu.dynamic_gather %get3A_60[%gather3A_1104] in [0] : vector<16xf32>, vector<16xi32> -> vector<16xf32>
        %add3A_1106 = arith.constant 9 : i32
        %add3A_1107 = arith.addi %add3A_58, %add3A_1106 : i32
        %get3A_1108 = arith.index_cast %add3A_1107 : i32 to index
        %get3A_1109 = arith.constant 0 : index
        %get3A_1110 = tpu.vector_load %arg7[%get3A_1108, %get3A_1109] {strides = array<i32>} : memref<128x128xf32, #tpu.memory_space<vmem>>, vector<1x16xf32>,
        %get3A_1111 = vector.shape_cast %get3A_1110 : vector<1x16xf32> to vector<16xf32>
        %mul3A_1112 = arith.mulf %get3A_1111, %gather3A_1105 : vector<16xf32>
        %add3A_1113 = arith.constant 9 : i32
        %add3A_1114 = arith.addi %add3A_58, %add3A_1113 : i32
        %swap3A_1115 = arith.index_cast %add3A_1114 : i32 to index
        %swap3A_1116 = arith.constant 0 : index
        %swap3A_1117 = tpu.vector_load %arg7[%swap3A_1115, %swap3A_1116] {strides = array<i32>} : memref<128x128xf32, #tpu.memory_space<vmem>>, vector<1x16xf32>,
        %swap3A_1118 = vector.shape_cast %swap3A_1117 : vector<1x16xf32> to vector<16xf32>
        %swap3A_1119 = vector.shape_cast %mul3A_1112 : vector<16xf32> to vector<1x16xf32>
        tpu.vector_store %arg7[%swap3A_1115, %swap3A_1116], %swap3A_1119 {strides = array<i32>} : memref<128x128xf32, #tpu.memory_space<vmem>>, vector<1x16xf32>,
        %add3A_1120 = arith.constant 9 : i32
        %add3A_1121 = arith.addi %add3A_58, %add3A_1120 : i32
        %get3A_1122 = arith.index_cast %add3A_1121 : i32 to index
        %get3A_1123 = arith.constant 16 : index
        %get3A_1124 = tpu.vector_load %arg7[%get3A_1122, %get3A_1123] {strides = array<i32>} : memref<128x128xf32, #tpu.memory_space<vmem>>, vector<1x16xf32>,
        %get3A_1125 = vector.shape_cast %get3A_1124 : vector<1x16xf32> to vector<16xf32>
        %mul3A_1126 = arith.mulf %get3A_1125, %gather3A_1105 : vector<16xf32>
        %add3A_1127 = arith.constant 9 : i32
        %add3A_1128 = arith.addi %add3A_58, %add3A_1127 : i32
        %swap3A_1129 = arith.index_cast %add3A_1128 : i32 to index
        %swap3A_1130 = arith.constant 16 : index
        %swap3A_1131 = tpu.vector_load %arg7[%swap3A_1129, %swap3A_1130] {strides = array<i32>} : memref<128x128xf32, #tpu.memory_space<vmem>>, vector<1x16xf32>,
        %swap3A_1132 = vector.shape_cast %swap3A_1131 : vector<1x16xf32> to vector<16xf32>
        %swap3A_1133 = vector.shape_cast %mul3A_1126 : vector<16xf32> to vector<1x16xf32>
        tpu.vector_store %arg7[%swap3A_1129, %swap3A_1130], %swap3A_1133 {strides = array<i32>} : memref<128x128xf32, #tpu.memory_space<vmem>>, vector<1x16xf32>,
        %add3A_1134 = arith.constant 9 : i32
        %add3A_1135 = arith.addi %add3A_58, %add3A_1134 : i32
        %get3A_1136 = arith.index_cast %add3A_1135 : i32 to index
        %get3A_1137 = arith.constant 32 : index
        %get3A_1138 = tpu.vector_load %arg7[%get3A_1136, %get3A_1137] {strides = array<i32>} : memref<128x128xf32, #tpu.memory_space<vmem>>, vector<1x16xf32>,
        %get3A_1139 = vector.shape_cast %get3A_1138 : vector<1x16xf32> to vector<16xf32>
        %mul3A_1140 = arith.mulf %get3A_1139, %gather3A_1105 : vector<16xf32>
        %add3A_1141 = arith.constant 9 : i32
        %add3A_1142 = arith.addi %add3A_58, %add3A_1141 : i32
        %swap3A_1143 = arith.index_cast %add3A_1142 : i32 to index
        %swap3A_1144 = arith.constant 32 : index
        %swap3A_1145 = tpu.vector_load %arg7[%swap3A_1143, %swap3A_1144] {strides = array<i32>} : memref<128x128xf32, #tpu.memory_space<vmem>>, vector<1x16xf32>,
        %swap3A_1146 = vector.shape_cast %swap3A_1145 : vector<1x16xf32> to vector<16xf32>
        %swap3A_1147 = vector.shape_cast %mul3A_1140 : vector<16xf32> to vector<1x16xf32>
        tpu.vector_store %arg7[%swap3A_1143, %swap3A_1144], %swap3A_1147 {strides = array<i32>} : memref<128x128xf32, #tpu.memory_space<vmem>>, vector<1x16xf32>,
        %add3A_1148 = arith.constant 9 : i32
        %add3A_1149 = arith.addi %add3A_58, %add3A_1148 : i32
        %get3A_1150 = arith.index_cast %add3A_1149 : i32 to index
        %get3A_1151 = arith.constant 48 : index
        %get3A_1152 = tpu.vector_load %arg7[%get3A_1150, %get3A_1151] {strides = array<i32>} : memref<128x128xf32, #tpu.memory_space<vmem>>, vector<1x16xf32>,
        %get3A_1153 = vector.shape_cast %get3A_1152 : vector<1x16xf32> to vector<16xf32>
        %mul3A_1154 = arith.mulf %get3A_1153, %gather3A_1105 : vector<16xf32>
        %add3A_1155 = arith.constant 9 : i32
        %add3A_1156 = arith.addi %add3A_58, %add3A_1155 : i32
        %swap3A_1157 = arith.index_cast %add3A_1156 : i32 to index
        %swap3A_1158 = arith.constant 48 : index
        %swap3A_1159 = tpu.vector_load %arg7[%swap3A_1157, %swap3A_1158] {strides = array<i32>} : memref<128x128xf32, #tpu.memory_space<vmem>>, vector<1x16xf32>,
        %swap3A_1160 = vector.shape_cast %swap3A_1159 : vector<1x16xf32> to vector<16xf32>
        %swap3A_1161 = vector.shape_cast %mul3A_1154 : vector<16xf32> to vector<1x16xf32>
        tpu.vector_store %arg7[%swap3A_1157, %swap3A_1158], %swap3A_1161 {strides = array<i32>} : memref<128x128xf32, #tpu.memory_space<vmem>>, vector<1x16xf32>,
        %add3A_1162 = arith.constant 9 : i32
        %add3A_1163 = arith.addi %add3A_58, %add3A_1162 : i32
        %get3A_1164 = arith.index_cast %add3A_1163 : i32 to index
        %get3A_1165 = arith.constant 64 : index
        %get3A_1166 = tpu.vector_load %arg7[%get3A_1164, %get3A_1165] {strides = array<i32>} : memref<128x128xf32, #tpu.memory_space<vmem>>, vector<1x16xf32>,
        %get3A_1167 = vector.shape_cast %get3A_1166 : vector<1x16xf32> to vector<16xf32>
        %mul3A_1168 = arith.mulf %get3A_1167, %gather3A_1105 : vector<16xf32>
        %add3A_1169 = arith.constant 9 : i32
        %add3A_1170 = arith.addi %add3A_58, %add3A_1169 : i32
        %swap3A_1171 = arith.index_cast %add3A_1170 : i32 to index
        %swap3A_1172 = arith.constant 64 : index
        %swap3A_1173 = tpu.vector_load %arg7[%swap3A_1171, %swap3A_1172] {strides = array<i32>} : memref<128x128xf32, #tpu.memory_space<vmem>>, vector<1x16xf32>,
        %swap3A_1174 = vector.shape_cast %swap3A_1173 : vector<1x16xf32> to vector<16xf32>
        %swap3A_1175 = vector.shape_cast %mul3A_1168 : vector<16xf32> to vector<1x16xf32>
        tpu.vector_store %arg7[%swap3A_1171, %swap3A_1172], %swap3A_1175 {strides = array<i32>} : memref<128x128xf32, #tpu.memory_space<vmem>>, vector<1x16xf32>,
        %add3A_1176 = arith.constant 9 : i32
        %add3A_1177 = arith.addi %add3A_58, %add3A_1176 : i32
        %get3A_1178 = arith.index_cast %add3A_1177 : i32 to index
        %get3A_1179 = arith.constant 80 : index
        %get3A_1180 = tpu.vector_load %arg7[%get3A_1178, %get3A_1179] {strides = array<i32>} : memref<128x128xf32, #tpu.memory_space<vmem>>, vector<1x16xf32>,
        %get3A_1181 = vector.shape_cast %get3A_1180 : vector<1x16xf32> to vector<16xf32>
        %mul3A_1182 = arith.mulf %get3A_1181, %gather3A_1105 : vector<16xf32>
        %add3A_1183 = arith.constant 9 : i32
        %add3A_1184 = arith.addi %add3A_58, %add3A_1183 : i32
        %swap3A_1185 = arith.index_cast %add3A_1184 : i32 to index
        %swap3A_1186 = arith.constant 80 : index
        %swap3A_1187 = tpu.vector_load %arg7[%swap3A_1185, %swap3A_1186] {strides = array<i32>} : memref<128x128xf32, #tpu.memory_space<vmem>>, vector<1x16xf32>,
        %swap3A_1188 = vector.shape_cast %swap3A_1187 : vector<1x16xf32> to vector<16xf32>
        %swap3A_1189 = vector.shape_cast %mul3A_1182 : vector<16xf32> to vector<1x16xf32>
        tpu.vector_store %arg7[%swap3A_1185, %swap3A_1186], %swap3A_1189 {strides = array<i32>} : memref<128x128xf32, #tpu.memory_space<vmem>>, vector<1x16xf32>,
        %add3A_1190 = arith.constant 9 : i32
        %add3A_1191 = arith.addi %add3A_58, %add3A_1190 : i32
        %get3A_1192 = arith.index_cast %add3A_1191 : i32 to index
        %get3A_1193 = arith.constant 96 : index
        %get3A_1194 = tpu.vector_load %arg7[%get3A_1192, %get3A_1193] {strides = array<i32>} : memref<128x128xf32, #tpu.memory_space<vmem>>, vector<1x16xf32>,
        %get3A_1195 = vector.shape_cast %get3A_1194 : vector<1x16xf32> to vector<16xf32>
        %mul3A_1196 = arith.mulf %get3A_1195, %gather3A_1105 : vector<16xf32>
        %add3A_1197 = arith.constant 9 : i32
        %add3A_1198 = arith.addi %add3A_58, %add3A_1197 : i32
        %swap3A_1199 = arith.index_cast %add3A_1198 : i32 to index
        %swap3A_1200 = arith.constant 96 : index
        %swap3A_1201 = tpu.vector_load %arg7[%swap3A_1199, %swap3A_1200] {strides = array<i32>} : memref<128x128xf32, #tpu.memory_space<vmem>>, vector<1x16xf32>,
        %swap3A_1202 = vector.shape_cast %swap3A_1201 : vector<1x16xf32> to vector<16xf32>
        %swap3A_1203 = vector.shape_cast %mul3A_1196 : vector<16xf32> to vector<1x16xf32>
        tpu.vector_store %arg7[%swap3A_1199, %swap3A_1200], %swap3A_1203 {strides = array<i32>} : memref<128x128xf32, #tpu.memory_space<vmem>>, vector<1x16xf32>,
        %add3A_1204 = arith.constant 9 : i32
        %add3A_1205 = arith.addi %add3A_58, %add3A_1204 : i32
        %get3A_1206 = arith.index_cast %add3A_1205 : i32 to index
        %get3A_1207 = arith.constant 112 : index
        %get3A_1208 = tpu.vector_load %arg7[%get3A_1206, %get3A_1207] {strides = array<i32>} : memref<128x128xf32, #tpu.memory_space<vmem>>, vector<1x16xf32>,
        %get3A_1209 = vector.shape_cast %get3A_1208 : vector<1x16xf32> to vector<16xf32>
        %mul3A_1210 = arith.mulf %get3A_1209, %gather3A_1105 : vector<16xf32>
        %add3A_1211 = arith.constant 9 : i32
        %add3A_1212 = arith.addi %add3A_58, %add3A_1211 : i32
        %swap3A_1213 = arith.index_cast %add3A_1212 : i32 to index
        %swap3A_1214 = arith.constant 112 : index
        %swap3A_1215 = tpu.vector_load %arg7[%swap3A_1213, %swap3A_1214] {strides = array<i32>} : memref<128x128xf32, #tpu.memory_space<vmem>>, vector<1x16xf32>,
        %swap3A_1216 = vector.shape_cast %swap3A_1215 : vector<1x16xf32> to vector<16xf32>
        %swap3A_1217 = vector.shape_cast %mul3A_1210 : vector<16xf32> to vector<1x16xf32>
        tpu.vector_store %arg7[%swap3A_1213, %swap3A_1214], %swap3A_1217 {strides = array<i32>} : memref<128x128xf32, #tpu.memory_space<vmem>>, vector<1x16xf32>,
        %broadcast_in_dim3A_1218 = arith.constant 10 : i32
        %broadcast_in_dim3A_1219 = vector.broadcast %broadcast_in_dim3A_1218 : i32 to vector<16x1xi32>
        %gather3A_1220 = vector.shape_cast %broadcast_in_dim3A_1219 : vector<16x1xi32> to vector<16xi32>
        %gather3A_1221 = tpu.dynamic_gather %get3A_60[%gather3A_1220] in [0] : vector<16xf32>, vector<16xi32> -> vector<16xf32>
        %add3A_1222 = arith.constant 10 : i32
        %add3A_1223 = arith.addi %add3A_58, %add3A_1222 : i32
        %get3A_1224 = arith.index_cast %add3A_1223 : i32 to index
        %get3A_1225 = arith.constant 0 : index
        %get3A_1226 = tpu.vector_load %arg7[%get3A_1224, %get3A_1225] {strides = array<i32>} : memref<128x128xf32, #tpu.memory_space<vmem>>, vector<1x16xf32>,
        %get3A_1227 = vector.shape_cast %get3A_1226 : vector<1x16xf32> to vector<16xf32>
        %mul3A_1228 = arith.mulf %get3A_1227, %gather3A_1221 : vector<16xf32>
        %add3A_1229 = arith.constant 10 : i32
        %add3A_1230 = arith.addi %add3A_58, %add3A_1229 : i32
        %swap3A_1231 = arith.index_cast %add3A_1230 : i32 to index
        %swap3A_1232 = arith.constant 0 : index
        %swap3A_1233 = tpu.vector_load %arg7[%swap3A_1231, %swap3A_1232] {strides = array<i32>} : memref<128x128xf32, #tpu.memory_space<vmem>>, vector<1x16xf32>,
        %swap3A_1234 = vector.shape_cast %swap3A_1233 : vector<1x16xf32> to vector<16xf32>
        %swap3A_1235 = vector.shape_cast %mul3A_1228 : vector<16xf32> to vector<1x16xf32>
        tpu.vector_store %arg7[%swap3A_1231, %swap3A_1232], %swap3A_1235 {strides = array<i32>} : memref<128x128xf32, #tpu.memory_space<vmem>>, vector<1x16xf32>,
        %add3A_1236 = arith.constant 10 : i32
        %add3A_1237 = arith.addi %add3A_58, %add3A_1236 : i32
        %get3A_1238 = arith.index_cast %add3A_1237 : i32 to index
        %get3A_1239 = arith.constant 16 : index
        %get3A_1240 = tpu.vector_load %arg7[%get3A_1238, %get3A_1239] {strides = array<i32>} : memref<128x128xf32, #tpu.memory_space<vmem>>, vector<1x16xf32>,
        %get3A_1241 = vector.shape_cast %get3A_1240 : vector<1x16xf32> to vector<16xf32>
        %mul3A_1242 = arith.mulf %get3A_1241, %gather3A_1221 : vector<16xf32>
        %add3A_1243 = arith.constant 10 : i32
        %add3A_1244 = arith.addi %add3A_58, %add3A_1243 : i32
        %swap3A_1245 = arith.index_cast %add3A_1244 : i32 to index
        %swap3A_1246 = arith.constant 16 : index
        %swap3A_1247 = tpu.vector_load %arg7[%swap3A_1245, %swap3A_1246] {strides = array<i32>} : memref<128x128xf32, #tpu.memory_space<vmem>>, vector<1x16xf32>,
        %swap3A_1248 = vector.shape_cast %swap3A_1247 : vector<1x16xf32> to vector<16xf32>
        %swap3A_1249 = vector.shape_cast %mul3A_1242 : vector<16xf32> to vector<1x16xf32>
        tpu.vector_store %arg7[%swap3A_1245, %swap3A_1246], %swap3A_1249 {strides = array<i32>} : memref<128x128xf32, #tpu.memory_space<vmem>>, vector<1x16xf32>,
        %add3A_1250 = arith.constant 10 : i32
        %add3A_1251 = arith.addi %add3A_58, %add3A_1250 : i32
        %get3A_1252 = arith.index_cast %add3A_1251 : i32 to index
        %get3A_1253 = arith.constant 32 : index
        %get3A_1254 = tpu.vector_load %arg7[%get3A_1252, %get3A_1253] {strides = array<i32>} : memref<128x128xf32, #tpu.memory_space<vmem>>, vector<1x16xf32>,
        %get3A_1255 = vector.shape_cast %get3A_1254 : vector<1x16xf32> to vector<16xf32>
        %mul3A_1256 = arith.mulf %get3A_1255, %gather3A_1221 : vector<16xf32>
        %add3A_1257 = arith.constant 10 : i32
        %add3A_1258 = arith.addi %add3A_58, %add3A_1257 : i32
        %swap3A_1259 = arith.index_cast %add3A_1258 : i32 to index
        %swap3A_1260 = arith.constant 32 : index
        %swap3A_1261 = tpu.vector_load %arg7[%swap3A_1259, %swap3A_1260] {strides = array<i32>} : memref<128x128xf32, #tpu.memory_space<vmem>>, vector<1x16xf32>,
        %swap3A_1262 = vector.shape_cast %swap3A_1261 : vector<1x16xf32> to vector<16xf32>
        %swap3A_1263 = vector.shape_cast %mul3A_1256 : vector<16xf32> to vector<1x16xf32>
        tpu.vector_store %arg7[%swap3A_1259, %swap3A_1260], %swap3A_1263 {strides = array<i32>} : memref<128x128xf32, #tpu.memory_space<vmem>>, vector<1x16xf32>,
        %add3A_1264 = arith.constant 10 : i32
        %add3A_1265 = arith.addi %add3A_58, %add3A_1264 : i32
        %get3A_1266 = arith.index_cast %add3A_1265 : i32 to index
        %get3A_1267 = arith.constant 48 : index
        %get3A_1268 = tpu.vector_load %arg7[%get3A_1266, %get3A_1267] {strides = array<i32>} : memref<128x128xf32, #tpu.memory_space<vmem>>, vector<1x16xf32>,
        %get3A_1269 = vector.shape_cast %get3A_1268 : vector<1x16xf32> to vector<16xf32>
        %mul3A_1270 = arith.mulf %get3A_1269, %gather3A_1221 : vector<16xf32>
        %add3A_1271 = arith.constant 10 : i32
        %add3A_1272 = arith.addi %add3A_58, %add3A_1271 : i32
        %swap3A_1273 = arith.index_cast %add3A_1272 : i32 to index
        %swap3A_1274 = arith.constant 48 : index
        %swap3A_1275 = tpu.vector_load %arg7[%swap3A_1273, %swap3A_1274] {strides = array<i32>} : memref<128x128xf32, #tpu.memory_space<vmem>>, vector<1x16xf32>,
        %swap3A_1276 = vector.shape_cast %swap3A_1275 : vector<1x16xf32> to vector<16xf32>
        %swap3A_1277 = vector.shape_cast %mul3A_1270 : vector<16xf32> to vector<1x16xf32>
        tpu.vector_store %arg7[%swap3A_1273, %swap3A_1274], %swap3A_1277 {strides = array<i32>} : memref<128x128xf32, #tpu.memory_space<vmem>>, vector<1x16xf32>,
        %add3A_1278 = arith.constant 10 : i32
        %add3A_1279 = arith.addi %add3A_58, %add3A_1278 : i32
        %get3A_1280 = arith.index_cast %add3A_1279 : i32 to index
        %get3A_1281 = arith.constant 64 : index
        %get3A_1282 = tpu.vector_load %arg7[%get3A_1280, %get3A_1281] {strides = array<i32>} : memref<128x128xf32, #tpu.memory_space<vmem>>, vector<1x16xf32>,
        %get3A_1283 = vector.shape_cast %get3A_1282 : vector<1x16xf32> to vector<16xf32>
        %mul3A_1284 = arith.mulf %get3A_1283, %gather3A_1221 : vector<16xf32>
        %add3A_1285 = arith.constant 10 : i32
        %add3A_1286 = arith.addi %add3A_58, %add3A_1285 : i32
        %swap3A_1287 = arith.index_cast %add3A_1286 : i32 to index
        %swap3A_1288 = arith.constant 64 : index
        %swap3A_1289 = tpu.vector_load %arg7[%swap3A_1287, %swap3A_1288] {strides = array<i32>} : memref<128x128xf32, #tpu.memory_space<vmem>>, vector<1x16xf32>,
        %swap3A_1290 = vector.shape_cast %swap3A_1289 : vector<1x16xf32> to vector<16xf32>
        %swap3A_1291 = vector.shape_cast %mul3A_1284 : vector<16xf32> to vector<1x16xf32>
        tpu.vector_store %arg7[%swap3A_1287, %swap3A_1288], %swap3A_1291 {strides = array<i32>} : memref<128x128xf32, #tpu.memory_space<vmem>>, vector<1x16xf32>,
        %add3A_1292 = arith.constant 10 : i32
        %add3A_1293 = arith.addi %add3A_58, %add3A_1292 : i32
        %get3A_1294 = arith.index_cast %add3A_1293 : i32 to index
        %get3A_1295 = arith.constant 80 : index
        %get3A_1296 = tpu.vector_load %arg7[%get3A_1294, %get3A_1295] {strides = array<i32>} : memref<128x128xf32, #tpu.memory_space<vmem>>, vector<1x16xf32>,
        %get3A_1297 = vector.shape_cast %get3A_1296 : vector<1x16xf32> to vector<16xf32>
        %mul3A_1298 = arith.mulf %get3A_1297, %gather3A_1221 : vector<16xf32>
        %add3A_1299 = arith.constant 10 : i32
        %add3A_1300 = arith.addi %add3A_58, %add3A_1299 : i32
        %swap3A_1301 = arith.index_cast %add3A_1300 : i32 to index
        %swap3A_1302 = arith.constant 80 : index
        %swap3A_1303 = tpu.vector_load %arg7[%swap3A_1301, %swap3A_1302] {strides = array<i32>} : memref<128x128xf32, #tpu.memory_space<vmem>>, vector<1x16xf32>,
        %swap3A_1304 = vector.shape_cast %swap3A_1303 : vector<1x16xf32> to vector<16xf32>
        %swap3A_1305 = vector.shape_cast %mul3A_1298 : vector<16xf32> to vector<1x16xf32>
        tpu.vector_store %arg7[%swap3A_1301, %swap3A_1302], %swap3A_1305 {strides = array<i32>} : memref<128x128xf32, #tpu.memory_space<vmem>>, vector<1x16xf32>,
        %add3A_1306 = arith.constant 10 : i32
        %add3A_1307 = arith.addi %add3A_58, %add3A_1306 : i32
        %get3A_1308 = arith.index_cast %add3A_1307 : i32 to index
        %get3A_1309 = arith.constant 96 : index
        %get3A_1310 = tpu.vector_load %arg7[%get3A_1308, %get3A_1309] {strides = array<i32>} : memref<128x128xf32, #tpu.memory_space<vmem>>, vector<1x16xf32>,
        %get3A_1311 = vector.shape_cast %get3A_1310 : vector<1x16xf32> to vector<16xf32>
        %mul3A_1312 = arith.mulf %get3A_1311, %gather3A_1221 : vector<16xf32>
        %add3A_1313 = arith.constant 10 : i32
        %add3A_1314 = arith.addi %add3A_58, %add3A_1313 : i32
        %swap3A_1315 = arith.index_cast %add3A_1314 : i32 to index
        %swap3A_1316 = arith.constant 96 : index
        %swap3A_1317 = tpu.vector_load %arg7[%swap3A_1315, %swap3A_1316] {strides = array<i32>} : memref<128x128xf32, #tpu.memory_space<vmem>>, vector<1x16xf32>,
        %swap3A_1318 = vector.shape_cast %swap3A_1317 : vector<1x16xf32> to vector<16xf32>
        %swap3A_1319 = vector.shape_cast %mul3A_1312 : vector<16xf32> to vector<1x16xf32>
        tpu.vector_store %arg7[%swap3A_1315, %swap3A_1316], %swap3A_1319 {strides = array<i32>} : memref<128x128xf32, #tpu.memory_space<vmem>>, vector<1x16xf32>,
        %add3A_1320 = arith.constant 10 : i32
        %add3A_1321 = arith.addi %add3A_58, %add3A_1320 : i32
        %get3A_1322 = arith.index_cast %add3A_1321 : i32 to index
        %get3A_1323 = arith.constant 112 : index
        %get3A_1324 = tpu.vector_load %arg7[%get3A_1322, %get3A_1323] {strides = array<i32>} : memref<128x128xf32, #tpu.memory_space<vmem>>, vector<1x16xf32>,
        %get3A_1325 = vector.shape_cast %get3A_1324 : vector<1x16xf32> to vector<16xf32>
        %mul3A_1326 = arith.mulf %get3A_1325, %gather3A_1221 : vector<16xf32>
        %add3A_1327 = arith.constant 10 : i32
        %add3A_1328 = arith.addi %add3A_58, %add3A_1327 : i32
        %swap3A_1329 = arith.index_cast %add3A_1328 : i32 to index
        %swap3A_1330 = arith.constant 112 : index
        %swap3A_1331 = tpu.vector_load %arg7[%swap3A_1329, %swap3A_1330] {strides = array<i32>} : memref<128x128xf32, #tpu.memory_space<vmem>>, vector<1x16xf32>,
        %swap3A_1332 = vector.shape_cast %swap3A_1331 : vector<1x16xf32> to vector<16xf32>
        %swap3A_1333 = vector.shape_cast %mul3A_1326 : vector<16xf32> to vector<1x16xf32>
        tpu.vector_store %arg7[%swap3A_1329, %swap3A_1330], %swap3A_1333 {strides = array<i32>} : memref<128x128xf32, #tpu.memory_space<vmem>>, vector<1x16xf32>,
        %broadcast_in_dim3A_1334 = arith.constant 11 : i32
        %broadcast_in_dim3A_1335 = vector.broadcast %broadcast_in_dim3A_1334 : i32 to vector<16x1xi32>
        %gather3A_1336 = vector.shape_cast %broadcast_in_dim3A_1335 : vector<16x1xi32> to vector<16xi32>
        %gather3A_1337 = tpu.dynamic_gather %get3A_60[%gather3A_1336] in [0] : vector<16xf32>, vector<16xi32> -> vector<16xf32>
        %add3A_1338 = arith.constant 11 : i32
        %add3A_1339 = arith.addi %add3A_58, %add3A_1338 : i32
        %get3A_1340 = arith.index_cast %add3A_1339 : i32 to index
        %get3A_1341 = arith.constant 0 : index
        %get3A_1342 = tpu.vector_load %arg7[%get3A_1340, %get3A_1341] {strides = array<i32>} : memref<128x128xf32, #tpu.memory_space<vmem>>, vector<1x16xf32>,
        %get3A_1343 = vector.shape_cast %get3A_1342 : vector<1x16xf32> to vector<16xf32>
        %mul3A_1344 = arith.mulf %get3A_1343, %gather3A_1337 : vector<16xf32>
        %add3A_1345 = arith.constant 11 : i32
        %add3A_1346 = arith.addi %add3A_58, %add3A_1345 : i32
        %swap3A_1347 = arith.index_cast %add3A_1346 : i32 to index
        %swap3A_1348 = arith.constant 0 : index
        %swap3A_1349 = tpu.vector_load %arg7[%swap3A_1347, %swap3A_1348] {strides = array<i32>} : memref<128x128xf32, #tpu.memory_space<vmem>>, vector<1x16xf32>,
        %swap3A_1350 = vector.shape_cast %swap3A_1349 : vector<1x16xf32> to vector<16xf32>
        %swap3A_1351 = vector.shape_cast %mul3A_1344 : vector<16xf32> to vector<1x16xf32>
        tpu.vector_store %arg7[%swap3A_1347, %swap3A_1348], %swap3A_1351 {strides = array<i32>} : memref<128x128xf32, #tpu.memory_space<vmem>>, vector<1x16xf32>,
        %add3A_1352 = arith.constant 11 : i32
        %add3A_1353 = arith.addi %add3A_58, %add3A_1352 : i32
        %get3A_1354 = arith.index_cast %add3A_1353 : i32 to index
        %get3A_1355 = arith.constant 16 : index
        %get3A_1356 = tpu.vector_load %arg7[%get3A_1354, %get3A_1355] {strides = array<i32>} : memref<128x128xf32, #tpu.memory_space<vmem>>, vector<1x16xf32>,
        %get3A_1357 = vector.shape_cast %get3A_1356 : vector<1x16xf32> to vector<16xf32>
        %mul3A_1358 = arith.mulf %get3A_1357, %gather3A_1337 : vector<16xf32>
        %add3A_1359 = arith.constant 11 : i32
        %add3A_1360 = arith.addi %add3A_58, %add3A_1359 : i32
        %swap3A_1361 = arith.index_cast %add3A_1360 : i32 to index
        %swap3A_1362 = arith.constant 16 : index
        %swap3A_1363 = tpu.vector_load %arg7[%swap3A_1361, %swap3A_1362] {strides = array<i32>} : memref<128x128xf32, #tpu.memory_space<vmem>>, vector<1x16xf32>,
        %swap3A_1364 = vector.shape_cast %swap3A_1363 : vector<1x16xf32> to vector<16xf32>
        %swap3A_1365 = vector.shape_cast %mul3A_1358 : vector<16xf32> to vector<1x16xf32>
        tpu.vector_store %arg7[%swap3A_1361, %swap3A_1362], %swap3A_1365 {strides = array<i32>} : memref<128x128xf32, #tpu.memory_space<vmem>>, vector<1x16xf32>,
        %add3A_1366 = arith.constant 11 : i32
        %add3A_1367 = arith.addi %add3A_58, %add3A_1366 : i32
        %get3A_1368 = arith.index_cast %add3A_1367 : i32 to index
        %get3A_1369 = arith.constant 32 : index
        %get3A_1370 = tpu.vector_load %arg7[%get3A_1368, %get3A_1369] {strides = array<i32>} : memref<128x128xf32, #tpu.memory_space<vmem>>, vector<1x16xf32>,
        %get3A_1371 = vector.shape_cast %get3A_1370 : vector<1x16xf32> to vector<16xf32>
        %mul3A_1372 = arith.mulf %get3A_1371, %gather3A_1337 : vector<16xf32>
        %add3A_1373 = arith.constant 11 : i32
        %add3A_1374 = arith.addi %add3A_58, %add3A_1373 : i32
        %swap3A_1375 = arith.index_cast %add3A_1374 : i32 to index
        %swap3A_1376 = arith.constant 32 : index
        %swap3A_1377 = tpu.vector_load %arg7[%swap3A_1375, %swap3A_1376] {strides = array<i32>} : memref<128x128xf32, #tpu.memory_space<vmem>>, vector<1x16xf32>,
        %swap3A_1378 = vector.shape_cast %swap3A_1377 : vector<1x16xf32> to vector<16xf32>
        %swap3A_1379 = vector.shape_cast %mul3A_1372 : vector<16xf32> to vector<1x16xf32>
        tpu.vector_store %arg7[%swap3A_1375, %swap3A_1376], %swap3A_1379 {strides = array<i32>} : memref<128x128xf32, #tpu.memory_space<vmem>>, vector<1x16xf32>,
        %add3A_1380 = arith.constant 11 : i32
        %add3A_1381 = arith.addi %add3A_58, %add3A_1380 : i32
        %get3A_1382 = arith.index_cast %add3A_1381 : i32 to index
        %get3A_1383 = arith.constant 48 : index
        %get3A_1384 = tpu.vector_load %arg7[%get3A_1382, %get3A_1383] {strides = array<i32>} : memref<128x128xf32, #tpu.memory_space<vmem>>, vector<1x16xf32>,
        %get3A_1385 = vector.shape_cast %get3A_1384 : vector<1x16xf32> to vector<16xf32>
        %mul3A_1386 = arith.mulf %get3A_1385, %gather3A_1337 : vector<16xf32>
        %add3A_1387 = arith.constant 11 : i32
        %add3A_1388 = arith.addi %add3A_58, %add3A_1387 : i32
        %swap3A_1389 = arith.index_cast %add3A_1388 : i32 to index
        %swap3A_1390 = arith.constant 48 : index
        %swap3A_1391 = tpu.vector_load %arg7[%swap3A_1389, %swap3A_1390] {strides = array<i32>} : memref<128x128xf32, #tpu.memory_space<vmem>>, vector<1x16xf32>,
        %swap3A_1392 = vector.shape_cast %swap3A_1391 : vector<1x16xf32> to vector<16xf32>
        %swap3A_1393 = vector.shape_cast %mul3A_1386 : vector<16xf32> to vector<1x16xf32>
        tpu.vector_store %arg7[%swap3A_1389, %swap3A_1390], %swap3A_1393 {strides = array<i32>} : memref<128x128xf32, #tpu.memory_space<vmem>>, vector<1x16xf32>,
        %add3A_1394 = arith.constant 11 : i32
        %add3A_1395 = arith.addi %add3A_58, %add3A_1394 : i32
        %get3A_1396 = arith.index_cast %add3A_1395 : i32 to index
        %get3A_1397 = arith.constant 64 : index
        %get3A_1398 = tpu.vector_load %arg7[%get3A_1396, %get3A_1397] {strides = array<i32>} : memref<128x128xf32, #tpu.memory_space<vmem>>, vector<1x16xf32>,
        %get3A_1399 = vector.shape_cast %get3A_1398 : vector<1x16xf32> to vector<16xf32>
        %mul3A_1400 = arith.mulf %get3A_1399, %gather3A_1337 : vector<16xf32>
        %add3A_1401 = arith.constant 11 : i32
        %add3A_1402 = arith.addi %add3A_58, %add3A_1401 : i32
        %swap3A_1403 = arith.index_cast %add3A_1402 : i32 to index
        %swap3A_1404 = arith.constant 64 : index
        %swap3A_1405 = tpu.vector_load %arg7[%swap3A_1403, %swap3A_1404] {strides = array<i32>} : memref<128x128xf32, #tpu.memory_space<vmem>>, vector<1x16xf32>,
        %swap3A_1406 = vector.shape_cast %swap3A_1405 : vector<1x16xf32> to vector<16xf32>
        %swap3A_1407 = vector.shape_cast %mul3A_1400 : vector<16xf32> to vector<1x16xf32>
        tpu.vector_store %arg7[%swap3A_1403, %swap3A_1404], %swap3A_1407 {strides = array<i32>} : memref<128x128xf32, #tpu.memory_space<vmem>>, vector<1x16xf32>,
        %add3A_1408 = arith.constant 11 : i32
        %add3A_1409 = arith.addi %add3A_58, %add3A_1408 : i32
        %get3A_1410 = arith.index_cast %add3A_1409 : i32 to index
        %get3A_1411 = arith.constant 80 : index
        %get3A_1412 = tpu.vector_load %arg7[%get3A_1410, %get3A_1411] {strides = array<i32>} : memref<128x128xf32, #tpu.memory_space<vmem>>, vector<1x16xf32>,
        %get3A_1413 = vector.shape_cast %get3A_1412 : vector<1x16xf32> to vector<16xf32>
        %mul3A_1414 = arith.mulf %get3A_1413, %gather3A_1337 : vector<16xf32>
        %add3A_1415 = arith.constant 11 : i32
        %add3A_1416 = arith.addi %add3A_58, %add3A_1415 : i32
        %swap3A_1417 = arith.index_cast %add3A_1416 : i32 to index
        %swap3A_1418 = arith.constant 80 : index
        %swap3A_1419 = tpu.vector_load %arg7[%swap3A_1417, %swap3A_1418] {strides = array<i32>} : memref<128x128xf32, #tpu.memory_space<vmem>>, vector<1x16xf32>,
        %swap3A_1420 = vector.shape_cast %swap3A_1419 : vector<1x16xf32> to vector<16xf32>
        %swap3A_1421 = vector.shape_cast %mul3A_1414 : vector<16xf32> to vector<1x16xf32>
        tpu.vector_store %arg7[%swap3A_1417, %swap3A_1418], %swap3A_1421 {strides = array<i32>} : memref<128x128xf32, #tpu.memory_space<vmem>>, vector<1x16xf32>,
        %add3A_1422 = arith.constant 11 : i32
        %add3A_1423 = arith.addi %add3A_58, %add3A_1422 : i32
        %get3A_1424 = arith.index_cast %add3A_1423 : i32 to index
        %get3A_1425 = arith.constant 96 : index
        %get3A_1426 = tpu.vector_load %arg7[%get3A_1424, %get3A_1425] {strides = array<i32>} : memref<128x128xf32, #tpu.memory_space<vmem>>, vector<1x16xf32>,
        %get3A_1427 = vector.shape_cast %get3A_1426 : vector<1x16xf32> to vector<16xf32>
        %mul3A_1428 = arith.mulf %get3A_1427, %gather3A_1337 : vector<16xf32>
        %add3A_1429 = arith.constant 11 : i32
        %add3A_1430 = arith.addi %add3A_58, %add3A_1429 : i32
        %swap3A_1431 = arith.index_cast %add3A_1430 : i32 to index
        %swap3A_1432 = arith.constant 96 : index
        %swap3A_1433 = tpu.vector_load %arg7[%swap3A_1431, %swap3A_1432] {strides = array<i32>} : memref<128x128xf32, #tpu.memory_space<vmem>>, vector<1x16xf32>,
        %swap3A_1434 = vector.shape_cast %swap3A_1433 : vector<1x16xf32> to vector<16xf32>
        %swap3A_1435 = vector.shape_cast %mul3A_1428 : vector<16xf32> to vector<1x16xf32>
        tpu.vector_store %arg7[%swap3A_1431, %swap3A_1432], %swap3A_1435 {strides = array<i32>} : memref<128x128xf32, #tpu.memory_space<vmem>>, vector<1x16xf32>,
        %add3A_1436 = arith.constant 11 : i32
        %add3A_1437 = arith.addi %add3A_58, %add3A_1436 : i32
        %get3A_1438 = arith.index_cast %add3A_1437 : i32 to index
        %get3A_1439 = arith.constant 112 : index
        %get3A_1440 = tpu.vector_load %arg7[%get3A_1438, %get3A_1439] {strides = array<i32>} : memref<128x128xf32, #tpu.memory_space<vmem>>, vector<1x16xf32>,
        %get3A_1441 = vector.shape_cast %get3A_1440 : vector<1x16xf32> to vector<16xf32>
        %mul3A_1442 = arith.mulf %get3A_1441, %gather3A_1337 : vector<16xf32>
        %add3A_1443 = arith.constant 11 : i32
        %add3A_1444 = arith.addi %add3A_58, %add3A_1443 : i32
        %swap3A_1445 = arith.index_cast %add3A_1444 : i32 to index
        %swap3A_1446 = arith.constant 112 : index
        %swap3A_1447 = tpu.vector_load %arg7[%swap3A_1445, %swap3A_1446] {strides = array<i32>} : memref<128x128xf32, #tpu.memory_space<vmem>>, vector<1x16xf32>,
        %swap3A_1448 = vector.shape_cast %swap3A_1447 : vector<1x16xf32> to vector<16xf32>
        %swap3A_1449 = vector.shape_cast %mul3A_1442 : vector<16xf32> to vector<1x16xf32>
        tpu.vector_store %arg7[%swap3A_1445, %swap3A_1446], %swap3A_1449 {strides = array<i32>} : memref<128x128xf32, #tpu.memory_space<vmem>>, vector<1x16xf32>,
        %broadcast_in_dim3A_1450 = arith.constant 12 : i32
        %broadcast_in_dim3A_1451 = vector.broadcast %broadcast_in_dim3A_1450 : i32 to vector<16x1xi32>
        %gather3A_1452 = vector.shape_cast %broadcast_in_dim3A_1451 : vector<16x1xi32> to vector<16xi32>
        %gather3A_1453 = tpu.dynamic_gather %get3A_60[%gather3A_1452] in [0] : vector<16xf32>, vector<16xi32> -> vector<16xf32>
        %add3A_1454 = arith.constant 12 : i32
        %add3A_1455 = arith.addi %add3A_58, %add3A_1454 : i32
        %get3A_1456 = arith.index_cast %add3A_1455 : i32 to index
        %get3A_1457 = arith.constant 0 : index
        %get3A_1458 = tpu.vector_load %arg7[%get3A_1456, %get3A_1457] {strides = array<i32>} : memref<128x128xf32, #tpu.memory_space<vmem>>, vector<1x16xf32>,
        %get3A_1459 = vector.shape_cast %get3A_1458 : vector<1x16xf32> to vector<16xf32>
        %mul3A_1460 = arith.mulf %get3A_1459, %gather3A_1453 : vector<16xf32>
        %add3A_1461 = arith.constant 12 : i32
        %add3A_1462 = arith.addi %add3A_58, %add3A_1461 : i32
        %swap3A_1463 = arith.index_cast %add3A_1462 : i32 to index
        %swap3A_1464 = arith.constant 0 : index
        %swap3A_1465 = tpu.vector_load %arg7[%swap3A_1463, %swap3A_1464] {strides = array<i32>} : memref<128x128xf32, #tpu.memory_space<vmem>>, vector<1x16xf32>,
        %swap3A_1466 = vector.shape_cast %swap3A_1465 : vector<1x16xf32> to vector<16xf32>
        %swap3A_1467 = vector.shape_cast %mul3A_1460 : vector<16xf32> to vector<1x16xf32>
        tpu.vector_store %arg7[%swap3A_1463, %swap3A_1464], %swap3A_1467 {strides = array<i32>} : memref<128x128xf32, #tpu.memory_space<vmem>>, vector<1x16xf32>,
        %add3A_1468 = arith.constant 12 : i32
        %add3A_1469 = arith.addi %add3A_58, %add3A_1468 : i32
        %get3A_1470 = arith.index_cast %add3A_1469 : i32 to index
        %get3A_1471 = arith.constant 16 : index
        %get3A_1472 = tpu.vector_load %arg7[%get3A_1470, %get3A_1471] {strides = array<i32>} : memref<128x128xf32, #tpu.memory_space<vmem>>, vector<1x16xf32>,
        %get3A_1473 = vector.shape_cast %get3A_1472 : vector<1x16xf32> to vector<16xf32>
        %mul3A_1474 = arith.mulf %get3A_1473, %gather3A_1453 : vector<16xf32>
        %add3A_1475 = arith.constant 12 : i32
        %add3A_1476 = arith.addi %add3A_58, %add3A_1475 : i32
        %swap3A_1477 = arith.index_cast %add3A_1476 : i32 to index
        %swap3A_1478 = arith.constant 16 : index
        %swap3A_1479 = tpu.vector_load %arg7[%swap3A_1477, %swap3A_1478] {strides = array<i32>} : memref<128x128xf32, #tpu.memory_space<vmem>>, vector<1x16xf32>,
        %swap3A_1480 = vector.shape_cast %swap3A_1479 : vector<1x16xf32> to vector<16xf32>
        %swap3A_1481 = vector.shape_cast %mul3A_1474 : vector<16xf32> to vector<1x16xf32>
        tpu.vector_store %arg7[%swap3A_1477, %swap3A_1478], %swap3A_1481 {strides = array<i32>} : memref<128x128xf32, #tpu.memory_space<vmem>>, vector<1x16xf32>,
        %add3A_1482 = arith.constant 12 : i32
        %add3A_1483 = arith.addi %add3A_58, %add3A_1482 : i32
        %get3A_1484 = arith.index_cast %add3A_1483 : i32 to index
        %get3A_1485 = arith.constant 32 : index
        %get3A_1486 = tpu.vector_load %arg7[%get3A_1484, %get3A_1485] {strides = array<i32>} : memref<128x128xf32, #tpu.memory_space<vmem>>, vector<1x16xf32>,
        %get3A_1487 = vector.shape_cast %get3A_1486 : vector<1x16xf32> to vector<16xf32>
        %mul3A_1488 = arith.mulf %get3A_1487, %gather3A_1453 : vector<16xf32>
        %add3A_1489 = arith.constant 12 : i32
        %add3A_1490 = arith.addi %add3A_58, %add3A_1489 : i32
        %swap3A_1491 = arith.index_cast %add3A_1490 : i32 to index
        %swap3A_1492 = arith.constant 32 : index
        %swap3A_1493 = tpu.vector_load %arg7[%swap3A_1491, %swap3A_1492] {strides = array<i32>} : memref<128x128xf32, #tpu.memory_space<vmem>>, vector<1x16xf32>,
        %swap3A_1494 = vector.shape_cast %swap3A_1493 : vector<1x16xf32> to vector<16xf32>
        %swap3A_1495 = vector.shape_cast %mul3A_1488 : vector<16xf32> to vector<1x16xf32>
        tpu.vector_store %arg7[%swap3A_1491, %swap3A_1492], %swap3A_1495 {strides = array<i32>} : memref<128x128xf32, #tpu.memory_space<vmem>>, vector<1x16xf32>,
        %add3A_1496 = arith.constant 12 : i32
        %add3A_1497 = arith.addi %add3A_58, %add3A_1496 : i32
        %get3A_1498 = arith.index_cast %add3A_1497 : i32 to index
        %get3A_1499 = arith.constant 48 : index
        %get3A_1500 = tpu.vector_load %arg7[%get3A_1498, %get3A_1499] {strides = array<i32>} : memref<128x128xf32, #tpu.memory_space<vmem>>, vector<1x16xf32>,
        %get3A_1501 = vector.shape_cast %get3A_1500 : vector<1x16xf32> to vector<16xf32>
        %mul3A_1502 = arith.mulf %get3A_1501, %gather3A_1453 : vector<16xf32>
        %add3A_1503 = arith.constant 12 : i32
        %add3A_1504 = arith.addi %add3A_58, %add3A_1503 : i32
        %swap3A_1505 = arith.index_cast %add3A_1504 : i32 to index
        %swap3A_1506 = arith.constant 48 : index
        %swap3A_1507 = tpu.vector_load %arg7[%swap3A_1505, %swap3A_1506] {strides = array<i32>} : memref<128x128xf32, #tpu.memory_space<vmem>>, vector<1x16xf32>,
        %swap3A_1508 = vector.shape_cast %swap3A_1507 : vector<1x16xf32> to vector<16xf32>
        %swap3A_1509 = vector.shape_cast %mul3A_1502 : vector<16xf32> to vector<1x16xf32>
        tpu.vector_store %arg7[%swap3A_1505, %swap3A_1506], %swap3A_1509 {strides = array<i32>} : memref<128x128xf32, #tpu.memory_space<vmem>>, vector<1x16xf32>,
        %add3A_1510 = arith.constant 12 : i32
        %add3A_1511 = arith.addi %add3A_58, %add3A_1510 : i32
        %get3A_1512 = arith.index_cast %add3A_1511 : i32 to index
        %get3A_1513 = arith.constant 64 : index
        %get3A_1514 = tpu.vector_load %arg7[%get3A_1512, %get3A_1513] {strides = array<i32>} : memref<128x128xf32, #tpu.memory_space<vmem>>, vector<1x16xf32>,
        %get3A_1515 = vector.shape_cast %get3A_1514 : vector<1x16xf32> to vector<16xf32>
        %mul3A_1516 = arith.mulf %get3A_1515, %gather3A_1453 : vector<16xf32>
        %add3A_1517 = arith.constant 12 : i32
        %add3A_1518 = arith.addi %add3A_58, %add3A_1517 : i32
        %swap3A_1519 = arith.index_cast %add3A_1518 : i32 to index
        %swap3A_1520 = arith.constant 64 : index
        %swap3A_1521 = tpu.vector_load %arg7[%swap3A_1519, %swap3A_1520] {strides = array<i32>} : memref<128x128xf32, #tpu.memory_space<vmem>>, vector<1x16xf32>,
        %swap3A_1522 = vector.shape_cast %swap3A_1521 : vector<1x16xf32> to vector<16xf32>
        %swap3A_1523 = vector.shape_cast %mul3A_1516 : vector<16xf32> to vector<1x16xf32>
        tpu.vector_store %arg7[%swap3A_1519, %swap3A_1520], %swap3A_1523 {strides = array<i32>} : memref<128x128xf32, #tpu.memory_space<vmem>>, vector<1x16xf32>,
        %add3A_1524 = arith.constant 12 : i32
        %add3A_1525 = arith.addi %add3A_58, %add3A_1524 : i32
        %get3A_1526 = arith.index_cast %add3A_1525 : i32 to index
        %get3A_1527 = arith.constant 80 : index
        %get3A_1528 = tpu.vector_load %arg7[%get3A_1526, %get3A_1527] {strides = array<i32>} : memref<128x128xf32, #tpu.memory_space<vmem>>, vector<1x16xf32>,
        %get3A_1529 = vector.shape_cast %get3A_1528 : vector<1x16xf32> to vector<16xf32>
        %mul3A_1530 = arith.mulf %get3A_1529, %gather3A_1453 : vector<16xf32>
        %add3A_1531 = arith.constant 12 : i32
        %add3A_1532 = arith.addi %add3A_58, %add3A_1531 : i32
        %swap3A_1533 = arith.index_cast %add3A_1532 : i32 to index
        %swap3A_1534 = arith.constant 80 : index
        %swap3A_1535 = tpu.vector_load %arg7[%swap3A_1533, %swap3A_1534] {strides = array<i32>} : memref<128x128xf32, #tpu.memory_space<vmem>>, vector<1x16xf32>,
        %swap3A_1536 = vector.shape_cast %swap3A_1535 : vector<1x16xf32> to vector<16xf32>
        %swap3A_1537 = vector.shape_cast %mul3A_1530 : vector<16xf32> to vector<1x16xf32>
        tpu.vector_store %arg7[%swap3A_1533, %swap3A_1534], %swap3A_1537 {strides = array<i32>} : memref<128x128xf32, #tpu.memory_space<vmem>>, vector<1x16xf32>,
        %add3A_1538 = arith.constant 12 : i32
        %add3A_1539 = arith.addi %add3A_58, %add3A_1538 : i32
        %get3A_1540 = arith.index_cast %add3A_1539 : i32 to index
        %get3A_1541 = arith.constant 96 : index
        %get3A_1542 = tpu.vector_load %arg7[%get3A_1540, %get3A_1541] {strides = array<i32>} : memref<128x128xf32, #tpu.memory_space<vmem>>, vector<1x16xf32>,
        %get3A_1543 = vector.shape_cast %get3A_1542 : vector<1x16xf32> to vector<16xf32>
        %mul3A_1544 = arith.mulf %get3A_1543, %gather3A_1453 : vector<16xf32>
        %add3A_1545 = arith.constant 12 : i32
        %add3A_1546 = arith.addi %add3A_58, %add3A_1545 : i32
        %swap3A_1547 = arith.index_cast %add3A_1546 : i32 to index
        %swap3A_1548 = arith.constant 96 : index
        %swap3A_1549 = tpu.vector_load %arg7[%swap3A_1547, %swap3A_1548] {strides = array<i32>} : memref<128x128xf32, #tpu.memory_space<vmem>>, vector<1x16xf32>,
        %swap3A_1550 = vector.shape_cast %swap3A_1549 : vector<1x16xf32> to vector<16xf32>
        %swap3A_1551 = vector.shape_cast %mul3A_1544 : vector<16xf32> to vector<1x16xf32>
        tpu.vector_store %arg7[%swap3A_1547, %swap3A_1548], %swap3A_1551 {strides = array<i32>} : memref<128x128xf32, #tpu.memory_space<vmem>>, vector<1x16xf32>,
        %add3A_1552 = arith.constant 12 : i32
        %add3A_1553 = arith.addi %add3A_58, %add3A_1552 : i32
        %get3A_1554 = arith.index_cast %add3A_1553 : i32 to index
        %get3A_1555 = arith.constant 112 : index
        %get3A_1556 = tpu.vector_load %arg7[%get3A_1554, %get3A_1555] {strides = array<i32>} : memref<128x128xf32, #tpu.memory_space<vmem>>, vector<1x16xf32>,
        %get3A_1557 = vector.shape_cast %get3A_1556 : vector<1x16xf32> to vector<16xf32>
        %mul3A_1558 = arith.mulf %get3A_1557, %gather3A_1453 : vector<16xf32>
        %add3A_1559 = arith.constant 12 : i32
        %add3A_1560 = arith.addi %add3A_58, %add3A_1559 : i32
        %swap3A_1561 = arith.index_cast %add3A_1560 : i32 to index
        %swap3A_1562 = arith.constant 112 : index
        %swap3A_1563 = tpu.vector_load %arg7[%swap3A_1561, %swap3A_1562] {strides = array<i32>} : memref<128x128xf32, #tpu.memory_space<vmem>>, vector<1x16xf32>,
        %swap3A_1564 = vector.shape_cast %swap3A_1563 : vector<1x16xf32> to vector<16xf32>
        %swap3A_1565 = vector.shape_cast %mul3A_1558 : vector<16xf32> to vector<1x16xf32>
        tpu.vector_store %arg7[%swap3A_1561, %swap3A_1562], %swap3A_1565 {strides = array<i32>} : memref<128x128xf32, #tpu.memory_space<vmem>>, vector<1x16xf32>,
        %broadcast_in_dim3A_1566 = arith.constant 13 : i32
        %broadcast_in_dim3A_1567 = vector.broadcast %broadcast_in_dim3A_1566 : i32 to vector<16x1xi32>
        %gather3A_1568 = vector.shape_cast %broadcast_in_dim3A_1567 : vector<16x1xi32> to vector<16xi32>
        %gather3A_1569 = tpu.dynamic_gather %get3A_60[%gather3A_1568] in [0] : vector<16xf32>, vector<16xi32> -> vector<16xf32>
        %add3A_1570 = arith.constant 13 : i32
        %add3A_1571 = arith.addi %add3A_58, %add3A_1570 : i32
        %get3A_1572 = arith.index_cast %add3A_1571 : i32 to index
        %get3A_1573 = arith.constant 0 : index
        %get3A_1574 = tpu.vector_load %arg7[%get3A_1572, %get3A_1573] {strides = array<i32>} : memref<128x128xf32, #tpu.memory_space<vmem>>, vector<1x16xf32>,
        %get3A_1575 = vector.shape_cast %get3A_1574 : vector<1x16xf32> to vector<16xf32>
        %mul3A_1576 = arith.mulf %get3A_1575, %gather3A_1569 : vector<16xf32>
        %add3A_1577 = arith.constant 13 : i32
        %add3A_1578 = arith.addi %add3A_58, %add3A_1577 : i32
        %swap3A_1579 = arith.index_cast %add3A_1578 : i32 to index
        %swap3A_1580 = arith.constant 0 : index
        %swap3A_1581 = tpu.vector_load %arg7[%swap3A_1579, %swap3A_1580] {strides = array<i32>} : memref<128x128xf32, #tpu.memory_space<vmem>>, vector<1x16xf32>,
        %swap3A_1582 = vector.shape_cast %swap3A_1581 : vector<1x16xf32> to vector<16xf32>
        %swap3A_1583 = vector.shape_cast %mul3A_1576 : vector<16xf32> to vector<1x16xf32>
        tpu.vector_store %arg7[%swap3A_1579, %swap3A_1580], %swap3A_1583 {strides = array<i32>} : memref<128x128xf32, #tpu.memory_space<vmem>>, vector<1x16xf32>,
        %add3A_1584 = arith.constant 13 : i32
        %add3A_1585 = arith.addi %add3A_58, %add3A_1584 : i32
        %get3A_1586 = arith.index_cast %add3A_1585 : i32 to index
        %get3A_1587 = arith.constant 16 : index
        %get3A_1588 = tpu.vector_load %arg7[%get3A_1586, %get3A_1587] {strides = array<i32>} : memref<128x128xf32, #tpu.memory_space<vmem>>, vector<1x16xf32>,
        %get3A_1589 = vector.shape_cast %get3A_1588 : vector<1x16xf32> to vector<16xf32>
        %mul3A_1590 = arith.mulf %get3A_1589, %gather3A_1569 : vector<16xf32>
        %add3A_1591 = arith.constant 13 : i32
        %add3A_1592 = arith.addi %add3A_58, %add3A_1591 : i32
        %swap3A_1593 = arith.index_cast %add3A_1592 : i32 to index
        %swap3A_1594 = arith.constant 16 : index
        %swap3A_1595 = tpu.vector_load %arg7[%swap3A_1593, %swap3A_1594] {strides = array<i32>} : memref<128x128xf32, #tpu.memory_space<vmem>>, vector<1x16xf32>,
        %swap3A_1596 = vector.shape_cast %swap3A_1595 : vector<1x16xf32> to vector<16xf32>
        %swap3A_1597 = vector.shape_cast %mul3A_1590 : vector<16xf32> to vector<1x16xf32>
        tpu.vector_store %arg7[%swap3A_1593, %swap3A_1594], %swap3A_1597 {strides = array<i32>} : memref<128x128xf32, #tpu.memory_space<vmem>>, vector<1x16xf32>,
        %add3A_1598 = arith.constant 13 : i32
        %add3A_1599 = arith.addi %add3A_58, %add3A_1598 : i32
        %get3A_1600 = arith.index_cast %add3A_1599 : i32 to index
        %get3A_1601 = arith.constant 32 : index
        %get3A_1602 = tpu.vector_load %arg7[%get3A_1600, %get3A_1601] {strides = array<i32>} : memref<128x128xf32, #tpu.memory_space<vmem>>, vector<1x16xf32>,
        %get3A_1603 = vector.shape_cast %get3A_1602 : vector<1x16xf32> to vector<16xf32>
        %mul3A_1604 = arith.mulf %get3A_1603, %gather3A_1569 : vector<16xf32>
        %add3A_1605 = arith.constant 13 : i32
        %add3A_1606 = arith.addi %add3A_58, %add3A_1605 : i32
        %swap3A_1607 = arith.index_cast %add3A_1606 : i32 to index
        %swap3A_1608 = arith.constant 32 : index
        %swap3A_1609 = tpu.vector_load %arg7[%swap3A_1607, %swap3A_1608] {strides = array<i32>} : memref<128x128xf32, #tpu.memory_space<vmem>>, vector<1x16xf32>,
        %swap3A_1610 = vector.shape_cast %swap3A_1609 : vector<1x16xf32> to vector<16xf32>
        %swap3A_1611 = vector.shape_cast %mul3A_1604 : vector<16xf32> to vector<1x16xf32>
        tpu.vector_store %arg7[%swap3A_1607, %swap3A_1608], %swap3A_1611 {strides = array<i32>} : memref<128x128xf32, #tpu.memory_space<vmem>>, vector<1x16xf32>,
        %add3A_1612 = arith.constant 13 : i32
        %add3A_1613 = arith.addi %add3A_58, %add3A_1612 : i32
        %get3A_1614 = arith.index_cast %add3A_1613 : i32 to index
        %get3A_1615 = arith.constant 48 : index
        %get3A_1616 = tpu.vector_load %arg7[%get3A_1614, %get3A_1615] {strides = array<i32>} : memref<128x128xf32, #tpu.memory_space<vmem>>, vector<1x16xf32>,
        %get3A_1617 = vector.shape_cast %get3A_1616 : vector<1x16xf32> to vector<16xf32>
        %mul3A_1618 = arith.mulf %get3A_1617, %gather3A_1569 : vector<16xf32>
        %add3A_1619 = arith.constant 13 : i32
        %add3A_1620 = arith.addi %add3A_58, %add3A_1619 : i32
        %swap3A_1621 = arith.index_cast %add3A_1620 : i32 to index
        %swap3A_1622 = arith.constant 48 : index
        %swap3A_1623 = tpu.vector_load %arg7[%swap3A_1621, %swap3A_1622] {strides = array<i32>} : memref<128x128xf32, #tpu.memory_space<vmem>>, vector<1x16xf32>,
        %swap3A_1624 = vector.shape_cast %swap3A_1623 : vector<1x16xf32> to vector<16xf32>
        %swap3A_1625 = vector.shape_cast %mul3A_1618 : vector<16xf32> to vector<1x16xf32>
        tpu.vector_store %arg7[%swap3A_1621, %swap3A_1622], %swap3A_1625 {strides = array<i32>} : memref<128x128xf32, #tpu.memory_space<vmem>>, vector<1x16xf32>,
        %add3A_1626 = arith.constant 13 : i32
        %add3A_1627 = arith.addi %add3A_58, %add3A_1626 : i32
        %get3A_1628 = arith.index_cast %add3A_1627 : i32 to index
        %get3A_1629 = arith.constant 64 : index
        %get3A_1630 = tpu.vector_load %arg7[%get3A_1628, %get3A_1629] {strides = array<i32>} : memref<128x128xf32, #tpu.memory_space<vmem>>, vector<1x16xf32>,
        %get3A_1631 = vector.shape_cast %get3A_1630 : vector<1x16xf32> to vector<16xf32>
        %mul3A_1632 = arith.mulf %get3A_1631, %gather3A_1569 : vector<16xf32>
        %add3A_1633 = arith.constant 13 : i32
        %add3A_1634 = arith.addi %add3A_58, %add3A_1633 : i32
        %swap3A_1635 = arith.index_cast %add3A_1634 : i32 to index
        %swap3A_1636 = arith.constant 64 : index
        %swap3A_1637 = tpu.vector_load %arg7[%swap3A_1635, %swap3A_1636] {strides = array<i32>} : memref<128x128xf32, #tpu.memory_space<vmem>>, vector<1x16xf32>,
        %swap3A_1638 = vector.shape_cast %swap3A_1637 : vector<1x16xf32> to vector<16xf32>
        %swap3A_1639 = vector.shape_cast %mul3A_1632 : vector<16xf32> to vector<1x16xf32>
        tpu.vector_store %arg7[%swap3A_1635, %swap3A_1636], %swap3A_1639 {strides = array<i32>} : memref<128x128xf32, #tpu.memory_space<vmem>>, vector<1x16xf32>,
        %add3A_1640 = arith.constant 13 : i32
        %add3A_1641 = arith.addi %add3A_58, %add3A_1640 : i32
        %get3A_1642 = arith.index_cast %add3A_1641 : i32 to index
        %get3A_1643 = arith.constant 80 : index
        %get3A_1644 = tpu.vector_load %arg7[%get3A_1642, %get3A_1643] {strides = array<i32>} : memref<128x128xf32, #tpu.memory_space<vmem>>, vector<1x16xf32>,
        %get3A_1645 = vector.shape_cast %get3A_1644 : vector<1x16xf32> to vector<16xf32>
        %mul3A_1646 = arith.mulf %get3A_1645, %gather3A_1569 : vector<16xf32>
        %add3A_1647 = arith.constant 13 : i32
        %add3A_1648 = arith.addi %add3A_58, %add3A_1647 : i32
        %swap3A_1649 = arith.index_cast %add3A_1648 : i32 to index
        %swap3A_1650 = arith.constant 80 : index
        %swap3A_1651 = tpu.vector_load %arg7[%swap3A_1649, %swap3A_1650] {strides = array<i32>} : memref<128x128xf32, #tpu.memory_space<vmem>>, vector<1x16xf32>,
        %swap3A_1652 = vector.shape_cast %swap3A_1651 : vector<1x16xf32> to vector<16xf32>
        %swap3A_1653 = vector.shape_cast %mul3A_1646 : vector<16xf32> to vector<1x16xf32>
        tpu.vector_store %arg7[%swap3A_1649, %swap3A_1650], %swap3A_1653 {strides = array<i32>} : memref<128x128xf32, #tpu.memory_space<vmem>>, vector<1x16xf32>,
        %add3A_1654 = arith.constant 13 : i32
        %add3A_1655 = arith.addi %add3A_58, %add3A_1654 : i32
        %get3A_1656 = arith.index_cast %add3A_1655 : i32 to index
        %get3A_1657 = arith.constant 96 : index
        %get3A_1658 = tpu.vector_load %arg7[%get3A_1656, %get3A_1657] {strides = array<i32>} : memref<128x128xf32, #tpu.memory_space<vmem>>, vector<1x16xf32>,
        %get3A_1659 = vector.shape_cast %get3A_1658 : vector<1x16xf32> to vector<16xf32>
        %mul3A_1660 = arith.mulf %get3A_1659, %gather3A_1569 : vector<16xf32>
        %add3A_1661 = arith.constant 13 : i32
        %add3A_1662 = arith.addi %add3A_58, %add3A_1661 : i32
        %swap3A_1663 = arith.index_cast %add3A_1662 : i32 to index
        %swap3A_1664 = arith.constant 96 : index
        %swap3A_1665 = tpu.vector_load %arg7[%swap3A_1663, %swap3A_1664] {strides = array<i32>} : memref<128x128xf32, #tpu.memory_space<vmem>>, vector<1x16xf32>,
        %swap3A_1666 = vector.shape_cast %swap3A_1665 : vector<1x16xf32> to vector<16xf32>
        %swap3A_1667 = vector.shape_cast %mul3A_1660 : vector<16xf32> to vector<1x16xf32>
        tpu.vector_store %arg7[%swap3A_1663, %swap3A_1664], %swap3A_1667 {strides = array<i32>} : memref<128x128xf32, #tpu.memory_space<vmem>>, vector<1x16xf32>,
        %add3A_1668 = arith.constant 13 : i32
        %add3A_1669 = arith.addi %add3A_58, %add3A_1668 : i32
        %get3A_1670 = arith.index_cast %add3A_1669 : i32 to index
        %get3A_1671 = arith.constant 112 : index
        %get3A_1672 = tpu.vector_load %arg7[%get3A_1670, %get3A_1671] {strides = array<i32>} : memref<128x128xf32, #tpu.memory_space<vmem>>, vector<1x16xf32>,
        %get3A_1673 = vector.shape_cast %get3A_1672 : vector<1x16xf32> to vector<16xf32>
        %mul3A_1674 = arith.mulf %get3A_1673, %gather3A_1569 : vector<16xf32>
        %add3A_1675 = arith.constant 13 : i32
        %add3A_1676 = arith.addi %add3A_58, %add3A_1675 : i32
        %swap3A_1677 = arith.index_cast %add3A_1676 : i32 to index
        %swap3A_1678 = arith.constant 112 : index
        %swap3A_1679 = tpu.vector_load %arg7[%swap3A_1677, %swap3A_1678] {strides = array<i32>} : memref<128x128xf32, #tpu.memory_space<vmem>>, vector<1x16xf32>,
        %swap3A_1680 = vector.shape_cast %swap3A_1679 : vector<1x16xf32> to vector<16xf32>
        %swap3A_1681 = vector.shape_cast %mul3A_1674 : vector<16xf32> to vector<1x16xf32>
        tpu.vector_store %arg7[%swap3A_1677, %swap3A_1678], %swap3A_1681 {strides = array<i32>} : memref<128x128xf32, #tpu.memory_space<vmem>>, vector<1x16xf32>,
        %broadcast_in_dim3A_1682 = arith.constant 14 : i32
        %broadcast_in_dim3A_1683 = vector.broadcast %broadcast_in_dim3A_1682 : i32 to vector<16x1xi32>
        %gather3A_1684 = vector.shape_cast %broadcast_in_dim3A_1683 : vector<16x1xi32> to vector<16xi32>
        %gather3A_1685 = tpu.dynamic_gather %get3A_60[%gather3A_1684] in [0] : vector<16xf32>, vector<16xi32> -> vector<16xf32>
        %add3A_1686 = arith.constant 14 : i32
        %add3A_1687 = arith.addi %add3A_58, %add3A_1686 : i32
        %get3A_1688 = arith.index_cast %add3A_1687 : i32 to index
        %get3A_1689 = arith.constant 0 : index
        %get3A_1690 = tpu.vector_load %arg7[%get3A_1688, %get3A_1689] {strides = array<i32>} : memref<128x128xf32, #tpu.memory_space<vmem>>, vector<1x16xf32>,
        %get3A_1691 = vector.shape_cast %get3A_1690 : vector<1x16xf32> to vector<16xf32>
        %mul3A_1692 = arith.mulf %get3A_1691, %gather3A_1685 : vector<16xf32>
        %add3A_1693 = arith.constant 14 : i32
        %add3A_1694 = arith.addi %add3A_58, %add3A_1693 : i32
        %swap3A_1695 = arith.index_cast %add3A_1694 : i32 to index
        %swap3A_1696 = arith.constant 0 : index
        %swap3A_1697 = tpu.vector_load %arg7[%swap3A_1695, %swap3A_1696] {strides = array<i32>} : memref<128x128xf32, #tpu.memory_space<vmem>>, vector<1x16xf32>,
        %swap3A_1698 = vector.shape_cast %swap3A_1697 : vector<1x16xf32> to vector<16xf32>
        %swap3A_1699 = vector.shape_cast %mul3A_1692 : vector<16xf32> to vector<1x16xf32>
        tpu.vector_store %arg7[%swap3A_1695, %swap3A_1696], %swap3A_1699 {strides = array<i32>} : memref<128x128xf32, #tpu.memory_space<vmem>>, vector<1x16xf32>,
        %add3A_1700 = arith.constant 14 : i32
        %add3A_1701 = arith.addi %add3A_58, %add3A_1700 : i32
        %get3A_1702 = arith.index_cast %add3A_1701 : i32 to index
        %get3A_1703 = arith.constant 16 : index
        %get3A_1704 = tpu.vector_load %arg7[%get3A_1702, %get3A_1703] {strides = array<i32>} : memref<128x128xf32, #tpu.memory_space<vmem>>, vector<1x16xf32>,
        %get3A_1705 = vector.shape_cast %get3A_1704 : vector<1x16xf32> to vector<16xf32>
        %mul3A_1706 = arith.mulf %get3A_1705, %gather3A_1685 : vector<16xf32>
        %add3A_1707 = arith.constant 14 : i32
        %add3A_1708 = arith.addi %add3A_58, %add3A_1707 : i32
        %swap3A_1709 = arith.index_cast %add3A_1708 : i32 to index
        %swap3A_1710 = arith.constant 16 : index
        %swap3A_1711 = tpu.vector_load %arg7[%swap3A_1709, %swap3A_1710] {strides = array<i32>} : memref<128x128xf32, #tpu.memory_space<vmem>>, vector<1x16xf32>,
        %swap3A_1712 = vector.shape_cast %swap3A_1711 : vector<1x16xf32> to vector<16xf32>
        %swap3A_1713 = vector.shape_cast %mul3A_1706 : vector<16xf32> to vector<1x16xf32>
        tpu.vector_store %arg7[%swap3A_1709, %swap3A_1710], %swap3A_1713 {strides = array<i32>} : memref<128x128xf32, #tpu.memory_space<vmem>>, vector<1x16xf32>,
        %add3A_1714 = arith.constant 14 : i32
        %add3A_1715 = arith.addi %add3A_58, %add3A_1714 : i32
        %get3A_1716 = arith.index_cast %add3A_1715 : i32 to index
        %get3A_1717 = arith.constant 32 : index
        %get3A_1718 = tpu.vector_load %arg7[%get3A_1716, %get3A_1717] {strides = array<i32>} : memref<128x128xf32, #tpu.memory_space<vmem>>, vector<1x16xf32>,
        %get3A_1719 = vector.shape_cast %get3A_1718 : vector<1x16xf32> to vector<16xf32>
        %mul3A_1720 = arith.mulf %get3A_1719, %gather3A_1685 : vector<16xf32>
        %add3A_1721 = arith.constant 14 : i32
        %add3A_1722 = arith.addi %add3A_58, %add3A_1721 : i32
        %swap3A_1723 = arith.index_cast %add3A_1722 : i32 to index
        %swap3A_1724 = arith.constant 32 : index
        %swap3A_1725 = tpu.vector_load %arg7[%swap3A_1723, %swap3A_1724] {strides = array<i32>} : memref<128x128xf32, #tpu.memory_space<vmem>>, vector<1x16xf32>,
        %swap3A_1726 = vector.shape_cast %swap3A_1725 : vector<1x16xf32> to vector<16xf32>
        %swap3A_1727 = vector.shape_cast %mul3A_1720 : vector<16xf32> to vector<1x16xf32>
        tpu.vector_store %arg7[%swap3A_1723, %swap3A_1724], %swap3A_1727 {strides = array<i32>} : memref<128x128xf32, #tpu.memory_space<vmem>>, vector<1x16xf32>,
        %add3A_1728 = arith.constant 14 : i32
        %add3A_1729 = arith.addi %add3A_58, %add3A_1728 : i32
        %get3A_1730 = arith.index_cast %add3A_1729 : i32 to index
        %get3A_1731 = arith.constant 48 : index
        %get3A_1732 = tpu.vector_load %arg7[%get3A_1730, %get3A_1731] {strides = array<i32>} : memref<128x128xf32, #tpu.memory_space<vmem>>, vector<1x16xf32>,
        %get3A_1733 = vector.shape_cast %get3A_1732 : vector<1x16xf32> to vector<16xf32>
        %mul3A_1734 = arith.mulf %get3A_1733, %gather3A_1685 : vector<16xf32>
        %add3A_1735 = arith.constant 14 : i32
        %add3A_1736 = arith.addi %add3A_58, %add3A_1735 : i32
        %swap3A_1737 = arith.index_cast %add3A_1736 : i32 to index
        %swap3A_1738 = arith.constant 48 : index
        %swap3A_1739 = tpu.vector_load %arg7[%swap3A_1737, %swap3A_1738] {strides = array<i32>} : memref<128x128xf32, #tpu.memory_space<vmem>>, vector<1x16xf32>,
        %swap3A_1740 = vector.shape_cast %swap3A_1739 : vector<1x16xf32> to vector<16xf32>
        %swap3A_1741 = vector.shape_cast %mul3A_1734 : vector<16xf32> to vector<1x16xf32>
        tpu.vector_store %arg7[%swap3A_1737, %swap3A_1738], %swap3A_1741 {strides = array<i32>} : memref<128x128xf32, #tpu.memory_space<vmem>>, vector<1x16xf32>,
        %add3A_1742 = arith.constant 14 : i32
        %add3A_1743 = arith.addi %add3A_58, %add3A_1742 : i32
        %get3A_1744 = arith.index_cast %add3A_1743 : i32 to index
        %get3A_1745 = arith.constant 64 : index
        %get3A_1746 = tpu.vector_load %arg7[%get3A_1744, %get3A_1745] {strides = array<i32>} : memref<128x128xf32, #tpu.memory_space<vmem>>, vector<1x16xf32>,
        %get3A_1747 = vector.shape_cast %get3A_1746 : vector<1x16xf32> to vector<16xf32>
        %mul3A_1748 = arith.mulf %get3A_1747, %gather3A_1685 : vector<16xf32>
        %add3A_1749 = arith.constant 14 : i32
        %add3A_1750 = arith.addi %add3A_58, %add3A_1749 : i32
        %swap3A_1751 = arith.index_cast %add3A_1750 : i32 to index
        %swap3A_1752 = arith.constant 64 : index
        %swap3A_1753 = tpu.vector_load %arg7[%swap3A_1751, %swap3A_1752] {strides = array<i32>} : memref<128x128xf32, #tpu.memory_space<vmem>>, vector<1x16xf32>,
        %swap3A_1754 = vector.shape_cast %swap3A_1753 : vector<1x16xf32> to vector<16xf32>
        %swap3A_1755 = vector.shape_cast %mul3A_1748 : vector<16xf32> to vector<1x16xf32>
        tpu.vector_store %arg7[%swap3A_1751, %swap3A_1752], %swap3A_1755 {strides = array<i32>} : memref<128x128xf32, #tpu.memory_space<vmem>>, vector<1x16xf32>,
        %add3A_1756 = arith.constant 14 : i32
        %add3A_1757 = arith.addi %add3A_58, %add3A_1756 : i32
        %get3A_1758 = arith.index_cast %add3A_1757 : i32 to index
        %get3A_1759 = arith.constant 80 : index
        %get3A_1760 = tpu.vector_load %arg7[%get3A_1758, %get3A_1759] {strides = array<i32>} : memref<128x128xf32, #tpu.memory_space<vmem>>, vector<1x16xf32>,
        %get3A_1761 = vector.shape_cast %get3A_1760 : vector<1x16xf32> to vector<16xf32>
        %mul3A_1762 = arith.mulf %get3A_1761, %gather3A_1685 : vector<16xf32>
        %add3A_1763 = arith.constant 14 : i32
        %add3A_1764 = arith.addi %add3A_58, %add3A_1763 : i32
        %swap3A_1765 = arith.index_cast %add3A_1764 : i32 to index
        %swap3A_1766 = arith.constant 80 : index
        %swap3A_1767 = tpu.vector_load %arg7[%swap3A_1765, %swap3A_1766] {strides = array<i32>} : memref<128x128xf32, #tpu.memory_space<vmem>>, vector<1x16xf32>,
        %swap3A_1768 = vector.shape_cast %swap3A_1767 : vector<1x16xf32> to vector<16xf32>
        %swap3A_1769 = vector.shape_cast %mul3A_1762 : vector<16xf32> to vector<1x16xf32>
        tpu.vector_store %arg7[%swap3A_1765, %swap3A_1766], %swap3A_1769 {strides = array<i32>} : memref<128x128xf32, #tpu.memory_space<vmem>>, vector<1x16xf32>,
        %add3A_1770 = arith.constant 14 : i32
        %add3A_1771 = arith.addi %add3A_58, %add3A_1770 : i32
        %get3A_1772 = arith.index_cast %add3A_1771 : i32 to index
        %get3A_1773 = arith.constant 96 : index
        %get3A_1774 = tpu.vector_load %arg7[%get3A_1772, %get3A_1773] {strides = array<i32>} : memref<128x128xf32, #tpu.memory_space<vmem>>, vector<1x16xf32>,
        %get3A_1775 = vector.shape_cast %get3A_1774 : vector<1x16xf32> to vector<16xf32>
        %mul3A_1776 = arith.mulf %get3A_1775, %gather3A_1685 : vector<16xf32>
        %add3A_1777 = arith.constant 14 : i32
        %add3A_1778 = arith.addi %add3A_58, %add3A_1777 : i32
        %swap3A_1779 = arith.index_cast %add3A_1778 : i32 to index
        %swap3A_1780 = arith.constant 96 : index
        %swap3A_1781 = tpu.vector_load %arg7[%swap3A_1779, %swap3A_1780] {strides = array<i32>} : memref<128x128xf32, #tpu.memory_space<vmem>>, vector<1x16xf32>,
        %swap3A_1782 = vector.shape_cast %swap3A_1781 : vector<1x16xf32> to vector<16xf32>
        %swap3A_1783 = vector.shape_cast %mul3A_1776 : vector<16xf32> to vector<1x16xf32>
        tpu.vector_store %arg7[%swap3A_1779, %swap3A_1780], %swap3A_1783 {strides = array<i32>} : memref<128x128xf32, #tpu.memory_space<vmem>>, vector<1x16xf32>,
        %add3A_1784 = arith.constant 14 : i32
        %add3A_1785 = arith.addi %add3A_58, %add3A_1784 : i32
        %get3A_1786 = arith.index_cast %add3A_1785 : i32 to index
        %get3A_1787 = arith.constant 112 : index
        %get3A_1788 = tpu.vector_load %arg7[%get3A_1786, %get3A_1787] {strides = array<i32>} : memref<128x128xf32, #tpu.memory_space<vmem>>, vector<1x16xf32>,
        %get3A_1789 = vector.shape_cast %get3A_1788 : vector<1x16xf32> to vector<16xf32>
        %mul3A_1790 = arith.mulf %get3A_1789, %gather3A_1685 : vector<16xf32>
        %add3A_1791 = arith.constant 14 : i32
        %add3A_1792 = arith.addi %add3A_58, %add3A_1791 : i32
        %swap3A_1793 = arith.index_cast %add3A_1792 : i32 to index
        %swap3A_1794 = arith.constant 112 : index
        %swap3A_1795 = tpu.vector_load %arg7[%swap3A_1793, %swap3A_1794] {strides = array<i32>} : memref<128x128xf32, #tpu.memory_space<vmem>>, vector<1x16xf32>,
        %swap3A_1796 = vector.shape_cast %swap3A_1795 : vector<1x16xf32> to vector<16xf32>
        %swap3A_1797 = vector.shape_cast %mul3A_1790 : vector<16xf32> to vector<1x16xf32>
        tpu.vector_store %arg7[%swap3A_1793, %swap3A_1794], %swap3A_1797 {strides = array<i32>} : memref<128x128xf32, #tpu.memory_space<vmem>>, vector<1x16xf32>,
        %broadcast_in_dim3A_1798 = arith.constant 15 : i32
        %broadcast_in_dim3A_1799 = vector.broadcast %broadcast_in_dim3A_1798 : i32 to vector<16x1xi32>
        %gather3A_1800 = vector.shape_cast %broadcast_in_dim3A_1799 : vector<16x1xi32> to vector<16xi32>
        %gather3A_1801 = tpu.dynamic_gather %get3A_60[%gather3A_1800] in [0] : vector<16xf32>, vector<16xi32> -> vector<16xf32>
        %add3A_1802 = arith.constant 15 : i32
        %add3A_1803 = arith.addi %add3A_58, %add3A_1802 : i32
        %get3A_1804 = arith.index_cast %add3A_1803 : i32 to index
        %get3A_1805 = arith.constant 0 : index
        %get3A_1806 = tpu.vector_load %arg7[%get3A_1804, %get3A_1805] {strides = array<i32>} : memref<128x128xf32, #tpu.memory_space<vmem>>, vector<1x16xf32>,
        %get3A_1807 = vector.shape_cast %get3A_1806 : vector<1x16xf32> to vector<16xf32>
        %mul3A_1808 = arith.mulf %get3A_1807, %gather3A_1801 : vector<16xf32>
        %add3A_1809 = arith.constant 15 : i32
        %add3A_1810 = arith.addi %add3A_58, %add3A_1809 : i32
        %swap3A_1811 = arith.index_cast %add3A_1810 : i32 to index
        %swap3A_1812 = arith.constant 0 : index
        %swap3A_1813 = tpu.vector_load %arg7[%swap3A_1811, %swap3A_1812] {strides = array<i32>} : memref<128x128xf32, #tpu.memory_space<vmem>>, vector<1x16xf32>,
        %swap3A_1814 = vector.shape_cast %swap3A_1813 : vector<1x16xf32> to vector<16xf32>
        %swap3A_1815 = vector.shape_cast %mul3A_1808 : vector<16xf32> to vector<1x16xf32>
        tpu.vector_store %arg7[%swap3A_1811, %swap3A_1812], %swap3A_1815 {strides = array<i32>} : memref<128x128xf32, #tpu.memory_space<vmem>>, vector<1x16xf32>,
        %add3A_1816 = arith.constant 15 : i32
        %add3A_1817 = arith.addi %add3A_58, %add3A_1816 : i32
        %get3A_1818 = arith.index_cast %add3A_1817 : i32 to index
        %get3A_1819 = arith.constant 16 : index
        %get3A_1820 = tpu.vector_load %arg7[%get3A_1818, %get3A_1819] {strides = array<i32>} : memref<128x128xf32, #tpu.memory_space<vmem>>, vector<1x16xf32>,
        %get3A_1821 = vector.shape_cast %get3A_1820 : vector<1x16xf32> to vector<16xf32>
        %mul3A_1822 = arith.mulf %get3A_1821, %gather3A_1801 : vector<16xf32>
        %add3A_1823 = arith.constant 15 : i32
        %add3A_1824 = arith.addi %add3A_58, %add3A_1823 : i32
        %swap3A_1825 = arith.index_cast %add3A_1824 : i32 to index
        %swap3A_1826 = arith.constant 16 : index
        %swap3A_1827 = tpu.vector_load %arg7[%swap3A_1825, %swap3A_1826] {strides = array<i32>} : memref<128x128xf32, #tpu.memory_space<vmem>>, vector<1x16xf32>,
        %swap3A_1828 = vector.shape_cast %swap3A_1827 : vector<1x16xf32> to vector<16xf32>
        %swap3A_1829 = vector.shape_cast %mul3A_1822 : vector<16xf32> to vector<1x16xf32>
        tpu.vector_store %arg7[%swap3A_1825, %swap3A_1826], %swap3A_1829 {strides = array<i32>} : memref<128x128xf32, #tpu.memory_space<vmem>>, vector<1x16xf32>,
        %add3A_1830 = arith.constant 15 : i32
        %add3A_1831 = arith.addi %add3A_58, %add3A_1830 : i32
        %get3A_1832 = arith.index_cast %add3A_1831 : i32 to index
        %get3A_1833 = arith.constant 32 : index
        %get3A_1834 = tpu.vector_load %arg7[%get3A_1832, %get3A_1833] {strides = array<i32>} : memref<128x128xf32, #tpu.memory_space<vmem>>, vector<1x16xf32>,
        %get3A_1835 = vector.shape_cast %get3A_1834 : vector<1x16xf32> to vector<16xf32>
        %mul3A_1836 = arith.mulf %get3A_1835, %gather3A_1801 : vector<16xf32>
        %add3A_1837 = arith.constant 15 : i32
        %add3A_1838 = arith.addi %add3A_58, %add3A_1837 : i32
        %swap3A_1839 = arith.index_cast %add3A_1838 : i32 to index
        %swap3A_1840 = arith.constant 32 : index
        %swap3A_1841 = tpu.vector_load %arg7[%swap3A_1839, %swap3A_1840] {strides = array<i32>} : memref<128x128xf32, #tpu.memory_space<vmem>>, vector<1x16xf32>,
        %swap3A_1842 = vector.shape_cast %swap3A_1841 : vector<1x16xf32> to vector<16xf32>
        %swap3A_1843 = vector.shape_cast %mul3A_1836 : vector<16xf32> to vector<1x16xf32>
        tpu.vector_store %arg7[%swap3A_1839, %swap3A_1840], %swap3A_1843 {strides = array<i32>} : memref<128x128xf32, #tpu.memory_space<vmem>>, vector<1x16xf32>,
        %add3A_1844 = arith.constant 15 : i32
        %add3A_1845 = arith.addi %add3A_58, %add3A_1844 : i32
        %get3A_1846 = arith.index_cast %add3A_1845 : i32 to index
        %get3A_1847 = arith.constant 48 : index
        %get3A_1848 = tpu.vector_load %arg7[%get3A_1846, %get3A_1847] {strides = array<i32>} : memref<128x128xf32, #tpu.memory_space<vmem>>, vector<1x16xf32>,
        %get3A_1849 = vector.shape_cast %get3A_1848 : vector<1x16xf32> to vector<16xf32>
        %mul3A_1850 = arith.mulf %get3A_1849, %gather3A_1801 : vector<16xf32>
        %add3A_1851 = arith.constant 15 : i32
        %add3A_1852 = arith.addi %add3A_58, %add3A_1851 : i32
        %swap3A_1853 = arith.index_cast %add3A_1852 : i32 to index
        %swap3A_1854 = arith.constant 48 : index
        %swap3A_1855 = tpu.vector_load %arg7[%swap3A_1853, %swap3A_1854] {strides = array<i32>} : memref<128x128xf32, #tpu.memory_space<vmem>>, vector<1x16xf32>,
        %swap3A_1856 = vector.shape_cast %swap3A_1855 : vector<1x16xf32> to vector<16xf32>
        %swap3A_1857 = vector.shape_cast %mul3A_1850 : vector<16xf32> to vector<1x16xf32>
        tpu.vector_store %arg7[%swap3A_1853, %swap3A_1854], %swap3A_1857 {strides = array<i32>} : memref<128x128xf32, #tpu.memory_space<vmem>>, vector<1x16xf32>,
        %add3A_1858 = arith.constant 15 : i32
        %add3A_1859 = arith.addi %add3A_58, %add3A_1858 : i32
        %get3A_1860 = arith.index_cast %add3A_1859 : i32 to index
        %get3A_1861 = arith.constant 64 : index
        %get3A_1862 = tpu.vector_load %arg7[%get3A_1860, %get3A_1861] {strides = array<i32>} : memref<128x128xf32, #tpu.memory_space<vmem>>, vector<1x16xf32>,
        %get3A_1863 = vector.shape_cast %get3A_1862 : vector<1x16xf32> to vector<16xf32>
        %mul3A_1864 = arith.mulf %get3A_1863, %gather3A_1801 : vector<16xf32>
        %add3A_1865 = arith.constant 15 : i32
        %add3A_1866 = arith.addi %add3A_58, %add3A_1865 : i32
        %swap3A_1867 = arith.index_cast %add3A_1866 : i32 to index
        %swap3A_1868 = arith.constant 64 : index
        %swap3A_1869 = tpu.vector_load %arg7[%swap3A_1867, %swap3A_1868] {strides = array<i32>} : memref<128x128xf32, #tpu.memory_space<vmem>>, vector<1x16xf32>,
        %swap3A_1870 = vector.shape_cast %swap3A_1869 : vector<1x16xf32> to vector<16xf32>
        %swap3A_1871 = vector.shape_cast %mul3A_1864 : vector<16xf32> to vector<1x16xf32>
        tpu.vector_store %arg7[%swap3A_1867, %swap3A_1868], %swap3A_1871 {strides = array<i32>} : memref<128x128xf32, #tpu.memory_space<vmem>>, vector<1x16xf32>,
        %add3A_1872 = arith.constant 15 : i32
        %add3A_1873 = arith.addi %add3A_58, %add3A_1872 : i32
        %get3A_1874 = arith.index_cast %add3A_1873 : i32 to index
        %get3A_1875 = arith.constant 80 : index
        %get3A_1876 = tpu.vector_load %arg7[%get3A_1874, %get3A_1875] {strides = array<i32>} : memref<128x128xf32, #tpu.memory_space<vmem>>, vector<1x16xf32>,
        %get3A_1877 = vector.shape_cast %get3A_1876 : vector<1x16xf32> to vector<16xf32>
        %mul3A_1878 = arith.mulf %get3A_1877, %gather3A_1801 : vector<16xf32>
        %add3A_1879 = arith.constant 15 : i32
        %add3A_1880 = arith.addi %add3A_58, %add3A_1879 : i32
        %swap3A_1881 = arith.index_cast %add3A_1880 : i32 to index
        %swap3A_1882 = arith.constant 80 : index
        %swap3A_1883 = tpu.vector_load %arg7[%swap3A_1881, %swap3A_1882] {strides = array<i32>} : memref<128x128xf32, #tpu.memory_space<vmem>>, vector<1x16xf32>,
        %swap3A_1884 = vector.shape_cast %swap3A_1883 : vector<1x16xf32> to vector<16xf32>
        %swap3A_1885 = vector.shape_cast %mul3A_1878 : vector<16xf32> to vector<1x16xf32>
        tpu.vector_store %arg7[%swap3A_1881, %swap3A_1882], %swap3A_1885 {strides = array<i32>} : memref<128x128xf32, #tpu.memory_space<vmem>>, vector<1x16xf32>,
        %add3A_1886 = arith.constant 15 : i32
        %add3A_1887 = arith.addi %add3A_58, %add3A_1886 : i32
        %get3A_1888 = arith.index_cast %add3A_1887 : i32 to index
        %get3A_1889 = arith.constant 96 : index
        %get3A_1890 = tpu.vector_load %arg7[%get3A_1888, %get3A_1889] {strides = array<i32>} : memref<128x128xf32, #tpu.memory_space<vmem>>, vector<1x16xf32>,
        %get3A_1891 = vector.shape_cast %get3A_1890 : vector<1x16xf32> to vector<16xf32>
        %mul3A_1892 = arith.mulf %get3A_1891, %gather3A_1801 : vector<16xf32>
        %add3A_1893 = arith.constant 15 : i32
        %add3A_1894 = arith.addi %add3A_58, %add3A_1893 : i32
        %swap3A_1895 = arith.index_cast %add3A_1894 : i32 to index
        %swap3A_1896 = arith.constant 96 : index
        %swap3A_1897 = tpu.vector_load %arg7[%swap3A_1895, %swap3A_1896] {strides = array<i32>} : memref<128x128xf32, #tpu.memory_space<vmem>>, vector<1x16xf32>,
        %swap3A_1898 = vector.shape_cast %swap3A_1897 : vector<1x16xf32> to vector<16xf32>
        %swap3A_1899 = vector.shape_cast %mul3A_1892 : vector<16xf32> to vector<1x16xf32>
        tpu.vector_store %arg7[%swap3A_1895, %swap3A_1896], %swap3A_1899 {strides = array<i32>} : memref<128x128xf32, #tpu.memory_space<vmem>>, vector<1x16xf32>,
        %add3A_1900 = arith.constant 15 : i32
        %add3A_1901 = arith.addi %add3A_58, %add3A_1900 : i32
        %get3A_1902 = arith.index_cast %add3A_1901 : i32 to index
        %get3A_1903 = arith.constant 112 : index
        %get3A_1904 = tpu.vector_load %arg7[%get3A_1902, %get3A_1903] {strides = array<i32>} : memref<128x128xf32, #tpu.memory_space<vmem>>, vector<1x16xf32>,
        %get3A_1905 = vector.shape_cast %get3A_1904 : vector<1x16xf32> to vector<16xf32>
        %mul3A_1906 = arith.mulf %get3A_1905, %gather3A_1801 : vector<16xf32>
        %add3A_1907 = arith.constant 15 : i32
        %add3A_1908 = arith.addi %add3A_58, %add3A_1907 : i32
        %swap3A_1909 = arith.index_cast %add3A_1908 : i32 to index
        %swap3A_1910 = arith.constant 112 : index
        %swap3A_1911 = tpu.vector_load %arg7[%swap3A_1909, %swap3A_1910] {strides = array<i32>} : memref<128x128xf32, #tpu.memory_space<vmem>>, vector<1x16xf32>,
        %swap3A_1912 = vector.shape_cast %swap3A_1911 : vector<1x16xf32> to vector<16xf32>
        %swap3A_1913 = vector.shape_cast %mul3A_1906 : vector<16xf32> to vector<1x16xf32>
        tpu.vector_store %arg7[%swap3A_1909, %swap3A_1910], %swap3A_1913 {strides = array<i32>} : memref<128x128xf32, #tpu.memory_space<vmem>>, vector<1x16xf32>,
      }
      %scan3A_53 = arith.constant 8 : i32
      "tpu.region"() ({
        %run_scoped3A = tpu.sem_alloc : memref<!tpu.dma_semaphore, #tpu.memory_space<semaphore_mem>>
        %dma_start3A_54 = arith.constant 0 : i32
        %dma_start3A_55 = arith.constant 0 : i32
        %dma_start3A_56 = tpu.memref_slice %arg11[%dma_start3A_54, %dma_start3A_55] : memref<10240x128xf32, #tpu.memory_space<vmem_shared>> -> memref<10240x128xf32, #tpu.memory_space<vmem_shared>>
        tpu.enqueue_indirect_dma source(%arg7 : memref<128x128xf32, #tpu.memory_space<vmem>>) target(%dma_start3A_56 : memref<10240x128xf32, #tpu.memory_space<vmem_shared>>) offsets(%arg9 : memref<128xi32, #tpu.memory_space<vmem>>) semaphore(%run_scoped3A : memref<!tpu.dma_semaphore, #tpu.memory_space<semaphore_mem>>) {add = true}
        %dma_wait3A_57 = arith.constant 0 : i32
        %dma_wait3A_58 = arith.constant 0 : i32
        %dma_wait3A_59 = tpu.memref_slice %arg11[%dma_wait3A_57, %dma_wait3A_58] : memref<10240x128xf32, #tpu.memory_space<vmem_shared>> -> memref<10240x128xf32, #tpu.memory_space<vmem_shared>>
        tpu.wait_indirect_dma semaphore(%run_scoped3A : memref<!tpu.dma_semaphore, #tpu.memory_space<semaphore_mem>>) src(%arg7 : memref<128x128xf32, #tpu.memory_space<vmem>>) dst(%dma_wait3A_59 : memref<10240x128xf32, #tpu.memory_space<vmem_shared>>)
        tpu.yield
      }) : () -> ()
    }
    %scan3A_31 = arith.constant 79 : i32
    %barrier3A_32 = arith.constant 0 : index
    tpu.barrier barrier_id(%barrier3A_32)
    %mul3A_33 = arith.constant 640 : i32
    %mul3A_34 = arith.muli %arg1, %mul3A_33 : i32
    %mul3A_35 = arith.constant 640 : i32
    %mul3A_36 = arith.muli %arg1, %mul3A_35 : i32
    "tpu.region"() ({
      %run_scoped3A = tpu.sem_alloc : memref<!tpu.dma_semaphore, #tpu.memory_space<semaphore_mem>>
      %dma_start3A = arith.constant 0 : i32
      %dma_start3A_37 = tpu.memref_slice %arg6[%arg0, %mul3A_36, %dma_start3A] : memref<2x10240x128xf32, #tpu.memory_space<hbm>> -> memref<1x640x128xf32, #tpu.memory_space<hbm>>
      %dma_start3A_38 = tpu.memref_squeeze %dma_start3A_37 : memref<1x640x128xf32, #tpu.memory_space<hbm>> -> memref<640x128xf32, #tpu.memory_space<hbm>>
      %dma_start3A_39 = arith.constant 0 : i32
      %dma_start3A_40 = tpu.memref_slice %arg11[%mul3A_34, %dma_start3A_39] : memref<10240x128xf32, #tpu.memory_space<vmem_shared>> -> memref<640x128xf32, #tpu.memory_space<vmem_shared>>
      tpu.enqueue_dma source(%dma_start3A_40 : memref<640x128xf32, #tpu.memory_space<vmem_shared>>) target(%dma_start3A_38 : memref<640x128xf32, #tpu.memory_space<hbm>>) target_semaphore(%run_scoped3A : memref<!tpu.dma_semaphore, #tpu.memory_space<semaphore_mem>>)
      %dma_wait3A = arith.constant 0 : i32
      %dma_wait3A_41 = tpu.memref_slice %arg6[%arg0, %mul3A_36, %dma_wait3A] : memref<2x10240x128xf32, #tpu.memory_space<hbm>> -> memref<1x640x128xf32, #tpu.memory_space<hbm>>
      %dma_wait3A_42 = tpu.memref_squeeze %dma_wait3A_41 : memref<1x640x128xf32, #tpu.memory_space<hbm>> -> memref<640x128xf32, #tpu.memory_space<hbm>>
      %dma_wait3A_43 = arith.constant 0 : i32
      %dma_wait3A_44 = tpu.memref_slice %arg11[%mul3A_34, %dma_wait3A_43] : memref<10240x128xf32, #tpu.memory_space<vmem_shared>> -> memref<640x128xf32, #tpu.memory_space<vmem_shared>>
      tpu.wait_dma2 semaphore(%run_scoped3A : memref<!tpu.dma_semaphore, #tpu.memory_space<semaphore_mem>>) src(%dma_wait3A_44 : memref<640x128xf32, #tpu.memory_space<vmem_shared>>) dst(%dma_wait3A_42 : memref<640x128xf32, #tpu.memory_space<hbm>>)
      tpu.yield
    }) : () -> ()
    return
  }
}

#map = affine_map<(d0, d1) -> (0)>
#map1 = affine_map<(d0, d1) -> (0, 0)>
module attributes {stable_mosaic.version = 14 : i64} {
  func.func @_deg_kernel(%arg0: i32, %arg1: i32, %arg2: memref<323584xi32, #tpu.memory_space<hbm>>, %arg3: memref<323584xf32, #tpu.memory_space<hbm>>, %arg4: memref<2x10240xf32, #tpu.memory_space<hbm>>, %arg5: memref<640xf32, #tpu.memory_space<vmem>>, %arg6: memref<128xi32, #tpu.memory_space<vmem>>, %arg7: memref<128xf32, #tpu.memory_space<vmem>>, %arg8: memref<10240xf32, #tpu.memory_space<vmem_shared>>) attributes {dimension_semantics = [#tpu.dimension_semantics<core_parallel>, #tpu.dimension_semantics<subcore_parallel>], iteration_bounds = array<i64: 2, 16>, scalar_prefetch = 0 : i64, scratch_operands = 4 : i64, tpu.core_type = #tpu.core_type<sc_vector_subcore>, window_params = [{transform_indices = #map}, {transform_indices = #map}, {transform_indices = #map1}]} {
    %mul3A = arith.constant 16 : i32
    %mul3A_0 = arith.muli %arg0, %mul3A : i32
    %add3A = arith.addi %mul3A_0, %arg1 : i32
    %scan3A = arith.constant 0 : i32
    %scan3A_1 = arith.constant 40 : i32
    %scan3A_2 = arith.addi %scan3A, %scan3A_1 : i32
    %scan3A_3 = arith.constant 1 : i32
    scf.for %scan3A_19 = %scan3A to %scan3A_2 step %scan3A_3  : i32 {
      %mul3A_20 = arith.constant 16 : i32
      %mul3A_21 = arith.muli %scan3A_19, %mul3A_20 : i32
      %add3A_22 = arith.constant 0 : i32
      %add3A_23 = arith.addi %add3A_22, %mul3A_21 : i32
      %broadcast_in_dim3A = arith.constant 0.000000e+00 : f32
      %broadcast_in_dim3A_24 = vector.broadcast %broadcast_in_dim3A : f32 to vector<16xf32>
      %swap3A = arith.index_cast %add3A_23 : i32 to index
      %swap3A_25 = tpu.vector_load %arg5[%swap3A] {strides = array<i32>} : memref<640xf32, #tpu.memory_space<vmem>>, vector<16xf32>,
      %swap3A_26 = vector.shape_cast %swap3A_25 : vector<16xf32> to vector<16xf32>
      %swap3A_27 = vector.shape_cast %broadcast_in_dim3A_24 : vector<16xf32> to vector<16xf32>
      tpu.vector_store %arg5[%swap3A], %swap3A_27 {strides = array<i32>} : memref<640xf32, #tpu.memory_space<vmem>>, vector<16xf32>,
    }
    %scan3A_4 = arith.constant 40 : i32
    %mul3A_5 = arith.constant 640 : i32
    %mul3A_6 = arith.muli %arg1, %mul3A_5 : i32
    "tpu.region"() ({
      %run_scoped3A = tpu.sem_alloc : memref<!tpu.dma_semaphore, #tpu.memory_space<semaphore_mem>>
      %dma_start3A = tpu.memref_slice %arg8[%mul3A_6] : memref<10240xf32, #tpu.memory_space<vmem_shared>> -> memref<640xf32, #tpu.memory_space<vmem_shared>>
      %dma_start3A_19 = tpu.memref_slice %arg8[%mul3A_6] : memref<10240xf32, #tpu.memory_space<vmem_shared>> -> memref<640xf32, #tpu.memory_space<vmem_shared>>
      tpu.enqueue_dma source(%arg5 : memref<640xf32, #tpu.memory_space<vmem>>) target(%dma_start3A_19 : memref<640xf32, #tpu.memory_space<vmem_shared>>) target_semaphore(%run_scoped3A : memref<!tpu.dma_semaphore, #tpu.memory_space<semaphore_mem>>)
      %dma_wait3A = tpu.memref_slice %arg8[%mul3A_6] : memref<10240xf32, #tpu.memory_space<vmem_shared>> -> memref<640xf32, #tpu.memory_space<vmem_shared>>
      %dma_wait3A_20 = tpu.memref_slice %arg8[%mul3A_6] : memref<10240xf32, #tpu.memory_space<vmem_shared>> -> memref<640xf32, #tpu.memory_space<vmem_shared>>
      tpu.wait_dma2 semaphore(%run_scoped3A : memref<!tpu.dma_semaphore, #tpu.memory_space<semaphore_mem>>) src(%arg5 : memref<640xf32, #tpu.memory_space<vmem>>) dst(%dma_wait3A_20 : memref<640xf32, #tpu.memory_space<vmem_shared>>)
      tpu.yield
    }) : () -> ()
    %barrier3A = arith.constant 0 : index
    tpu.barrier barrier_id(%barrier3A)
    %mul3A_7 = arith.constant 10112 : i32
    %mul3A_8 = arith.muli %add3A, %mul3A_7 : i32
    %scan3A_9 = arith.constant 0 : i32
    %scan3A_10 = arith.constant 79 : i32
    %scan3A_11 = arith.addi %scan3A_9, %scan3A_10 : i32
    %scan3A_12 = arith.constant 1 : i32
    scf.for %scan3A_19 = %scan3A_9 to %scan3A_11 step %scan3A_12  : i32 {
      %mul3A_20 = arith.constant 1 : i32
      %mul3A_21 = arith.muli %scan3A_19, %mul3A_20 : i32
      %add3A_22 = arith.constant 0 : i32
      %add3A_23 = arith.addi %add3A_22, %mul3A_21 : i32
      %mul3A_24 = arith.constant 128 : i32
      %mul3A_25 = arith.muli %add3A_23, %mul3A_24 : i32
      %add3A_26 = arith.addi %mul3A_8, %mul3A_25 : i32
      "tpu.region"() ({
        %run_scoped3A = tpu.sem_alloc : memref<!tpu.dma_semaphore, #tpu.memory_space<semaphore_mem>>
        %dma_start3A = tpu.memref_slice %arg2[%add3A_26] : memref<323584xi32, #tpu.memory_space<hbm>> -> memref<128xi32, #tpu.memory_space<hbm>>
        %dma_start3A_27 = tpu.memref_slice %arg2[%add3A_26] : memref<323584xi32, #tpu.memory_space<hbm>> -> memref<128xi32, #tpu.memory_space<hbm>>
        tpu.enqueue_dma source(%dma_start3A_27 : memref<128xi32, #tpu.memory_space<hbm>>) target(%arg6 : memref<128xi32, #tpu.memory_space<vmem>>) target_semaphore(%run_scoped3A : memref<!tpu.dma_semaphore, #tpu.memory_space<semaphore_mem>>)
        %dma_wait3A = tpu.memref_slice %arg2[%add3A_26] : memref<323584xi32, #tpu.memory_space<hbm>> -> memref<128xi32, #tpu.memory_space<hbm>>
        %dma_wait3A_28 = tpu.memref_slice %arg2[%add3A_26] : memref<323584xi32, #tpu.memory_space<hbm>> -> memref<128xi32, #tpu.memory_space<hbm>>
        tpu.wait_dma2 semaphore(%run_scoped3A : memref<!tpu.dma_semaphore, #tpu.memory_space<semaphore_mem>>) src(%dma_wait3A_28 : memref<128xi32, #tpu.memory_space<hbm>>) dst(%arg6 : memref<128xi32, #tpu.memory_space<vmem>>)
        tpu.yield
      }) : () -> ()
      "tpu.region"() ({
        %run_scoped3A = tpu.sem_alloc : memref<!tpu.dma_semaphore, #tpu.memory_space<semaphore_mem>>
        %dma_start3A = tpu.memref_slice %arg3[%add3A_26] : memref<323584xf32, #tpu.memory_space<hbm>> -> memref<128xf32, #tpu.memory_space<hbm>>
        %dma_start3A_27 = tpu.memref_slice %arg3[%add3A_26] : memref<323584xf32, #tpu.memory_space<hbm>> -> memref<128xf32, #tpu.memory_space<hbm>>
        tpu.enqueue_dma source(%dma_start3A_27 : memref<128xf32, #tpu.memory_space<hbm>>) target(%arg7 : memref<128xf32, #tpu.memory_space<vmem>>) target_semaphore(%run_scoped3A : memref<!tpu.dma_semaphore, #tpu.memory_space<semaphore_mem>>)
        %dma_wait3A = tpu.memref_slice %arg3[%add3A_26] : memref<323584xf32, #tpu.memory_space<hbm>> -> memref<128xf32, #tpu.memory_space<hbm>>
        %dma_wait3A_28 = tpu.memref_slice %arg3[%add3A_26] : memref<323584xf32, #tpu.memory_space<hbm>> -> memref<128xf32, #tpu.memory_space<hbm>>
        tpu.wait_dma2 semaphore(%run_scoped3A : memref<!tpu.dma_semaphore, #tpu.memory_space<semaphore_mem>>) src(%dma_wait3A_28 : memref<128xf32, #tpu.memory_space<hbm>>) dst(%arg7 : memref<128xf32, #tpu.memory_space<vmem>>)
        tpu.yield
      }) : () -> ()
      "tpu.region"() ({
        %run_scoped3A = tpu.sem_alloc : memref<!tpu.dma_semaphore, #tpu.memory_space<semaphore_mem>>
        %dma_start3A = arith.constant 0 : i32
        %dma_start3A_27 = tpu.memref_slice %arg8[%dma_start3A] : memref<10240xf32, #tpu.memory_space<vmem_shared>> -> memref<10240xf32, #tpu.memory_space<vmem_shared>>
        tpu.enqueue_indirect_dma source(%arg7 : memref<128xf32, #tpu.memory_space<vmem>>) target(%dma_start3A_27 : memref<10240xf32, #tpu.memory_space<vmem_shared>>) offsets(%arg6 : memref<128xi32, #tpu.memory_space<vmem>>) semaphore(%run_scoped3A : memref<!tpu.dma_semaphore, #tpu.memory_space<semaphore_mem>>) {add = true}
        %dma_wait3A = arith.constant 0 : i32
        %dma_wait3A_28 = tpu.memref_slice %arg8[%dma_wait3A] : memref<10240xf32, #tpu.memory_space<vmem_shared>> -> memref<10240xf32, #tpu.memory_space<vmem_shared>>
        tpu.wait_indirect_dma semaphore(%run_scoped3A : memref<!tpu.dma_semaphore, #tpu.memory_space<semaphore_mem>>) src(%arg7 : memref<128xf32, #tpu.memory_space<vmem>>) dst(%dma_wait3A_28 : memref<10240xf32, #tpu.memory_space<vmem_shared>>)
        tpu.yield
      }) : () -> ()
    }
    %scan3A_13 = arith.constant 79 : i32
    %barrier3A_14 = arith.constant 0 : index
    tpu.barrier barrier_id(%barrier3A_14)
    %mul3A_15 = arith.constant 640 : i32
    %mul3A_16 = arith.muli %arg1, %mul3A_15 : i32
    %mul3A_17 = arith.constant 640 : i32
    %mul3A_18 = arith.muli %arg1, %mul3A_17 : i32
    "tpu.region"() ({
      %run_scoped3A = tpu.sem_alloc : memref<!tpu.dma_semaphore, #tpu.memory_space<semaphore_mem>>
      %dma_start3A = tpu.memref_slice %arg4[%arg0, %mul3A_18] : memref<2x10240xf32, #tpu.memory_space<hbm>> -> memref<1x640xf32, #tpu.memory_space<hbm>>
      %dma_start3A_19 = tpu.memref_squeeze %dma_start3A : memref<1x640xf32, #tpu.memory_space<hbm>> -> memref<640xf32, #tpu.memory_space<hbm>>
      %dma_start3A_20 = tpu.memref_slice %arg8[%mul3A_16] : memref<10240xf32, #tpu.memory_space<vmem_shared>> -> memref<640xf32, #tpu.memory_space<vmem_shared>>
      tpu.enqueue_dma source(%dma_start3A_20 : memref<640xf32, #tpu.memory_space<vmem_shared>>) target(%dma_start3A_19 : memref<640xf32, #tpu.memory_space<hbm>>) target_semaphore(%run_scoped3A : memref<!tpu.dma_semaphore, #tpu.memory_space<semaphore_mem>>)
      %dma_wait3A = tpu.memref_slice %arg4[%arg0, %mul3A_18] : memref<2x10240xf32, #tpu.memory_space<hbm>> -> memref<1x640xf32, #tpu.memory_space<hbm>>
      %dma_wait3A_21 = tpu.memref_squeeze %dma_wait3A : memref<1x640xf32, #tpu.memory_space<hbm>> -> memref<640xf32, #tpu.memory_space<hbm>>
      %dma_wait3A_22 = tpu.memref_slice %arg8[%mul3A_16] : memref<10240xf32, #tpu.memory_space<vmem_shared>> -> memref<640xf32, #tpu.memory_space<vmem_shared>>
      tpu.wait_dma2 semaphore(%run_scoped3A : memref<!tpu.dma_semaphore, #tpu.memory_space<semaphore_mem>>) src(%dma_wait3A_22 : memref<640xf32, #tpu.memory_space<vmem_shared>>) dst(%dma_wait3A_21 : memref<640xf32, #tpu.memory_space<hbm>>)
      tpu.yield
    }) : () -> ()
    return
  }
}

#map = affine_map<(d0, d1) -> (0, 0)>
#map1 = affine_map<(d0, d1) -> (0)>
#map2 = affine_map<(d0, d1) -> (0, 0, 0)>
module attributes {stable_mosaic.version = 14 : i64} {
  func.func @_agg_kernel(%arg0: i32, %arg1: i32, %arg2: memref<10000x128xf32, #tpu.memory_space<hbm>>, %arg3: memref<323584xi32, #tpu.memory_space<hbm>>, %arg4: memref<323584xi32, #tpu.memory_space<hbm>>, %arg5: memref<323584xf32, #tpu.memory_space<hbm>>, %arg6: memref<2x10240x128xf32, #tpu.memory_space<hbm>>, %arg7: memref<128x128xf32, #tpu.memory_space<vmem>>, %arg8: memref<128xi32, #tpu.memory_space<vmem>>, %arg9: memref<128xi32, #tpu.memory_space<vmem>>, %arg10: memref<128xf32, #tpu.memory_space<vmem>>, %arg11: memref<10240x128xf32, #tpu.memory_space<vmem_shared>>, %arg12: memref<!tpu.dma_semaphore, #tpu.memory_space<semaphore_mem>>) attributes {dimension_semantics = [#tpu.dimension_semantics<core_parallel>, #tpu.dimension_semantics<subcore_parallel>], iteration_bounds = array<i64: 2, 16>, scalar_prefetch = 0 : i64, scratch_operands = 6 : i64, tpu.core_type = #tpu.core_type<sc_vector_subcore>, window_params = [{transform_indices = #map}, {transform_indices = #map1}, {transform_indices = #map1}, {transform_indices = #map1}, {transform_indices = #map2}]} {
    %mul3A = arith.constant 16 : i32
    %mul3A_0 = arith.muli %arg0, %mul3A : i32
    %add3A = arith.addi %mul3A_0, %arg1 : i32
    %scan3A = arith.constant 0 : i32
    %scan3A_1 = arith.constant 128 : i32
    %scan3A_2 = arith.addi %scan3A, %scan3A_1 : i32
    %scan3A_3 = arith.constant 1 : i32
    scf.for %scan3A_37 = %scan3A to %scan3A_2 step %scan3A_3  : i32 {
      %mul3A_38 = arith.constant 1 : i32
      %mul3A_39 = arith.muli %scan3A_37, %mul3A_38 : i32
      %add3A_40 = arith.constant 0 : i32
      %add3A_41 = arith.addi %add3A_40, %mul3A_39 : i32
      %broadcast_in_dim3A = arith.constant 0.000000e+00 : f32
      %broadcast_in_dim3A_42 = vector.broadcast %broadcast_in_dim3A : f32 to vector<16xf32>
      %swap3A = arith.index_cast %add3A_41 : i32 to index
      %swap3A_43 = arith.constant 0 : index
      %swap3A_44 = tpu.vector_load %arg7[%swap3A, %swap3A_43] {strides = array<i32>} : memref<128x128xf32, #tpu.memory_space<vmem>>, vector<1x16xf32>,
      %swap3A_45 = vector.shape_cast %swap3A_44 : vector<1x16xf32> to vector<16xf32>
      %swap3A_46 = vector.shape_cast %broadcast_in_dim3A_42 : vector<16xf32> to vector<1x16xf32>
      tpu.vector_store %arg7[%swap3A, %swap3A_43], %swap3A_46 {strides = array<i32>} : memref<128x128xf32, #tpu.memory_space<vmem>>, vector<1x16xf32>,
      %broadcast_in_dim3A_47 = arith.constant 0.000000e+00 : f32
      %broadcast_in_dim3A_48 = vector.broadcast %broadcast_in_dim3A_47 : f32 to vector<16xf32>
      %swap3A_49 = arith.index_cast %add3A_41 : i32 to index
      %swap3A_50 = arith.constant 16 : index
      %swap3A_51 = tpu.vector_load %arg7[%swap3A_49, %swap3A_50] {strides = array<i32>} : memref<128x128xf32, #tpu.memory_space<vmem>>, vector<1x16xf32>,
      %swap3A_52 = vector.shape_cast %swap3A_51 : vector<1x16xf32> to vector<16xf32>
      %swap3A_53 = vector.shape_cast %broadcast_in_dim3A_48 : vector<16xf32> to vector<1x16xf32>
      tpu.vector_store %arg7[%swap3A_49, %swap3A_50], %swap3A_53 {strides = array<i32>} : memref<128x128xf32, #tpu.memory_space<vmem>>, vector<1x16xf32>,
      %broadcast_in_dim3A_54 = arith.constant 0.000000e+00 : f32
      %broadcast_in_dim3A_55 = vector.broadcast %broadcast_in_dim3A_54 : f32 to vector<16xf32>
      %swap3A_56 = arith.index_cast %add3A_41 : i32 to index
      %swap3A_57 = arith.constant 32 : index
      %swap3A_58 = tpu.vector_load %arg7[%swap3A_56, %swap3A_57] {strides = array<i32>} : memref<128x128xf32, #tpu.memory_space<vmem>>, vector<1x16xf32>,
      %swap3A_59 = vector.shape_cast %swap3A_58 : vector<1x16xf32> to vector<16xf32>
      %swap3A_60 = vector.shape_cast %broadcast_in_dim3A_55 : vector<16xf32> to vector<1x16xf32>
      tpu.vector_store %arg7[%swap3A_56, %swap3A_57], %swap3A_60 {strides = array<i32>} : memref<128x128xf32, #tpu.memory_space<vmem>>, vector<1x16xf32>,
      %broadcast_in_dim3A_61 = arith.constant 0.000000e+00 : f32
      %broadcast_in_dim3A_62 = vector.broadcast %broadcast_in_dim3A_61 : f32 to vector<16xf32>
      %swap3A_63 = arith.index_cast %add3A_41 : i32 to index
      %swap3A_64 = arith.constant 48 : index
      %swap3A_65 = tpu.vector_load %arg7[%swap3A_63, %swap3A_64] {strides = array<i32>} : memref<128x128xf32, #tpu.memory_space<vmem>>, vector<1x16xf32>,
      %swap3A_66 = vector.shape_cast %swap3A_65 : vector<1x16xf32> to vector<16xf32>
      %swap3A_67 = vector.shape_cast %broadcast_in_dim3A_62 : vector<16xf32> to vector<1x16xf32>
      tpu.vector_store %arg7[%swap3A_63, %swap3A_64], %swap3A_67 {strides = array<i32>} : memref<128x128xf32, #tpu.memory_space<vmem>>, vector<1x16xf32>,
      %broadcast_in_dim3A_68 = arith.constant 0.000000e+00 : f32
      %broadcast_in_dim3A_69 = vector.broadcast %broadcast_in_dim3A_68 : f32 to vector<16xf32>
      %swap3A_70 = arith.index_cast %add3A_41 : i32 to index
      %swap3A_71 = arith.constant 64 : index
      %swap3A_72 = tpu.vector_load %arg7[%swap3A_70, %swap3A_71] {strides = array<i32>} : memref<128x128xf32, #tpu.memory_space<vmem>>, vector<1x16xf32>,
      %swap3A_73 = vector.shape_cast %swap3A_72 : vector<1x16xf32> to vector<16xf32>
      %swap3A_74 = vector.shape_cast %broadcast_in_dim3A_69 : vector<16xf32> to vector<1x16xf32>
      tpu.vector_store %arg7[%swap3A_70, %swap3A_71], %swap3A_74 {strides = array<i32>} : memref<128x128xf32, #tpu.memory_space<vmem>>, vector<1x16xf32>,
      %broadcast_in_dim3A_75 = arith.constant 0.000000e+00 : f32
      %broadcast_in_dim3A_76 = vector.broadcast %broadcast_in_dim3A_75 : f32 to vector<16xf32>
      %swap3A_77 = arith.index_cast %add3A_41 : i32 to index
      %swap3A_78 = arith.constant 80 : index
      %swap3A_79 = tpu.vector_load %arg7[%swap3A_77, %swap3A_78] {strides = array<i32>} : memref<128x128xf32, #tpu.memory_space<vmem>>, vector<1x16xf32>,
      %swap3A_80 = vector.shape_cast %swap3A_79 : vector<1x16xf32> to vector<16xf32>
      %swap3A_81 = vector.shape_cast %broadcast_in_dim3A_76 : vector<16xf32> to vector<1x16xf32>
      tpu.vector_store %arg7[%swap3A_77, %swap3A_78], %swap3A_81 {strides = array<i32>} : memref<128x128xf32, #tpu.memory_space<vmem>>, vector<1x16xf32>,
      %broadcast_in_dim3A_82 = arith.constant 0.000000e+00 : f32
      %broadcast_in_dim3A_83 = vector.broadcast %broadcast_in_dim3A_82 : f32 to vector<16xf32>
      %swap3A_84 = arith.index_cast %add3A_41 : i32 to index
      %swap3A_85 = arith.constant 96 : index
      %swap3A_86 = tpu.vector_load %arg7[%swap3A_84, %swap3A_85] {strides = array<i32>} : memref<128x128xf32, #tpu.memory_space<vmem>>, vector<1x16xf32>,
      %swap3A_87 = vector.shape_cast %swap3A_86 : vector<1x16xf32> to vector<16xf32>
      %swap3A_88 = vector.shape_cast %broadcast_in_dim3A_83 : vector<16xf32> to vector<1x16xf32>
      tpu.vector_store %arg7[%swap3A_84, %swap3A_85], %swap3A_88 {strides = array<i32>} : memref<128x128xf32, #tpu.memory_space<vmem>>, vector<1x16xf32>,
      %broadcast_in_dim3A_89 = arith.constant 0.000000e+00 : f32
      %broadcast_in_dim3A_90 = vector.broadcast %broadcast_in_dim3A_89 : f32 to vector<16xf32>
      %swap3A_91 = arith.index_cast %add3A_41 : i32 to index
      %swap3A_92 = arith.constant 112 : index
      %swap3A_93 = tpu.vector_load %arg7[%swap3A_91, %swap3A_92] {strides = array<i32>} : memref<128x128xf32, #tpu.memory_space<vmem>>, vector<1x16xf32>,
      %swap3A_94 = vector.shape_cast %swap3A_93 : vector<1x16xf32> to vector<16xf32>
      %swap3A_95 = vector.shape_cast %broadcast_in_dim3A_90 : vector<16xf32> to vector<1x16xf32>
      tpu.vector_store %arg7[%swap3A_91, %swap3A_92], %swap3A_95 {strides = array<i32>} : memref<128x128xf32, #tpu.memory_space<vmem>>, vector<1x16xf32>,
    }
    %scan3A_4 = arith.constant 128 : i32
    %mul3A_5 = arith.constant 640 : i32
    %mul3A_6 = arith.muli %arg1, %mul3A_5 : i32
    %add3A_7 = arith.constant 0 : i32
    %add3A_8 = arith.addi %mul3A_6, %add3A_7 : i32
    "tpu.region"() ({
      %run_scoped3A = tpu.sem_alloc : memref<!tpu.dma_semaphore, #tpu.memory_space<semaphore_mem>>
      %dma_start3A = arith.constant 0 : i32
      %dma_start3A_37 = tpu.memref_slice %arg11[%add3A_8, %dma_start3A] : memref<10240x128xf32, #tpu.memory_space<vmem_shared>> -> memref<128x128xf32, #tpu.memory_space<vmem_shared>>
      %dma_start3A_38 = arith.constant 0 : i32
      %dma_start3A_39 = tpu.memref_slice %arg11[%add3A_8, %dma_start3A_38] : memref<10240x128xf32, #tpu.memory_space<vmem_shared>> -> memref<128x128xf32, #tpu.memory_space<vmem_shared>>
      tpu.enqueue_dma source(%arg7 : memref<128x128xf32, #tpu.memory_space<vmem>>) target(%dma_start3A_39 : memref<128x128xf32, #tpu.memory_space<vmem_shared>>) target_semaphore(%run_scoped3A : memref<!tpu.dma_semaphore, #tpu.memory_space<semaphore_mem>>)
      %dma_wait3A = arith.constant 0 : i32
      %dma_wait3A_40 = tpu.memref_slice %arg11[%add3A_8, %dma_wait3A] : memref<10240x128xf32, #tpu.memory_space<vmem_shared>> -> memref<128x128xf32, #tpu.memory_space<vmem_shared>>
      %dma_wait3A_41 = arith.constant 0 : i32
      %dma_wait3A_42 = tpu.memref_slice %arg11[%add3A_8, %dma_wait3A_41] : memref<10240x128xf32, #tpu.memory_space<vmem_shared>> -> memref<128x128xf32, #tpu.memory_space<vmem_shared>>
      tpu.wait_dma2 semaphore(%run_scoped3A : memref<!tpu.dma_semaphore, #tpu.memory_space<semaphore_mem>>) src(%arg7 : memref<128x128xf32, #tpu.memory_space<vmem>>) dst(%dma_wait3A_42 : memref<128x128xf32, #tpu.memory_space<vmem_shared>>)
      tpu.yield
    }) : () -> ()
    %mul3A_9 = arith.constant 640 : i32
    %mul3A_10 = arith.muli %arg1, %mul3A_9 : i32
    %add3A_11 = arith.constant 128 : i32
    %add3A_12 = arith.addi %mul3A_10, %add3A_11 : i32
    "tpu.region"() ({
      %run_scoped3A = tpu.sem_alloc : memref<!tpu.dma_semaphore, #tpu.memory_space<semaphore_mem>>
      %dma_start3A = arith.constant 0 : i32
      %dma_start3A_37 = tpu.memref_slice %arg11[%add3A_12, %dma_start3A] : memref<10240x128xf32, #tpu.memory_space<vmem_shared>> -> memref<128x128xf32, #tpu.memory_space<vmem_shared>>
      %dma_start3A_38 = arith.constant 0 : i32
      %dma_start3A_39 = tpu.memref_slice %arg11[%add3A_12, %dma_start3A_38] : memref<10240x128xf32, #tpu.memory_space<vmem_shared>> -> memref<128x128xf32, #tpu.memory_space<vmem_shared>>
      tpu.enqueue_dma source(%arg7 : memref<128x128xf32, #tpu.memory_space<vmem>>) target(%dma_start3A_39 : memref<128x128xf32, #tpu.memory_space<vmem_shared>>) target_semaphore(%run_scoped3A : memref<!tpu.dma_semaphore, #tpu.memory_space<semaphore_mem>>)
      %dma_wait3A = arith.constant 0 : i32
      %dma_wait3A_40 = tpu.memref_slice %arg11[%add3A_12, %dma_wait3A] : memref<10240x128xf32, #tpu.memory_space<vmem_shared>> -> memref<128x128xf32, #tpu.memory_space<vmem_shared>>
      %dma_wait3A_41 = arith.constant 0 : i32
      %dma_wait3A_42 = tpu.memref_slice %arg11[%add3A_12, %dma_wait3A_41] : memref<10240x128xf32, #tpu.memory_space<vmem_shared>> -> memref<128x128xf32, #tpu.memory_space<vmem_shared>>
      tpu.wait_dma2 semaphore(%run_scoped3A : memref<!tpu.dma_semaphore, #tpu.memory_space<semaphore_mem>>) src(%arg7 : memref<128x128xf32, #tpu.memory_space<vmem>>) dst(%dma_wait3A_42 : memref<128x128xf32, #tpu.memory_space<vmem_shared>>)
      tpu.yield
    }) : () -> ()
    %mul3A_13 = arith.constant 640 : i32
    %mul3A_14 = arith.muli %arg1, %mul3A_13 : i32
    %add3A_15 = arith.constant 256 : i32
    %add3A_16 = arith.addi %mul3A_14, %add3A_15 : i32
    "tpu.region"() ({
      %run_scoped3A = tpu.sem_alloc : memref<!tpu.dma_semaphore, #tpu.memory_space<semaphore_mem>>
      %dma_start3A = arith.constant 0 : i32
      %dma_start3A_37 = tpu.memref_slice %arg11[%add3A_16, %dma_start3A] : memref<10240x128xf32, #tpu.memory_space<vmem_shared>> -> memref<128x128xf32, #tpu.memory_space<vmem_shared>>
      %dma_start3A_38 = arith.constant 0 : i32
      %dma_start3A_39 = tpu.memref_slice %arg11[%add3A_16, %dma_start3A_38] : memref<10240x128xf32, #tpu.memory_space<vmem_shared>> -> memref<128x128xf32, #tpu.memory_space<vmem_shared>>
      tpu.enqueue_dma source(%arg7 : memref<128x128xf32, #tpu.memory_space<vmem>>) target(%dma_start3A_39 : memref<128x128xf32, #tpu.memory_space<vmem_shared>>) target_semaphore(%run_scoped3A : memref<!tpu.dma_semaphore, #tpu.memory_space<semaphore_mem>>)
      %dma_wait3A = arith.constant 0 : i32
      %dma_wait3A_40 = tpu.memref_slice %arg11[%add3A_16, %dma_wait3A] : memref<10240x128xf32, #tpu.memory_space<vmem_shared>> -> memref<128x128xf32, #tpu.memory_space<vmem_shared>>
      %dma_wait3A_41 = arith.constant 0 : i32
      %dma_wait3A_42 = tpu.memref_slice %arg11[%add3A_16, %dma_wait3A_41] : memref<10240x128xf32, #tpu.memory_space<vmem_shared>> -> memref<128x128xf32, #tpu.memory_space<vmem_shared>>
      tpu.wait_dma2 semaphore(%run_scoped3A : memref<!tpu.dma_semaphore, #tpu.memory_space<semaphore_mem>>) src(%arg7 : memref<128x128xf32, #tpu.memory_space<vmem>>) dst(%dma_wait3A_42 : memref<128x128xf32, #tpu.memory_space<vmem_shared>>)
      tpu.yield
    }) : () -> ()
    %mul3A_17 = arith.constant 640 : i32
    %mul3A_18 = arith.muli %arg1, %mul3A_17 : i32
    %add3A_19 = arith.constant 384 : i32
    %add3A_20 = arith.addi %mul3A_18, %add3A_19 : i32
    "tpu.region"() ({
      %run_scoped3A = tpu.sem_alloc : memref<!tpu.dma_semaphore, #tpu.memory_space<semaphore_mem>>
      %dma_start3A = arith.constant 0 : i32
      %dma_start3A_37 = tpu.memref_slice %arg11[%add3A_20, %dma_start3A] : memref<10240x128xf32, #tpu.memory_space<vmem_shared>> -> memref<128x128xf32, #tpu.memory_space<vmem_shared>>
      %dma_start3A_38 = arith.constant 0 : i32
      %dma_start3A_39 = tpu.memref_slice %arg11[%add3A_20, %dma_start3A_38] : memref<10240x128xf32, #tpu.memory_space<vmem_shared>> -> memref<128x128xf32, #tpu.memory_space<vmem_shared>>
      tpu.enqueue_dma source(%arg7 : memref<128x128xf32, #tpu.memory_space<vmem>>) target(%dma_start3A_39 : memref<128x128xf32, #tpu.memory_space<vmem_shared>>) target_semaphore(%run_scoped3A : memref<!tpu.dma_semaphore, #tpu.memory_space<semaphore_mem>>)
      %dma_wait3A = arith.constant 0 : i32
      %dma_wait3A_40 = tpu.memref_slice %arg11[%add3A_20, %dma_wait3A] : memref<10240x128xf32, #tpu.memory_space<vmem_shared>> -> memref<128x128xf32, #tpu.memory_space<vmem_shared>>
      %dma_wait3A_41 = arith.constant 0 : i32
      %dma_wait3A_42 = tpu.memref_slice %arg11[%add3A_20, %dma_wait3A_41] : memref<10240x128xf32, #tpu.memory_space<vmem_shared>> -> memref<128x128xf32, #tpu.memory_space<vmem_shared>>
      tpu.wait_dma2 semaphore(%run_scoped3A : memref<!tpu.dma_semaphore, #tpu.memory_space<semaphore_mem>>) src(%arg7 : memref<128x128xf32, #tpu.memory_space<vmem>>) dst(%dma_wait3A_42 : memref<128x128xf32, #tpu.memory_space<vmem_shared>>)
      tpu.yield
    }) : () -> ()
    %mul3A_21 = arith.constant 640 : i32
    %mul3A_22 = arith.muli %arg1, %mul3A_21 : i32
    %add3A_23 = arith.constant 512 : i32
    %add3A_24 = arith.addi %mul3A_22, %add3A_23 : i32
    "tpu.region"() ({
      %run_scoped3A = tpu.sem_alloc : memref<!tpu.dma_semaphore, #tpu.memory_space<semaphore_mem>>
      %dma_start3A = arith.constant 0 : i32
      %dma_start3A_37 = tpu.memref_slice %arg11[%add3A_24, %dma_start3A] : memref<10240x128xf32, #tpu.memory_space<vmem_shared>> -> memref<128x128xf32, #tpu.memory_space<vmem_shared>>
      %dma_start3A_38 = arith.constant 0 : i32
      %dma_start3A_39 = tpu.memref_slice %arg11[%add3A_24, %dma_start3A_38] : memref<10240x128xf32, #tpu.memory_space<vmem_shared>> -> memref<128x128xf32, #tpu.memory_space<vmem_shared>>
      tpu.enqueue_dma source(%arg7 : memref<128x128xf32, #tpu.memory_space<vmem>>) target(%dma_start3A_39 : memref<128x128xf32, #tpu.memory_space<vmem_shared>>) target_semaphore(%run_scoped3A : memref<!tpu.dma_semaphore, #tpu.memory_space<semaphore_mem>>)
      %dma_wait3A = arith.constant 0 : i32
      %dma_wait3A_40 = tpu.memref_slice %arg11[%add3A_24, %dma_wait3A] : memref<10240x128xf32, #tpu.memory_space<vmem_shared>> -> memref<128x128xf32, #tpu.memory_space<vmem_shared>>
      %dma_wait3A_41 = arith.constant 0 : i32
      %dma_wait3A_42 = tpu.memref_slice %arg11[%add3A_24, %dma_wait3A_41] : memref<10240x128xf32, #tpu.memory_space<vmem_shared>> -> memref<128x128xf32, #tpu.memory_space<vmem_shared>>
      tpu.wait_dma2 semaphore(%run_scoped3A : memref<!tpu.dma_semaphore, #tpu.memory_space<semaphore_mem>>) src(%arg7 : memref<128x128xf32, #tpu.memory_space<vmem>>) dst(%dma_wait3A_42 : memref<128x128xf32, #tpu.memory_space<vmem_shared>>)
      tpu.yield
    }) : () -> ()
    %barrier3A = arith.constant 0 : index
    tpu.barrier barrier_id(%barrier3A)
    %mul3A_25 = arith.constant 10112 : i32
    %mul3A_26 = arith.muli %add3A, %mul3A_25 : i32
    %scan3A_27 = arith.constant 0 : i32
    %scan3A_28 = arith.constant 79 : i32
    %scan3A_29 = arith.addi %scan3A_27, %scan3A_28 : i32
    %scan3A_30 = arith.constant 1 : i32
    scf.for %scan3A_37 = %scan3A_27 to %scan3A_29 step %scan3A_30  : i32 {
      %mul3A_38 = arith.constant 1 : i32
      %mul3A_39 = arith.muli %scan3A_37, %mul3A_38 : i32
      %add3A_40 = arith.constant 0 : i32
      %add3A_41 = arith.addi %add3A_40, %mul3A_39 : i32
      %mul3A_42 = arith.constant 128 : i32
      %mul3A_43 = arith.muli %add3A_41, %mul3A_42 : i32
      %add3A_44 = arith.addi %mul3A_26, %mul3A_43 : i32
      "tpu.region"() ({
        %run_scoped3A = tpu.sem_alloc : memref<!tpu.dma_semaphore, #tpu.memory_space<semaphore_mem>>
        %dma_start3A_54 = tpu.memref_slice %arg3[%add3A_44] : memref<323584xi32, #tpu.memory_space<hbm>> -> memref<128xi32, #tpu.memory_space<hbm>>
        %dma_start3A_55 = tpu.memref_slice %arg3[%add3A_44] : memref<323584xi32, #tpu.memory_space<hbm>> -> memref<128xi32, #tpu.memory_space<hbm>>
        tpu.enqueue_dma source(%dma_start3A_55 : memref<128xi32, #tpu.memory_space<hbm>>) target(%arg8 : memref<128xi32, #tpu.memory_space<vmem>>) target_semaphore(%run_scoped3A : memref<!tpu.dma_semaphore, #tpu.memory_space<semaphore_mem>>)
        %dma_wait3A_56 = tpu.memref_slice %arg3[%add3A_44] : memref<323584xi32, #tpu.memory_space<hbm>> -> memref<128xi32, #tpu.memory_space<hbm>>
        %dma_wait3A_57 = tpu.memref_slice %arg3[%add3A_44] : memref<323584xi32, #tpu.memory_space<hbm>> -> memref<128xi32, #tpu.memory_space<hbm>>
        tpu.wait_dma2 semaphore(%run_scoped3A : memref<!tpu.dma_semaphore, #tpu.memory_space<semaphore_mem>>) src(%dma_wait3A_57 : memref<128xi32, #tpu.memory_space<hbm>>) dst(%arg8 : memref<128xi32, #tpu.memory_space<vmem>>)
        tpu.yield
      }) : () -> ()
      "tpu.region"() ({
        %run_scoped3A = tpu.sem_alloc : memref<!tpu.dma_semaphore, #tpu.memory_space<semaphore_mem>>
        %dma_start3A_54 = tpu.memref_slice %arg4[%add3A_44] : memref<323584xi32, #tpu.memory_space<hbm>> -> memref<128xi32, #tpu.memory_space<hbm>>
        %dma_start3A_55 = tpu.memref_slice %arg4[%add3A_44] : memref<323584xi32, #tpu.memory_space<hbm>> -> memref<128xi32, #tpu.memory_space<hbm>>
        tpu.enqueue_dma source(%dma_start3A_55 : memref<128xi32, #tpu.memory_space<hbm>>) target(%arg9 : memref<128xi32, #tpu.memory_space<vmem>>) target_semaphore(%run_scoped3A : memref<!tpu.dma_semaphore, #tpu.memory_space<semaphore_mem>>)
        %dma_wait3A_56 = tpu.memref_slice %arg4[%add3A_44] : memref<323584xi32, #tpu.memory_space<hbm>> -> memref<128xi32, #tpu.memory_space<hbm>>
        %dma_wait3A_57 = tpu.memref_slice %arg4[%add3A_44] : memref<323584xi32, #tpu.memory_space<hbm>> -> memref<128xi32, #tpu.memory_space<hbm>>
        tpu.wait_dma2 semaphore(%run_scoped3A : memref<!tpu.dma_semaphore, #tpu.memory_space<semaphore_mem>>) src(%dma_wait3A_57 : memref<128xi32, #tpu.memory_space<hbm>>) dst(%arg9 : memref<128xi32, #tpu.memory_space<vmem>>)
        tpu.yield
      }) : () -> ()
      "tpu.region"() ({
        %run_scoped3A = tpu.sem_alloc : memref<!tpu.dma_semaphore, #tpu.memory_space<semaphore_mem>>
        %dma_start3A_54 = tpu.memref_slice %arg5[%add3A_44] : memref<323584xf32, #tpu.memory_space<hbm>> -> memref<128xf32, #tpu.memory_space<hbm>>
        %dma_start3A_55 = tpu.memref_slice %arg5[%add3A_44] : memref<323584xf32, #tpu.memory_space<hbm>> -> memref<128xf32, #tpu.memory_space<hbm>>
        tpu.enqueue_dma source(%dma_start3A_55 : memref<128xf32, #tpu.memory_space<hbm>>) target(%arg10 : memref<128xf32, #tpu.memory_space<vmem>>) target_semaphore(%run_scoped3A : memref<!tpu.dma_semaphore, #tpu.memory_space<semaphore_mem>>)
        %dma_wait3A_56 = tpu.memref_slice %arg5[%add3A_44] : memref<323584xf32, #tpu.memory_space<hbm>> -> memref<128xf32, #tpu.memory_space<hbm>>
        %dma_wait3A_57 = tpu.memref_slice %arg5[%add3A_44] : memref<323584xf32, #tpu.memory_space<hbm>> -> memref<128xf32, #tpu.memory_space<hbm>>
        tpu.wait_dma2 semaphore(%run_scoped3A : memref<!tpu.dma_semaphore, #tpu.memory_space<semaphore_mem>>) src(%dma_wait3A_57 : memref<128xf32, #tpu.memory_space<hbm>>) dst(%arg10 : memref<128xf32, #tpu.memory_space<vmem>>)
        tpu.yield
      }) : () -> ()
      %dma_start3A = arith.constant 0 : i32
      %dma_start3A_45 = arith.constant 0 : i32
      %dma_start3A_46 = tpu.memref_slice %arg2[%dma_start3A, %dma_start3A_45] : memref<10000x128xf32, #tpu.memory_space<hbm>> -> memref<10000x128xf32, #tpu.memory_space<hbm>>
      tpu.enqueue_indirect_dma source(%dma_start3A_46 : memref<10000x128xf32, #tpu.memory_space<hbm>>) target(%arg7 : memref<128x128xf32, #tpu.memory_space<vmem>>) offsets(%arg8 : memref<128xi32, #tpu.memory_space<vmem>>) semaphore(%arg12 : memref<!tpu.dma_semaphore, #tpu.memory_space<semaphore_mem>>)
      %dma_wait3A = arith.constant 0 : i32
      %dma_wait3A_47 = arith.constant 0 : i32
      %dma_wait3A_48 = tpu.memref_slice %arg2[%dma_wait3A, %dma_wait3A_47] : memref<10000x128xf32, #tpu.memory_space<hbm>> -> memref<10000x128xf32, #tpu.memory_space<hbm>>
      tpu.wait_indirect_dma semaphore(%arg12 : memref<!tpu.dma_semaphore, #tpu.memory_space<semaphore_mem>>) src(%dma_wait3A_48 : memref<10000x128xf32, #tpu.memory_space<hbm>>) dst(%arg7 : memref<128x128xf32, #tpu.memory_space<vmem>>)
      %scan3A_49 = arith.constant 0 : i32
      %scan3A_50 = arith.constant 8 : i32
      %scan3A_51 = arith.addi %scan3A_49, %scan3A_50 : i32
      %scan3A_52 = arith.constant 1 : i32
      scf.for %scan3A_54 = %scan3A_49 to %scan3A_51 step %scan3A_52  : i32 {
        %mul3A_55 = arith.constant 16 : i32
        %mul3A_56 = arith.muli %scan3A_54, %mul3A_55 : i32
        %add3A_57 = arith.constant 0 : i32
        %add3A_58 = arith.addi %add3A_57, %mul3A_56 : i32
        %get3A = arith.index_cast %add3A_58 : i32 to index
        %get3A_59 = tpu.vector_load %arg10[%get3A] {strides = array<i32>} : memref<128xf32, #tpu.memory_space<vmem>>, vector<16xf32>,
        %get3A_60 = vector.shape_cast %get3A_59 : vector<16xf32> to vector<16xf32>
        %broadcast_in_dim3A = arith.constant 0 : i32
        %broadcast_in_dim3A_61 = vector.broadcast %broadcast_in_dim3A : i32 to vector<16x1xi32>
        %gather3A = vector.shape_cast %broadcast_in_dim3A_61 : vector<16x1xi32> to vector<16xi32>
        %gather3A_62 = tpu.dynamic_gather %get3A_60[%gather3A] in [0] : vector<16xf32>, vector<16xi32> -> vector<16xf32>
        %add3A_63 = arith.constant 0 : i32
        %add3A_64 = arith.addi %add3A_58, %add3A_63 : i32
        %get3A_65 = arith.index_cast %add3A_64 : i32 to index
        %get3A_66 = arith.constant 0 : index
        %get3A_67 = tpu.vector_load %arg7[%get3A_65, %get3A_66] {strides = array<i32>} : memref<128x128xf32, #tpu.memory_space<vmem>>, vector<1x16xf32>,
        %get3A_68 = vector.shape_cast %get3A_67 : vector<1x16xf32> to vector<16xf32>
        %mul3A_69 = arith.mulf %get3A_68, %gather3A_62 : vector<16xf32>
        %add3A_70 = arith.constant 0 : i32
        %add3A_71 = arith.addi %add3A_58, %add3A_70 : i32
        %swap3A = arith.index_cast %add3A_71 : i32 to index
        %swap3A_72 = arith.constant 0 : index
        %swap3A_73 = tpu.vector_load %arg7[%swap3A, %swap3A_72] {strides = array<i32>} : memref<128x128xf32, #tpu.memory_space<vmem>>, vector<1x16xf32>,
        %swap3A_74 = vector.shape_cast %swap3A_73 : vector<1x16xf32> to vector<16xf32>
        %swap3A_75 = vector.shape_cast %mul3A_69 : vector<16xf32> to vector<1x16xf32>
        tpu.vector_store %arg7[%swap3A, %swap3A_72], %swap3A_75 {strides = array<i32>} : memref<128x128xf32, #tpu.memory_space<vmem>>, vector<1x16xf32>,
        %add3A_76 = arith.constant 0 : i32
        %add3A_77 = arith.addi %add3A_58, %add3A_76 : i32
        %get3A_78 = arith.index_cast %add3A_77 : i32 to index
        %get3A_79 = arith.constant 16 : index
        %get3A_80 = tpu.vector_load %arg7[%get3A_78, %get3A_79] {strides = array<i32>} : memref<128x128xf32, #tpu.memory_space<vmem>>, vector<1x16xf32>,
        %get3A_81 = vector.shape_cast %get3A_80 : vector<1x16xf32> to vector<16xf32>
        %mul3A_82 = arith.mulf %get3A_81, %gather3A_62 : vector<16xf32>
        %add3A_83 = arith.constant 0 : i32
        %add3A_84 = arith.addi %add3A_58, %add3A_83 : i32
        %swap3A_85 = arith.index_cast %add3A_84 : i32 to index
        %swap3A_86 = arith.constant 16 : index
        %swap3A_87 = tpu.vector_load %arg7[%swap3A_85, %swap3A_86] {strides = array<i32>} : memref<128x128xf32, #tpu.memory_space<vmem>>, vector<1x16xf32>,
        %swap3A_88 = vector.shape_cast %swap3A_87 : vector<1x16xf32> to vector<16xf32>
        %swap3A_89 = vector.shape_cast %mul3A_82 : vector<16xf32> to vector<1x16xf32>
        tpu.vector_store %arg7[%swap3A_85, %swap3A_86], %swap3A_89 {strides = array<i32>} : memref<128x128xf32, #tpu.memory_space<vmem>>, vector<1x16xf32>,
        %add3A_90 = arith.constant 0 : i32
        %add3A_91 = arith.addi %add3A_58, %add3A_90 : i32
        %get3A_92 = arith.index_cast %add3A_91 : i32 to index
        %get3A_93 = arith.constant 32 : index
        %get3A_94 = tpu.vector_load %arg7[%get3A_92, %get3A_93] {strides = array<i32>} : memref<128x128xf32, #tpu.memory_space<vmem>>, vector<1x16xf32>,
        %get3A_95 = vector.shape_cast %get3A_94 : vector<1x16xf32> to vector<16xf32>
        %mul3A_96 = arith.mulf %get3A_95, %gather3A_62 : vector<16xf32>
        %add3A_97 = arith.constant 0 : i32
        %add3A_98 = arith.addi %add3A_58, %add3A_97 : i32
        %swap3A_99 = arith.index_cast %add3A_98 : i32 to index
        %swap3A_100 = arith.constant 32 : index
        %swap3A_101 = tpu.vector_load %arg7[%swap3A_99, %swap3A_100] {strides = array<i32>} : memref<128x128xf32, #tpu.memory_space<vmem>>, vector<1x16xf32>,
        %swap3A_102 = vector.shape_cast %swap3A_101 : vector<1x16xf32> to vector<16xf32>
        %swap3A_103 = vector.shape_cast %mul3A_96 : vector<16xf32> to vector<1x16xf32>
        tpu.vector_store %arg7[%swap3A_99, %swap3A_100], %swap3A_103 {strides = array<i32>} : memref<128x128xf32, #tpu.memory_space<vmem>>, vector<1x16xf32>,
        %add3A_104 = arith.constant 0 : i32
        %add3A_105 = arith.addi %add3A_58, %add3A_104 : i32
        %get3A_106 = arith.index_cast %add3A_105 : i32 to index
        %get3A_107 = arith.constant 48 : index
        %get3A_108 = tpu.vector_load %arg7[%get3A_106, %get3A_107] {strides = array<i32>} : memref<128x128xf32, #tpu.memory_space<vmem>>, vector<1x16xf32>,
        %get3A_109 = vector.shape_cast %get3A_108 : vector<1x16xf32> to vector<16xf32>
        %mul3A_110 = arith.mulf %get3A_109, %gather3A_62 : vector<16xf32>
        %add3A_111 = arith.constant 0 : i32
        %add3A_112 = arith.addi %add3A_58, %add3A_111 : i32
        %swap3A_113 = arith.index_cast %add3A_112 : i32 to index
        %swap3A_114 = arith.constant 48 : index
        %swap3A_115 = tpu.vector_load %arg7[%swap3A_113, %swap3A_114] {strides = array<i32>} : memref<128x128xf32, #tpu.memory_space<vmem>>, vector<1x16xf32>,
        %swap3A_116 = vector.shape_cast %swap3A_115 : vector<1x16xf32> to vector<16xf32>
        %swap3A_117 = vector.shape_cast %mul3A_110 : vector<16xf32> to vector<1x16xf32>
        tpu.vector_store %arg7[%swap3A_113, %swap3A_114], %swap3A_117 {strides = array<i32>} : memref<128x128xf32, #tpu.memory_space<vmem>>, vector<1x16xf32>,
        %add3A_118 = arith.constant 0 : i32
        %add3A_119 = arith.addi %add3A_58, %add3A_118 : i32
        %get3A_120 = arith.index_cast %add3A_119 : i32 to index
        %get3A_121 = arith.constant 64 : index
        %get3A_122 = tpu.vector_load %arg7[%get3A_120, %get3A_121] {strides = array<i32>} : memref<128x128xf32, #tpu.memory_space<vmem>>, vector<1x16xf32>,
        %get3A_123 = vector.shape_cast %get3A_122 : vector<1x16xf32> to vector<16xf32>
        %mul3A_124 = arith.mulf %get3A_123, %gather3A_62 : vector<16xf32>
        %add3A_125 = arith.constant 0 : i32
        %add3A_126 = arith.addi %add3A_58, %add3A_125 : i32
        %swap3A_127 = arith.index_cast %add3A_126 : i32 to index
        %swap3A_128 = arith.constant 64 : index
        %swap3A_129 = tpu.vector_load %arg7[%swap3A_127, %swap3A_128] {strides = array<i32>} : memref<128x128xf32, #tpu.memory_space<vmem>>, vector<1x16xf32>,
        %swap3A_130 = vector.shape_cast %swap3A_129 : vector<1x16xf32> to vector<16xf32>
        %swap3A_131 = vector.shape_cast %mul3A_124 : vector<16xf32> to vector<1x16xf32>
        tpu.vector_store %arg7[%swap3A_127, %swap3A_128], %swap3A_131 {strides = array<i32>} : memref<128x128xf32, #tpu.memory_space<vmem>>, vector<1x16xf32>,
        %add3A_132 = arith.constant 0 : i32
        %add3A_133 = arith.addi %add3A_58, %add3A_132 : i32
        %get3A_134 = arith.index_cast %add3A_133 : i32 to index
        %get3A_135 = arith.constant 80 : index
        %get3A_136 = tpu.vector_load %arg7[%get3A_134, %get3A_135] {strides = array<i32>} : memref<128x128xf32, #tpu.memory_space<vmem>>, vector<1x16xf32>,
        %get3A_137 = vector.shape_cast %get3A_136 : vector<1x16xf32> to vector<16xf32>
        %mul3A_138 = arith.mulf %get3A_137, %gather3A_62 : vector<16xf32>
        %add3A_139 = arith.constant 0 : i32
        %add3A_140 = arith.addi %add3A_58, %add3A_139 : i32
        %swap3A_141 = arith.index_cast %add3A_140 : i32 to index
        %swap3A_142 = arith.constant 80 : index
        %swap3A_143 = tpu.vector_load %arg7[%swap3A_141, %swap3A_142] {strides = array<i32>} : memref<128x128xf32, #tpu.memory_space<vmem>>, vector<1x16xf32>,
        %swap3A_144 = vector.shape_cast %swap3A_143 : vector<1x16xf32> to vector<16xf32>
        %swap3A_145 = vector.shape_cast %mul3A_138 : vector<16xf32> to vector<1x16xf32>
        tpu.vector_store %arg7[%swap3A_141, %swap3A_142], %swap3A_145 {strides = array<i32>} : memref<128x128xf32, #tpu.memory_space<vmem>>, vector<1x16xf32>,
        %add3A_146 = arith.constant 0 : i32
        %add3A_147 = arith.addi %add3A_58, %add3A_146 : i32
        %get3A_148 = arith.index_cast %add3A_147 : i32 to index
        %get3A_149 = arith.constant 96 : index
        %get3A_150 = tpu.vector_load %arg7[%get3A_148, %get3A_149] {strides = array<i32>} : memref<128x128xf32, #tpu.memory_space<vmem>>, vector<1x16xf32>,
        %get3A_151 = vector.shape_cast %get3A_150 : vector<1x16xf32> to vector<16xf32>
        %mul3A_152 = arith.mulf %get3A_151, %gather3A_62 : vector<16xf32>
        %add3A_153 = arith.constant 0 : i32
        %add3A_154 = arith.addi %add3A_58, %add3A_153 : i32
        %swap3A_155 = arith.index_cast %add3A_154 : i32 to index
        %swap3A_156 = arith.constant 96 : index
        %swap3A_157 = tpu.vector_load %arg7[%swap3A_155, %swap3A_156] {strides = array<i32>} : memref<128x128xf32, #tpu.memory_space<vmem>>, vector<1x16xf32>,
        %swap3A_158 = vector.shape_cast %swap3A_157 : vector<1x16xf32> to vector<16xf32>
        %swap3A_159 = vector.shape_cast %mul3A_152 : vector<16xf32> to vector<1x16xf32>
        tpu.vector_store %arg7[%swap3A_155, %swap3A_156], %swap3A_159 {strides = array<i32>} : memref<128x128xf32, #tpu.memory_space<vmem>>, vector<1x16xf32>,
        %add3A_160 = arith.constant 0 : i32
        %add3A_161 = arith.addi %add3A_58, %add3A_160 : i32
        %get3A_162 = arith.index_cast %add3A_161 : i32 to index
        %get3A_163 = arith.constant 112 : index
        %get3A_164 = tpu.vector_load %arg7[%get3A_162, %get3A_163] {strides = array<i32>} : memref<128x128xf32, #tpu.memory_space<vmem>>, vector<1x16xf32>,
        %get3A_165 = vector.shape_cast %get3A_164 : vector<1x16xf32> to vector<16xf32>
        %mul3A_166 = arith.mulf %get3A_165, %gather3A_62 : vector<16xf32>
        %add3A_167 = arith.constant 0 : i32
        %add3A_168 = arith.addi %add3A_58, %add3A_167 : i32
        %swap3A_169 = arith.index_cast %add3A_168 : i32 to index
        %swap3A_170 = arith.constant 112 : index
        %swap3A_171 = tpu.vector_load %arg7[%swap3A_169, %swap3A_170] {strides = array<i32>} : memref<128x128xf32, #tpu.memory_space<vmem>>, vector<1x16xf32>,
        %swap3A_172 = vector.shape_cast %swap3A_171 : vector<1x16xf32> to vector<16xf32>
        %swap3A_173 = vector.shape_cast %mul3A_166 : vector<16xf32> to vector<1x16xf32>
        tpu.vector_store %arg7[%swap3A_169, %swap3A_170], %swap3A_173 {strides = array<i32>} : memref<128x128xf32, #tpu.memory_space<vmem>>, vector<1x16xf32>,
        %broadcast_in_dim3A_174 = arith.constant 1 : i32
        %broadcast_in_dim3A_175 = vector.broadcast %broadcast_in_dim3A_174 : i32 to vector<16x1xi32>
        %gather3A_176 = vector.shape_cast %broadcast_in_dim3A_175 : vector<16x1xi32> to vector<16xi32>
        %gather3A_177 = tpu.dynamic_gather %get3A_60[%gather3A_176] in [0] : vector<16xf32>, vector<16xi32> -> vector<16xf32>
        %add3A_178 = arith.constant 1 : i32
        %add3A_179 = arith.addi %add3A_58, %add3A_178 : i32
        %get3A_180 = arith.index_cast %add3A_179 : i32 to index
        %get3A_181 = arith.constant 0 : index
        %get3A_182 = tpu.vector_load %arg7[%get3A_180, %get3A_181] {strides = array<i32>} : memref<128x128xf32, #tpu.memory_space<vmem>>, vector<1x16xf32>,
        %get3A_183 = vector.shape_cast %get3A_182 : vector<1x16xf32> to vector<16xf32>
        %mul3A_184 = arith.mulf %get3A_183, %gather3A_177 : vector<16xf32>
        %add3A_185 = arith.constant 1 : i32
        %add3A_186 = arith.addi %add3A_58, %add3A_185 : i32
        %swap3A_187 = arith.index_cast %add3A_186 : i32 to index
        %swap3A_188 = arith.constant 0 : index
        %swap3A_189 = tpu.vector_load %arg7[%swap3A_187, %swap3A_188] {strides = array<i32>} : memref<128x128xf32, #tpu.memory_space<vmem>>, vector<1x16xf32>,
        %swap3A_190 = vector.shape_cast %swap3A_189 : vector<1x16xf32> to vector<16xf32>
        %swap3A_191 = vector.shape_cast %mul3A_184 : vector<16xf32> to vector<1x16xf32>
        tpu.vector_store %arg7[%swap3A_187, %swap3A_188], %swap3A_191 {strides = array<i32>} : memref<128x128xf32, #tpu.memory_space<vmem>>, vector<1x16xf32>,
        %add3A_192 = arith.constant 1 : i32
        %add3A_193 = arith.addi %add3A_58, %add3A_192 : i32
        %get3A_194 = arith.index_cast %add3A_193 : i32 to index
        %get3A_195 = arith.constant 16 : index
        %get3A_196 = tpu.vector_load %arg7[%get3A_194, %get3A_195] {strides = array<i32>} : memref<128x128xf32, #tpu.memory_space<vmem>>, vector<1x16xf32>,
        %get3A_197 = vector.shape_cast %get3A_196 : vector<1x16xf32> to vector<16xf32>
        %mul3A_198 = arith.mulf %get3A_197, %gather3A_177 : vector<16xf32>
        %add3A_199 = arith.constant 1 : i32
        %add3A_200 = arith.addi %add3A_58, %add3A_199 : i32
        %swap3A_201 = arith.index_cast %add3A_200 : i32 to index
        %swap3A_202 = arith.constant 16 : index
        %swap3A_203 = tpu.vector_load %arg7[%swap3A_201, %swap3A_202] {strides = array<i32>} : memref<128x128xf32, #tpu.memory_space<vmem>>, vector<1x16xf32>,
        %swap3A_204 = vector.shape_cast %swap3A_203 : vector<1x16xf32> to vector<16xf32>
        %swap3A_205 = vector.shape_cast %mul3A_198 : vector<16xf32> to vector<1x16xf32>
        tpu.vector_store %arg7[%swap3A_201, %swap3A_202], %swap3A_205 {strides = array<i32>} : memref<128x128xf32, #tpu.memory_space<vmem>>, vector<1x16xf32>,
        %add3A_206 = arith.constant 1 : i32
        %add3A_207 = arith.addi %add3A_58, %add3A_206 : i32
        %get3A_208 = arith.index_cast %add3A_207 : i32 to index
        %get3A_209 = arith.constant 32 : index
        %get3A_210 = tpu.vector_load %arg7[%get3A_208, %get3A_209] {strides = array<i32>} : memref<128x128xf32, #tpu.memory_space<vmem>>, vector<1x16xf32>,
        %get3A_211 = vector.shape_cast %get3A_210 : vector<1x16xf32> to vector<16xf32>
        %mul3A_212 = arith.mulf %get3A_211, %gather3A_177 : vector<16xf32>
        %add3A_213 = arith.constant 1 : i32
        %add3A_214 = arith.addi %add3A_58, %add3A_213 : i32
        %swap3A_215 = arith.index_cast %add3A_214 : i32 to index
        %swap3A_216 = arith.constant 32 : index
        %swap3A_217 = tpu.vector_load %arg7[%swap3A_215, %swap3A_216] {strides = array<i32>} : memref<128x128xf32, #tpu.memory_space<vmem>>, vector<1x16xf32>,
        %swap3A_218 = vector.shape_cast %swap3A_217 : vector<1x16xf32> to vector<16xf32>
        %swap3A_219 = vector.shape_cast %mul3A_212 : vector<16xf32> to vector<1x16xf32>
        tpu.vector_store %arg7[%swap3A_215, %swap3A_216], %swap3A_219 {strides = array<i32>} : memref<128x128xf32, #tpu.memory_space<vmem>>, vector<1x16xf32>,
        %add3A_220 = arith.constant 1 : i32
        %add3A_221 = arith.addi %add3A_58, %add3A_220 : i32
        %get3A_222 = arith.index_cast %add3A_221 : i32 to index
        %get3A_223 = arith.constant 48 : index
        %get3A_224 = tpu.vector_load %arg7[%get3A_222, %get3A_223] {strides = array<i32>} : memref<128x128xf32, #tpu.memory_space<vmem>>, vector<1x16xf32>,
        %get3A_225 = vector.shape_cast %get3A_224 : vector<1x16xf32> to vector<16xf32>
        %mul3A_226 = arith.mulf %get3A_225, %gather3A_177 : vector<16xf32>
        %add3A_227 = arith.constant 1 : i32
        %add3A_228 = arith.addi %add3A_58, %add3A_227 : i32
        %swap3A_229 = arith.index_cast %add3A_228 : i32 to index
        %swap3A_230 = arith.constant 48 : index
        %swap3A_231 = tpu.vector_load %arg7[%swap3A_229, %swap3A_230] {strides = array<i32>} : memref<128x128xf32, #tpu.memory_space<vmem>>, vector<1x16xf32>,
        %swap3A_232 = vector.shape_cast %swap3A_231 : vector<1x16xf32> to vector<16xf32>
        %swap3A_233 = vector.shape_cast %mul3A_226 : vector<16xf32> to vector<1x16xf32>
        tpu.vector_store %arg7[%swap3A_229, %swap3A_230], %swap3A_233 {strides = array<i32>} : memref<128x128xf32, #tpu.memory_space<vmem>>, vector<1x16xf32>,
        %add3A_234 = arith.constant 1 : i32
        %add3A_235 = arith.addi %add3A_58, %add3A_234 : i32
        %get3A_236 = arith.index_cast %add3A_235 : i32 to index
        %get3A_237 = arith.constant 64 : index
        %get3A_238 = tpu.vector_load %arg7[%get3A_236, %get3A_237] {strides = array<i32>} : memref<128x128xf32, #tpu.memory_space<vmem>>, vector<1x16xf32>,
        %get3A_239 = vector.shape_cast %get3A_238 : vector<1x16xf32> to vector<16xf32>
        %mul3A_240 = arith.mulf %get3A_239, %gather3A_177 : vector<16xf32>
        %add3A_241 = arith.constant 1 : i32
        %add3A_242 = arith.addi %add3A_58, %add3A_241 : i32
        %swap3A_243 = arith.index_cast %add3A_242 : i32 to index
        %swap3A_244 = arith.constant 64 : index
        %swap3A_245 = tpu.vector_load %arg7[%swap3A_243, %swap3A_244] {strides = array<i32>} : memref<128x128xf32, #tpu.memory_space<vmem>>, vector<1x16xf32>,
        %swap3A_246 = vector.shape_cast %swap3A_245 : vector<1x16xf32> to vector<16xf32>
        %swap3A_247 = vector.shape_cast %mul3A_240 : vector<16xf32> to vector<1x16xf32>
        tpu.vector_store %arg7[%swap3A_243, %swap3A_244], %swap3A_247 {strides = array<i32>} : memref<128x128xf32, #tpu.memory_space<vmem>>, vector<1x16xf32>,
        %add3A_248 = arith.constant 1 : i32
        %add3A_249 = arith.addi %add3A_58, %add3A_248 : i32
        %get3A_250 = arith.index_cast %add3A_249 : i32 to index
        %get3A_251 = arith.constant 80 : index
        %get3A_252 = tpu.vector_load %arg7[%get3A_250, %get3A_251] {strides = array<i32>} : memref<128x128xf32, #tpu.memory_space<vmem>>, vector<1x16xf32>,
        %get3A_253 = vector.shape_cast %get3A_252 : vector<1x16xf32> to vector<16xf32>
        %mul3A_254 = arith.mulf %get3A_253, %gather3A_177 : vector<16xf32>
        %add3A_255 = arith.constant 1 : i32
        %add3A_256 = arith.addi %add3A_58, %add3A_255 : i32
        %swap3A_257 = arith.index_cast %add3A_256 : i32 to index
        %swap3A_258 = arith.constant 80 : index
        %swap3A_259 = tpu.vector_load %arg7[%swap3A_257, %swap3A_258] {strides = array<i32>} : memref<128x128xf32, #tpu.memory_space<vmem>>, vector<1x16xf32>,
        %swap3A_260 = vector.shape_cast %swap3A_259 : vector<1x16xf32> to vector<16xf32>
        %swap3A_261 = vector.shape_cast %mul3A_254 : vector<16xf32> to vector<1x16xf32>
        tpu.vector_store %arg7[%swap3A_257, %swap3A_258], %swap3A_261 {strides = array<i32>} : memref<128x128xf32, #tpu.memory_space<vmem>>, vector<1x16xf32>,
        %add3A_262 = arith.constant 1 : i32
        %add3A_263 = arith.addi %add3A_58, %add3A_262 : i32
        %get3A_264 = arith.index_cast %add3A_263 : i32 to index
        %get3A_265 = arith.constant 96 : index
        %get3A_266 = tpu.vector_load %arg7[%get3A_264, %get3A_265] {strides = array<i32>} : memref<128x128xf32, #tpu.memory_space<vmem>>, vector<1x16xf32>,
        %get3A_267 = vector.shape_cast %get3A_266 : vector<1x16xf32> to vector<16xf32>
        %mul3A_268 = arith.mulf %get3A_267, %gather3A_177 : vector<16xf32>
        %add3A_269 = arith.constant 1 : i32
        %add3A_270 = arith.addi %add3A_58, %add3A_269 : i32
        %swap3A_271 = arith.index_cast %add3A_270 : i32 to index
        %swap3A_272 = arith.constant 96 : index
        %swap3A_273 = tpu.vector_load %arg7[%swap3A_271, %swap3A_272] {strides = array<i32>} : memref<128x128xf32, #tpu.memory_space<vmem>>, vector<1x16xf32>,
        %swap3A_274 = vector.shape_cast %swap3A_273 : vector<1x16xf32> to vector<16xf32>
        %swap3A_275 = vector.shape_cast %mul3A_268 : vector<16xf32> to vector<1x16xf32>
        tpu.vector_store %arg7[%swap3A_271, %swap3A_272], %swap3A_275 {strides = array<i32>} : memref<128x128xf32, #tpu.memory_space<vmem>>, vector<1x16xf32>,
        %add3A_276 = arith.constant 1 : i32
        %add3A_277 = arith.addi %add3A_58, %add3A_276 : i32
        %get3A_278 = arith.index_cast %add3A_277 : i32 to index
        %get3A_279 = arith.constant 112 : index
        %get3A_280 = tpu.vector_load %arg7[%get3A_278, %get3A_279] {strides = array<i32>} : memref<128x128xf32, #tpu.memory_space<vmem>>, vector<1x16xf32>,
        %get3A_281 = vector.shape_cast %get3A_280 : vector<1x16xf32> to vector<16xf32>
        %mul3A_282 = arith.mulf %get3A_281, %gather3A_177 : vector<16xf32>
        %add3A_283 = arith.constant 1 : i32
        %add3A_284 = arith.addi %add3A_58, %add3A_283 : i32
        %swap3A_285 = arith.index_cast %add3A_284 : i32 to index
        %swap3A_286 = arith.constant 112 : index
        %swap3A_287 = tpu.vector_load %arg7[%swap3A_285, %swap3A_286] {strides = array<i32>} : memref<128x128xf32, #tpu.memory_space<vmem>>, vector<1x16xf32>,
        %swap3A_288 = vector.shape_cast %swap3A_287 : vector<1x16xf32> to vector<16xf32>
        %swap3A_289 = vector.shape_cast %mul3A_282 : vector<16xf32> to vector<1x16xf32>
        tpu.vector_store %arg7[%swap3A_285, %swap3A_286], %swap3A_289 {strides = array<i32>} : memref<128x128xf32, #tpu.memory_space<vmem>>, vector<1x16xf32>,
        %broadcast_in_dim3A_290 = arith.constant 2 : i32
        %broadcast_in_dim3A_291 = vector.broadcast %broadcast_in_dim3A_290 : i32 to vector<16x1xi32>
        %gather3A_292 = vector.shape_cast %broadcast_in_dim3A_291 : vector<16x1xi32> to vector<16xi32>
        %gather3A_293 = tpu.dynamic_gather %get3A_60[%gather3A_292] in [0] : vector<16xf32>, vector<16xi32> -> vector<16xf32>
        %add3A_294 = arith.constant 2 : i32
        %add3A_295 = arith.addi %add3A_58, %add3A_294 : i32
        %get3A_296 = arith.index_cast %add3A_295 : i32 to index
        %get3A_297 = arith.constant 0 : index
        %get3A_298 = tpu.vector_load %arg7[%get3A_296, %get3A_297] {strides = array<i32>} : memref<128x128xf32, #tpu.memory_space<vmem>>, vector<1x16xf32>,
        %get3A_299 = vector.shape_cast %get3A_298 : vector<1x16xf32> to vector<16xf32>
        %mul3A_300 = arith.mulf %get3A_299, %gather3A_293 : vector<16xf32>
        %add3A_301 = arith.constant 2 : i32
        %add3A_302 = arith.addi %add3A_58, %add3A_301 : i32
        %swap3A_303 = arith.index_cast %add3A_302 : i32 to index
        %swap3A_304 = arith.constant 0 : index
        %swap3A_305 = tpu.vector_load %arg7[%swap3A_303, %swap3A_304] {strides = array<i32>} : memref<128x128xf32, #tpu.memory_space<vmem>>, vector<1x16xf32>,
        %swap3A_306 = vector.shape_cast %swap3A_305 : vector<1x16xf32> to vector<16xf32>
        %swap3A_307 = vector.shape_cast %mul3A_300 : vector<16xf32> to vector<1x16xf32>
        tpu.vector_store %arg7[%swap3A_303, %swap3A_304], %swap3A_307 {strides = array<i32>} : memref<128x128xf32, #tpu.memory_space<vmem>>, vector<1x16xf32>,
        %add3A_308 = arith.constant 2 : i32
        %add3A_309 = arith.addi %add3A_58, %add3A_308 : i32
        %get3A_310 = arith.index_cast %add3A_309 : i32 to index
        %get3A_311 = arith.constant 16 : index
        %get3A_312 = tpu.vector_load %arg7[%get3A_310, %get3A_311] {strides = array<i32>} : memref<128x128xf32, #tpu.memory_space<vmem>>, vector<1x16xf32>,
        %get3A_313 = vector.shape_cast %get3A_312 : vector<1x16xf32> to vector<16xf32>
        %mul3A_314 = arith.mulf %get3A_313, %gather3A_293 : vector<16xf32>
        %add3A_315 = arith.constant 2 : i32
        %add3A_316 = arith.addi %add3A_58, %add3A_315 : i32
        %swap3A_317 = arith.index_cast %add3A_316 : i32 to index
        %swap3A_318 = arith.constant 16 : index
        %swap3A_319 = tpu.vector_load %arg7[%swap3A_317, %swap3A_318] {strides = array<i32>} : memref<128x128xf32, #tpu.memory_space<vmem>>, vector<1x16xf32>,
        %swap3A_320 = vector.shape_cast %swap3A_319 : vector<1x16xf32> to vector<16xf32>
        %swap3A_321 = vector.shape_cast %mul3A_314 : vector<16xf32> to vector<1x16xf32>
        tpu.vector_store %arg7[%swap3A_317, %swap3A_318], %swap3A_321 {strides = array<i32>} : memref<128x128xf32, #tpu.memory_space<vmem>>, vector<1x16xf32>,
        %add3A_322 = arith.constant 2 : i32
        %add3A_323 = arith.addi %add3A_58, %add3A_322 : i32
        %get3A_324 = arith.index_cast %add3A_323 : i32 to index
        %get3A_325 = arith.constant 32 : index
        %get3A_326 = tpu.vector_load %arg7[%get3A_324, %get3A_325] {strides = array<i32>} : memref<128x128xf32, #tpu.memory_space<vmem>>, vector<1x16xf32>,
        %get3A_327 = vector.shape_cast %get3A_326 : vector<1x16xf32> to vector<16xf32>
        %mul3A_328 = arith.mulf %get3A_327, %gather3A_293 : vector<16xf32>
        %add3A_329 = arith.constant 2 : i32
        %add3A_330 = arith.addi %add3A_58, %add3A_329 : i32
        %swap3A_331 = arith.index_cast %add3A_330 : i32 to index
        %swap3A_332 = arith.constant 32 : index
        %swap3A_333 = tpu.vector_load %arg7[%swap3A_331, %swap3A_332] {strides = array<i32>} : memref<128x128xf32, #tpu.memory_space<vmem>>, vector<1x16xf32>,
        %swap3A_334 = vector.shape_cast %swap3A_333 : vector<1x16xf32> to vector<16xf32>
        %swap3A_335 = vector.shape_cast %mul3A_328 : vector<16xf32> to vector<1x16xf32>
        tpu.vector_store %arg7[%swap3A_331, %swap3A_332], %swap3A_335 {strides = array<i32>} : memref<128x128xf32, #tpu.memory_space<vmem>>, vector<1x16xf32>,
        %add3A_336 = arith.constant 2 : i32
        %add3A_337 = arith.addi %add3A_58, %add3A_336 : i32
        %get3A_338 = arith.index_cast %add3A_337 : i32 to index
        %get3A_339 = arith.constant 48 : index
        %get3A_340 = tpu.vector_load %arg7[%get3A_338, %get3A_339] {strides = array<i32>} : memref<128x128xf32, #tpu.memory_space<vmem>>, vector<1x16xf32>,
        %get3A_341 = vector.shape_cast %get3A_340 : vector<1x16xf32> to vector<16xf32>
        %mul3A_342 = arith.mulf %get3A_341, %gather3A_293 : vector<16xf32>
        %add3A_343 = arith.constant 2 : i32
        %add3A_344 = arith.addi %add3A_58, %add3A_343 : i32
        %swap3A_345 = arith.index_cast %add3A_344 : i32 to index
        %swap3A_346 = arith.constant 48 : index
        %swap3A_347 = tpu.vector_load %arg7[%swap3A_345, %swap3A_346] {strides = array<i32>} : memref<128x128xf32, #tpu.memory_space<vmem>>, vector<1x16xf32>,
        %swap3A_348 = vector.shape_cast %swap3A_347 : vector<1x16xf32> to vector<16xf32>
        %swap3A_349 = vector.shape_cast %mul3A_342 : vector<16xf32> to vector<1x16xf32>
        tpu.vector_store %arg7[%swap3A_345, %swap3A_346], %swap3A_349 {strides = array<i32>} : memref<128x128xf32, #tpu.memory_space<vmem>>, vector<1x16xf32>,
        %add3A_350 = arith.constant 2 : i32
        %add3A_351 = arith.addi %add3A_58, %add3A_350 : i32
        %get3A_352 = arith.index_cast %add3A_351 : i32 to index
        %get3A_353 = arith.constant 64 : index
        %get3A_354 = tpu.vector_load %arg7[%get3A_352, %get3A_353] {strides = array<i32>} : memref<128x128xf32, #tpu.memory_space<vmem>>, vector<1x16xf32>,
        %get3A_355 = vector.shape_cast %get3A_354 : vector<1x16xf32> to vector<16xf32>
        %mul3A_356 = arith.mulf %get3A_355, %gather3A_293 : vector<16xf32>
        %add3A_357 = arith.constant 2 : i32
        %add3A_358 = arith.addi %add3A_58, %add3A_357 : i32
        %swap3A_359 = arith.index_cast %add3A_358 : i32 to index
        %swap3A_360 = arith.constant 64 : index
        %swap3A_361 = tpu.vector_load %arg7[%swap3A_359, %swap3A_360] {strides = array<i32>} : memref<128x128xf32, #tpu.memory_space<vmem>>, vector<1x16xf32>,
        %swap3A_362 = vector.shape_cast %swap3A_361 : vector<1x16xf32> to vector<16xf32>
        %swap3A_363 = vector.shape_cast %mul3A_356 : vector<16xf32> to vector<1x16xf32>
        tpu.vector_store %arg7[%swap3A_359, %swap3A_360], %swap3A_363 {strides = array<i32>} : memref<128x128xf32, #tpu.memory_space<vmem>>, vector<1x16xf32>,
        %add3A_364 = arith.constant 2 : i32
        %add3A_365 = arith.addi %add3A_58, %add3A_364 : i32
        %get3A_366 = arith.index_cast %add3A_365 : i32 to index
        %get3A_367 = arith.constant 80 : index
        %get3A_368 = tpu.vector_load %arg7[%get3A_366, %get3A_367] {strides = array<i32>} : memref<128x128xf32, #tpu.memory_space<vmem>>, vector<1x16xf32>,
        %get3A_369 = vector.shape_cast %get3A_368 : vector<1x16xf32> to vector<16xf32>
        %mul3A_370 = arith.mulf %get3A_369, %gather3A_293 : vector<16xf32>
        %add3A_371 = arith.constant 2 : i32
        %add3A_372 = arith.addi %add3A_58, %add3A_371 : i32
        %swap3A_373 = arith.index_cast %add3A_372 : i32 to index
        %swap3A_374 = arith.constant 80 : index
        %swap3A_375 = tpu.vector_load %arg7[%swap3A_373, %swap3A_374] {strides = array<i32>} : memref<128x128xf32, #tpu.memory_space<vmem>>, vector<1x16xf32>,
        %swap3A_376 = vector.shape_cast %swap3A_375 : vector<1x16xf32> to vector<16xf32>
        %swap3A_377 = vector.shape_cast %mul3A_370 : vector<16xf32> to vector<1x16xf32>
        tpu.vector_store %arg7[%swap3A_373, %swap3A_374], %swap3A_377 {strides = array<i32>} : memref<128x128xf32, #tpu.memory_space<vmem>>, vector<1x16xf32>,
        %add3A_378 = arith.constant 2 : i32
        %add3A_379 = arith.addi %add3A_58, %add3A_378 : i32
        %get3A_380 = arith.index_cast %add3A_379 : i32 to index
        %get3A_381 = arith.constant 96 : index
        %get3A_382 = tpu.vector_load %arg7[%get3A_380, %get3A_381] {strides = array<i32>} : memref<128x128xf32, #tpu.memory_space<vmem>>, vector<1x16xf32>,
        %get3A_383 = vector.shape_cast %get3A_382 : vector<1x16xf32> to vector<16xf32>
        %mul3A_384 = arith.mulf %get3A_383, %gather3A_293 : vector<16xf32>
        %add3A_385 = arith.constant 2 : i32
        %add3A_386 = arith.addi %add3A_58, %add3A_385 : i32
        %swap3A_387 = arith.index_cast %add3A_386 : i32 to index
        %swap3A_388 = arith.constant 96 : index
        %swap3A_389 = tpu.vector_load %arg7[%swap3A_387, %swap3A_388] {strides = array<i32>} : memref<128x128xf32, #tpu.memory_space<vmem>>, vector<1x16xf32>,
        %swap3A_390 = vector.shape_cast %swap3A_389 : vector<1x16xf32> to vector<16xf32>
        %swap3A_391 = vector.shape_cast %mul3A_384 : vector<16xf32> to vector<1x16xf32>
        tpu.vector_store %arg7[%swap3A_387, %swap3A_388], %swap3A_391 {strides = array<i32>} : memref<128x128xf32, #tpu.memory_space<vmem>>, vector<1x16xf32>,
        %add3A_392 = arith.constant 2 : i32
        %add3A_393 = arith.addi %add3A_58, %add3A_392 : i32
        %get3A_394 = arith.index_cast %add3A_393 : i32 to index
        %get3A_395 = arith.constant 112 : index
        %get3A_396 = tpu.vector_load %arg7[%get3A_394, %get3A_395] {strides = array<i32>} : memref<128x128xf32, #tpu.memory_space<vmem>>, vector<1x16xf32>,
        %get3A_397 = vector.shape_cast %get3A_396 : vector<1x16xf32> to vector<16xf32>
        %mul3A_398 = arith.mulf %get3A_397, %gather3A_293 : vector<16xf32>
        %add3A_399 = arith.constant 2 : i32
        %add3A_400 = arith.addi %add3A_58, %add3A_399 : i32
        %swap3A_401 = arith.index_cast %add3A_400 : i32 to index
        %swap3A_402 = arith.constant 112 : index
        %swap3A_403 = tpu.vector_load %arg7[%swap3A_401, %swap3A_402] {strides = array<i32>} : memref<128x128xf32, #tpu.memory_space<vmem>>, vector<1x16xf32>,
        %swap3A_404 = vector.shape_cast %swap3A_403 : vector<1x16xf32> to vector<16xf32>
        %swap3A_405 = vector.shape_cast %mul3A_398 : vector<16xf32> to vector<1x16xf32>
        tpu.vector_store %arg7[%swap3A_401, %swap3A_402], %swap3A_405 {strides = array<i32>} : memref<128x128xf32, #tpu.memory_space<vmem>>, vector<1x16xf32>,
        %broadcast_in_dim3A_406 = arith.constant 3 : i32
        %broadcast_in_dim3A_407 = vector.broadcast %broadcast_in_dim3A_406 : i32 to vector<16x1xi32>
        %gather3A_408 = vector.shape_cast %broadcast_in_dim3A_407 : vector<16x1xi32> to vector<16xi32>
        %gather3A_409 = tpu.dynamic_gather %get3A_60[%gather3A_408] in [0] : vector<16xf32>, vector<16xi32> -> vector<16xf32>
        %add3A_410 = arith.constant 3 : i32
        %add3A_411 = arith.addi %add3A_58, %add3A_410 : i32
        %get3A_412 = arith.index_cast %add3A_411 : i32 to index
        %get3A_413 = arith.constant 0 : index
        %get3A_414 = tpu.vector_load %arg7[%get3A_412, %get3A_413] {strides = array<i32>} : memref<128x128xf32, #tpu.memory_space<vmem>>, vector<1x16xf32>,
        %get3A_415 = vector.shape_cast %get3A_414 : vector<1x16xf32> to vector<16xf32>
        %mul3A_416 = arith.mulf %get3A_415, %gather3A_409 : vector<16xf32>
        %add3A_417 = arith.constant 3 : i32
        %add3A_418 = arith.addi %add3A_58, %add3A_417 : i32
        %swap3A_419 = arith.index_cast %add3A_418 : i32 to index
        %swap3A_420 = arith.constant 0 : index
        %swap3A_421 = tpu.vector_load %arg7[%swap3A_419, %swap3A_420] {strides = array<i32>} : memref<128x128xf32, #tpu.memory_space<vmem>>, vector<1x16xf32>,
        %swap3A_422 = vector.shape_cast %swap3A_421 : vector<1x16xf32> to vector<16xf32>
        %swap3A_423 = vector.shape_cast %mul3A_416 : vector<16xf32> to vector<1x16xf32>
        tpu.vector_store %arg7[%swap3A_419, %swap3A_420], %swap3A_423 {strides = array<i32>} : memref<128x128xf32, #tpu.memory_space<vmem>>, vector<1x16xf32>,
        %add3A_424 = arith.constant 3 : i32
        %add3A_425 = arith.addi %add3A_58, %add3A_424 : i32
        %get3A_426 = arith.index_cast %add3A_425 : i32 to index
        %get3A_427 = arith.constant 16 : index
        %get3A_428 = tpu.vector_load %arg7[%get3A_426, %get3A_427] {strides = array<i32>} : memref<128x128xf32, #tpu.memory_space<vmem>>, vector<1x16xf32>,
        %get3A_429 = vector.shape_cast %get3A_428 : vector<1x16xf32> to vector<16xf32>
        %mul3A_430 = arith.mulf %get3A_429, %gather3A_409 : vector<16xf32>
        %add3A_431 = arith.constant 3 : i32
        %add3A_432 = arith.addi %add3A_58, %add3A_431 : i32
        %swap3A_433 = arith.index_cast %add3A_432 : i32 to index
        %swap3A_434 = arith.constant 16 : index
        %swap3A_435 = tpu.vector_load %arg7[%swap3A_433, %swap3A_434] {strides = array<i32>} : memref<128x128xf32, #tpu.memory_space<vmem>>, vector<1x16xf32>,
        %swap3A_436 = vector.shape_cast %swap3A_435 : vector<1x16xf32> to vector<16xf32>
        %swap3A_437 = vector.shape_cast %mul3A_430 : vector<16xf32> to vector<1x16xf32>
        tpu.vector_store %arg7[%swap3A_433, %swap3A_434], %swap3A_437 {strides = array<i32>} : memref<128x128xf32, #tpu.memory_space<vmem>>, vector<1x16xf32>,
        %add3A_438 = arith.constant 3 : i32
        %add3A_439 = arith.addi %add3A_58, %add3A_438 : i32
        %get3A_440 = arith.index_cast %add3A_439 : i32 to index
        %get3A_441 = arith.constant 32 : index
        %get3A_442 = tpu.vector_load %arg7[%get3A_440, %get3A_441] {strides = array<i32>} : memref<128x128xf32, #tpu.memory_space<vmem>>, vector<1x16xf32>,
        %get3A_443 = vector.shape_cast %get3A_442 : vector<1x16xf32> to vector<16xf32>
        %mul3A_444 = arith.mulf %get3A_443, %gather3A_409 : vector<16xf32>
        %add3A_445 = arith.constant 3 : i32
        %add3A_446 = arith.addi %add3A_58, %add3A_445 : i32
        %swap3A_447 = arith.index_cast %add3A_446 : i32 to index
        %swap3A_448 = arith.constant 32 : index
        %swap3A_449 = tpu.vector_load %arg7[%swap3A_447, %swap3A_448] {strides = array<i32>} : memref<128x128xf32, #tpu.memory_space<vmem>>, vector<1x16xf32>,
        %swap3A_450 = vector.shape_cast %swap3A_449 : vector<1x16xf32> to vector<16xf32>
        %swap3A_451 = vector.shape_cast %mul3A_444 : vector<16xf32> to vector<1x16xf32>
        tpu.vector_store %arg7[%swap3A_447, %swap3A_448], %swap3A_451 {strides = array<i32>} : memref<128x128xf32, #tpu.memory_space<vmem>>, vector<1x16xf32>,
        %add3A_452 = arith.constant 3 : i32
        %add3A_453 = arith.addi %add3A_58, %add3A_452 : i32
        %get3A_454 = arith.index_cast %add3A_453 : i32 to index
        %get3A_455 = arith.constant 48 : index
        %get3A_456 = tpu.vector_load %arg7[%get3A_454, %get3A_455] {strides = array<i32>} : memref<128x128xf32, #tpu.memory_space<vmem>>, vector<1x16xf32>,
        %get3A_457 = vector.shape_cast %get3A_456 : vector<1x16xf32> to vector<16xf32>
        %mul3A_458 = arith.mulf %get3A_457, %gather3A_409 : vector<16xf32>
        %add3A_459 = arith.constant 3 : i32
        %add3A_460 = arith.addi %add3A_58, %add3A_459 : i32
        %swap3A_461 = arith.index_cast %add3A_460 : i32 to index
        %swap3A_462 = arith.constant 48 : index
        %swap3A_463 = tpu.vector_load %arg7[%swap3A_461, %swap3A_462] {strides = array<i32>} : memref<128x128xf32, #tpu.memory_space<vmem>>, vector<1x16xf32>,
        %swap3A_464 = vector.shape_cast %swap3A_463 : vector<1x16xf32> to vector<16xf32>
        %swap3A_465 = vector.shape_cast %mul3A_458 : vector<16xf32> to vector<1x16xf32>
        tpu.vector_store %arg7[%swap3A_461, %swap3A_462], %swap3A_465 {strides = array<i32>} : memref<128x128xf32, #tpu.memory_space<vmem>>, vector<1x16xf32>,
        %add3A_466 = arith.constant 3 : i32
        %add3A_467 = arith.addi %add3A_58, %add3A_466 : i32
        %get3A_468 = arith.index_cast %add3A_467 : i32 to index
        %get3A_469 = arith.constant 64 : index
        %get3A_470 = tpu.vector_load %arg7[%get3A_468, %get3A_469] {strides = array<i32>} : memref<128x128xf32, #tpu.memory_space<vmem>>, vector<1x16xf32>,
        %get3A_471 = vector.shape_cast %get3A_470 : vector<1x16xf32> to vector<16xf32>
        %mul3A_472 = arith.mulf %get3A_471, %gather3A_409 : vector<16xf32>
        %add3A_473 = arith.constant 3 : i32
        %add3A_474 = arith.addi %add3A_58, %add3A_473 : i32
        %swap3A_475 = arith.index_cast %add3A_474 : i32 to index
        %swap3A_476 = arith.constant 64 : index
        %swap3A_477 = tpu.vector_load %arg7[%swap3A_475, %swap3A_476] {strides = array<i32>} : memref<128x128xf32, #tpu.memory_space<vmem>>, vector<1x16xf32>,
        %swap3A_478 = vector.shape_cast %swap3A_477 : vector<1x16xf32> to vector<16xf32>
        %swap3A_479 = vector.shape_cast %mul3A_472 : vector<16xf32> to vector<1x16xf32>
        tpu.vector_store %arg7[%swap3A_475, %swap3A_476], %swap3A_479 {strides = array<i32>} : memref<128x128xf32, #tpu.memory_space<vmem>>, vector<1x16xf32>,
        %add3A_480 = arith.constant 3 : i32
        %add3A_481 = arith.addi %add3A_58, %add3A_480 : i32
        %get3A_482 = arith.index_cast %add3A_481 : i32 to index
        %get3A_483 = arith.constant 80 : index
        %get3A_484 = tpu.vector_load %arg7[%get3A_482, %get3A_483] {strides = array<i32>} : memref<128x128xf32, #tpu.memory_space<vmem>>, vector<1x16xf32>,
        %get3A_485 = vector.shape_cast %get3A_484 : vector<1x16xf32> to vector<16xf32>
        %mul3A_486 = arith.mulf %get3A_485, %gather3A_409 : vector<16xf32>
        %add3A_487 = arith.constant 3 : i32
        %add3A_488 = arith.addi %add3A_58, %add3A_487 : i32
        %swap3A_489 = arith.index_cast %add3A_488 : i32 to index
        %swap3A_490 = arith.constant 80 : index
        %swap3A_491 = tpu.vector_load %arg7[%swap3A_489, %swap3A_490] {strides = array<i32>} : memref<128x128xf32, #tpu.memory_space<vmem>>, vector<1x16xf32>,
        %swap3A_492 = vector.shape_cast %swap3A_491 : vector<1x16xf32> to vector<16xf32>
        %swap3A_493 = vector.shape_cast %mul3A_486 : vector<16xf32> to vector<1x16xf32>
        tpu.vector_store %arg7[%swap3A_489, %swap3A_490], %swap3A_493 {strides = array<i32>} : memref<128x128xf32, #tpu.memory_space<vmem>>, vector<1x16xf32>,
        %add3A_494 = arith.constant 3 : i32
        %add3A_495 = arith.addi %add3A_58, %add3A_494 : i32
        %get3A_496 = arith.index_cast %add3A_495 : i32 to index
        %get3A_497 = arith.constant 96 : index
        %get3A_498 = tpu.vector_load %arg7[%get3A_496, %get3A_497] {strides = array<i32>} : memref<128x128xf32, #tpu.memory_space<vmem>>, vector<1x16xf32>,
        %get3A_499 = vector.shape_cast %get3A_498 : vector<1x16xf32> to vector<16xf32>
        %mul3A_500 = arith.mulf %get3A_499, %gather3A_409 : vector<16xf32>
        %add3A_501 = arith.constant 3 : i32
        %add3A_502 = arith.addi %add3A_58, %add3A_501 : i32
        %swap3A_503 = arith.index_cast %add3A_502 : i32 to index
        %swap3A_504 = arith.constant 96 : index
        %swap3A_505 = tpu.vector_load %arg7[%swap3A_503, %swap3A_504] {strides = array<i32>} : memref<128x128xf32, #tpu.memory_space<vmem>>, vector<1x16xf32>,
        %swap3A_506 = vector.shape_cast %swap3A_505 : vector<1x16xf32> to vector<16xf32>
        %swap3A_507 = vector.shape_cast %mul3A_500 : vector<16xf32> to vector<1x16xf32>
        tpu.vector_store %arg7[%swap3A_503, %swap3A_504], %swap3A_507 {strides = array<i32>} : memref<128x128xf32, #tpu.memory_space<vmem>>, vector<1x16xf32>,
        %add3A_508 = arith.constant 3 : i32
        %add3A_509 = arith.addi %add3A_58, %add3A_508 : i32
        %get3A_510 = arith.index_cast %add3A_509 : i32 to index
        %get3A_511 = arith.constant 112 : index
        %get3A_512 = tpu.vector_load %arg7[%get3A_510, %get3A_511] {strides = array<i32>} : memref<128x128xf32, #tpu.memory_space<vmem>>, vector<1x16xf32>,
        %get3A_513 = vector.shape_cast %get3A_512 : vector<1x16xf32> to vector<16xf32>
        %mul3A_514 = arith.mulf %get3A_513, %gather3A_409 : vector<16xf32>
        %add3A_515 = arith.constant 3 : i32
        %add3A_516 = arith.addi %add3A_58, %add3A_515 : i32
        %swap3A_517 = arith.index_cast %add3A_516 : i32 to index
        %swap3A_518 = arith.constant 112 : index
        %swap3A_519 = tpu.vector_load %arg7[%swap3A_517, %swap3A_518] {strides = array<i32>} : memref<128x128xf32, #tpu.memory_space<vmem>>, vector<1x16xf32>,
        %swap3A_520 = vector.shape_cast %swap3A_519 : vector<1x16xf32> to vector<16xf32>
        %swap3A_521 = vector.shape_cast %mul3A_514 : vector<16xf32> to vector<1x16xf32>
        tpu.vector_store %arg7[%swap3A_517, %swap3A_518], %swap3A_521 {strides = array<i32>} : memref<128x128xf32, #tpu.memory_space<vmem>>, vector<1x16xf32>,
        %broadcast_in_dim3A_522 = arith.constant 4 : i32
        %broadcast_in_dim3A_523 = vector.broadcast %broadcast_in_dim3A_522 : i32 to vector<16x1xi32>
        %gather3A_524 = vector.shape_cast %broadcast_in_dim3A_523 : vector<16x1xi32> to vector<16xi32>
        %gather3A_525 = tpu.dynamic_gather %get3A_60[%gather3A_524] in [0] : vector<16xf32>, vector<16xi32> -> vector<16xf32>
        %add3A_526 = arith.constant 4 : i32
        %add3A_527 = arith.addi %add3A_58, %add3A_526 : i32
        %get3A_528 = arith.index_cast %add3A_527 : i32 to index
        %get3A_529 = arith.constant 0 : index
        %get3A_530 = tpu.vector_load %arg7[%get3A_528, %get3A_529] {strides = array<i32>} : memref<128x128xf32, #tpu.memory_space<vmem>>, vector<1x16xf32>,
        %get3A_531 = vector.shape_cast %get3A_530 : vector<1x16xf32> to vector<16xf32>
        %mul3A_532 = arith.mulf %get3A_531, %gather3A_525 : vector<16xf32>
        %add3A_533 = arith.constant 4 : i32
        %add3A_534 = arith.addi %add3A_58, %add3A_533 : i32
        %swap3A_535 = arith.index_cast %add3A_534 : i32 to index
        %swap3A_536 = arith.constant 0 : index
        %swap3A_537 = tpu.vector_load %arg7[%swap3A_535, %swap3A_536] {strides = array<i32>} : memref<128x128xf32, #tpu.memory_space<vmem>>, vector<1x16xf32>,
        %swap3A_538 = vector.shape_cast %swap3A_537 : vector<1x16xf32> to vector<16xf32>
        %swap3A_539 = vector.shape_cast %mul3A_532 : vector<16xf32> to vector<1x16xf32>
        tpu.vector_store %arg7[%swap3A_535, %swap3A_536], %swap3A_539 {strides = array<i32>} : memref<128x128xf32, #tpu.memory_space<vmem>>, vector<1x16xf32>,
        %add3A_540 = arith.constant 4 : i32
        %add3A_541 = arith.addi %add3A_58, %add3A_540 : i32
        %get3A_542 = arith.index_cast %add3A_541 : i32 to index
        %get3A_543 = arith.constant 16 : index
        %get3A_544 = tpu.vector_load %arg7[%get3A_542, %get3A_543] {strides = array<i32>} : memref<128x128xf32, #tpu.memory_space<vmem>>, vector<1x16xf32>,
        %get3A_545 = vector.shape_cast %get3A_544 : vector<1x16xf32> to vector<16xf32>
        %mul3A_546 = arith.mulf %get3A_545, %gather3A_525 : vector<16xf32>
        %add3A_547 = arith.constant 4 : i32
        %add3A_548 = arith.addi %add3A_58, %add3A_547 : i32
        %swap3A_549 = arith.index_cast %add3A_548 : i32 to index
        %swap3A_550 = arith.constant 16 : index
        %swap3A_551 = tpu.vector_load %arg7[%swap3A_549, %swap3A_550] {strides = array<i32>} : memref<128x128xf32, #tpu.memory_space<vmem>>, vector<1x16xf32>,
        %swap3A_552 = vector.shape_cast %swap3A_551 : vector<1x16xf32> to vector<16xf32>
        %swap3A_553 = vector.shape_cast %mul3A_546 : vector<16xf32> to vector<1x16xf32>
        tpu.vector_store %arg7[%swap3A_549, %swap3A_550], %swap3A_553 {strides = array<i32>} : memref<128x128xf32, #tpu.memory_space<vmem>>, vector<1x16xf32>,
        %add3A_554 = arith.constant 4 : i32
        %add3A_555 = arith.addi %add3A_58, %add3A_554 : i32
        %get3A_556 = arith.index_cast %add3A_555 : i32 to index
        %get3A_557 = arith.constant 32 : index
        %get3A_558 = tpu.vector_load %arg7[%get3A_556, %get3A_557] {strides = array<i32>} : memref<128x128xf32, #tpu.memory_space<vmem>>, vector<1x16xf32>,
        %get3A_559 = vector.shape_cast %get3A_558 : vector<1x16xf32> to vector<16xf32>
        %mul3A_560 = arith.mulf %get3A_559, %gather3A_525 : vector<16xf32>
        %add3A_561 = arith.constant 4 : i32
        %add3A_562 = arith.addi %add3A_58, %add3A_561 : i32
        %swap3A_563 = arith.index_cast %add3A_562 : i32 to index
        %swap3A_564 = arith.constant 32 : index
        %swap3A_565 = tpu.vector_load %arg7[%swap3A_563, %swap3A_564] {strides = array<i32>} : memref<128x128xf32, #tpu.memory_space<vmem>>, vector<1x16xf32>,
        %swap3A_566 = vector.shape_cast %swap3A_565 : vector<1x16xf32> to vector<16xf32>
        %swap3A_567 = vector.shape_cast %mul3A_560 : vector<16xf32> to vector<1x16xf32>
        tpu.vector_store %arg7[%swap3A_563, %swap3A_564], %swap3A_567 {strides = array<i32>} : memref<128x128xf32, #tpu.memory_space<vmem>>, vector<1x16xf32>,
        %add3A_568 = arith.constant 4 : i32
        %add3A_569 = arith.addi %add3A_58, %add3A_568 : i32
        %get3A_570 = arith.index_cast %add3A_569 : i32 to index
        %get3A_571 = arith.constant 48 : index
        %get3A_572 = tpu.vector_load %arg7[%get3A_570, %get3A_571] {strides = array<i32>} : memref<128x128xf32, #tpu.memory_space<vmem>>, vector<1x16xf32>,
        %get3A_573 = vector.shape_cast %get3A_572 : vector<1x16xf32> to vector<16xf32>
        %mul3A_574 = arith.mulf %get3A_573, %gather3A_525 : vector<16xf32>
        %add3A_575 = arith.constant 4 : i32
        %add3A_576 = arith.addi %add3A_58, %add3A_575 : i32
        %swap3A_577 = arith.index_cast %add3A_576 : i32 to index
        %swap3A_578 = arith.constant 48 : index
        %swap3A_579 = tpu.vector_load %arg7[%swap3A_577, %swap3A_578] {strides = array<i32>} : memref<128x128xf32, #tpu.memory_space<vmem>>, vector<1x16xf32>,
        %swap3A_580 = vector.shape_cast %swap3A_579 : vector<1x16xf32> to vector<16xf32>
        %swap3A_581 = vector.shape_cast %mul3A_574 : vector<16xf32> to vector<1x16xf32>
        tpu.vector_store %arg7[%swap3A_577, %swap3A_578], %swap3A_581 {strides = array<i32>} : memref<128x128xf32, #tpu.memory_space<vmem>>, vector<1x16xf32>,
        %add3A_582 = arith.constant 4 : i32
        %add3A_583 = arith.addi %add3A_58, %add3A_582 : i32
        %get3A_584 = arith.index_cast %add3A_583 : i32 to index
        %get3A_585 = arith.constant 64 : index
        %get3A_586 = tpu.vector_load %arg7[%get3A_584, %get3A_585] {strides = array<i32>} : memref<128x128xf32, #tpu.memory_space<vmem>>, vector<1x16xf32>,
        %get3A_587 = vector.shape_cast %get3A_586 : vector<1x16xf32> to vector<16xf32>
        %mul3A_588 = arith.mulf %get3A_587, %gather3A_525 : vector<16xf32>
        %add3A_589 = arith.constant 4 : i32
        %add3A_590 = arith.addi %add3A_58, %add3A_589 : i32
        %swap3A_591 = arith.index_cast %add3A_590 : i32 to index
        %swap3A_592 = arith.constant 64 : index
        %swap3A_593 = tpu.vector_load %arg7[%swap3A_591, %swap3A_592] {strides = array<i32>} : memref<128x128xf32, #tpu.memory_space<vmem>>, vector<1x16xf32>,
        %swap3A_594 = vector.shape_cast %swap3A_593 : vector<1x16xf32> to vector<16xf32>
        %swap3A_595 = vector.shape_cast %mul3A_588 : vector<16xf32> to vector<1x16xf32>
        tpu.vector_store %arg7[%swap3A_591, %swap3A_592], %swap3A_595 {strides = array<i32>} : memref<128x128xf32, #tpu.memory_space<vmem>>, vector<1x16xf32>,
        %add3A_596 = arith.constant 4 : i32
        %add3A_597 = arith.addi %add3A_58, %add3A_596 : i32
        %get3A_598 = arith.index_cast %add3A_597 : i32 to index
        %get3A_599 = arith.constant 80 : index
        %get3A_600 = tpu.vector_load %arg7[%get3A_598, %get3A_599] {strides = array<i32>} : memref<128x128xf32, #tpu.memory_space<vmem>>, vector<1x16xf32>,
        %get3A_601 = vector.shape_cast %get3A_600 : vector<1x16xf32> to vector<16xf32>
        %mul3A_602 = arith.mulf %get3A_601, %gather3A_525 : vector<16xf32>
        %add3A_603 = arith.constant 4 : i32
        %add3A_604 = arith.addi %add3A_58, %add3A_603 : i32
        %swap3A_605 = arith.index_cast %add3A_604 : i32 to index
        %swap3A_606 = arith.constant 80 : index
        %swap3A_607 = tpu.vector_load %arg7[%swap3A_605, %swap3A_606] {strides = array<i32>} : memref<128x128xf32, #tpu.memory_space<vmem>>, vector<1x16xf32>,
        %swap3A_608 = vector.shape_cast %swap3A_607 : vector<1x16xf32> to vector<16xf32>
        %swap3A_609 = vector.shape_cast %mul3A_602 : vector<16xf32> to vector<1x16xf32>
        tpu.vector_store %arg7[%swap3A_605, %swap3A_606], %swap3A_609 {strides = array<i32>} : memref<128x128xf32, #tpu.memory_space<vmem>>, vector<1x16xf32>,
        %add3A_610 = arith.constant 4 : i32
        %add3A_611 = arith.addi %add3A_58, %add3A_610 : i32
        %get3A_612 = arith.index_cast %add3A_611 : i32 to index
        %get3A_613 = arith.constant 96 : index
        %get3A_614 = tpu.vector_load %arg7[%get3A_612, %get3A_613] {strides = array<i32>} : memref<128x128xf32, #tpu.memory_space<vmem>>, vector<1x16xf32>,
        %get3A_615 = vector.shape_cast %get3A_614 : vector<1x16xf32> to vector<16xf32>
        %mul3A_616 = arith.mulf %get3A_615, %gather3A_525 : vector<16xf32>
        %add3A_617 = arith.constant 4 : i32
        %add3A_618 = arith.addi %add3A_58, %add3A_617 : i32
        %swap3A_619 = arith.index_cast %add3A_618 : i32 to index
        %swap3A_620 = arith.constant 96 : index
        %swap3A_621 = tpu.vector_load %arg7[%swap3A_619, %swap3A_620] {strides = array<i32>} : memref<128x128xf32, #tpu.memory_space<vmem>>, vector<1x16xf32>,
        %swap3A_622 = vector.shape_cast %swap3A_621 : vector<1x16xf32> to vector<16xf32>
        %swap3A_623 = vector.shape_cast %mul3A_616 : vector<16xf32> to vector<1x16xf32>
        tpu.vector_store %arg7[%swap3A_619, %swap3A_620], %swap3A_623 {strides = array<i32>} : memref<128x128xf32, #tpu.memory_space<vmem>>, vector<1x16xf32>,
        %add3A_624 = arith.constant 4 : i32
        %add3A_625 = arith.addi %add3A_58, %add3A_624 : i32
        %get3A_626 = arith.index_cast %add3A_625 : i32 to index
        %get3A_627 = arith.constant 112 : index
        %get3A_628 = tpu.vector_load %arg7[%get3A_626, %get3A_627] {strides = array<i32>} : memref<128x128xf32, #tpu.memory_space<vmem>>, vector<1x16xf32>,
        %get3A_629 = vector.shape_cast %get3A_628 : vector<1x16xf32> to vector<16xf32>
        %mul3A_630 = arith.mulf %get3A_629, %gather3A_525 : vector<16xf32>
        %add3A_631 = arith.constant 4 : i32
        %add3A_632 = arith.addi %add3A_58, %add3A_631 : i32
        %swap3A_633 = arith.index_cast %add3A_632 : i32 to index
        %swap3A_634 = arith.constant 112 : index
        %swap3A_635 = tpu.vector_load %arg7[%swap3A_633, %swap3A_634] {strides = array<i32>} : memref<128x128xf32, #tpu.memory_space<vmem>>, vector<1x16xf32>,
        %swap3A_636 = vector.shape_cast %swap3A_635 : vector<1x16xf32> to vector<16xf32>
        %swap3A_637 = vector.shape_cast %mul3A_630 : vector<16xf32> to vector<1x16xf32>
        tpu.vector_store %arg7[%swap3A_633, %swap3A_634], %swap3A_637 {strides = array<i32>} : memref<128x128xf32, #tpu.memory_space<vmem>>, vector<1x16xf32>,
        %broadcast_in_dim3A_638 = arith.constant 5 : i32
        %broadcast_in_dim3A_639 = vector.broadcast %broadcast_in_dim3A_638 : i32 to vector<16x1xi32>
        %gather3A_640 = vector.shape_cast %broadcast_in_dim3A_639 : vector<16x1xi32> to vector<16xi32>
        %gather3A_641 = tpu.dynamic_gather %get3A_60[%gather3A_640] in [0] : vector<16xf32>, vector<16xi32> -> vector<16xf32>
        %add3A_642 = arith.constant 5 : i32
        %add3A_643 = arith.addi %add3A_58, %add3A_642 : i32
        %get3A_644 = arith.index_cast %add3A_643 : i32 to index
        %get3A_645 = arith.constant 0 : index
        %get3A_646 = tpu.vector_load %arg7[%get3A_644, %get3A_645] {strides = array<i32>} : memref<128x128xf32, #tpu.memory_space<vmem>>, vector<1x16xf32>,
        %get3A_647 = vector.shape_cast %get3A_646 : vector<1x16xf32> to vector<16xf32>
        %mul3A_648 = arith.mulf %get3A_647, %gather3A_641 : vector<16xf32>
        %add3A_649 = arith.constant 5 : i32
        %add3A_650 = arith.addi %add3A_58, %add3A_649 : i32
        %swap3A_651 = arith.index_cast %add3A_650 : i32 to index
        %swap3A_652 = arith.constant 0 : index
        %swap3A_653 = tpu.vector_load %arg7[%swap3A_651, %swap3A_652] {strides = array<i32>} : memref<128x128xf32, #tpu.memory_space<vmem>>, vector<1x16xf32>,
        %swap3A_654 = vector.shape_cast %swap3A_653 : vector<1x16xf32> to vector<16xf32>
        %swap3A_655 = vector.shape_cast %mul3A_648 : vector<16xf32> to vector<1x16xf32>
        tpu.vector_store %arg7[%swap3A_651, %swap3A_652], %swap3A_655 {strides = array<i32>} : memref<128x128xf32, #tpu.memory_space<vmem>>, vector<1x16xf32>,
        %add3A_656 = arith.constant 5 : i32
        %add3A_657 = arith.addi %add3A_58, %add3A_656 : i32
        %get3A_658 = arith.index_cast %add3A_657 : i32 to index
        %get3A_659 = arith.constant 16 : index
        %get3A_660 = tpu.vector_load %arg7[%get3A_658, %get3A_659] {strides = array<i32>} : memref<128x128xf32, #tpu.memory_space<vmem>>, vector<1x16xf32>,
        %get3A_661 = vector.shape_cast %get3A_660 : vector<1x16xf32> to vector<16xf32>
        %mul3A_662 = arith.mulf %get3A_661, %gather3A_641 : vector<16xf32>
        %add3A_663 = arith.constant 5 : i32
        %add3A_664 = arith.addi %add3A_58, %add3A_663 : i32
        %swap3A_665 = arith.index_cast %add3A_664 : i32 to index
        %swap3A_666 = arith.constant 16 : index
        %swap3A_667 = tpu.vector_load %arg7[%swap3A_665, %swap3A_666] {strides = array<i32>} : memref<128x128xf32, #tpu.memory_space<vmem>>, vector<1x16xf32>,
        %swap3A_668 = vector.shape_cast %swap3A_667 : vector<1x16xf32> to vector<16xf32>
        %swap3A_669 = vector.shape_cast %mul3A_662 : vector<16xf32> to vector<1x16xf32>
        tpu.vector_store %arg7[%swap3A_665, %swap3A_666], %swap3A_669 {strides = array<i32>} : memref<128x128xf32, #tpu.memory_space<vmem>>, vector<1x16xf32>,
        %add3A_670 = arith.constant 5 : i32
        %add3A_671 = arith.addi %add3A_58, %add3A_670 : i32
        %get3A_672 = arith.index_cast %add3A_671 : i32 to index
        %get3A_673 = arith.constant 32 : index
        %get3A_674 = tpu.vector_load %arg7[%get3A_672, %get3A_673] {strides = array<i32>} : memref<128x128xf32, #tpu.memory_space<vmem>>, vector<1x16xf32>,
        %get3A_675 = vector.shape_cast %get3A_674 : vector<1x16xf32> to vector<16xf32>
        %mul3A_676 = arith.mulf %get3A_675, %gather3A_641 : vector<16xf32>
        %add3A_677 = arith.constant 5 : i32
        %add3A_678 = arith.addi %add3A_58, %add3A_677 : i32
        %swap3A_679 = arith.index_cast %add3A_678 : i32 to index
        %swap3A_680 = arith.constant 32 : index
        %swap3A_681 = tpu.vector_load %arg7[%swap3A_679, %swap3A_680] {strides = array<i32>} : memref<128x128xf32, #tpu.memory_space<vmem>>, vector<1x16xf32>,
        %swap3A_682 = vector.shape_cast %swap3A_681 : vector<1x16xf32> to vector<16xf32>
        %swap3A_683 = vector.shape_cast %mul3A_676 : vector<16xf32> to vector<1x16xf32>
        tpu.vector_store %arg7[%swap3A_679, %swap3A_680], %swap3A_683 {strides = array<i32>} : memref<128x128xf32, #tpu.memory_space<vmem>>, vector<1x16xf32>,
        %add3A_684 = arith.constant 5 : i32
        %add3A_685 = arith.addi %add3A_58, %add3A_684 : i32
        %get3A_686 = arith.index_cast %add3A_685 : i32 to index
        %get3A_687 = arith.constant 48 : index
        %get3A_688 = tpu.vector_load %arg7[%get3A_686, %get3A_687] {strides = array<i32>} : memref<128x128xf32, #tpu.memory_space<vmem>>, vector<1x16xf32>,
        %get3A_689 = vector.shape_cast %get3A_688 : vector<1x16xf32> to vector<16xf32>
        %mul3A_690 = arith.mulf %get3A_689, %gather3A_641 : vector<16xf32>
        %add3A_691 = arith.constant 5 : i32
        %add3A_692 = arith.addi %add3A_58, %add3A_691 : i32
        %swap3A_693 = arith.index_cast %add3A_692 : i32 to index
        %swap3A_694 = arith.constant 48 : index
        %swap3A_695 = tpu.vector_load %arg7[%swap3A_693, %swap3A_694] {strides = array<i32>} : memref<128x128xf32, #tpu.memory_space<vmem>>, vector<1x16xf32>,
        %swap3A_696 = vector.shape_cast %swap3A_695 : vector<1x16xf32> to vector<16xf32>
        %swap3A_697 = vector.shape_cast %mul3A_690 : vector<16xf32> to vector<1x16xf32>
        tpu.vector_store %arg7[%swap3A_693, %swap3A_694], %swap3A_697 {strides = array<i32>} : memref<128x128xf32, #tpu.memory_space<vmem>>, vector<1x16xf32>,
        %add3A_698 = arith.constant 5 : i32
        %add3A_699 = arith.addi %add3A_58, %add3A_698 : i32
        %get3A_700 = arith.index_cast %add3A_699 : i32 to index
        %get3A_701 = arith.constant 64 : index
        %get3A_702 = tpu.vector_load %arg7[%get3A_700, %get3A_701] {strides = array<i32>} : memref<128x128xf32, #tpu.memory_space<vmem>>, vector<1x16xf32>,
        %get3A_703 = vector.shape_cast %get3A_702 : vector<1x16xf32> to vector<16xf32>
        %mul3A_704 = arith.mulf %get3A_703, %gather3A_641 : vector<16xf32>
        %add3A_705 = arith.constant 5 : i32
        %add3A_706 = arith.addi %add3A_58, %add3A_705 : i32
        %swap3A_707 = arith.index_cast %add3A_706 : i32 to index
        %swap3A_708 = arith.constant 64 : index
        %swap3A_709 = tpu.vector_load %arg7[%swap3A_707, %swap3A_708] {strides = array<i32>} : memref<128x128xf32, #tpu.memory_space<vmem>>, vector<1x16xf32>,
        %swap3A_710 = vector.shape_cast %swap3A_709 : vector<1x16xf32> to vector<16xf32>
        %swap3A_711 = vector.shape_cast %mul3A_704 : vector<16xf32> to vector<1x16xf32>
        tpu.vector_store %arg7[%swap3A_707, %swap3A_708], %swap3A_711 {strides = array<i32>} : memref<128x128xf32, #tpu.memory_space<vmem>>, vector<1x16xf32>,
        %add3A_712 = arith.constant 5 : i32
        %add3A_713 = arith.addi %add3A_58, %add3A_712 : i32
        %get3A_714 = arith.index_cast %add3A_713 : i32 to index
        %get3A_715 = arith.constant 80 : index
        %get3A_716 = tpu.vector_load %arg7[%get3A_714, %get3A_715] {strides = array<i32>} : memref<128x128xf32, #tpu.memory_space<vmem>>, vector<1x16xf32>,
        %get3A_717 = vector.shape_cast %get3A_716 : vector<1x16xf32> to vector<16xf32>
        %mul3A_718 = arith.mulf %get3A_717, %gather3A_641 : vector<16xf32>
        %add3A_719 = arith.constant 5 : i32
        %add3A_720 = arith.addi %add3A_58, %add3A_719 : i32
        %swap3A_721 = arith.index_cast %add3A_720 : i32 to index
        %swap3A_722 = arith.constant 80 : index
        %swap3A_723 = tpu.vector_load %arg7[%swap3A_721, %swap3A_722] {strides = array<i32>} : memref<128x128xf32, #tpu.memory_space<vmem>>, vector<1x16xf32>,
        %swap3A_724 = vector.shape_cast %swap3A_723 : vector<1x16xf32> to vector<16xf32>
        %swap3A_725 = vector.shape_cast %mul3A_718 : vector<16xf32> to vector<1x16xf32>
        tpu.vector_store %arg7[%swap3A_721, %swap3A_722], %swap3A_725 {strides = array<i32>} : memref<128x128xf32, #tpu.memory_space<vmem>>, vector<1x16xf32>,
        %add3A_726 = arith.constant 5 : i32
        %add3A_727 = arith.addi %add3A_58, %add3A_726 : i32
        %get3A_728 = arith.index_cast %add3A_727 : i32 to index
        %get3A_729 = arith.constant 96 : index
        %get3A_730 = tpu.vector_load %arg7[%get3A_728, %get3A_729] {strides = array<i32>} : memref<128x128xf32, #tpu.memory_space<vmem>>, vector<1x16xf32>,
        %get3A_731 = vector.shape_cast %get3A_730 : vector<1x16xf32> to vector<16xf32>
        %mul3A_732 = arith.mulf %get3A_731, %gather3A_641 : vector<16xf32>
        %add3A_733 = arith.constant 5 : i32
        %add3A_734 = arith.addi %add3A_58, %add3A_733 : i32
        %swap3A_735 = arith.index_cast %add3A_734 : i32 to index
        %swap3A_736 = arith.constant 96 : index
        %swap3A_737 = tpu.vector_load %arg7[%swap3A_735, %swap3A_736] {strides = array<i32>} : memref<128x128xf32, #tpu.memory_space<vmem>>, vector<1x16xf32>,
        %swap3A_738 = vector.shape_cast %swap3A_737 : vector<1x16xf32> to vector<16xf32>
        %swap3A_739 = vector.shape_cast %mul3A_732 : vector<16xf32> to vector<1x16xf32>
        tpu.vector_store %arg7[%swap3A_735, %swap3A_736], %swap3A_739 {strides = array<i32>} : memref<128x128xf32, #tpu.memory_space<vmem>>, vector<1x16xf32>,
        %add3A_740 = arith.constant 5 : i32
        %add3A_741 = arith.addi %add3A_58, %add3A_740 : i32
        %get3A_742 = arith.index_cast %add3A_741 : i32 to index
        %get3A_743 = arith.constant 112 : index
        %get3A_744 = tpu.vector_load %arg7[%get3A_742, %get3A_743] {strides = array<i32>} : memref<128x128xf32, #tpu.memory_space<vmem>>, vector<1x16xf32>,
        %get3A_745 = vector.shape_cast %get3A_744 : vector<1x16xf32> to vector<16xf32>
        %mul3A_746 = arith.mulf %get3A_745, %gather3A_641 : vector<16xf32>
        %add3A_747 = arith.constant 5 : i32
        %add3A_748 = arith.addi %add3A_58, %add3A_747 : i32
        %swap3A_749 = arith.index_cast %add3A_748 : i32 to index
        %swap3A_750 = arith.constant 112 : index
        %swap3A_751 = tpu.vector_load %arg7[%swap3A_749, %swap3A_750] {strides = array<i32>} : memref<128x128xf32, #tpu.memory_space<vmem>>, vector<1x16xf32>,
        %swap3A_752 = vector.shape_cast %swap3A_751 : vector<1x16xf32> to vector<16xf32>
        %swap3A_753 = vector.shape_cast %mul3A_746 : vector<16xf32> to vector<1x16xf32>
        tpu.vector_store %arg7[%swap3A_749, %swap3A_750], %swap3A_753 {strides = array<i32>} : memref<128x128xf32, #tpu.memory_space<vmem>>, vector<1x16xf32>,
        %broadcast_in_dim3A_754 = arith.constant 6 : i32
        %broadcast_in_dim3A_755 = vector.broadcast %broadcast_in_dim3A_754 : i32 to vector<16x1xi32>
        %gather3A_756 = vector.shape_cast %broadcast_in_dim3A_755 : vector<16x1xi32> to vector<16xi32>
        %gather3A_757 = tpu.dynamic_gather %get3A_60[%gather3A_756] in [0] : vector<16xf32>, vector<16xi32> -> vector<16xf32>
        %add3A_758 = arith.constant 6 : i32
        %add3A_759 = arith.addi %add3A_58, %add3A_758 : i32
        %get3A_760 = arith.index_cast %add3A_759 : i32 to index
        %get3A_761 = arith.constant 0 : index
        %get3A_762 = tpu.vector_load %arg7[%get3A_760, %get3A_761] {strides = array<i32>} : memref<128x128xf32, #tpu.memory_space<vmem>>, vector<1x16xf32>,
        %get3A_763 = vector.shape_cast %get3A_762 : vector<1x16xf32> to vector<16xf32>
        %mul3A_764 = arith.mulf %get3A_763, %gather3A_757 : vector<16xf32>
        %add3A_765 = arith.constant 6 : i32
        %add3A_766 = arith.addi %add3A_58, %add3A_765 : i32
        %swap3A_767 = arith.index_cast %add3A_766 : i32 to index
        %swap3A_768 = arith.constant 0 : index
        %swap3A_769 = tpu.vector_load %arg7[%swap3A_767, %swap3A_768] {strides = array<i32>} : memref<128x128xf32, #tpu.memory_space<vmem>>, vector<1x16xf32>,
        %swap3A_770 = vector.shape_cast %swap3A_769 : vector<1x16xf32> to vector<16xf32>
        %swap3A_771 = vector.shape_cast %mul3A_764 : vector<16xf32> to vector<1x16xf32>
        tpu.vector_store %arg7[%swap3A_767, %swap3A_768], %swap3A_771 {strides = array<i32>} : memref<128x128xf32, #tpu.memory_space<vmem>>, vector<1x16xf32>,
        %add3A_772 = arith.constant 6 : i32
        %add3A_773 = arith.addi %add3A_58, %add3A_772 : i32
        %get3A_774 = arith.index_cast %add3A_773 : i32 to index
        %get3A_775 = arith.constant 16 : index
        %get3A_776 = tpu.vector_load %arg7[%get3A_774, %get3A_775] {strides = array<i32>} : memref<128x128xf32, #tpu.memory_space<vmem>>, vector<1x16xf32>,
        %get3A_777 = vector.shape_cast %get3A_776 : vector<1x16xf32> to vector<16xf32>
        %mul3A_778 = arith.mulf %get3A_777, %gather3A_757 : vector<16xf32>
        %add3A_779 = arith.constant 6 : i32
        %add3A_780 = arith.addi %add3A_58, %add3A_779 : i32
        %swap3A_781 = arith.index_cast %add3A_780 : i32 to index
        %swap3A_782 = arith.constant 16 : index
        %swap3A_783 = tpu.vector_load %arg7[%swap3A_781, %swap3A_782] {strides = array<i32>} : memref<128x128xf32, #tpu.memory_space<vmem>>, vector<1x16xf32>,
        %swap3A_784 = vector.shape_cast %swap3A_783 : vector<1x16xf32> to vector<16xf32>
        %swap3A_785 = vector.shape_cast %mul3A_778 : vector<16xf32> to vector<1x16xf32>
        tpu.vector_store %arg7[%swap3A_781, %swap3A_782], %swap3A_785 {strides = array<i32>} : memref<128x128xf32, #tpu.memory_space<vmem>>, vector<1x16xf32>,
        %add3A_786 = arith.constant 6 : i32
        %add3A_787 = arith.addi %add3A_58, %add3A_786 : i32
        %get3A_788 = arith.index_cast %add3A_787 : i32 to index
        %get3A_789 = arith.constant 32 : index
        %get3A_790 = tpu.vector_load %arg7[%get3A_788, %get3A_789] {strides = array<i32>} : memref<128x128xf32, #tpu.memory_space<vmem>>, vector<1x16xf32>,
        %get3A_791 = vector.shape_cast %get3A_790 : vector<1x16xf32> to vector<16xf32>
        %mul3A_792 = arith.mulf %get3A_791, %gather3A_757 : vector<16xf32>
        %add3A_793 = arith.constant 6 : i32
        %add3A_794 = arith.addi %add3A_58, %add3A_793 : i32
        %swap3A_795 = arith.index_cast %add3A_794 : i32 to index
        %swap3A_796 = arith.constant 32 : index
        %swap3A_797 = tpu.vector_load %arg7[%swap3A_795, %swap3A_796] {strides = array<i32>} : memref<128x128xf32, #tpu.memory_space<vmem>>, vector<1x16xf32>,
        %swap3A_798 = vector.shape_cast %swap3A_797 : vector<1x16xf32> to vector<16xf32>
        %swap3A_799 = vector.shape_cast %mul3A_792 : vector<16xf32> to vector<1x16xf32>
        tpu.vector_store %arg7[%swap3A_795, %swap3A_796], %swap3A_799 {strides = array<i32>} : memref<128x128xf32, #tpu.memory_space<vmem>>, vector<1x16xf32>,
        %add3A_800 = arith.constant 6 : i32
        %add3A_801 = arith.addi %add3A_58, %add3A_800 : i32
        %get3A_802 = arith.index_cast %add3A_801 : i32 to index
        %get3A_803 = arith.constant 48 : index
        %get3A_804 = tpu.vector_load %arg7[%get3A_802, %get3A_803] {strides = array<i32>} : memref<128x128xf32, #tpu.memory_space<vmem>>, vector<1x16xf32>,
        %get3A_805 = vector.shape_cast %get3A_804 : vector<1x16xf32> to vector<16xf32>
        %mul3A_806 = arith.mulf %get3A_805, %gather3A_757 : vector<16xf32>
        %add3A_807 = arith.constant 6 : i32
        %add3A_808 = arith.addi %add3A_58, %add3A_807 : i32
        %swap3A_809 = arith.index_cast %add3A_808 : i32 to index
        %swap3A_810 = arith.constant 48 : index
        %swap3A_811 = tpu.vector_load %arg7[%swap3A_809, %swap3A_810] {strides = array<i32>} : memref<128x128xf32, #tpu.memory_space<vmem>>, vector<1x16xf32>,
        %swap3A_812 = vector.shape_cast %swap3A_811 : vector<1x16xf32> to vector<16xf32>
        %swap3A_813 = vector.shape_cast %mul3A_806 : vector<16xf32> to vector<1x16xf32>
        tpu.vector_store %arg7[%swap3A_809, %swap3A_810], %swap3A_813 {strides = array<i32>} : memref<128x128xf32, #tpu.memory_space<vmem>>, vector<1x16xf32>,
        %add3A_814 = arith.constant 6 : i32
        %add3A_815 = arith.addi %add3A_58, %add3A_814 : i32
        %get3A_816 = arith.index_cast %add3A_815 : i32 to index
        %get3A_817 = arith.constant 64 : index
        %get3A_818 = tpu.vector_load %arg7[%get3A_816, %get3A_817] {strides = array<i32>} : memref<128x128xf32, #tpu.memory_space<vmem>>, vector<1x16xf32>,
        %get3A_819 = vector.shape_cast %get3A_818 : vector<1x16xf32> to vector<16xf32>
        %mul3A_820 = arith.mulf %get3A_819, %gather3A_757 : vector<16xf32>
        %add3A_821 = arith.constant 6 : i32
        %add3A_822 = arith.addi %add3A_58, %add3A_821 : i32
        %swap3A_823 = arith.index_cast %add3A_822 : i32 to index
        %swap3A_824 = arith.constant 64 : index
        %swap3A_825 = tpu.vector_load %arg7[%swap3A_823, %swap3A_824] {strides = array<i32>} : memref<128x128xf32, #tpu.memory_space<vmem>>, vector<1x16xf32>,
        %swap3A_826 = vector.shape_cast %swap3A_825 : vector<1x16xf32> to vector<16xf32>
        %swap3A_827 = vector.shape_cast %mul3A_820 : vector<16xf32> to vector<1x16xf32>
        tpu.vector_store %arg7[%swap3A_823, %swap3A_824], %swap3A_827 {strides = array<i32>} : memref<128x128xf32, #tpu.memory_space<vmem>>, vector<1x16xf32>,
        %add3A_828 = arith.constant 6 : i32
        %add3A_829 = arith.addi %add3A_58, %add3A_828 : i32
        %get3A_830 = arith.index_cast %add3A_829 : i32 to index
        %get3A_831 = arith.constant 80 : index
        %get3A_832 = tpu.vector_load %arg7[%get3A_830, %get3A_831] {strides = array<i32>} : memref<128x128xf32, #tpu.memory_space<vmem>>, vector<1x16xf32>,
        %get3A_833 = vector.shape_cast %get3A_832 : vector<1x16xf32> to vector<16xf32>
        %mul3A_834 = arith.mulf %get3A_833, %gather3A_757 : vector<16xf32>
        %add3A_835 = arith.constant 6 : i32
        %add3A_836 = arith.addi %add3A_58, %add3A_835 : i32
        %swap3A_837 = arith.index_cast %add3A_836 : i32 to index
        %swap3A_838 = arith.constant 80 : index
        %swap3A_839 = tpu.vector_load %arg7[%swap3A_837, %swap3A_838] {strides = array<i32>} : memref<128x128xf32, #tpu.memory_space<vmem>>, vector<1x16xf32>,
        %swap3A_840 = vector.shape_cast %swap3A_839 : vector<1x16xf32> to vector<16xf32>
        %swap3A_841 = vector.shape_cast %mul3A_834 : vector<16xf32> to vector<1x16xf32>
        tpu.vector_store %arg7[%swap3A_837, %swap3A_838], %swap3A_841 {strides = array<i32>} : memref<128x128xf32, #tpu.memory_space<vmem>>, vector<1x16xf32>,
        %add3A_842 = arith.constant 6 : i32
        %add3A_843 = arith.addi %add3A_58, %add3A_842 : i32
        %get3A_844 = arith.index_cast %add3A_843 : i32 to index
        %get3A_845 = arith.constant 96 : index
        %get3A_846 = tpu.vector_load %arg7[%get3A_844, %get3A_845] {strides = array<i32>} : memref<128x128xf32, #tpu.memory_space<vmem>>, vector<1x16xf32>,
        %get3A_847 = vector.shape_cast %get3A_846 : vector<1x16xf32> to vector<16xf32>
        %mul3A_848 = arith.mulf %get3A_847, %gather3A_757 : vector<16xf32>
        %add3A_849 = arith.constant 6 : i32
        %add3A_850 = arith.addi %add3A_58, %add3A_849 : i32
        %swap3A_851 = arith.index_cast %add3A_850 : i32 to index
        %swap3A_852 = arith.constant 96 : index
        %swap3A_853 = tpu.vector_load %arg7[%swap3A_851, %swap3A_852] {strides = array<i32>} : memref<128x128xf32, #tpu.memory_space<vmem>>, vector<1x16xf32>,
        %swap3A_854 = vector.shape_cast %swap3A_853 : vector<1x16xf32> to vector<16xf32>
        %swap3A_855 = vector.shape_cast %mul3A_848 : vector<16xf32> to vector<1x16xf32>
        tpu.vector_store %arg7[%swap3A_851, %swap3A_852], %swap3A_855 {strides = array<i32>} : memref<128x128xf32, #tpu.memory_space<vmem>>, vector<1x16xf32>,
        %add3A_856 = arith.constant 6 : i32
        %add3A_857 = arith.addi %add3A_58, %add3A_856 : i32
        %get3A_858 = arith.index_cast %add3A_857 : i32 to index
        %get3A_859 = arith.constant 112 : index
        %get3A_860 = tpu.vector_load %arg7[%get3A_858, %get3A_859] {strides = array<i32>} : memref<128x128xf32, #tpu.memory_space<vmem>>, vector<1x16xf32>,
        %get3A_861 = vector.shape_cast %get3A_860 : vector<1x16xf32> to vector<16xf32>
        %mul3A_862 = arith.mulf %get3A_861, %gather3A_757 : vector<16xf32>
        %add3A_863 = arith.constant 6 : i32
        %add3A_864 = arith.addi %add3A_58, %add3A_863 : i32
        %swap3A_865 = arith.index_cast %add3A_864 : i32 to index
        %swap3A_866 = arith.constant 112 : index
        %swap3A_867 = tpu.vector_load %arg7[%swap3A_865, %swap3A_866] {strides = array<i32>} : memref<128x128xf32, #tpu.memory_space<vmem>>, vector<1x16xf32>,
        %swap3A_868 = vector.shape_cast %swap3A_867 : vector<1x16xf32> to vector<16xf32>
        %swap3A_869 = vector.shape_cast %mul3A_862 : vector<16xf32> to vector<1x16xf32>
        tpu.vector_store %arg7[%swap3A_865, %swap3A_866], %swap3A_869 {strides = array<i32>} : memref<128x128xf32, #tpu.memory_space<vmem>>, vector<1x16xf32>,
        %broadcast_in_dim3A_870 = arith.constant 7 : i32
        %broadcast_in_dim3A_871 = vector.broadcast %broadcast_in_dim3A_870 : i32 to vector<16x1xi32>
        %gather3A_872 = vector.shape_cast %broadcast_in_dim3A_871 : vector<16x1xi32> to vector<16xi32>
        %gather3A_873 = tpu.dynamic_gather %get3A_60[%gather3A_872] in [0] : vector<16xf32>, vector<16xi32> -> vector<16xf32>
        %add3A_874 = arith.constant 7 : i32
        %add3A_875 = arith.addi %add3A_58, %add3A_874 : i32
        %get3A_876 = arith.index_cast %add3A_875 : i32 to index
        %get3A_877 = arith.constant 0 : index
        %get3A_878 = tpu.vector_load %arg7[%get3A_876, %get3A_877] {strides = array<i32>} : memref<128x128xf32, #tpu.memory_space<vmem>>, vector<1x16xf32>,
        %get3A_879 = vector.shape_cast %get3A_878 : vector<1x16xf32> to vector<16xf32>
        %mul3A_880 = arith.mulf %get3A_879, %gather3A_873 : vector<16xf32>
        %add3A_881 = arith.constant 7 : i32
        %add3A_882 = arith.addi %add3A_58, %add3A_881 : i32
        %swap3A_883 = arith.index_cast %add3A_882 : i32 to index
        %swap3A_884 = arith.constant 0 : index
        %swap3A_885 = tpu.vector_load %arg7[%swap3A_883, %swap3A_884] {strides = array<i32>} : memref<128x128xf32, #tpu.memory_space<vmem>>, vector<1x16xf32>,
        %swap3A_886 = vector.shape_cast %swap3A_885 : vector<1x16xf32> to vector<16xf32>
        %swap3A_887 = vector.shape_cast %mul3A_880 : vector<16xf32> to vector<1x16xf32>
        tpu.vector_store %arg7[%swap3A_883, %swap3A_884], %swap3A_887 {strides = array<i32>} : memref<128x128xf32, #tpu.memory_space<vmem>>, vector<1x16xf32>,
        %add3A_888 = arith.constant 7 : i32
        %add3A_889 = arith.addi %add3A_58, %add3A_888 : i32
        %get3A_890 = arith.index_cast %add3A_889 : i32 to index
        %get3A_891 = arith.constant 16 : index
        %get3A_892 = tpu.vector_load %arg7[%get3A_890, %get3A_891] {strides = array<i32>} : memref<128x128xf32, #tpu.memory_space<vmem>>, vector<1x16xf32>,
        %get3A_893 = vector.shape_cast %get3A_892 : vector<1x16xf32> to vector<16xf32>
        %mul3A_894 = arith.mulf %get3A_893, %gather3A_873 : vector<16xf32>
        %add3A_895 = arith.constant 7 : i32
        %add3A_896 = arith.addi %add3A_58, %add3A_895 : i32
        %swap3A_897 = arith.index_cast %add3A_896 : i32 to index
        %swap3A_898 = arith.constant 16 : index
        %swap3A_899 = tpu.vector_load %arg7[%swap3A_897, %swap3A_898] {strides = array<i32>} : memref<128x128xf32, #tpu.memory_space<vmem>>, vector<1x16xf32>,
        %swap3A_900 = vector.shape_cast %swap3A_899 : vector<1x16xf32> to vector<16xf32>
        %swap3A_901 = vector.shape_cast %mul3A_894 : vector<16xf32> to vector<1x16xf32>
        tpu.vector_store %arg7[%swap3A_897, %swap3A_898], %swap3A_901 {strides = array<i32>} : memref<128x128xf32, #tpu.memory_space<vmem>>, vector<1x16xf32>,
        %add3A_902 = arith.constant 7 : i32
        %add3A_903 = arith.addi %add3A_58, %add3A_902 : i32
        %get3A_904 = arith.index_cast %add3A_903 : i32 to index
        %get3A_905 = arith.constant 32 : index
        %get3A_906 = tpu.vector_load %arg7[%get3A_904, %get3A_905] {strides = array<i32>} : memref<128x128xf32, #tpu.memory_space<vmem>>, vector<1x16xf32>,
        %get3A_907 = vector.shape_cast %get3A_906 : vector<1x16xf32> to vector<16xf32>
        %mul3A_908 = arith.mulf %get3A_907, %gather3A_873 : vector<16xf32>
        %add3A_909 = arith.constant 7 : i32
        %add3A_910 = arith.addi %add3A_58, %add3A_909 : i32
        %swap3A_911 = arith.index_cast %add3A_910 : i32 to index
        %swap3A_912 = arith.constant 32 : index
        %swap3A_913 = tpu.vector_load %arg7[%swap3A_911, %swap3A_912] {strides = array<i32>} : memref<128x128xf32, #tpu.memory_space<vmem>>, vector<1x16xf32>,
        %swap3A_914 = vector.shape_cast %swap3A_913 : vector<1x16xf32> to vector<16xf32>
        %swap3A_915 = vector.shape_cast %mul3A_908 : vector<16xf32> to vector<1x16xf32>
        tpu.vector_store %arg7[%swap3A_911, %swap3A_912], %swap3A_915 {strides = array<i32>} : memref<128x128xf32, #tpu.memory_space<vmem>>, vector<1x16xf32>,
        %add3A_916 = arith.constant 7 : i32
        %add3A_917 = arith.addi %add3A_58, %add3A_916 : i32
        %get3A_918 = arith.index_cast %add3A_917 : i32 to index
        %get3A_919 = arith.constant 48 : index
        %get3A_920 = tpu.vector_load %arg7[%get3A_918, %get3A_919] {strides = array<i32>} : memref<128x128xf32, #tpu.memory_space<vmem>>, vector<1x16xf32>,
        %get3A_921 = vector.shape_cast %get3A_920 : vector<1x16xf32> to vector<16xf32>
        %mul3A_922 = arith.mulf %get3A_921, %gather3A_873 : vector<16xf32>
        %add3A_923 = arith.constant 7 : i32
        %add3A_924 = arith.addi %add3A_58, %add3A_923 : i32
        %swap3A_925 = arith.index_cast %add3A_924 : i32 to index
        %swap3A_926 = arith.constant 48 : index
        %swap3A_927 = tpu.vector_load %arg7[%swap3A_925, %swap3A_926] {strides = array<i32>} : memref<128x128xf32, #tpu.memory_space<vmem>>, vector<1x16xf32>,
        %swap3A_928 = vector.shape_cast %swap3A_927 : vector<1x16xf32> to vector<16xf32>
        %swap3A_929 = vector.shape_cast %mul3A_922 : vector<16xf32> to vector<1x16xf32>
        tpu.vector_store %arg7[%swap3A_925, %swap3A_926], %swap3A_929 {strides = array<i32>} : memref<128x128xf32, #tpu.memory_space<vmem>>, vector<1x16xf32>,
        %add3A_930 = arith.constant 7 : i32
        %add3A_931 = arith.addi %add3A_58, %add3A_930 : i32
        %get3A_932 = arith.index_cast %add3A_931 : i32 to index
        %get3A_933 = arith.constant 64 : index
        %get3A_934 = tpu.vector_load %arg7[%get3A_932, %get3A_933] {strides = array<i32>} : memref<128x128xf32, #tpu.memory_space<vmem>>, vector<1x16xf32>,
        %get3A_935 = vector.shape_cast %get3A_934 : vector<1x16xf32> to vector<16xf32>
        %mul3A_936 = arith.mulf %get3A_935, %gather3A_873 : vector<16xf32>
        %add3A_937 = arith.constant 7 : i32
        %add3A_938 = arith.addi %add3A_58, %add3A_937 : i32
        %swap3A_939 = arith.index_cast %add3A_938 : i32 to index
        %swap3A_940 = arith.constant 64 : index
        %swap3A_941 = tpu.vector_load %arg7[%swap3A_939, %swap3A_940] {strides = array<i32>} : memref<128x128xf32, #tpu.memory_space<vmem>>, vector<1x16xf32>,
        %swap3A_942 = vector.shape_cast %swap3A_941 : vector<1x16xf32> to vector<16xf32>
        %swap3A_943 = vector.shape_cast %mul3A_936 : vector<16xf32> to vector<1x16xf32>
        tpu.vector_store %arg7[%swap3A_939, %swap3A_940], %swap3A_943 {strides = array<i32>} : memref<128x128xf32, #tpu.memory_space<vmem>>, vector<1x16xf32>,
        %add3A_944 = arith.constant 7 : i32
        %add3A_945 = arith.addi %add3A_58, %add3A_944 : i32
        %get3A_946 = arith.index_cast %add3A_945 : i32 to index
        %get3A_947 = arith.constant 80 : index
        %get3A_948 = tpu.vector_load %arg7[%get3A_946, %get3A_947] {strides = array<i32>} : memref<128x128xf32, #tpu.memory_space<vmem>>, vector<1x16xf32>,
        %get3A_949 = vector.shape_cast %get3A_948 : vector<1x16xf32> to vector<16xf32>
        %mul3A_950 = arith.mulf %get3A_949, %gather3A_873 : vector<16xf32>
        %add3A_951 = arith.constant 7 : i32
        %add3A_952 = arith.addi %add3A_58, %add3A_951 : i32
        %swap3A_953 = arith.index_cast %add3A_952 : i32 to index
        %swap3A_954 = arith.constant 80 : index
        %swap3A_955 = tpu.vector_load %arg7[%swap3A_953, %swap3A_954] {strides = array<i32>} : memref<128x128xf32, #tpu.memory_space<vmem>>, vector<1x16xf32>,
        %swap3A_956 = vector.shape_cast %swap3A_955 : vector<1x16xf32> to vector<16xf32>
        %swap3A_957 = vector.shape_cast %mul3A_950 : vector<16xf32> to vector<1x16xf32>
        tpu.vector_store %arg7[%swap3A_953, %swap3A_954], %swap3A_957 {strides = array<i32>} : memref<128x128xf32, #tpu.memory_space<vmem>>, vector<1x16xf32>,
        %add3A_958 = arith.constant 7 : i32
        %add3A_959 = arith.addi %add3A_58, %add3A_958 : i32
        %get3A_960 = arith.index_cast %add3A_959 : i32 to index
        %get3A_961 = arith.constant 96 : index
        %get3A_962 = tpu.vector_load %arg7[%get3A_960, %get3A_961] {strides = array<i32>} : memref<128x128xf32, #tpu.memory_space<vmem>>, vector<1x16xf32>,
        %get3A_963 = vector.shape_cast %get3A_962 : vector<1x16xf32> to vector<16xf32>
        %mul3A_964 = arith.mulf %get3A_963, %gather3A_873 : vector<16xf32>
        %add3A_965 = arith.constant 7 : i32
        %add3A_966 = arith.addi %add3A_58, %add3A_965 : i32
        %swap3A_967 = arith.index_cast %add3A_966 : i32 to index
        %swap3A_968 = arith.constant 96 : index
        %swap3A_969 = tpu.vector_load %arg7[%swap3A_967, %swap3A_968] {strides = array<i32>} : memref<128x128xf32, #tpu.memory_space<vmem>>, vector<1x16xf32>,
        %swap3A_970 = vector.shape_cast %swap3A_969 : vector<1x16xf32> to vector<16xf32>
        %swap3A_971 = vector.shape_cast %mul3A_964 : vector<16xf32> to vector<1x16xf32>
        tpu.vector_store %arg7[%swap3A_967, %swap3A_968], %swap3A_971 {strides = array<i32>} : memref<128x128xf32, #tpu.memory_space<vmem>>, vector<1x16xf32>,
        %add3A_972 = arith.constant 7 : i32
        %add3A_973 = arith.addi %add3A_58, %add3A_972 : i32
        %get3A_974 = arith.index_cast %add3A_973 : i32 to index
        %get3A_975 = arith.constant 112 : index
        %get3A_976 = tpu.vector_load %arg7[%get3A_974, %get3A_975] {strides = array<i32>} : memref<128x128xf32, #tpu.memory_space<vmem>>, vector<1x16xf32>,
        %get3A_977 = vector.shape_cast %get3A_976 : vector<1x16xf32> to vector<16xf32>
        %mul3A_978 = arith.mulf %get3A_977, %gather3A_873 : vector<16xf32>
        %add3A_979 = arith.constant 7 : i32
        %add3A_980 = arith.addi %add3A_58, %add3A_979 : i32
        %swap3A_981 = arith.index_cast %add3A_980 : i32 to index
        %swap3A_982 = arith.constant 112 : index
        %swap3A_983 = tpu.vector_load %arg7[%swap3A_981, %swap3A_982] {strides = array<i32>} : memref<128x128xf32, #tpu.memory_space<vmem>>, vector<1x16xf32>,
        %swap3A_984 = vector.shape_cast %swap3A_983 : vector<1x16xf32> to vector<16xf32>
        %swap3A_985 = vector.shape_cast %mul3A_978 : vector<16xf32> to vector<1x16xf32>
        tpu.vector_store %arg7[%swap3A_981, %swap3A_982], %swap3A_985 {strides = array<i32>} : memref<128x128xf32, #tpu.memory_space<vmem>>, vector<1x16xf32>,
        %broadcast_in_dim3A_986 = arith.constant 8 : i32
        %broadcast_in_dim3A_987 = vector.broadcast %broadcast_in_dim3A_986 : i32 to vector<16x1xi32>
        %gather3A_988 = vector.shape_cast %broadcast_in_dim3A_987 : vector<16x1xi32> to vector<16xi32>
        %gather3A_989 = tpu.dynamic_gather %get3A_60[%gather3A_988] in [0] : vector<16xf32>, vector<16xi32> -> vector<16xf32>
        %add3A_990 = arith.constant 8 : i32
        %add3A_991 = arith.addi %add3A_58, %add3A_990 : i32
        %get3A_992 = arith.index_cast %add3A_991 : i32 to index
        %get3A_993 = arith.constant 0 : index
        %get3A_994 = tpu.vector_load %arg7[%get3A_992, %get3A_993] {strides = array<i32>} : memref<128x128xf32, #tpu.memory_space<vmem>>, vector<1x16xf32>,
        %get3A_995 = vector.shape_cast %get3A_994 : vector<1x16xf32> to vector<16xf32>
        %mul3A_996 = arith.mulf %get3A_995, %gather3A_989 : vector<16xf32>
        %add3A_997 = arith.constant 8 : i32
        %add3A_998 = arith.addi %add3A_58, %add3A_997 : i32
        %swap3A_999 = arith.index_cast %add3A_998 : i32 to index
        %swap3A_1000 = arith.constant 0 : index
        %swap3A_1001 = tpu.vector_load %arg7[%swap3A_999, %swap3A_1000] {strides = array<i32>} : memref<128x128xf32, #tpu.memory_space<vmem>>, vector<1x16xf32>,
        %swap3A_1002 = vector.shape_cast %swap3A_1001 : vector<1x16xf32> to vector<16xf32>
        %swap3A_1003 = vector.shape_cast %mul3A_996 : vector<16xf32> to vector<1x16xf32>
        tpu.vector_store %arg7[%swap3A_999, %swap3A_1000], %swap3A_1003 {strides = array<i32>} : memref<128x128xf32, #tpu.memory_space<vmem>>, vector<1x16xf32>,
        %add3A_1004 = arith.constant 8 : i32
        %add3A_1005 = arith.addi %add3A_58, %add3A_1004 : i32
        %get3A_1006 = arith.index_cast %add3A_1005 : i32 to index
        %get3A_1007 = arith.constant 16 : index
        %get3A_1008 = tpu.vector_load %arg7[%get3A_1006, %get3A_1007] {strides = array<i32>} : memref<128x128xf32, #tpu.memory_space<vmem>>, vector<1x16xf32>,
        %get3A_1009 = vector.shape_cast %get3A_1008 : vector<1x16xf32> to vector<16xf32>
        %mul3A_1010 = arith.mulf %get3A_1009, %gather3A_989 : vector<16xf32>
        %add3A_1011 = arith.constant 8 : i32
        %add3A_1012 = arith.addi %add3A_58, %add3A_1011 : i32
        %swap3A_1013 = arith.index_cast %add3A_1012 : i32 to index
        %swap3A_1014 = arith.constant 16 : index
        %swap3A_1015 = tpu.vector_load %arg7[%swap3A_1013, %swap3A_1014] {strides = array<i32>} : memref<128x128xf32, #tpu.memory_space<vmem>>, vector<1x16xf32>,
        %swap3A_1016 = vector.shape_cast %swap3A_1015 : vector<1x16xf32> to vector<16xf32>
        %swap3A_1017 = vector.shape_cast %mul3A_1010 : vector<16xf32> to vector<1x16xf32>
        tpu.vector_store %arg7[%swap3A_1013, %swap3A_1014], %swap3A_1017 {strides = array<i32>} : memref<128x128xf32, #tpu.memory_space<vmem>>, vector<1x16xf32>,
        %add3A_1018 = arith.constant 8 : i32
        %add3A_1019 = arith.addi %add3A_58, %add3A_1018 : i32
        %get3A_1020 = arith.index_cast %add3A_1019 : i32 to index
        %get3A_1021 = arith.constant 32 : index
        %get3A_1022 = tpu.vector_load %arg7[%get3A_1020, %get3A_1021] {strides = array<i32>} : memref<128x128xf32, #tpu.memory_space<vmem>>, vector<1x16xf32>,
        %get3A_1023 = vector.shape_cast %get3A_1022 : vector<1x16xf32> to vector<16xf32>
        %mul3A_1024 = arith.mulf %get3A_1023, %gather3A_989 : vector<16xf32>
        %add3A_1025 = arith.constant 8 : i32
        %add3A_1026 = arith.addi %add3A_58, %add3A_1025 : i32
        %swap3A_1027 = arith.index_cast %add3A_1026 : i32 to index
        %swap3A_1028 = arith.constant 32 : index
        %swap3A_1029 = tpu.vector_load %arg7[%swap3A_1027, %swap3A_1028] {strides = array<i32>} : memref<128x128xf32, #tpu.memory_space<vmem>>, vector<1x16xf32>,
        %swap3A_1030 = vector.shape_cast %swap3A_1029 : vector<1x16xf32> to vector<16xf32>
        %swap3A_1031 = vector.shape_cast %mul3A_1024 : vector<16xf32> to vector<1x16xf32>
        tpu.vector_store %arg7[%swap3A_1027, %swap3A_1028], %swap3A_1031 {strides = array<i32>} : memref<128x128xf32, #tpu.memory_space<vmem>>, vector<1x16xf32>,
        %add3A_1032 = arith.constant 8 : i32
        %add3A_1033 = arith.addi %add3A_58, %add3A_1032 : i32
        %get3A_1034 = arith.index_cast %add3A_1033 : i32 to index
        %get3A_1035 = arith.constant 48 : index
        %get3A_1036 = tpu.vector_load %arg7[%get3A_1034, %get3A_1035] {strides = array<i32>} : memref<128x128xf32, #tpu.memory_space<vmem>>, vector<1x16xf32>,
        %get3A_1037 = vector.shape_cast %get3A_1036 : vector<1x16xf32> to vector<16xf32>
        %mul3A_1038 = arith.mulf %get3A_1037, %gather3A_989 : vector<16xf32>
        %add3A_1039 = arith.constant 8 : i32
        %add3A_1040 = arith.addi %add3A_58, %add3A_1039 : i32
        %swap3A_1041 = arith.index_cast %add3A_1040 : i32 to index
        %swap3A_1042 = arith.constant 48 : index
        %swap3A_1043 = tpu.vector_load %arg7[%swap3A_1041, %swap3A_1042] {strides = array<i32>} : memref<128x128xf32, #tpu.memory_space<vmem>>, vector<1x16xf32>,
        %swap3A_1044 = vector.shape_cast %swap3A_1043 : vector<1x16xf32> to vector<16xf32>
        %swap3A_1045 = vector.shape_cast %mul3A_1038 : vector<16xf32> to vector<1x16xf32>
        tpu.vector_store %arg7[%swap3A_1041, %swap3A_1042], %swap3A_1045 {strides = array<i32>} : memref<128x128xf32, #tpu.memory_space<vmem>>, vector<1x16xf32>,
        %add3A_1046 = arith.constant 8 : i32
        %add3A_1047 = arith.addi %add3A_58, %add3A_1046 : i32
        %get3A_1048 = arith.index_cast %add3A_1047 : i32 to index
        %get3A_1049 = arith.constant 64 : index
        %get3A_1050 = tpu.vector_load %arg7[%get3A_1048, %get3A_1049] {strides = array<i32>} : memref<128x128xf32, #tpu.memory_space<vmem>>, vector<1x16xf32>,
        %get3A_1051 = vector.shape_cast %get3A_1050 : vector<1x16xf32> to vector<16xf32>
        %mul3A_1052 = arith.mulf %get3A_1051, %gather3A_989 : vector<16xf32>
        %add3A_1053 = arith.constant 8 : i32
        %add3A_1054 = arith.addi %add3A_58, %add3A_1053 : i32
        %swap3A_1055 = arith.index_cast %add3A_1054 : i32 to index
        %swap3A_1056 = arith.constant 64 : index
        %swap3A_1057 = tpu.vector_load %arg7[%swap3A_1055, %swap3A_1056] {strides = array<i32>} : memref<128x128xf32, #tpu.memory_space<vmem>>, vector<1x16xf32>,
        %swap3A_1058 = vector.shape_cast %swap3A_1057 : vector<1x16xf32> to vector<16xf32>
        %swap3A_1059 = vector.shape_cast %mul3A_1052 : vector<16xf32> to vector<1x16xf32>
        tpu.vector_store %arg7[%swap3A_1055, %swap3A_1056], %swap3A_1059 {strides = array<i32>} : memref<128x128xf32, #tpu.memory_space<vmem>>, vector<1x16xf32>,
        %add3A_1060 = arith.constant 8 : i32
        %add3A_1061 = arith.addi %add3A_58, %add3A_1060 : i32
        %get3A_1062 = arith.index_cast %add3A_1061 : i32 to index
        %get3A_1063 = arith.constant 80 : index
        %get3A_1064 = tpu.vector_load %arg7[%get3A_1062, %get3A_1063] {strides = array<i32>} : memref<128x128xf32, #tpu.memory_space<vmem>>, vector<1x16xf32>,
        %get3A_1065 = vector.shape_cast %get3A_1064 : vector<1x16xf32> to vector<16xf32>
        %mul3A_1066 = arith.mulf %get3A_1065, %gather3A_989 : vector<16xf32>
        %add3A_1067 = arith.constant 8 : i32
        %add3A_1068 = arith.addi %add3A_58, %add3A_1067 : i32
        %swap3A_1069 = arith.index_cast %add3A_1068 : i32 to index
        %swap3A_1070 = arith.constant 80 : index
        %swap3A_1071 = tpu.vector_load %arg7[%swap3A_1069, %swap3A_1070] {strides = array<i32>} : memref<128x128xf32, #tpu.memory_space<vmem>>, vector<1x16xf32>,
        %swap3A_1072 = vector.shape_cast %swap3A_1071 : vector<1x16xf32> to vector<16xf32>
        %swap3A_1073 = vector.shape_cast %mul3A_1066 : vector<16xf32> to vector<1x16xf32>
        tpu.vector_store %arg7[%swap3A_1069, %swap3A_1070], %swap3A_1073 {strides = array<i32>} : memref<128x128xf32, #tpu.memory_space<vmem>>, vector<1x16xf32>,
        %add3A_1074 = arith.constant 8 : i32
        %add3A_1075 = arith.addi %add3A_58, %add3A_1074 : i32
        %get3A_1076 = arith.index_cast %add3A_1075 : i32 to index
        %get3A_1077 = arith.constant 96 : index
        %get3A_1078 = tpu.vector_load %arg7[%get3A_1076, %get3A_1077] {strides = array<i32>} : memref<128x128xf32, #tpu.memory_space<vmem>>, vector<1x16xf32>,
        %get3A_1079 = vector.shape_cast %get3A_1078 : vector<1x16xf32> to vector<16xf32>
        %mul3A_1080 = arith.mulf %get3A_1079, %gather3A_989 : vector<16xf32>
        %add3A_1081 = arith.constant 8 : i32
        %add3A_1082 = arith.addi %add3A_58, %add3A_1081 : i32
        %swap3A_1083 = arith.index_cast %add3A_1082 : i32 to index
        %swap3A_1084 = arith.constant 96 : index
        %swap3A_1085 = tpu.vector_load %arg7[%swap3A_1083, %swap3A_1084] {strides = array<i32>} : memref<128x128xf32, #tpu.memory_space<vmem>>, vector<1x16xf32>,
        %swap3A_1086 = vector.shape_cast %swap3A_1085 : vector<1x16xf32> to vector<16xf32>
        %swap3A_1087 = vector.shape_cast %mul3A_1080 : vector<16xf32> to vector<1x16xf32>
        tpu.vector_store %arg7[%swap3A_1083, %swap3A_1084], %swap3A_1087 {strides = array<i32>} : memref<128x128xf32, #tpu.memory_space<vmem>>, vector<1x16xf32>,
        %add3A_1088 = arith.constant 8 : i32
        %add3A_1089 = arith.addi %add3A_58, %add3A_1088 : i32
        %get3A_1090 = arith.index_cast %add3A_1089 : i32 to index
        %get3A_1091 = arith.constant 112 : index
        %get3A_1092 = tpu.vector_load %arg7[%get3A_1090, %get3A_1091] {strides = array<i32>} : memref<128x128xf32, #tpu.memory_space<vmem>>, vector<1x16xf32>,
        %get3A_1093 = vector.shape_cast %get3A_1092 : vector<1x16xf32> to vector<16xf32>
        %mul3A_1094 = arith.mulf %get3A_1093, %gather3A_989 : vector<16xf32>
        %add3A_1095 = arith.constant 8 : i32
        %add3A_1096 = arith.addi %add3A_58, %add3A_1095 : i32
        %swap3A_1097 = arith.index_cast %add3A_1096 : i32 to index
        %swap3A_1098 = arith.constant 112 : index
        %swap3A_1099 = tpu.vector_load %arg7[%swap3A_1097, %swap3A_1098] {strides = array<i32>} : memref<128x128xf32, #tpu.memory_space<vmem>>, vector<1x16xf32>,
        %swap3A_1100 = vector.shape_cast %swap3A_1099 : vector<1x16xf32> to vector<16xf32>
        %swap3A_1101 = vector.shape_cast %mul3A_1094 : vector<16xf32> to vector<1x16xf32>
        tpu.vector_store %arg7[%swap3A_1097, %swap3A_1098], %swap3A_1101 {strides = array<i32>} : memref<128x128xf32, #tpu.memory_space<vmem>>, vector<1x16xf32>,
        %broadcast_in_dim3A_1102 = arith.constant 9 : i32
        %broadcast_in_dim3A_1103 = vector.broadcast %broadcast_in_dim3A_1102 : i32 to vector<16x1xi32>
        %gather3A_1104 = vector.shape_cast %broadcast_in_dim3A_1103 : vector<16x1xi32> to vector<16xi32>
        %gather3A_1105 = tpu.dynamic_gather %get3A_60[%gather3A_1104] in [0] : vector<16xf32>, vector<16xi32> -> vector<16xf32>
        %add3A_1106 = arith.constant 9 : i32
        %add3A_1107 = arith.addi %add3A_58, %add3A_1106 : i32
        %get3A_1108 = arith.index_cast %add3A_1107 : i32 to index
        %get3A_1109 = arith.constant 0 : index
        %get3A_1110 = tpu.vector_load %arg7[%get3A_1108, %get3A_1109] {strides = array<i32>} : memref<128x128xf32, #tpu.memory_space<vmem>>, vector<1x16xf32>,
        %get3A_1111 = vector.shape_cast %get3A_1110 : vector<1x16xf32> to vector<16xf32>
        %mul3A_1112 = arith.mulf %get3A_1111, %gather3A_1105 : vector<16xf32>
        %add3A_1113 = arith.constant 9 : i32
        %add3A_1114 = arith.addi %add3A_58, %add3A_1113 : i32
        %swap3A_1115 = arith.index_cast %add3A_1114 : i32 to index
        %swap3A_1116 = arith.constant 0 : index
        %swap3A_1117 = tpu.vector_load %arg7[%swap3A_1115, %swap3A_1116] {strides = array<i32>} : memref<128x128xf32, #tpu.memory_space<vmem>>, vector<1x16xf32>,
        %swap3A_1118 = vector.shape_cast %swap3A_1117 : vector<1x16xf32> to vector<16xf32>
        %swap3A_1119 = vector.shape_cast %mul3A_1112 : vector<16xf32> to vector<1x16xf32>
        tpu.vector_store %arg7[%swap3A_1115, %swap3A_1116], %swap3A_1119 {strides = array<i32>} : memref<128x128xf32, #tpu.memory_space<vmem>>, vector<1x16xf32>,
        %add3A_1120 = arith.constant 9 : i32
        %add3A_1121 = arith.addi %add3A_58, %add3A_1120 : i32
        %get3A_1122 = arith.index_cast %add3A_1121 : i32 to index
        %get3A_1123 = arith.constant 16 : index
        %get3A_1124 = tpu.vector_load %arg7[%get3A_1122, %get3A_1123] {strides = array<i32>} : memref<128x128xf32, #tpu.memory_space<vmem>>, vector<1x16xf32>,
        %get3A_1125 = vector.shape_cast %get3A_1124 : vector<1x16xf32> to vector<16xf32>
        %mul3A_1126 = arith.mulf %get3A_1125, %gather3A_1105 : vector<16xf32>
        %add3A_1127 = arith.constant 9 : i32
        %add3A_1128 = arith.addi %add3A_58, %add3A_1127 : i32
        %swap3A_1129 = arith.index_cast %add3A_1128 : i32 to index
        %swap3A_1130 = arith.constant 16 : index
        %swap3A_1131 = tpu.vector_load %arg7[%swap3A_1129, %swap3A_1130] {strides = array<i32>} : memref<128x128xf32, #tpu.memory_space<vmem>>, vector<1x16xf32>,
        %swap3A_1132 = vector.shape_cast %swap3A_1131 : vector<1x16xf32> to vector<16xf32>
        %swap3A_1133 = vector.shape_cast %mul3A_1126 : vector<16xf32> to vector<1x16xf32>
        tpu.vector_store %arg7[%swap3A_1129, %swap3A_1130], %swap3A_1133 {strides = array<i32>} : memref<128x128xf32, #tpu.memory_space<vmem>>, vector<1x16xf32>,
        %add3A_1134 = arith.constant 9 : i32
        %add3A_1135 = arith.addi %add3A_58, %add3A_1134 : i32
        %get3A_1136 = arith.index_cast %add3A_1135 : i32 to index
        %get3A_1137 = arith.constant 32 : index
        %get3A_1138 = tpu.vector_load %arg7[%get3A_1136, %get3A_1137] {strides = array<i32>} : memref<128x128xf32, #tpu.memory_space<vmem>>, vector<1x16xf32>,
        %get3A_1139 = vector.shape_cast %get3A_1138 : vector<1x16xf32> to vector<16xf32>
        %mul3A_1140 = arith.mulf %get3A_1139, %gather3A_1105 : vector<16xf32>
        %add3A_1141 = arith.constant 9 : i32
        %add3A_1142 = arith.addi %add3A_58, %add3A_1141 : i32
        %swap3A_1143 = arith.index_cast %add3A_1142 : i32 to index
        %swap3A_1144 = arith.constant 32 : index
        %swap3A_1145 = tpu.vector_load %arg7[%swap3A_1143, %swap3A_1144] {strides = array<i32>} : memref<128x128xf32, #tpu.memory_space<vmem>>, vector<1x16xf32>,
        %swap3A_1146 = vector.shape_cast %swap3A_1145 : vector<1x16xf32> to vector<16xf32>
        %swap3A_1147 = vector.shape_cast %mul3A_1140 : vector<16xf32> to vector<1x16xf32>
        tpu.vector_store %arg7[%swap3A_1143, %swap3A_1144], %swap3A_1147 {strides = array<i32>} : memref<128x128xf32, #tpu.memory_space<vmem>>, vector<1x16xf32>,
        %add3A_1148 = arith.constant 9 : i32
        %add3A_1149 = arith.addi %add3A_58, %add3A_1148 : i32
        %get3A_1150 = arith.index_cast %add3A_1149 : i32 to index
        %get3A_1151 = arith.constant 48 : index
        %get3A_1152 = tpu.vector_load %arg7[%get3A_1150, %get3A_1151] {strides = array<i32>} : memref<128x128xf32, #tpu.memory_space<vmem>>, vector<1x16xf32>,
        %get3A_1153 = vector.shape_cast %get3A_1152 : vector<1x16xf32> to vector<16xf32>
        %mul3A_1154 = arith.mulf %get3A_1153, %gather3A_1105 : vector<16xf32>
        %add3A_1155 = arith.constant 9 : i32
        %add3A_1156 = arith.addi %add3A_58, %add3A_1155 : i32
        %swap3A_1157 = arith.index_cast %add3A_1156 : i32 to index
        %swap3A_1158 = arith.constant 48 : index
        %swap3A_1159 = tpu.vector_load %arg7[%swap3A_1157, %swap3A_1158] {strides = array<i32>} : memref<128x128xf32, #tpu.memory_space<vmem>>, vector<1x16xf32>,
        %swap3A_1160 = vector.shape_cast %swap3A_1159 : vector<1x16xf32> to vector<16xf32>
        %swap3A_1161 = vector.shape_cast %mul3A_1154 : vector<16xf32> to vector<1x16xf32>
        tpu.vector_store %arg7[%swap3A_1157, %swap3A_1158], %swap3A_1161 {strides = array<i32>} : memref<128x128xf32, #tpu.memory_space<vmem>>, vector<1x16xf32>,
        %add3A_1162 = arith.constant 9 : i32
        %add3A_1163 = arith.addi %add3A_58, %add3A_1162 : i32
        %get3A_1164 = arith.index_cast %add3A_1163 : i32 to index
        %get3A_1165 = arith.constant 64 : index
        %get3A_1166 = tpu.vector_load %arg7[%get3A_1164, %get3A_1165] {strides = array<i32>} : memref<128x128xf32, #tpu.memory_space<vmem>>, vector<1x16xf32>,
        %get3A_1167 = vector.shape_cast %get3A_1166 : vector<1x16xf32> to vector<16xf32>
        %mul3A_1168 = arith.mulf %get3A_1167, %gather3A_1105 : vector<16xf32>
        %add3A_1169 = arith.constant 9 : i32
        %add3A_1170 = arith.addi %add3A_58, %add3A_1169 : i32
        %swap3A_1171 = arith.index_cast %add3A_1170 : i32 to index
        %swap3A_1172 = arith.constant 64 : index
        %swap3A_1173 = tpu.vector_load %arg7[%swap3A_1171, %swap3A_1172] {strides = array<i32>} : memref<128x128xf32, #tpu.memory_space<vmem>>, vector<1x16xf32>,
        %swap3A_1174 = vector.shape_cast %swap3A_1173 : vector<1x16xf32> to vector<16xf32>
        %swap3A_1175 = vector.shape_cast %mul3A_1168 : vector<16xf32> to vector<1x16xf32>
        tpu.vector_store %arg7[%swap3A_1171, %swap3A_1172], %swap3A_1175 {strides = array<i32>} : memref<128x128xf32, #tpu.memory_space<vmem>>, vector<1x16xf32>,
        %add3A_1176 = arith.constant 9 : i32
        %add3A_1177 = arith.addi %add3A_58, %add3A_1176 : i32
        %get3A_1178 = arith.index_cast %add3A_1177 : i32 to index
        %get3A_1179 = arith.constant 80 : index
        %get3A_1180 = tpu.vector_load %arg7[%get3A_1178, %get3A_1179] {strides = array<i32>} : memref<128x128xf32, #tpu.memory_space<vmem>>, vector<1x16xf32>,
        %get3A_1181 = vector.shape_cast %get3A_1180 : vector<1x16xf32> to vector<16xf32>
        %mul3A_1182 = arith.mulf %get3A_1181, %gather3A_1105 : vector<16xf32>
        %add3A_1183 = arith.constant 9 : i32
        %add3A_1184 = arith.addi %add3A_58, %add3A_1183 : i32
        %swap3A_1185 = arith.index_cast %add3A_1184 : i32 to index
        %swap3A_1186 = arith.constant 80 : index
        %swap3A_1187 = tpu.vector_load %arg7[%swap3A_1185, %swap3A_1186] {strides = array<i32>} : memref<128x128xf32, #tpu.memory_space<vmem>>, vector<1x16xf32>,
        %swap3A_1188 = vector.shape_cast %swap3A_1187 : vector<1x16xf32> to vector<16xf32>
        %swap3A_1189 = vector.shape_cast %mul3A_1182 : vector<16xf32> to vector<1x16xf32>
        tpu.vector_store %arg7[%swap3A_1185, %swap3A_1186], %swap3A_1189 {strides = array<i32>} : memref<128x128xf32, #tpu.memory_space<vmem>>, vector<1x16xf32>,
        %add3A_1190 = arith.constant 9 : i32
        %add3A_1191 = arith.addi %add3A_58, %add3A_1190 : i32
        %get3A_1192 = arith.index_cast %add3A_1191 : i32 to index
        %get3A_1193 = arith.constant 96 : index
        %get3A_1194 = tpu.vector_load %arg7[%get3A_1192, %get3A_1193] {strides = array<i32>} : memref<128x128xf32, #tpu.memory_space<vmem>>, vector<1x16xf32>,
        %get3A_1195 = vector.shape_cast %get3A_1194 : vector<1x16xf32> to vector<16xf32>
        %mul3A_1196 = arith.mulf %get3A_1195, %gather3A_1105 : vector<16xf32>
        %add3A_1197 = arith.constant 9 : i32
        %add3A_1198 = arith.addi %add3A_58, %add3A_1197 : i32
        %swap3A_1199 = arith.index_cast %add3A_1198 : i32 to index
        %swap3A_1200 = arith.constant 96 : index
        %swap3A_1201 = tpu.vector_load %arg7[%swap3A_1199, %swap3A_1200] {strides = array<i32>} : memref<128x128xf32, #tpu.memory_space<vmem>>, vector<1x16xf32>,
        %swap3A_1202 = vector.shape_cast %swap3A_1201 : vector<1x16xf32> to vector<16xf32>
        %swap3A_1203 = vector.shape_cast %mul3A_1196 : vector<16xf32> to vector<1x16xf32>
        tpu.vector_store %arg7[%swap3A_1199, %swap3A_1200], %swap3A_1203 {strides = array<i32>} : memref<128x128xf32, #tpu.memory_space<vmem>>, vector<1x16xf32>,
        %add3A_1204 = arith.constant 9 : i32
        %add3A_1205 = arith.addi %add3A_58, %add3A_1204 : i32
        %get3A_1206 = arith.index_cast %add3A_1205 : i32 to index
        %get3A_1207 = arith.constant 112 : index
        %get3A_1208 = tpu.vector_load %arg7[%get3A_1206, %get3A_1207] {strides = array<i32>} : memref<128x128xf32, #tpu.memory_space<vmem>>, vector<1x16xf32>,
        %get3A_1209 = vector.shape_cast %get3A_1208 : vector<1x16xf32> to vector<16xf32>
        %mul3A_1210 = arith.mulf %get3A_1209, %gather3A_1105 : vector<16xf32>
        %add3A_1211 = arith.constant 9 : i32
        %add3A_1212 = arith.addi %add3A_58, %add3A_1211 : i32
        %swap3A_1213 = arith.index_cast %add3A_1212 : i32 to index
        %swap3A_1214 = arith.constant 112 : index
        %swap3A_1215 = tpu.vector_load %arg7[%swap3A_1213, %swap3A_1214] {strides = array<i32>} : memref<128x128xf32, #tpu.memory_space<vmem>>, vector<1x16xf32>,
        %swap3A_1216 = vector.shape_cast %swap3A_1215 : vector<1x16xf32> to vector<16xf32>
        %swap3A_1217 = vector.shape_cast %mul3A_1210 : vector<16xf32> to vector<1x16xf32>
        tpu.vector_store %arg7[%swap3A_1213, %swap3A_1214], %swap3A_1217 {strides = array<i32>} : memref<128x128xf32, #tpu.memory_space<vmem>>, vector<1x16xf32>,
        %broadcast_in_dim3A_1218 = arith.constant 10 : i32
        %broadcast_in_dim3A_1219 = vector.broadcast %broadcast_in_dim3A_1218 : i32 to vector<16x1xi32>
        %gather3A_1220 = vector.shape_cast %broadcast_in_dim3A_1219 : vector<16x1xi32> to vector<16xi32>
        %gather3A_1221 = tpu.dynamic_gather %get3A_60[%gather3A_1220] in [0] : vector<16xf32>, vector<16xi32> -> vector<16xf32>
        %add3A_1222 = arith.constant 10 : i32
        %add3A_1223 = arith.addi %add3A_58, %add3A_1222 : i32
        %get3A_1224 = arith.index_cast %add3A_1223 : i32 to index
        %get3A_1225 = arith.constant 0 : index
        %get3A_1226 = tpu.vector_load %arg7[%get3A_1224, %get3A_1225] {strides = array<i32>} : memref<128x128xf32, #tpu.memory_space<vmem>>, vector<1x16xf32>,
        %get3A_1227 = vector.shape_cast %get3A_1226 : vector<1x16xf32> to vector<16xf32>
        %mul3A_1228 = arith.mulf %get3A_1227, %gather3A_1221 : vector<16xf32>
        %add3A_1229 = arith.constant 10 : i32
        %add3A_1230 = arith.addi %add3A_58, %add3A_1229 : i32
        %swap3A_1231 = arith.index_cast %add3A_1230 : i32 to index
        %swap3A_1232 = arith.constant 0 : index
        %swap3A_1233 = tpu.vector_load %arg7[%swap3A_1231, %swap3A_1232] {strides = array<i32>} : memref<128x128xf32, #tpu.memory_space<vmem>>, vector<1x16xf32>,
        %swap3A_1234 = vector.shape_cast %swap3A_1233 : vector<1x16xf32> to vector<16xf32>
        %swap3A_1235 = vector.shape_cast %mul3A_1228 : vector<16xf32> to vector<1x16xf32>
        tpu.vector_store %arg7[%swap3A_1231, %swap3A_1232], %swap3A_1235 {strides = array<i32>} : memref<128x128xf32, #tpu.memory_space<vmem>>, vector<1x16xf32>,
        %add3A_1236 = arith.constant 10 : i32
        %add3A_1237 = arith.addi %add3A_58, %add3A_1236 : i32
        %get3A_1238 = arith.index_cast %add3A_1237 : i32 to index
        %get3A_1239 = arith.constant 16 : index
        %get3A_1240 = tpu.vector_load %arg7[%get3A_1238, %get3A_1239] {strides = array<i32>} : memref<128x128xf32, #tpu.memory_space<vmem>>, vector<1x16xf32>,
        %get3A_1241 = vector.shape_cast %get3A_1240 : vector<1x16xf32> to vector<16xf32>
        %mul3A_1242 = arith.mulf %get3A_1241, %gather3A_1221 : vector<16xf32>
        %add3A_1243 = arith.constant 10 : i32
        %add3A_1244 = arith.addi %add3A_58, %add3A_1243 : i32
        %swap3A_1245 = arith.index_cast %add3A_1244 : i32 to index
        %swap3A_1246 = arith.constant 16 : index
        %swap3A_1247 = tpu.vector_load %arg7[%swap3A_1245, %swap3A_1246] {strides = array<i32>} : memref<128x128xf32, #tpu.memory_space<vmem>>, vector<1x16xf32>,
        %swap3A_1248 = vector.shape_cast %swap3A_1247 : vector<1x16xf32> to vector<16xf32>
        %swap3A_1249 = vector.shape_cast %mul3A_1242 : vector<16xf32> to vector<1x16xf32>
        tpu.vector_store %arg7[%swap3A_1245, %swap3A_1246], %swap3A_1249 {strides = array<i32>} : memref<128x128xf32, #tpu.memory_space<vmem>>, vector<1x16xf32>,
        %add3A_1250 = arith.constant 10 : i32
        %add3A_1251 = arith.addi %add3A_58, %add3A_1250 : i32
        %get3A_1252 = arith.index_cast %add3A_1251 : i32 to index
        %get3A_1253 = arith.constant 32 : index
        %get3A_1254 = tpu.vector_load %arg7[%get3A_1252, %get3A_1253] {strides = array<i32>} : memref<128x128xf32, #tpu.memory_space<vmem>>, vector<1x16xf32>,
        %get3A_1255 = vector.shape_cast %get3A_1254 : vector<1x16xf32> to vector<16xf32>
        %mul3A_1256 = arith.mulf %get3A_1255, %gather3A_1221 : vector<16xf32>
        %add3A_1257 = arith.constant 10 : i32
        %add3A_1258 = arith.addi %add3A_58, %add3A_1257 : i32
        %swap3A_1259 = arith.index_cast %add3A_1258 : i32 to index
        %swap3A_1260 = arith.constant 32 : index
        %swap3A_1261 = tpu.vector_load %arg7[%swap3A_1259, %swap3A_1260] {strides = array<i32>} : memref<128x128xf32, #tpu.memory_space<vmem>>, vector<1x16xf32>,
        %swap3A_1262 = vector.shape_cast %swap3A_1261 : vector<1x16xf32> to vector<16xf32>
        %swap3A_1263 = vector.shape_cast %mul3A_1256 : vector<16xf32> to vector<1x16xf32>
        tpu.vector_store %arg7[%swap3A_1259, %swap3A_1260], %swap3A_1263 {strides = array<i32>} : memref<128x128xf32, #tpu.memory_space<vmem>>, vector<1x16xf32>,
        %add3A_1264 = arith.constant 10 : i32
        %add3A_1265 = arith.addi %add3A_58, %add3A_1264 : i32
        %get3A_1266 = arith.index_cast %add3A_1265 : i32 to index
        %get3A_1267 = arith.constant 48 : index
        %get3A_1268 = tpu.vector_load %arg7[%get3A_1266, %get3A_1267] {strides = array<i32>} : memref<128x128xf32, #tpu.memory_space<vmem>>, vector<1x16xf32>,
        %get3A_1269 = vector.shape_cast %get3A_1268 : vector<1x16xf32> to vector<16xf32>
        %mul3A_1270 = arith.mulf %get3A_1269, %gather3A_1221 : vector<16xf32>
        %add3A_1271 = arith.constant 10 : i32
        %add3A_1272 = arith.addi %add3A_58, %add3A_1271 : i32
        %swap3A_1273 = arith.index_cast %add3A_1272 : i32 to index
        %swap3A_1274 = arith.constant 48 : index
        %swap3A_1275 = tpu.vector_load %arg7[%swap3A_1273, %swap3A_1274] {strides = array<i32>} : memref<128x128xf32, #tpu.memory_space<vmem>>, vector<1x16xf32>,
        %swap3A_1276 = vector.shape_cast %swap3A_1275 : vector<1x16xf32> to vector<16xf32>
        %swap3A_1277 = vector.shape_cast %mul3A_1270 : vector<16xf32> to vector<1x16xf32>
        tpu.vector_store %arg7[%swap3A_1273, %swap3A_1274], %swap3A_1277 {strides = array<i32>} : memref<128x128xf32, #tpu.memory_space<vmem>>, vector<1x16xf32>,
        %add3A_1278 = arith.constant 10 : i32
        %add3A_1279 = arith.addi %add3A_58, %add3A_1278 : i32
        %get3A_1280 = arith.index_cast %add3A_1279 : i32 to index
        %get3A_1281 = arith.constant 64 : index
        %get3A_1282 = tpu.vector_load %arg7[%get3A_1280, %get3A_1281] {strides = array<i32>} : memref<128x128xf32, #tpu.memory_space<vmem>>, vector<1x16xf32>,
        %get3A_1283 = vector.shape_cast %get3A_1282 : vector<1x16xf32> to vector<16xf32>
        %mul3A_1284 = arith.mulf %get3A_1283, %gather3A_1221 : vector<16xf32>
        %add3A_1285 = arith.constant 10 : i32
        %add3A_1286 = arith.addi %add3A_58, %add3A_1285 : i32
        %swap3A_1287 = arith.index_cast %add3A_1286 : i32 to index
        %swap3A_1288 = arith.constant 64 : index
        %swap3A_1289 = tpu.vector_load %arg7[%swap3A_1287, %swap3A_1288] {strides = array<i32>} : memref<128x128xf32, #tpu.memory_space<vmem>>, vector<1x16xf32>,
        %swap3A_1290 = vector.shape_cast %swap3A_1289 : vector<1x16xf32> to vector<16xf32>
        %swap3A_1291 = vector.shape_cast %mul3A_1284 : vector<16xf32> to vector<1x16xf32>
        tpu.vector_store %arg7[%swap3A_1287, %swap3A_1288], %swap3A_1291 {strides = array<i32>} : memref<128x128xf32, #tpu.memory_space<vmem>>, vector<1x16xf32>,
        %add3A_1292 = arith.constant 10 : i32
        %add3A_1293 = arith.addi %add3A_58, %add3A_1292 : i32
        %get3A_1294 = arith.index_cast %add3A_1293 : i32 to index
        %get3A_1295 = arith.constant 80 : index
        %get3A_1296 = tpu.vector_load %arg7[%get3A_1294, %get3A_1295] {strides = array<i32>} : memref<128x128xf32, #tpu.memory_space<vmem>>, vector<1x16xf32>,
        %get3A_1297 = vector.shape_cast %get3A_1296 : vector<1x16xf32> to vector<16xf32>
        %mul3A_1298 = arith.mulf %get3A_1297, %gather3A_1221 : vector<16xf32>
        %add3A_1299 = arith.constant 10 : i32
        %add3A_1300 = arith.addi %add3A_58, %add3A_1299 : i32
        %swap3A_1301 = arith.index_cast %add3A_1300 : i32 to index
        %swap3A_1302 = arith.constant 80 : index
        %swap3A_1303 = tpu.vector_load %arg7[%swap3A_1301, %swap3A_1302] {strides = array<i32>} : memref<128x128xf32, #tpu.memory_space<vmem>>, vector<1x16xf32>,
        %swap3A_1304 = vector.shape_cast %swap3A_1303 : vector<1x16xf32> to vector<16xf32>
        %swap3A_1305 = vector.shape_cast %mul3A_1298 : vector<16xf32> to vector<1x16xf32>
        tpu.vector_store %arg7[%swap3A_1301, %swap3A_1302], %swap3A_1305 {strides = array<i32>} : memref<128x128xf32, #tpu.memory_space<vmem>>, vector<1x16xf32>,
        %add3A_1306 = arith.constant 10 : i32
        %add3A_1307 = arith.addi %add3A_58, %add3A_1306 : i32
        %get3A_1308 = arith.index_cast %add3A_1307 : i32 to index
        %get3A_1309 = arith.constant 96 : index
        %get3A_1310 = tpu.vector_load %arg7[%get3A_1308, %get3A_1309] {strides = array<i32>} : memref<128x128xf32, #tpu.memory_space<vmem>>, vector<1x16xf32>,
        %get3A_1311 = vector.shape_cast %get3A_1310 : vector<1x16xf32> to vector<16xf32>
        %mul3A_1312 = arith.mulf %get3A_1311, %gather3A_1221 : vector<16xf32>
        %add3A_1313 = arith.constant 10 : i32
        %add3A_1314 = arith.addi %add3A_58, %add3A_1313 : i32
        %swap3A_1315 = arith.index_cast %add3A_1314 : i32 to index
        %swap3A_1316 = arith.constant 96 : index
        %swap3A_1317 = tpu.vector_load %arg7[%swap3A_1315, %swap3A_1316] {strides = array<i32>} : memref<128x128xf32, #tpu.memory_space<vmem>>, vector<1x16xf32>,
        %swap3A_1318 = vector.shape_cast %swap3A_1317 : vector<1x16xf32> to vector<16xf32>
        %swap3A_1319 = vector.shape_cast %mul3A_1312 : vector<16xf32> to vector<1x16xf32>
        tpu.vector_store %arg7[%swap3A_1315, %swap3A_1316], %swap3A_1319 {strides = array<i32>} : memref<128x128xf32, #tpu.memory_space<vmem>>, vector<1x16xf32>,
        %add3A_1320 = arith.constant 10 : i32
        %add3A_1321 = arith.addi %add3A_58, %add3A_1320 : i32
        %get3A_1322 = arith.index_cast %add3A_1321 : i32 to index
        %get3A_1323 = arith.constant 112 : index
        %get3A_1324 = tpu.vector_load %arg7[%get3A_1322, %get3A_1323] {strides = array<i32>} : memref<128x128xf32, #tpu.memory_space<vmem>>, vector<1x16xf32>,
        %get3A_1325 = vector.shape_cast %get3A_1324 : vector<1x16xf32> to vector<16xf32>
        %mul3A_1326 = arith.mulf %get3A_1325, %gather3A_1221 : vector<16xf32>
        %add3A_1327 = arith.constant 10 : i32
        %add3A_1328 = arith.addi %add3A_58, %add3A_1327 : i32
        %swap3A_1329 = arith.index_cast %add3A_1328 : i32 to index
        %swap3A_1330 = arith.constant 112 : index
        %swap3A_1331 = tpu.vector_load %arg7[%swap3A_1329, %swap3A_1330] {strides = array<i32>} : memref<128x128xf32, #tpu.memory_space<vmem>>, vector<1x16xf32>,
        %swap3A_1332 = vector.shape_cast %swap3A_1331 : vector<1x16xf32> to vector<16xf32>
        %swap3A_1333 = vector.shape_cast %mul3A_1326 : vector<16xf32> to vector<1x16xf32>
        tpu.vector_store %arg7[%swap3A_1329, %swap3A_1330], %swap3A_1333 {strides = array<i32>} : memref<128x128xf32, #tpu.memory_space<vmem>>, vector<1x16xf32>,
        %broadcast_in_dim3A_1334 = arith.constant 11 : i32
        %broadcast_in_dim3A_1335 = vector.broadcast %broadcast_in_dim3A_1334 : i32 to vector<16x1xi32>
        %gather3A_1336 = vector.shape_cast %broadcast_in_dim3A_1335 : vector<16x1xi32> to vector<16xi32>
        %gather3A_1337 = tpu.dynamic_gather %get3A_60[%gather3A_1336] in [0] : vector<16xf32>, vector<16xi32> -> vector<16xf32>
        %add3A_1338 = arith.constant 11 : i32
        %add3A_1339 = arith.addi %add3A_58, %add3A_1338 : i32
        %get3A_1340 = arith.index_cast %add3A_1339 : i32 to index
        %get3A_1341 = arith.constant 0 : index
        %get3A_1342 = tpu.vector_load %arg7[%get3A_1340, %get3A_1341] {strides = array<i32>} : memref<128x128xf32, #tpu.memory_space<vmem>>, vector<1x16xf32>,
        %get3A_1343 = vector.shape_cast %get3A_1342 : vector<1x16xf32> to vector<16xf32>
        %mul3A_1344 = arith.mulf %get3A_1343, %gather3A_1337 : vector<16xf32>
        %add3A_1345 = arith.constant 11 : i32
        %add3A_1346 = arith.addi %add3A_58, %add3A_1345 : i32
        %swap3A_1347 = arith.index_cast %add3A_1346 : i32 to index
        %swap3A_1348 = arith.constant 0 : index
        %swap3A_1349 = tpu.vector_load %arg7[%swap3A_1347, %swap3A_1348] {strides = array<i32>} : memref<128x128xf32, #tpu.memory_space<vmem>>, vector<1x16xf32>,
        %swap3A_1350 = vector.shape_cast %swap3A_1349 : vector<1x16xf32> to vector<16xf32>
        %swap3A_1351 = vector.shape_cast %mul3A_1344 : vector<16xf32> to vector<1x16xf32>
        tpu.vector_store %arg7[%swap3A_1347, %swap3A_1348], %swap3A_1351 {strides = array<i32>} : memref<128x128xf32, #tpu.memory_space<vmem>>, vector<1x16xf32>,
        %add3A_1352 = arith.constant 11 : i32
        %add3A_1353 = arith.addi %add3A_58, %add3A_1352 : i32
        %get3A_1354 = arith.index_cast %add3A_1353 : i32 to index
        %get3A_1355 = arith.constant 16 : index
        %get3A_1356 = tpu.vector_load %arg7[%get3A_1354, %get3A_1355] {strides = array<i32>} : memref<128x128xf32, #tpu.memory_space<vmem>>, vector<1x16xf32>,
        %get3A_1357 = vector.shape_cast %get3A_1356 : vector<1x16xf32> to vector<16xf32>
        %mul3A_1358 = arith.mulf %get3A_1357, %gather3A_1337 : vector<16xf32>
        %add3A_1359 = arith.constant 11 : i32
        %add3A_1360 = arith.addi %add3A_58, %add3A_1359 : i32
        %swap3A_1361 = arith.index_cast %add3A_1360 : i32 to index
        %swap3A_1362 = arith.constant 16 : index
        %swap3A_1363 = tpu.vector_load %arg7[%swap3A_1361, %swap3A_1362] {strides = array<i32>} : memref<128x128xf32, #tpu.memory_space<vmem>>, vector<1x16xf32>,
        %swap3A_1364 = vector.shape_cast %swap3A_1363 : vector<1x16xf32> to vector<16xf32>
        %swap3A_1365 = vector.shape_cast %mul3A_1358 : vector<16xf32> to vector<1x16xf32>
        tpu.vector_store %arg7[%swap3A_1361, %swap3A_1362], %swap3A_1365 {strides = array<i32>} : memref<128x128xf32, #tpu.memory_space<vmem>>, vector<1x16xf32>,
        %add3A_1366 = arith.constant 11 : i32
        %add3A_1367 = arith.addi %add3A_58, %add3A_1366 : i32
        %get3A_1368 = arith.index_cast %add3A_1367 : i32 to index
        %get3A_1369 = arith.constant 32 : index
        %get3A_1370 = tpu.vector_load %arg7[%get3A_1368, %get3A_1369] {strides = array<i32>} : memref<128x128xf32, #tpu.memory_space<vmem>>, vector<1x16xf32>,
        %get3A_1371 = vector.shape_cast %get3A_1370 : vector<1x16xf32> to vector<16xf32>
        %mul3A_1372 = arith.mulf %get3A_1371, %gather3A_1337 : vector<16xf32>
        %add3A_1373 = arith.constant 11 : i32
        %add3A_1374 = arith.addi %add3A_58, %add3A_1373 : i32
        %swap3A_1375 = arith.index_cast %add3A_1374 : i32 to index
        %swap3A_1376 = arith.constant 32 : index
        %swap3A_1377 = tpu.vector_load %arg7[%swap3A_1375, %swap3A_1376] {strides = array<i32>} : memref<128x128xf32, #tpu.memory_space<vmem>>, vector<1x16xf32>,
        %swap3A_1378 = vector.shape_cast %swap3A_1377 : vector<1x16xf32> to vector<16xf32>
        %swap3A_1379 = vector.shape_cast %mul3A_1372 : vector<16xf32> to vector<1x16xf32>
        tpu.vector_store %arg7[%swap3A_1375, %swap3A_1376], %swap3A_1379 {strides = array<i32>} : memref<128x128xf32, #tpu.memory_space<vmem>>, vector<1x16xf32>,
        %add3A_1380 = arith.constant 11 : i32
        %add3A_1381 = arith.addi %add3A_58, %add3A_1380 : i32
        %get3A_1382 = arith.index_cast %add3A_1381 : i32 to index
        %get3A_1383 = arith.constant 48 : index
        %get3A_1384 = tpu.vector_load %arg7[%get3A_1382, %get3A_1383] {strides = array<i32>} : memref<128x128xf32, #tpu.memory_space<vmem>>, vector<1x16xf32>,
        %get3A_1385 = vector.shape_cast %get3A_1384 : vector<1x16xf32> to vector<16xf32>
        %mul3A_1386 = arith.mulf %get3A_1385, %gather3A_1337 : vector<16xf32>
        %add3A_1387 = arith.constant 11 : i32
        %add3A_1388 = arith.addi %add3A_58, %add3A_1387 : i32
        %swap3A_1389 = arith.index_cast %add3A_1388 : i32 to index
        %swap3A_1390 = arith.constant 48 : index
        %swap3A_1391 = tpu.vector_load %arg7[%swap3A_1389, %swap3A_1390] {strides = array<i32>} : memref<128x128xf32, #tpu.memory_space<vmem>>, vector<1x16xf32>,
        %swap3A_1392 = vector.shape_cast %swap3A_1391 : vector<1x16xf32> to vector<16xf32>
        %swap3A_1393 = vector.shape_cast %mul3A_1386 : vector<16xf32> to vector<1x16xf32>
        tpu.vector_store %arg7[%swap3A_1389, %swap3A_1390], %swap3A_1393 {strides = array<i32>} : memref<128x128xf32, #tpu.memory_space<vmem>>, vector<1x16xf32>,
        %add3A_1394 = arith.constant 11 : i32
        %add3A_1395 = arith.addi %add3A_58, %add3A_1394 : i32
        %get3A_1396 = arith.index_cast %add3A_1395 : i32 to index
        %get3A_1397 = arith.constant 64 : index
        %get3A_1398 = tpu.vector_load %arg7[%get3A_1396, %get3A_1397] {strides = array<i32>} : memref<128x128xf32, #tpu.memory_space<vmem>>, vector<1x16xf32>,
        %get3A_1399 = vector.shape_cast %get3A_1398 : vector<1x16xf32> to vector<16xf32>
        %mul3A_1400 = arith.mulf %get3A_1399, %gather3A_1337 : vector<16xf32>
        %add3A_1401 = arith.constant 11 : i32
        %add3A_1402 = arith.addi %add3A_58, %add3A_1401 : i32
        %swap3A_1403 = arith.index_cast %add3A_1402 : i32 to index
        %swap3A_1404 = arith.constant 64 : index
        %swap3A_1405 = tpu.vector_load %arg7[%swap3A_1403, %swap3A_1404] {strides = array<i32>} : memref<128x128xf32, #tpu.memory_space<vmem>>, vector<1x16xf32>,
        %swap3A_1406 = vector.shape_cast %swap3A_1405 : vector<1x16xf32> to vector<16xf32>
        %swap3A_1407 = vector.shape_cast %mul3A_1400 : vector<16xf32> to vector<1x16xf32>
        tpu.vector_store %arg7[%swap3A_1403, %swap3A_1404], %swap3A_1407 {strides = array<i32>} : memref<128x128xf32, #tpu.memory_space<vmem>>, vector<1x16xf32>,
        %add3A_1408 = arith.constant 11 : i32
        %add3A_1409 = arith.addi %add3A_58, %add3A_1408 : i32
        %get3A_1410 = arith.index_cast %add3A_1409 : i32 to index
        %get3A_1411 = arith.constant 80 : index
        %get3A_1412 = tpu.vector_load %arg7[%get3A_1410, %get3A_1411] {strides = array<i32>} : memref<128x128xf32, #tpu.memory_space<vmem>>, vector<1x16xf32>,
        %get3A_1413 = vector.shape_cast %get3A_1412 : vector<1x16xf32> to vector<16xf32>
        %mul3A_1414 = arith.mulf %get3A_1413, %gather3A_1337 : vector<16xf32>
        %add3A_1415 = arith.constant 11 : i32
        %add3A_1416 = arith.addi %add3A_58, %add3A_1415 : i32
        %swap3A_1417 = arith.index_cast %add3A_1416 : i32 to index
        %swap3A_1418 = arith.constant 80 : index
        %swap3A_1419 = tpu.vector_load %arg7[%swap3A_1417, %swap3A_1418] {strides = array<i32>} : memref<128x128xf32, #tpu.memory_space<vmem>>, vector<1x16xf32>,
        %swap3A_1420 = vector.shape_cast %swap3A_1419 : vector<1x16xf32> to vector<16xf32>
        %swap3A_1421 = vector.shape_cast %mul3A_1414 : vector<16xf32> to vector<1x16xf32>
        tpu.vector_store %arg7[%swap3A_1417, %swap3A_1418], %swap3A_1421 {strides = array<i32>} : memref<128x128xf32, #tpu.memory_space<vmem>>, vector<1x16xf32>,
        %add3A_1422 = arith.constant 11 : i32
        %add3A_1423 = arith.addi %add3A_58, %add3A_1422 : i32
        %get3A_1424 = arith.index_cast %add3A_1423 : i32 to index
        %get3A_1425 = arith.constant 96 : index
        %get3A_1426 = tpu.vector_load %arg7[%get3A_1424, %get3A_1425] {strides = array<i32>} : memref<128x128xf32, #tpu.memory_space<vmem>>, vector<1x16xf32>,
        %get3A_1427 = vector.shape_cast %get3A_1426 : vector<1x16xf32> to vector<16xf32>
        %mul3A_1428 = arith.mulf %get3A_1427, %gather3A_1337 : vector<16xf32>
        %add3A_1429 = arith.constant 11 : i32
        %add3A_1430 = arith.addi %add3A_58, %add3A_1429 : i32
        %swap3A_1431 = arith.index_cast %add3A_1430 : i32 to index
        %swap3A_1432 = arith.constant 96 : index
        %swap3A_1433 = tpu.vector_load %arg7[%swap3A_1431, %swap3A_1432] {strides = array<i32>} : memref<128x128xf32, #tpu.memory_space<vmem>>, vector<1x16xf32>,
        %swap3A_1434 = vector.shape_cast %swap3A_1433 : vector<1x16xf32> to vector<16xf32>
        %swap3A_1435 = vector.shape_cast %mul3A_1428 : vector<16xf32> to vector<1x16xf32>
        tpu.vector_store %arg7[%swap3A_1431, %swap3A_1432], %swap3A_1435 {strides = array<i32>} : memref<128x128xf32, #tpu.memory_space<vmem>>, vector<1x16xf32>,
        %add3A_1436 = arith.constant 11 : i32
        %add3A_1437 = arith.addi %add3A_58, %add3A_1436 : i32
        %get3A_1438 = arith.index_cast %add3A_1437 : i32 to index
        %get3A_1439 = arith.constant 112 : index
        %get3A_1440 = tpu.vector_load %arg7[%get3A_1438, %get3A_1439] {strides = array<i32>} : memref<128x128xf32, #tpu.memory_space<vmem>>, vector<1x16xf32>,
        %get3A_1441 = vector.shape_cast %get3A_1440 : vector<1x16xf32> to vector<16xf32>
        %mul3A_1442 = arith.mulf %get3A_1441, %gather3A_1337 : vector<16xf32>
        %add3A_1443 = arith.constant 11 : i32
        %add3A_1444 = arith.addi %add3A_58, %add3A_1443 : i32
        %swap3A_1445 = arith.index_cast %add3A_1444 : i32 to index
        %swap3A_1446 = arith.constant 112 : index
        %swap3A_1447 = tpu.vector_load %arg7[%swap3A_1445, %swap3A_1446] {strides = array<i32>} : memref<128x128xf32, #tpu.memory_space<vmem>>, vector<1x16xf32>,
        %swap3A_1448 = vector.shape_cast %swap3A_1447 : vector<1x16xf32> to vector<16xf32>
        %swap3A_1449 = vector.shape_cast %mul3A_1442 : vector<16xf32> to vector<1x16xf32>
        tpu.vector_store %arg7[%swap3A_1445, %swap3A_1446], %swap3A_1449 {strides = array<i32>} : memref<128x128xf32, #tpu.memory_space<vmem>>, vector<1x16xf32>,
        %broadcast_in_dim3A_1450 = arith.constant 12 : i32
        %broadcast_in_dim3A_1451 = vector.broadcast %broadcast_in_dim3A_1450 : i32 to vector<16x1xi32>
        %gather3A_1452 = vector.shape_cast %broadcast_in_dim3A_1451 : vector<16x1xi32> to vector<16xi32>
        %gather3A_1453 = tpu.dynamic_gather %get3A_60[%gather3A_1452] in [0] : vector<16xf32>, vector<16xi32> -> vector<16xf32>
        %add3A_1454 = arith.constant 12 : i32
        %add3A_1455 = arith.addi %add3A_58, %add3A_1454 : i32
        %get3A_1456 = arith.index_cast %add3A_1455 : i32 to index
        %get3A_1457 = arith.constant 0 : index
        %get3A_1458 = tpu.vector_load %arg7[%get3A_1456, %get3A_1457] {strides = array<i32>} : memref<128x128xf32, #tpu.memory_space<vmem>>, vector<1x16xf32>,
        %get3A_1459 = vector.shape_cast %get3A_1458 : vector<1x16xf32> to vector<16xf32>
        %mul3A_1460 = arith.mulf %get3A_1459, %gather3A_1453 : vector<16xf32>
        %add3A_1461 = arith.constant 12 : i32
        %add3A_1462 = arith.addi %add3A_58, %add3A_1461 : i32
        %swap3A_1463 = arith.index_cast %add3A_1462 : i32 to index
        %swap3A_1464 = arith.constant 0 : index
        %swap3A_1465 = tpu.vector_load %arg7[%swap3A_1463, %swap3A_1464] {strides = array<i32>} : memref<128x128xf32, #tpu.memory_space<vmem>>, vector<1x16xf32>,
        %swap3A_1466 = vector.shape_cast %swap3A_1465 : vector<1x16xf32> to vector<16xf32>
        %swap3A_1467 = vector.shape_cast %mul3A_1460 : vector<16xf32> to vector<1x16xf32>
        tpu.vector_store %arg7[%swap3A_1463, %swap3A_1464], %swap3A_1467 {strides = array<i32>} : memref<128x128xf32, #tpu.memory_space<vmem>>, vector<1x16xf32>,
        %add3A_1468 = arith.constant 12 : i32
        %add3A_1469 = arith.addi %add3A_58, %add3A_1468 : i32
        %get3A_1470 = arith.index_cast %add3A_1469 : i32 to index
        %get3A_1471 = arith.constant 16 : index
        %get3A_1472 = tpu.vector_load %arg7[%get3A_1470, %get3A_1471] {strides = array<i32>} : memref<128x128xf32, #tpu.memory_space<vmem>>, vector<1x16xf32>,
        %get3A_1473 = vector.shape_cast %get3A_1472 : vector<1x16xf32> to vector<16xf32>
        %mul3A_1474 = arith.mulf %get3A_1473, %gather3A_1453 : vector<16xf32>
        %add3A_1475 = arith.constant 12 : i32
        %add3A_1476 = arith.addi %add3A_58, %add3A_1475 : i32
        %swap3A_1477 = arith.index_cast %add3A_1476 : i32 to index
        %swap3A_1478 = arith.constant 16 : index
        %swap3A_1479 = tpu.vector_load %arg7[%swap3A_1477, %swap3A_1478] {strides = array<i32>} : memref<128x128xf32, #tpu.memory_space<vmem>>, vector<1x16xf32>,
        %swap3A_1480 = vector.shape_cast %swap3A_1479 : vector<1x16xf32> to vector<16xf32>
        %swap3A_1481 = vector.shape_cast %mul3A_1474 : vector<16xf32> to vector<1x16xf32>
        tpu.vector_store %arg7[%swap3A_1477, %swap3A_1478], %swap3A_1481 {strides = array<i32>} : memref<128x128xf32, #tpu.memory_space<vmem>>, vector<1x16xf32>,
        %add3A_1482 = arith.constant 12 : i32
        %add3A_1483 = arith.addi %add3A_58, %add3A_1482 : i32
        %get3A_1484 = arith.index_cast %add3A_1483 : i32 to index
        %get3A_1485 = arith.constant 32 : index
        %get3A_1486 = tpu.vector_load %arg7[%get3A_1484, %get3A_1485] {strides = array<i32>} : memref<128x128xf32, #tpu.memory_space<vmem>>, vector<1x16xf32>,
        %get3A_1487 = vector.shape_cast %get3A_1486 : vector<1x16xf32> to vector<16xf32>
        %mul3A_1488 = arith.mulf %get3A_1487, %gather3A_1453 : vector<16xf32>
        %add3A_1489 = arith.constant 12 : i32
        %add3A_1490 = arith.addi %add3A_58, %add3A_1489 : i32
        %swap3A_1491 = arith.index_cast %add3A_1490 : i32 to index
        %swap3A_1492 = arith.constant 32 : index
        %swap3A_1493 = tpu.vector_load %arg7[%swap3A_1491, %swap3A_1492] {strides = array<i32>} : memref<128x128xf32, #tpu.memory_space<vmem>>, vector<1x16xf32>,
        %swap3A_1494 = vector.shape_cast %swap3A_1493 : vector<1x16xf32> to vector<16xf32>
        %swap3A_1495 = vector.shape_cast %mul3A_1488 : vector<16xf32> to vector<1x16xf32>
        tpu.vector_store %arg7[%swap3A_1491, %swap3A_1492], %swap3A_1495 {strides = array<i32>} : memref<128x128xf32, #tpu.memory_space<vmem>>, vector<1x16xf32>,
        %add3A_1496 = arith.constant 12 : i32
        %add3A_1497 = arith.addi %add3A_58, %add3A_1496 : i32
        %get3A_1498 = arith.index_cast %add3A_1497 : i32 to index
        %get3A_1499 = arith.constant 48 : index
        %get3A_1500 = tpu.vector_load %arg7[%get3A_1498, %get3A_1499] {strides = array<i32>} : memref<128x128xf32, #tpu.memory_space<vmem>>, vector<1x16xf32>,
        %get3A_1501 = vector.shape_cast %get3A_1500 : vector<1x16xf32> to vector<16xf32>
        %mul3A_1502 = arith.mulf %get3A_1501, %gather3A_1453 : vector<16xf32>
        %add3A_1503 = arith.constant 12 : i32
        %add3A_1504 = arith.addi %add3A_58, %add3A_1503 : i32
        %swap3A_1505 = arith.index_cast %add3A_1504 : i32 to index
        %swap3A_1506 = arith.constant 48 : index
        %swap3A_1507 = tpu.vector_load %arg7[%swap3A_1505, %swap3A_1506] {strides = array<i32>} : memref<128x128xf32, #tpu.memory_space<vmem>>, vector<1x16xf32>,
        %swap3A_1508 = vector.shape_cast %swap3A_1507 : vector<1x16xf32> to vector<16xf32>
        %swap3A_1509 = vector.shape_cast %mul3A_1502 : vector<16xf32> to vector<1x16xf32>
        tpu.vector_store %arg7[%swap3A_1505, %swap3A_1506], %swap3A_1509 {strides = array<i32>} : memref<128x128xf32, #tpu.memory_space<vmem>>, vector<1x16xf32>,
        %add3A_1510 = arith.constant 12 : i32
        %add3A_1511 = arith.addi %add3A_58, %add3A_1510 : i32
        %get3A_1512 = arith.index_cast %add3A_1511 : i32 to index
        %get3A_1513 = arith.constant 64 : index
        %get3A_1514 = tpu.vector_load %arg7[%get3A_1512, %get3A_1513] {strides = array<i32>} : memref<128x128xf32, #tpu.memory_space<vmem>>, vector<1x16xf32>,
        %get3A_1515 = vector.shape_cast %get3A_1514 : vector<1x16xf32> to vector<16xf32>
        %mul3A_1516 = arith.mulf %get3A_1515, %gather3A_1453 : vector<16xf32>
        %add3A_1517 = arith.constant 12 : i32
        %add3A_1518 = arith.addi %add3A_58, %add3A_1517 : i32
        %swap3A_1519 = arith.index_cast %add3A_1518 : i32 to index
        %swap3A_1520 = arith.constant 64 : index
        %swap3A_1521 = tpu.vector_load %arg7[%swap3A_1519, %swap3A_1520] {strides = array<i32>} : memref<128x128xf32, #tpu.memory_space<vmem>>, vector<1x16xf32>,
        %swap3A_1522 = vector.shape_cast %swap3A_1521 : vector<1x16xf32> to vector<16xf32>
        %swap3A_1523 = vector.shape_cast %mul3A_1516 : vector<16xf32> to vector<1x16xf32>
        tpu.vector_store %arg7[%swap3A_1519, %swap3A_1520], %swap3A_1523 {strides = array<i32>} : memref<128x128xf32, #tpu.memory_space<vmem>>, vector<1x16xf32>,
        %add3A_1524 = arith.constant 12 : i32
        %add3A_1525 = arith.addi %add3A_58, %add3A_1524 : i32
        %get3A_1526 = arith.index_cast %add3A_1525 : i32 to index
        %get3A_1527 = arith.constant 80 : index
        %get3A_1528 = tpu.vector_load %arg7[%get3A_1526, %get3A_1527] {strides = array<i32>} : memref<128x128xf32, #tpu.memory_space<vmem>>, vector<1x16xf32>,
        %get3A_1529 = vector.shape_cast %get3A_1528 : vector<1x16xf32> to vector<16xf32>
        %mul3A_1530 = arith.mulf %get3A_1529, %gather3A_1453 : vector<16xf32>
        %add3A_1531 = arith.constant 12 : i32
        %add3A_1532 = arith.addi %add3A_58, %add3A_1531 : i32
        %swap3A_1533 = arith.index_cast %add3A_1532 : i32 to index
        %swap3A_1534 = arith.constant 80 : index
        %swap3A_1535 = tpu.vector_load %arg7[%swap3A_1533, %swap3A_1534] {strides = array<i32>} : memref<128x128xf32, #tpu.memory_space<vmem>>, vector<1x16xf32>,
        %swap3A_1536 = vector.shape_cast %swap3A_1535 : vector<1x16xf32> to vector<16xf32>
        %swap3A_1537 = vector.shape_cast %mul3A_1530 : vector<16xf32> to vector<1x16xf32>
        tpu.vector_store %arg7[%swap3A_1533, %swap3A_1534], %swap3A_1537 {strides = array<i32>} : memref<128x128xf32, #tpu.memory_space<vmem>>, vector<1x16xf32>,
        %add3A_1538 = arith.constant 12 : i32
        %add3A_1539 = arith.addi %add3A_58, %add3A_1538 : i32
        %get3A_1540 = arith.index_cast %add3A_1539 : i32 to index
        %get3A_1541 = arith.constant 96 : index
        %get3A_1542 = tpu.vector_load %arg7[%get3A_1540, %get3A_1541] {strides = array<i32>} : memref<128x128xf32, #tpu.memory_space<vmem>>, vector<1x16xf32>,
        %get3A_1543 = vector.shape_cast %get3A_1542 : vector<1x16xf32> to vector<16xf32>
        %mul3A_1544 = arith.mulf %get3A_1543, %gather3A_1453 : vector<16xf32>
        %add3A_1545 = arith.constant 12 : i32
        %add3A_1546 = arith.addi %add3A_58, %add3A_1545 : i32
        %swap3A_1547 = arith.index_cast %add3A_1546 : i32 to index
        %swap3A_1548 = arith.constant 96 : index
        %swap3A_1549 = tpu.vector_load %arg7[%swap3A_1547, %swap3A_1548] {strides = array<i32>} : memref<128x128xf32, #tpu.memory_space<vmem>>, vector<1x16xf32>,
        %swap3A_1550 = vector.shape_cast %swap3A_1549 : vector<1x16xf32> to vector<16xf32>
        %swap3A_1551 = vector.shape_cast %mul3A_1544 : vector<16xf32> to vector<1x16xf32>
        tpu.vector_store %arg7[%swap3A_1547, %swap3A_1548], %swap3A_1551 {strides = array<i32>} : memref<128x128xf32, #tpu.memory_space<vmem>>, vector<1x16xf32>,
        %add3A_1552 = arith.constant 12 : i32
        %add3A_1553 = arith.addi %add3A_58, %add3A_1552 : i32
        %get3A_1554 = arith.index_cast %add3A_1553 : i32 to index
        %get3A_1555 = arith.constant 112 : index
        %get3A_1556 = tpu.vector_load %arg7[%get3A_1554, %get3A_1555] {strides = array<i32>} : memref<128x128xf32, #tpu.memory_space<vmem>>, vector<1x16xf32>,
        %get3A_1557 = vector.shape_cast %get3A_1556 : vector<1x16xf32> to vector<16xf32>
        %mul3A_1558 = arith.mulf %get3A_1557, %gather3A_1453 : vector<16xf32>
        %add3A_1559 = arith.constant 12 : i32
        %add3A_1560 = arith.addi %add3A_58, %add3A_1559 : i32
        %swap3A_1561 = arith.index_cast %add3A_1560 : i32 to index
        %swap3A_1562 = arith.constant 112 : index
        %swap3A_1563 = tpu.vector_load %arg7[%swap3A_1561, %swap3A_1562] {strides = array<i32>} : memref<128x128xf32, #tpu.memory_space<vmem>>, vector<1x16xf32>,
        %swap3A_1564 = vector.shape_cast %swap3A_1563 : vector<1x16xf32> to vector<16xf32>
        %swap3A_1565 = vector.shape_cast %mul3A_1558 : vector<16xf32> to vector<1x16xf32>
        tpu.vector_store %arg7[%swap3A_1561, %swap3A_1562], %swap3A_1565 {strides = array<i32>} : memref<128x128xf32, #tpu.memory_space<vmem>>, vector<1x16xf32>,
        %broadcast_in_dim3A_1566 = arith.constant 13 : i32
        %broadcast_in_dim3A_1567 = vector.broadcast %broadcast_in_dim3A_1566 : i32 to vector<16x1xi32>
        %gather3A_1568 = vector.shape_cast %broadcast_in_dim3A_1567 : vector<16x1xi32> to vector<16xi32>
        %gather3A_1569 = tpu.dynamic_gather %get3A_60[%gather3A_1568] in [0] : vector<16xf32>, vector<16xi32> -> vector<16xf32>
        %add3A_1570 = arith.constant 13 : i32
        %add3A_1571 = arith.addi %add3A_58, %add3A_1570 : i32
        %get3A_1572 = arith.index_cast %add3A_1571 : i32 to index
        %get3A_1573 = arith.constant 0 : index
        %get3A_1574 = tpu.vector_load %arg7[%get3A_1572, %get3A_1573] {strides = array<i32>} : memref<128x128xf32, #tpu.memory_space<vmem>>, vector<1x16xf32>,
        %get3A_1575 = vector.shape_cast %get3A_1574 : vector<1x16xf32> to vector<16xf32>
        %mul3A_1576 = arith.mulf %get3A_1575, %gather3A_1569 : vector<16xf32>
        %add3A_1577 = arith.constant 13 : i32
        %add3A_1578 = arith.addi %add3A_58, %add3A_1577 : i32
        %swap3A_1579 = arith.index_cast %add3A_1578 : i32 to index
        %swap3A_1580 = arith.constant 0 : index
        %swap3A_1581 = tpu.vector_load %arg7[%swap3A_1579, %swap3A_1580] {strides = array<i32>} : memref<128x128xf32, #tpu.memory_space<vmem>>, vector<1x16xf32>,
        %swap3A_1582 = vector.shape_cast %swap3A_1581 : vector<1x16xf32> to vector<16xf32>
        %swap3A_1583 = vector.shape_cast %mul3A_1576 : vector<16xf32> to vector<1x16xf32>
        tpu.vector_store %arg7[%swap3A_1579, %swap3A_1580], %swap3A_1583 {strides = array<i32>} : memref<128x128xf32, #tpu.memory_space<vmem>>, vector<1x16xf32>,
        %add3A_1584 = arith.constant 13 : i32
        %add3A_1585 = arith.addi %add3A_58, %add3A_1584 : i32
        %get3A_1586 = arith.index_cast %add3A_1585 : i32 to index
        %get3A_1587 = arith.constant 16 : index
        %get3A_1588 = tpu.vector_load %arg7[%get3A_1586, %get3A_1587] {strides = array<i32>} : memref<128x128xf32, #tpu.memory_space<vmem>>, vector<1x16xf32>,
        %get3A_1589 = vector.shape_cast %get3A_1588 : vector<1x16xf32> to vector<16xf32>
        %mul3A_1590 = arith.mulf %get3A_1589, %gather3A_1569 : vector<16xf32>
        %add3A_1591 = arith.constant 13 : i32
        %add3A_1592 = arith.addi %add3A_58, %add3A_1591 : i32
        %swap3A_1593 = arith.index_cast %add3A_1592 : i32 to index
        %swap3A_1594 = arith.constant 16 : index
        %swap3A_1595 = tpu.vector_load %arg7[%swap3A_1593, %swap3A_1594] {strides = array<i32>} : memref<128x128xf32, #tpu.memory_space<vmem>>, vector<1x16xf32>,
        %swap3A_1596 = vector.shape_cast %swap3A_1595 : vector<1x16xf32> to vector<16xf32>
        %swap3A_1597 = vector.shape_cast %mul3A_1590 : vector<16xf32> to vector<1x16xf32>
        tpu.vector_store %arg7[%swap3A_1593, %swap3A_1594], %swap3A_1597 {strides = array<i32>} : memref<128x128xf32, #tpu.memory_space<vmem>>, vector<1x16xf32>,
        %add3A_1598 = arith.constant 13 : i32
        %add3A_1599 = arith.addi %add3A_58, %add3A_1598 : i32
        %get3A_1600 = arith.index_cast %add3A_1599 : i32 to index
        %get3A_1601 = arith.constant 32 : index
        %get3A_1602 = tpu.vector_load %arg7[%get3A_1600, %get3A_1601] {strides = array<i32>} : memref<128x128xf32, #tpu.memory_space<vmem>>, vector<1x16xf32>,
        %get3A_1603 = vector.shape_cast %get3A_1602 : vector<1x16xf32> to vector<16xf32>
        %mul3A_1604 = arith.mulf %get3A_1603, %gather3A_1569 : vector<16xf32>
        %add3A_1605 = arith.constant 13 : i32
        %add3A_1606 = arith.addi %add3A_58, %add3A_1605 : i32
        %swap3A_1607 = arith.index_cast %add3A_1606 : i32 to index
        %swap3A_1608 = arith.constant 32 : index
        %swap3A_1609 = tpu.vector_load %arg7[%swap3A_1607, %swap3A_1608] {strides = array<i32>} : memref<128x128xf32, #tpu.memory_space<vmem>>, vector<1x16xf32>,
        %swap3A_1610 = vector.shape_cast %swap3A_1609 : vector<1x16xf32> to vector<16xf32>
        %swap3A_1611 = vector.shape_cast %mul3A_1604 : vector<16xf32> to vector<1x16xf32>
        tpu.vector_store %arg7[%swap3A_1607, %swap3A_1608], %swap3A_1611 {strides = array<i32>} : memref<128x128xf32, #tpu.memory_space<vmem>>, vector<1x16xf32>,
        %add3A_1612 = arith.constant 13 : i32
        %add3A_1613 = arith.addi %add3A_58, %add3A_1612 : i32
        %get3A_1614 = arith.index_cast %add3A_1613 : i32 to index
        %get3A_1615 = arith.constant 48 : index
        %get3A_1616 = tpu.vector_load %arg7[%get3A_1614, %get3A_1615] {strides = array<i32>} : memref<128x128xf32, #tpu.memory_space<vmem>>, vector<1x16xf32>,
        %get3A_1617 = vector.shape_cast %get3A_1616 : vector<1x16xf32> to vector<16xf32>
        %mul3A_1618 = arith.mulf %get3A_1617, %gather3A_1569 : vector<16xf32>
        %add3A_1619 = arith.constant 13 : i32
        %add3A_1620 = arith.addi %add3A_58, %add3A_1619 : i32
        %swap3A_1621 = arith.index_cast %add3A_1620 : i32 to index
        %swap3A_1622 = arith.constant 48 : index
        %swap3A_1623 = tpu.vector_load %arg7[%swap3A_1621, %swap3A_1622] {strides = array<i32>} : memref<128x128xf32, #tpu.memory_space<vmem>>, vector<1x16xf32>,
        %swap3A_1624 = vector.shape_cast %swap3A_1623 : vector<1x16xf32> to vector<16xf32>
        %swap3A_1625 = vector.shape_cast %mul3A_1618 : vector<16xf32> to vector<1x16xf32>
        tpu.vector_store %arg7[%swap3A_1621, %swap3A_1622], %swap3A_1625 {strides = array<i32>} : memref<128x128xf32, #tpu.memory_space<vmem>>, vector<1x16xf32>,
        %add3A_1626 = arith.constant 13 : i32
        %add3A_1627 = arith.addi %add3A_58, %add3A_1626 : i32
        %get3A_1628 = arith.index_cast %add3A_1627 : i32 to index
        %get3A_1629 = arith.constant 64 : index
        %get3A_1630 = tpu.vector_load %arg7[%get3A_1628, %get3A_1629] {strides = array<i32>} : memref<128x128xf32, #tpu.memory_space<vmem>>, vector<1x16xf32>,
        %get3A_1631 = vector.shape_cast %get3A_1630 : vector<1x16xf32> to vector<16xf32>
        %mul3A_1632 = arith.mulf %get3A_1631, %gather3A_1569 : vector<16xf32>
        %add3A_1633 = arith.constant 13 : i32
        %add3A_1634 = arith.addi %add3A_58, %add3A_1633 : i32
        %swap3A_1635 = arith.index_cast %add3A_1634 : i32 to index
        %swap3A_1636 = arith.constant 64 : index
        %swap3A_1637 = tpu.vector_load %arg7[%swap3A_1635, %swap3A_1636] {strides = array<i32>} : memref<128x128xf32, #tpu.memory_space<vmem>>, vector<1x16xf32>,
        %swap3A_1638 = vector.shape_cast %swap3A_1637 : vector<1x16xf32> to vector<16xf32>
        %swap3A_1639 = vector.shape_cast %mul3A_1632 : vector<16xf32> to vector<1x16xf32>
        tpu.vector_store %arg7[%swap3A_1635, %swap3A_1636], %swap3A_1639 {strides = array<i32>} : memref<128x128xf32, #tpu.memory_space<vmem>>, vector<1x16xf32>,
        %add3A_1640 = arith.constant 13 : i32
        %add3A_1641 = arith.addi %add3A_58, %add3A_1640 : i32
        %get3A_1642 = arith.index_cast %add3A_1641 : i32 to index
        %get3A_1643 = arith.constant 80 : index
        %get3A_1644 = tpu.vector_load %arg7[%get3A_1642, %get3A_1643] {strides = array<i32>} : memref<128x128xf32, #tpu.memory_space<vmem>>, vector<1x16xf32>,
        %get3A_1645 = vector.shape_cast %get3A_1644 : vector<1x16xf32> to vector<16xf32>
        %mul3A_1646 = arith.mulf %get3A_1645, %gather3A_1569 : vector<16xf32>
        %add3A_1647 = arith.constant 13 : i32
        %add3A_1648 = arith.addi %add3A_58, %add3A_1647 : i32
        %swap3A_1649 = arith.index_cast %add3A_1648 : i32 to index
        %swap3A_1650 = arith.constant 80 : index
        %swap3A_1651 = tpu.vector_load %arg7[%swap3A_1649, %swap3A_1650] {strides = array<i32>} : memref<128x128xf32, #tpu.memory_space<vmem>>, vector<1x16xf32>,
        %swap3A_1652 = vector.shape_cast %swap3A_1651 : vector<1x16xf32> to vector<16xf32>
        %swap3A_1653 = vector.shape_cast %mul3A_1646 : vector<16xf32> to vector<1x16xf32>
        tpu.vector_store %arg7[%swap3A_1649, %swap3A_1650], %swap3A_1653 {strides = array<i32>} : memref<128x128xf32, #tpu.memory_space<vmem>>, vector<1x16xf32>,
        %add3A_1654 = arith.constant 13 : i32
        %add3A_1655 = arith.addi %add3A_58, %add3A_1654 : i32
        %get3A_1656 = arith.index_cast %add3A_1655 : i32 to index
        %get3A_1657 = arith.constant 96 : index
        %get3A_1658 = tpu.vector_load %arg7[%get3A_1656, %get3A_1657] {strides = array<i32>} : memref<128x128xf32, #tpu.memory_space<vmem>>, vector<1x16xf32>,
        %get3A_1659 = vector.shape_cast %get3A_1658 : vector<1x16xf32> to vector<16xf32>
        %mul3A_1660 = arith.mulf %get3A_1659, %gather3A_1569 : vector<16xf32>
        %add3A_1661 = arith.constant 13 : i32
        %add3A_1662 = arith.addi %add3A_58, %add3A_1661 : i32
        %swap3A_1663 = arith.index_cast %add3A_1662 : i32 to index
        %swap3A_1664 = arith.constant 96 : index
        %swap3A_1665 = tpu.vector_load %arg7[%swap3A_1663, %swap3A_1664] {strides = array<i32>} : memref<128x128xf32, #tpu.memory_space<vmem>>, vector<1x16xf32>,
        %swap3A_1666 = vector.shape_cast %swap3A_1665 : vector<1x16xf32> to vector<16xf32>
        %swap3A_1667 = vector.shape_cast %mul3A_1660 : vector<16xf32> to vector<1x16xf32>
        tpu.vector_store %arg7[%swap3A_1663, %swap3A_1664], %swap3A_1667 {strides = array<i32>} : memref<128x128xf32, #tpu.memory_space<vmem>>, vector<1x16xf32>,
        %add3A_1668 = arith.constant 13 : i32
        %add3A_1669 = arith.addi %add3A_58, %add3A_1668 : i32
        %get3A_1670 = arith.index_cast %add3A_1669 : i32 to index
        %get3A_1671 = arith.constant 112 : index
        %get3A_1672 = tpu.vector_load %arg7[%get3A_1670, %get3A_1671] {strides = array<i32>} : memref<128x128xf32, #tpu.memory_space<vmem>>, vector<1x16xf32>,
        %get3A_1673 = vector.shape_cast %get3A_1672 : vector<1x16xf32> to vector<16xf32>
        %mul3A_1674 = arith.mulf %get3A_1673, %gather3A_1569 : vector<16xf32>
        %add3A_1675 = arith.constant 13 : i32
        %add3A_1676 = arith.addi %add3A_58, %add3A_1675 : i32
        %swap3A_1677 = arith.index_cast %add3A_1676 : i32 to index
        %swap3A_1678 = arith.constant 112 : index
        %swap3A_1679 = tpu.vector_load %arg7[%swap3A_1677, %swap3A_1678] {strides = array<i32>} : memref<128x128xf32, #tpu.memory_space<vmem>>, vector<1x16xf32>,
        %swap3A_1680 = vector.shape_cast %swap3A_1679 : vector<1x16xf32> to vector<16xf32>
        %swap3A_1681 = vector.shape_cast %mul3A_1674 : vector<16xf32> to vector<1x16xf32>
        tpu.vector_store %arg7[%swap3A_1677, %swap3A_1678], %swap3A_1681 {strides = array<i32>} : memref<128x128xf32, #tpu.memory_space<vmem>>, vector<1x16xf32>,
        %broadcast_in_dim3A_1682 = arith.constant 14 : i32
        %broadcast_in_dim3A_1683 = vector.broadcast %broadcast_in_dim3A_1682 : i32 to vector<16x1xi32>
        %gather3A_1684 = vector.shape_cast %broadcast_in_dim3A_1683 : vector<16x1xi32> to vector<16xi32>
        %gather3A_1685 = tpu.dynamic_gather %get3A_60[%gather3A_1684] in [0] : vector<16xf32>, vector<16xi32> -> vector<16xf32>
        %add3A_1686 = arith.constant 14 : i32
        %add3A_1687 = arith.addi %add3A_58, %add3A_1686 : i32
        %get3A_1688 = arith.index_cast %add3A_1687 : i32 to index
        %get3A_1689 = arith.constant 0 : index
        %get3A_1690 = tpu.vector_load %arg7[%get3A_1688, %get3A_1689] {strides = array<i32>} : memref<128x128xf32, #tpu.memory_space<vmem>>, vector<1x16xf32>,
        %get3A_1691 = vector.shape_cast %get3A_1690 : vector<1x16xf32> to vector<16xf32>
        %mul3A_1692 = arith.mulf %get3A_1691, %gather3A_1685 : vector<16xf32>
        %add3A_1693 = arith.constant 14 : i32
        %add3A_1694 = arith.addi %add3A_58, %add3A_1693 : i32
        %swap3A_1695 = arith.index_cast %add3A_1694 : i32 to index
        %swap3A_1696 = arith.constant 0 : index
        %swap3A_1697 = tpu.vector_load %arg7[%swap3A_1695, %swap3A_1696] {strides = array<i32>} : memref<128x128xf32, #tpu.memory_space<vmem>>, vector<1x16xf32>,
        %swap3A_1698 = vector.shape_cast %swap3A_1697 : vector<1x16xf32> to vector<16xf32>
        %swap3A_1699 = vector.shape_cast %mul3A_1692 : vector<16xf32> to vector<1x16xf32>
        tpu.vector_store %arg7[%swap3A_1695, %swap3A_1696], %swap3A_1699 {strides = array<i32>} : memref<128x128xf32, #tpu.memory_space<vmem>>, vector<1x16xf32>,
        %add3A_1700 = arith.constant 14 : i32
        %add3A_1701 = arith.addi %add3A_58, %add3A_1700 : i32
        %get3A_1702 = arith.index_cast %add3A_1701 : i32 to index
        %get3A_1703 = arith.constant 16 : index
        %get3A_1704 = tpu.vector_load %arg7[%get3A_1702, %get3A_1703] {strides = array<i32>} : memref<128x128xf32, #tpu.memory_space<vmem>>, vector<1x16xf32>,
        %get3A_1705 = vector.shape_cast %get3A_1704 : vector<1x16xf32> to vector<16xf32>
        %mul3A_1706 = arith.mulf %get3A_1705, %gather3A_1685 : vector<16xf32>
        %add3A_1707 = arith.constant 14 : i32
        %add3A_1708 = arith.addi %add3A_58, %add3A_1707 : i32
        %swap3A_1709 = arith.index_cast %add3A_1708 : i32 to index
        %swap3A_1710 = arith.constant 16 : index
        %swap3A_1711 = tpu.vector_load %arg7[%swap3A_1709, %swap3A_1710] {strides = array<i32>} : memref<128x128xf32, #tpu.memory_space<vmem>>, vector<1x16xf32>,
        %swap3A_1712 = vector.shape_cast %swap3A_1711 : vector<1x16xf32> to vector<16xf32>
        %swap3A_1713 = vector.shape_cast %mul3A_1706 : vector<16xf32> to vector<1x16xf32>
        tpu.vector_store %arg7[%swap3A_1709, %swap3A_1710], %swap3A_1713 {strides = array<i32>} : memref<128x128xf32, #tpu.memory_space<vmem>>, vector<1x16xf32>,
        %add3A_1714 = arith.constant 14 : i32
        %add3A_1715 = arith.addi %add3A_58, %add3A_1714 : i32
        %get3A_1716 = arith.index_cast %add3A_1715 : i32 to index
        %get3A_1717 = arith.constant 32 : index
        %get3A_1718 = tpu.vector_load %arg7[%get3A_1716, %get3A_1717] {strides = array<i32>} : memref<128x128xf32, #tpu.memory_space<vmem>>, vector<1x16xf32>,
        %get3A_1719 = vector.shape_cast %get3A_1718 : vector<1x16xf32> to vector<16xf32>
        %mul3A_1720 = arith.mulf %get3A_1719, %gather3A_1685 : vector<16xf32>
        %add3A_1721 = arith.constant 14 : i32
        %add3A_1722 = arith.addi %add3A_58, %add3A_1721 : i32
        %swap3A_1723 = arith.index_cast %add3A_1722 : i32 to index
        %swap3A_1724 = arith.constant 32 : index
        %swap3A_1725 = tpu.vector_load %arg7[%swap3A_1723, %swap3A_1724] {strides = array<i32>} : memref<128x128xf32, #tpu.memory_space<vmem>>, vector<1x16xf32>,
        %swap3A_1726 = vector.shape_cast %swap3A_1725 : vector<1x16xf32> to vector<16xf32>
        %swap3A_1727 = vector.shape_cast %mul3A_1720 : vector<16xf32> to vector<1x16xf32>
        tpu.vector_store %arg7[%swap3A_1723, %swap3A_1724], %swap3A_1727 {strides = array<i32>} : memref<128x128xf32, #tpu.memory_space<vmem>>, vector<1x16xf32>,
        %add3A_1728 = arith.constant 14 : i32
        %add3A_1729 = arith.addi %add3A_58, %add3A_1728 : i32
        %get3A_1730 = arith.index_cast %add3A_1729 : i32 to index
        %get3A_1731 = arith.constant 48 : index
        %get3A_1732 = tpu.vector_load %arg7[%get3A_1730, %get3A_1731] {strides = array<i32>} : memref<128x128xf32, #tpu.memory_space<vmem>>, vector<1x16xf32>,
        %get3A_1733 = vector.shape_cast %get3A_1732 : vector<1x16xf32> to vector<16xf32>
        %mul3A_1734 = arith.mulf %get3A_1733, %gather3A_1685 : vector<16xf32>
        %add3A_1735 = arith.constant 14 : i32
        %add3A_1736 = arith.addi %add3A_58, %add3A_1735 : i32
        %swap3A_1737 = arith.index_cast %add3A_1736 : i32 to index
        %swap3A_1738 = arith.constant 48 : index
        %swap3A_1739 = tpu.vector_load %arg7[%swap3A_1737, %swap3A_1738] {strides = array<i32>} : memref<128x128xf32, #tpu.memory_space<vmem>>, vector<1x16xf32>,
        %swap3A_1740 = vector.shape_cast %swap3A_1739 : vector<1x16xf32> to vector<16xf32>
        %swap3A_1741 = vector.shape_cast %mul3A_1734 : vector<16xf32> to vector<1x16xf32>
        tpu.vector_store %arg7[%swap3A_1737, %swap3A_1738], %swap3A_1741 {strides = array<i32>} : memref<128x128xf32, #tpu.memory_space<vmem>>, vector<1x16xf32>,
        %add3A_1742 = arith.constant 14 : i32
        %add3A_1743 = arith.addi %add3A_58, %add3A_1742 : i32
        %get3A_1744 = arith.index_cast %add3A_1743 : i32 to index
        %get3A_1745 = arith.constant 64 : index
        %get3A_1746 = tpu.vector_load %arg7[%get3A_1744, %get3A_1745] {strides = array<i32>} : memref<128x128xf32, #tpu.memory_space<vmem>>, vector<1x16xf32>,
        %get3A_1747 = vector.shape_cast %get3A_1746 : vector<1x16xf32> to vector<16xf32>
        %mul3A_1748 = arith.mulf %get3A_1747, %gather3A_1685 : vector<16xf32>
        %add3A_1749 = arith.constant 14 : i32
        %add3A_1750 = arith.addi %add3A_58, %add3A_1749 : i32
        %swap3A_1751 = arith.index_cast %add3A_1750 : i32 to index
        %swap3A_1752 = arith.constant 64 : index
        %swap3A_1753 = tpu.vector_load %arg7[%swap3A_1751, %swap3A_1752] {strides = array<i32>} : memref<128x128xf32, #tpu.memory_space<vmem>>, vector<1x16xf32>,
        %swap3A_1754 = vector.shape_cast %swap3A_1753 : vector<1x16xf32> to vector<16xf32>
        %swap3A_1755 = vector.shape_cast %mul3A_1748 : vector<16xf32> to vector<1x16xf32>
        tpu.vector_store %arg7[%swap3A_1751, %swap3A_1752], %swap3A_1755 {strides = array<i32>} : memref<128x128xf32, #tpu.memory_space<vmem>>, vector<1x16xf32>,
        %add3A_1756 = arith.constant 14 : i32
        %add3A_1757 = arith.addi %add3A_58, %add3A_1756 : i32
        %get3A_1758 = arith.index_cast %add3A_1757 : i32 to index
        %get3A_1759 = arith.constant 80 : index
        %get3A_1760 = tpu.vector_load %arg7[%get3A_1758, %get3A_1759] {strides = array<i32>} : memref<128x128xf32, #tpu.memory_space<vmem>>, vector<1x16xf32>,
        %get3A_1761 = vector.shape_cast %get3A_1760 : vector<1x16xf32> to vector<16xf32>
        %mul3A_1762 = arith.mulf %get3A_1761, %gather3A_1685 : vector<16xf32>
        %add3A_1763 = arith.constant 14 : i32
        %add3A_1764 = arith.addi %add3A_58, %add3A_1763 : i32
        %swap3A_1765 = arith.index_cast %add3A_1764 : i32 to index
        %swap3A_1766 = arith.constant 80 : index
        %swap3A_1767 = tpu.vector_load %arg7[%swap3A_1765, %swap3A_1766] {strides = array<i32>} : memref<128x128xf32, #tpu.memory_space<vmem>>, vector<1x16xf32>,
        %swap3A_1768 = vector.shape_cast %swap3A_1767 : vector<1x16xf32> to vector<16xf32>
        %swap3A_1769 = vector.shape_cast %mul3A_1762 : vector<16xf32> to vector<1x16xf32>
        tpu.vector_store %arg7[%swap3A_1765, %swap3A_1766], %swap3A_1769 {strides = array<i32>} : memref<128x128xf32, #tpu.memory_space<vmem>>, vector<1x16xf32>,
        %add3A_1770 = arith.constant 14 : i32
        %add3A_1771 = arith.addi %add3A_58, %add3A_1770 : i32
        %get3A_1772 = arith.index_cast %add3A_1771 : i32 to index
        %get3A_1773 = arith.constant 96 : index
        %get3A_1774 = tpu.vector_load %arg7[%get3A_1772, %get3A_1773] {strides = array<i32>} : memref<128x128xf32, #tpu.memory_space<vmem>>, vector<1x16xf32>,
        %get3A_1775 = vector.shape_cast %get3A_1774 : vector<1x16xf32> to vector<16xf32>
        %mul3A_1776 = arith.mulf %get3A_1775, %gather3A_1685 : vector<16xf32>
        %add3A_1777 = arith.constant 14 : i32
        %add3A_1778 = arith.addi %add3A_58, %add3A_1777 : i32
        %swap3A_1779 = arith.index_cast %add3A_1778 : i32 to index
        %swap3A_1780 = arith.constant 96 : index
        %swap3A_1781 = tpu.vector_load %arg7[%swap3A_1779, %swap3A_1780] {strides = array<i32>} : memref<128x128xf32, #tpu.memory_space<vmem>>, vector<1x16xf32>,
        %swap3A_1782 = vector.shape_cast %swap3A_1781 : vector<1x16xf32> to vector<16xf32>
        %swap3A_1783 = vector.shape_cast %mul3A_1776 : vector<16xf32> to vector<1x16xf32>
        tpu.vector_store %arg7[%swap3A_1779, %swap3A_1780], %swap3A_1783 {strides = array<i32>} : memref<128x128xf32, #tpu.memory_space<vmem>>, vector<1x16xf32>,
        %add3A_1784 = arith.constant 14 : i32
        %add3A_1785 = arith.addi %add3A_58, %add3A_1784 : i32
        %get3A_1786 = arith.index_cast %add3A_1785 : i32 to index
        %get3A_1787 = arith.constant 112 : index
        %get3A_1788 = tpu.vector_load %arg7[%get3A_1786, %get3A_1787] {strides = array<i32>} : memref<128x128xf32, #tpu.memory_space<vmem>>, vector<1x16xf32>,
        %get3A_1789 = vector.shape_cast %get3A_1788 : vector<1x16xf32> to vector<16xf32>
        %mul3A_1790 = arith.mulf %get3A_1789, %gather3A_1685 : vector<16xf32>
        %add3A_1791 = arith.constant 14 : i32
        %add3A_1792 = arith.addi %add3A_58, %add3A_1791 : i32
        %swap3A_1793 = arith.index_cast %add3A_1792 : i32 to index
        %swap3A_1794 = arith.constant 112 : index
        %swap3A_1795 = tpu.vector_load %arg7[%swap3A_1793, %swap3A_1794] {strides = array<i32>} : memref<128x128xf32, #tpu.memory_space<vmem>>, vector<1x16xf32>,
        %swap3A_1796 = vector.shape_cast %swap3A_1795 : vector<1x16xf32> to vector<16xf32>
        %swap3A_1797 = vector.shape_cast %mul3A_1790 : vector<16xf32> to vector<1x16xf32>
        tpu.vector_store %arg7[%swap3A_1793, %swap3A_1794], %swap3A_1797 {strides = array<i32>} : memref<128x128xf32, #tpu.memory_space<vmem>>, vector<1x16xf32>,
        %broadcast_in_dim3A_1798 = arith.constant 15 : i32
        %broadcast_in_dim3A_1799 = vector.broadcast %broadcast_in_dim3A_1798 : i32 to vector<16x1xi32>
        %gather3A_1800 = vector.shape_cast %broadcast_in_dim3A_1799 : vector<16x1xi32> to vector<16xi32>
        %gather3A_1801 = tpu.dynamic_gather %get3A_60[%gather3A_1800] in [0] : vector<16xf32>, vector<16xi32> -> vector<16xf32>
        %add3A_1802 = arith.constant 15 : i32
        %add3A_1803 = arith.addi %add3A_58, %add3A_1802 : i32
        %get3A_1804 = arith.index_cast %add3A_1803 : i32 to index
        %get3A_1805 = arith.constant 0 : index
        %get3A_1806 = tpu.vector_load %arg7[%get3A_1804, %get3A_1805] {strides = array<i32>} : memref<128x128xf32, #tpu.memory_space<vmem>>, vector<1x16xf32>,
        %get3A_1807 = vector.shape_cast %get3A_1806 : vector<1x16xf32> to vector<16xf32>
        %mul3A_1808 = arith.mulf %get3A_1807, %gather3A_1801 : vector<16xf32>
        %add3A_1809 = arith.constant 15 : i32
        %add3A_1810 = arith.addi %add3A_58, %add3A_1809 : i32
        %swap3A_1811 = arith.index_cast %add3A_1810 : i32 to index
        %swap3A_1812 = arith.constant 0 : index
        %swap3A_1813 = tpu.vector_load %arg7[%swap3A_1811, %swap3A_1812] {strides = array<i32>} : memref<128x128xf32, #tpu.memory_space<vmem>>, vector<1x16xf32>,
        %swap3A_1814 = vector.shape_cast %swap3A_1813 : vector<1x16xf32> to vector<16xf32>
        %swap3A_1815 = vector.shape_cast %mul3A_1808 : vector<16xf32> to vector<1x16xf32>
        tpu.vector_store %arg7[%swap3A_1811, %swap3A_1812], %swap3A_1815 {strides = array<i32>} : memref<128x128xf32, #tpu.memory_space<vmem>>, vector<1x16xf32>,
        %add3A_1816 = arith.constant 15 : i32
        %add3A_1817 = arith.addi %add3A_58, %add3A_1816 : i32
        %get3A_1818 = arith.index_cast %add3A_1817 : i32 to index
        %get3A_1819 = arith.constant 16 : index
        %get3A_1820 = tpu.vector_load %arg7[%get3A_1818, %get3A_1819] {strides = array<i32>} : memref<128x128xf32, #tpu.memory_space<vmem>>, vector<1x16xf32>,
        %get3A_1821 = vector.shape_cast %get3A_1820 : vector<1x16xf32> to vector<16xf32>
        %mul3A_1822 = arith.mulf %get3A_1821, %gather3A_1801 : vector<16xf32>
        %add3A_1823 = arith.constant 15 : i32
        %add3A_1824 = arith.addi %add3A_58, %add3A_1823 : i32
        %swap3A_1825 = arith.index_cast %add3A_1824 : i32 to index
        %swap3A_1826 = arith.constant 16 : index
        %swap3A_1827 = tpu.vector_load %arg7[%swap3A_1825, %swap3A_1826] {strides = array<i32>} : memref<128x128xf32, #tpu.memory_space<vmem>>, vector<1x16xf32>,
        %swap3A_1828 = vector.shape_cast %swap3A_1827 : vector<1x16xf32> to vector<16xf32>
        %swap3A_1829 = vector.shape_cast %mul3A_1822 : vector<16xf32> to vector<1x16xf32>
        tpu.vector_store %arg7[%swap3A_1825, %swap3A_1826], %swap3A_1829 {strides = array<i32>} : memref<128x128xf32, #tpu.memory_space<vmem>>, vector<1x16xf32>,
        %add3A_1830 = arith.constant 15 : i32
        %add3A_1831 = arith.addi %add3A_58, %add3A_1830 : i32
        %get3A_1832 = arith.index_cast %add3A_1831 : i32 to index
        %get3A_1833 = arith.constant 32 : index
        %get3A_1834 = tpu.vector_load %arg7[%get3A_1832, %get3A_1833] {strides = array<i32>} : memref<128x128xf32, #tpu.memory_space<vmem>>, vector<1x16xf32>,
        %get3A_1835 = vector.shape_cast %get3A_1834 : vector<1x16xf32> to vector<16xf32>
        %mul3A_1836 = arith.mulf %get3A_1835, %gather3A_1801 : vector<16xf32>
        %add3A_1837 = arith.constant 15 : i32
        %add3A_1838 = arith.addi %add3A_58, %add3A_1837 : i32
        %swap3A_1839 = arith.index_cast %add3A_1838 : i32 to index
        %swap3A_1840 = arith.constant 32 : index
        %swap3A_1841 = tpu.vector_load %arg7[%swap3A_1839, %swap3A_1840] {strides = array<i32>} : memref<128x128xf32, #tpu.memory_space<vmem>>, vector<1x16xf32>,
        %swap3A_1842 = vector.shape_cast %swap3A_1841 : vector<1x16xf32> to vector<16xf32>
        %swap3A_1843 = vector.shape_cast %mul3A_1836 : vector<16xf32> to vector<1x16xf32>
        tpu.vector_store %arg7[%swap3A_1839, %swap3A_1840], %swap3A_1843 {strides = array<i32>} : memref<128x128xf32, #tpu.memory_space<vmem>>, vector<1x16xf32>,
        %add3A_1844 = arith.constant 15 : i32
        %add3A_1845 = arith.addi %add3A_58, %add3A_1844 : i32
        %get3A_1846 = arith.index_cast %add3A_1845 : i32 to index
        %get3A_1847 = arith.constant 48 : index
        %get3A_1848 = tpu.vector_load %arg7[%get3A_1846, %get3A_1847] {strides = array<i32>} : memref<128x128xf32, #tpu.memory_space<vmem>>, vector<1x16xf32>,
        %get3A_1849 = vector.shape_cast %get3A_1848 : vector<1x16xf32> to vector<16xf32>
        %mul3A_1850 = arith.mulf %get3A_1849, %gather3A_1801 : vector<16xf32>
        %add3A_1851 = arith.constant 15 : i32
        %add3A_1852 = arith.addi %add3A_58, %add3A_1851 : i32
        %swap3A_1853 = arith.index_cast %add3A_1852 : i32 to index
        %swap3A_1854 = arith.constant 48 : index
        %swap3A_1855 = tpu.vector_load %arg7[%swap3A_1853, %swap3A_1854] {strides = array<i32>} : memref<128x128xf32, #tpu.memory_space<vmem>>, vector<1x16xf32>,
        %swap3A_1856 = vector.shape_cast %swap3A_1855 : vector<1x16xf32> to vector<16xf32>
        %swap3A_1857 = vector.shape_cast %mul3A_1850 : vector<16xf32> to vector<1x16xf32>
        tpu.vector_store %arg7[%swap3A_1853, %swap3A_1854], %swap3A_1857 {strides = array<i32>} : memref<128x128xf32, #tpu.memory_space<vmem>>, vector<1x16xf32>,
        %add3A_1858 = arith.constant 15 : i32
        %add3A_1859 = arith.addi %add3A_58, %add3A_1858 : i32
        %get3A_1860 = arith.index_cast %add3A_1859 : i32 to index
        %get3A_1861 = arith.constant 64 : index
        %get3A_1862 = tpu.vector_load %arg7[%get3A_1860, %get3A_1861] {strides = array<i32>} : memref<128x128xf32, #tpu.memory_space<vmem>>, vector<1x16xf32>,
        %get3A_1863 = vector.shape_cast %get3A_1862 : vector<1x16xf32> to vector<16xf32>
        %mul3A_1864 = arith.mulf %get3A_1863, %gather3A_1801 : vector<16xf32>
        %add3A_1865 = arith.constant 15 : i32
        %add3A_1866 = arith.addi %add3A_58, %add3A_1865 : i32
        %swap3A_1867 = arith.index_cast %add3A_1866 : i32 to index
        %swap3A_1868 = arith.constant 64 : index
        %swap3A_1869 = tpu.vector_load %arg7[%swap3A_1867, %swap3A_1868] {strides = array<i32>} : memref<128x128xf32, #tpu.memory_space<vmem>>, vector<1x16xf32>,
        %swap3A_1870 = vector.shape_cast %swap3A_1869 : vector<1x16xf32> to vector<16xf32>
        %swap3A_1871 = vector.shape_cast %mul3A_1864 : vector<16xf32> to vector<1x16xf32>
        tpu.vector_store %arg7[%swap3A_1867, %swap3A_1868], %swap3A_1871 {strides = array<i32>} : memref<128x128xf32, #tpu.memory_space<vmem>>, vector<1x16xf32>,
        %add3A_1872 = arith.constant 15 : i32
        %add3A_1873 = arith.addi %add3A_58, %add3A_1872 : i32
        %get3A_1874 = arith.index_cast %add3A_1873 : i32 to index
        %get3A_1875 = arith.constant 80 : index
        %get3A_1876 = tpu.vector_load %arg7[%get3A_1874, %get3A_1875] {strides = array<i32>} : memref<128x128xf32, #tpu.memory_space<vmem>>, vector<1x16xf32>,
        %get3A_1877 = vector.shape_cast %get3A_1876 : vector<1x16xf32> to vector<16xf32>
        %mul3A_1878 = arith.mulf %get3A_1877, %gather3A_1801 : vector<16xf32>
        %add3A_1879 = arith.constant 15 : i32
        %add3A_1880 = arith.addi %add3A_58, %add3A_1879 : i32
        %swap3A_1881 = arith.index_cast %add3A_1880 : i32 to index
        %swap3A_1882 = arith.constant 80 : index
        %swap3A_1883 = tpu.vector_load %arg7[%swap3A_1881, %swap3A_1882] {strides = array<i32>} : memref<128x128xf32, #tpu.memory_space<vmem>>, vector<1x16xf32>,
        %swap3A_1884 = vector.shape_cast %swap3A_1883 : vector<1x16xf32> to vector<16xf32>
        %swap3A_1885 = vector.shape_cast %mul3A_1878 : vector<16xf32> to vector<1x16xf32>
        tpu.vector_store %arg7[%swap3A_1881, %swap3A_1882], %swap3A_1885 {strides = array<i32>} : memref<128x128xf32, #tpu.memory_space<vmem>>, vector<1x16xf32>,
        %add3A_1886 = arith.constant 15 : i32
        %add3A_1887 = arith.addi %add3A_58, %add3A_1886 : i32
        %get3A_1888 = arith.index_cast %add3A_1887 : i32 to index
        %get3A_1889 = arith.constant 96 : index
        %get3A_1890 = tpu.vector_load %arg7[%get3A_1888, %get3A_1889] {strides = array<i32>} : memref<128x128xf32, #tpu.memory_space<vmem>>, vector<1x16xf32>,
        %get3A_1891 = vector.shape_cast %get3A_1890 : vector<1x16xf32> to vector<16xf32>
        %mul3A_1892 = arith.mulf %get3A_1891, %gather3A_1801 : vector<16xf32>
        %add3A_1893 = arith.constant 15 : i32
        %add3A_1894 = arith.addi %add3A_58, %add3A_1893 : i32
        %swap3A_1895 = arith.index_cast %add3A_1894 : i32 to index
        %swap3A_1896 = arith.constant 96 : index
        %swap3A_1897 = tpu.vector_load %arg7[%swap3A_1895, %swap3A_1896] {strides = array<i32>} : memref<128x128xf32, #tpu.memory_space<vmem>>, vector<1x16xf32>,
        %swap3A_1898 = vector.shape_cast %swap3A_1897 : vector<1x16xf32> to vector<16xf32>
        %swap3A_1899 = vector.shape_cast %mul3A_1892 : vector<16xf32> to vector<1x16xf32>
        tpu.vector_store %arg7[%swap3A_1895, %swap3A_1896], %swap3A_1899 {strides = array<i32>} : memref<128x128xf32, #tpu.memory_space<vmem>>, vector<1x16xf32>,
        %add3A_1900 = arith.constant 15 : i32
        %add3A_1901 = arith.addi %add3A_58, %add3A_1900 : i32
        %get3A_1902 = arith.index_cast %add3A_1901 : i32 to index
        %get3A_1903 = arith.constant 112 : index
        %get3A_1904 = tpu.vector_load %arg7[%get3A_1902, %get3A_1903] {strides = array<i32>} : memref<128x128xf32, #tpu.memory_space<vmem>>, vector<1x16xf32>,
        %get3A_1905 = vector.shape_cast %get3A_1904 : vector<1x16xf32> to vector<16xf32>
        %mul3A_1906 = arith.mulf %get3A_1905, %gather3A_1801 : vector<16xf32>
        %add3A_1907 = arith.constant 15 : i32
        %add3A_1908 = arith.addi %add3A_58, %add3A_1907 : i32
        %swap3A_1909 = arith.index_cast %add3A_1908 : i32 to index
        %swap3A_1910 = arith.constant 112 : index
        %swap3A_1911 = tpu.vector_load %arg7[%swap3A_1909, %swap3A_1910] {strides = array<i32>} : memref<128x128xf32, #tpu.memory_space<vmem>>, vector<1x16xf32>,
        %swap3A_1912 = vector.shape_cast %swap3A_1911 : vector<1x16xf32> to vector<16xf32>
        %swap3A_1913 = vector.shape_cast %mul3A_1906 : vector<16xf32> to vector<1x16xf32>
        tpu.vector_store %arg7[%swap3A_1909, %swap3A_1910], %swap3A_1913 {strides = array<i32>} : memref<128x128xf32, #tpu.memory_space<vmem>>, vector<1x16xf32>,
      }
      %scan3A_53 = arith.constant 8 : i32
      "tpu.region"() ({
        %run_scoped3A = tpu.sem_alloc : memref<!tpu.dma_semaphore, #tpu.memory_space<semaphore_mem>>
        %dma_start3A_54 = arith.constant 0 : i32
        %dma_start3A_55 = arith.constant 0 : i32
        %dma_start3A_56 = tpu.memref_slice %arg11[%dma_start3A_54, %dma_start3A_55] : memref<10240x128xf32, #tpu.memory_space<vmem_shared>> -> memref<10240x128xf32, #tpu.memory_space<vmem_shared>>
        tpu.enqueue_indirect_dma source(%arg7 : memref<128x128xf32, #tpu.memory_space<vmem>>) target(%dma_start3A_56 : memref<10240x128xf32, #tpu.memory_space<vmem_shared>>) offsets(%arg9 : memref<128xi32, #tpu.memory_space<vmem>>) semaphore(%run_scoped3A : memref<!tpu.dma_semaphore, #tpu.memory_space<semaphore_mem>>) {add = true}
        %dma_wait3A_57 = arith.constant 0 : i32
        %dma_wait3A_58 = arith.constant 0 : i32
        %dma_wait3A_59 = tpu.memref_slice %arg11[%dma_wait3A_57, %dma_wait3A_58] : memref<10240x128xf32, #tpu.memory_space<vmem_shared>> -> memref<10240x128xf32, #tpu.memory_space<vmem_shared>>
        tpu.wait_indirect_dma semaphore(%run_scoped3A : memref<!tpu.dma_semaphore, #tpu.memory_space<semaphore_mem>>) src(%arg7 : memref<128x128xf32, #tpu.memory_space<vmem>>) dst(%dma_wait3A_59 : memref<10240x128xf32, #tpu.memory_space<vmem_shared>>)
        tpu.yield
      }) : () -> ()
    }
    %scan3A_31 = arith.constant 79 : i32
    %barrier3A_32 = arith.constant 0 : index
    tpu.barrier barrier_id(%barrier3A_32)
    %mul3A_33 = arith.constant 640 : i32
    %mul3A_34 = arith.muli %arg1, %mul3A_33 : i32
    %mul3A_35 = arith.constant 640 : i32
    %mul3A_36 = arith.muli %arg1, %mul3A_35 : i32
    "tpu.region"() ({
      %run_scoped3A = tpu.sem_alloc : memref<!tpu.dma_semaphore, #tpu.memory_space<semaphore_mem>>
      %dma_start3A = arith.constant 0 : i32
      %dma_start3A_37 = tpu.memref_slice %arg6[%arg0, %mul3A_36, %dma_start3A] : memref<2x10240x128xf32, #tpu.memory_space<hbm>> -> memref<1x640x128xf32, #tpu.memory_space<hbm>>
      %dma_start3A_38 = tpu.memref_squeeze %dma_start3A_37 : memref<1x640x128xf32, #tpu.memory_space<hbm>> -> memref<640x128xf32, #tpu.memory_space<hbm>>
      %dma_start3A_39 = arith.constant 0 : i32
      %dma_start3A_40 = tpu.memref_slice %arg11[%mul3A_34, %dma_start3A_39] : memref<10240x128xf32, #tpu.memory_space<vmem_shared>> -> memref<640x128xf32, #tpu.memory_space<vmem_shared>>
      tpu.enqueue_dma source(%dma_start3A_40 : memref<640x128xf32, #tpu.memory_space<vmem_shared>>) target(%dma_start3A_38 : memref<640x128xf32, #tpu.memory_space<hbm>>) target_semaphore(%run_scoped3A : memref<!tpu.dma_semaphore, #tpu.memory_space<semaphore_mem>>)
      %dma_wait3A = arith.constant 0 : i32
      %dma_wait3A_41 = tpu.memref_slice %arg6[%arg0, %mul3A_36, %dma_wait3A] : memref<2x10240x128xf32, #tpu.memory_space<hbm>> -> memref<1x640x128xf32, #tpu.memory_space<hbm>>
      %dma_wait3A_42 = tpu.memref_squeeze %dma_wait3A_41 : memref<1x640x128xf32, #tpu.memory_space<hbm>> -> memref<640x128xf32, #tpu.memory_space<hbm>>
      %dma_wait3A_43 = arith.constant 0 : i32
      %dma_wait3A_44 = tpu.memref_slice %arg11[%mul3A_34, %dma_wait3A_43] : memref<10240x128xf32, #tpu.memory_space<vmem_shared>> -> memref<640x128xf32, #tpu.memory_space<vmem_shared>>
      tpu.wait_dma2 semaphore(%run_scoped3A : memref<!tpu.dma_semaphore, #tpu.memory_space<semaphore_mem>>) src(%dma_wait3A_44 : memref<640x128xf32, #tpu.memory_space<vmem_shared>>) dst(%dma_wait3A_42 : memref<640x128xf32, #tpu.memory_space<hbm>>)
      tpu.yield
    }) : () -> ()
    return
  }
}

module attributes {stable_mosaic.version = 14 : i64} {
  func.func @_mm_body(%arg0: memref<10000x128xf32, #tpu.memory_space<vmem>>, %arg1: memref<128x128xf32, #tpu.memory_space<vmem>>, %arg2: memref<10000x128xf32, #tpu.memory_space<vmem>>) attributes {dimension_semantics = [], scalar_prefetch = 0 : i64, scratch_operands = 0 : i64, tpu.core_type = #tpu.core_type<tc>} {
    %get3A = arith.constant 0 : index
    %get3A_0 = arith.constant 0 : index
    %get3A_1 = vector.load %arg0[%get3A, %get3A_0] : memref<10000x128xf32, #tpu.memory_space<vmem>>, vector<10000x128xf32>
    %get3A_2 = arith.constant 0 : index
    %get3A_3 = arith.constant 0 : index
    %get3A_4 = vector.load %arg1[%get3A_2, %get3A_3] : memref<128x128xf32, #tpu.memory_space<vmem>>, vector<128x128xf32>
    %dot_general3A = arith.constant dense<0.000000e+00> : vector<10000x128xf32>
    %dot_general3A_5 = tpu.matmul %get3A_1, %get3A_4, %dot_general3A {dimension_numbers = #tpu.dot_dimension_numbers<[1], [1], [0], [0], [0, 0, 1, 0], [], []>, transpose_lhs_hint = false} : vector<10000x128xf32>, vector<128x128xf32>, vector<10000x128xf32> -> vector<10000x128xf32>
    %swap3A = arith.constant 0 : index
    %swap3A_6 = arith.constant 0 : index
    %swap3A_7 = vector.load %arg2[%swap3A, %swap3A_6] : memref<10000x128xf32, #tpu.memory_space<vmem>>, vector<10000x128xf32>
    tpu.vector_store %arg2[%swap3A, %swap3A_6], %dot_general3A_5 {strides = array<i32>} : memref<10000x128xf32, #tpu.memory_space<vmem>>, vector<10000x128xf32>,
    return
  }
}

module attributes {stable_mosaic.version = 14 : i64} {
  func.func @_scale_body(%arg0: memref<2x10000x1xf32, #tpu.memory_space<vmem>>, %arg1: memref<10000x128xf32, #tpu.memory_space<vmem>>, %arg2: memref<10000x128xf32, #tpu.memory_space<vmem>>, %arg3: memref<10000x128xf32, #tpu.memory_space<vmem>>) attributes {dimension_semantics = [], scalar_prefetch = 0 : i64, scratch_operands = 0 : i64, tpu.core_type = #tpu.core_type<tc>} {
    %get3A = arith.constant 0 : index
    %get3A_0 = arith.constant 0 : index
    %get3A_1 = arith.constant 0 : index
    %get3A_2 = vector.load %arg0[%get3A, %get3A_0, %get3A_1] : memref<2x10000x1xf32, #tpu.memory_space<vmem>>, vector<1x10000x1xf32>
    %get3A_3 = vector.shape_cast %get3A_2 : vector<1x10000x1xf32> to vector<10000x1xf32>
    %get3A_4 = arith.constant 1 : index
    %get3A_5 = arith.constant 0 : index
    %get3A_6 = arith.constant 0 : index
    %get3A_7 = vector.load %arg0[%get3A_4, %get3A_5, %get3A_6] : memref<2x10000x1xf32, #tpu.memory_space<vmem>>, vector<1x10000x1xf32>
    %get3A_8 = vector.shape_cast %get3A_7 : vector<1x10000x1xf32> to vector<10000x1xf32>
    %add3A = arith.addf %get3A_3, %get3A_8 : vector<10000x1xf32>
    %add3A_9 = arith.constant 1.000000e+00 : f32
    %add3A_10 = vector.broadcast %add3A_9 : f32 to vector<10000x1xf32>
    %add3A_11 = arith.addf %add3A, %add3A_10 : vector<10000x1xf32>
    %gt3A = arith.constant 0.000000e+00 : f32
    %gt3A_12 = vector.broadcast %gt3A : f32 to vector<10000x1xf32>
    %gt3A_13 = arith.cmpf ogt, %add3A_11, %gt3A_12 : vector<10000x1xf32>
    %rsqrt3A = math.rsqrt %add3A_11 : vector<10000x1xf32>
    %jit3A = arith.constant 0.000000e+00 : f32
    %broadcast_in_dim3A = vector.broadcast %jit3A : f32 to vector<10000x1xf32>
    %select_n3A = arith.select %gt3A_13, %rsqrt3A, %broadcast_in_dim3A : vector<10000x1xi1>, vector<10000x1xf32>
    %broadcast_in_dim3A_14 = vector.shape_cast %select_n3A : vector<10000x1xf32> to vector<10000x1xf32>
    %broadcast_in_dim3A_15 = vector.broadcast %broadcast_in_dim3A_14 : vector<10000x1xf32> to vector<10000x128xf32>
    %swap3A = arith.constant 0 : index
    %swap3A_16 = arith.constant 0 : index
    %swap3A_17 = vector.load %arg2[%swap3A, %swap3A_16] : memref<10000x128xf32, #tpu.memory_space<vmem>>, vector<10000x128xf32>
    tpu.vector_store %arg2[%swap3A, %swap3A_16], %broadcast_in_dim3A_15 {strides = array<i32>} : memref<10000x128xf32, #tpu.memory_space<vmem>>, vector<10000x128xf32>,
    %get3A_18 = arith.constant 0 : index
    %get3A_19 = arith.constant 0 : index
    %get3A_20 = vector.load %arg1[%get3A_18, %get3A_19] : memref<10000x128xf32, #tpu.memory_space<vmem>>, vector<10000x128xf32>
    %mul3A = arith.mulf %broadcast_in_dim3A_15, %get3A_20 : vector<10000x128xf32>
    %swap3A_21 = arith.constant 0 : index
    %swap3A_22 = arith.constant 0 : index
    %swap3A_23 = vector.load %arg3[%swap3A_21, %swap3A_22] : memref<10000x128xf32, #tpu.memory_space<vmem>>, vector<10000x128xf32>
    tpu.vector_store %arg3[%swap3A_21, %swap3A_22], %mul3A {strides = array<i32>} : memref<10000x128xf32, #tpu.memory_space<vmem>>, vector<10000x128xf32>,
    return
  }
}

module attributes {stable_mosaic.version = 14 : i64} {
  func.func @_mid_body(%arg0: memref<10000x128xf32, #tpu.memory_space<vmem>>, %arg1: memref<10000x128xf32, #tpu.memory_space<vmem>>, %arg2: memref<10000x128xf32, #tpu.memory_space<vmem>>, %arg3: memref<10000x128xf32, #tpu.memory_space<vmem>>, %arg4: memref<1x128xf32, #tpu.memory_space<vmem>>, %arg5: memref<1x128xf32, #tpu.memory_space<vmem>>, %arg6: memref<1x128xf32, #tpu.memory_space<vmem>>, %arg7: memref<128x128xf32, #tpu.memory_space<vmem>>, %arg8: memref<10000x128xf32, #tpu.memory_space<vmem>>) attributes {dimension_semantics = [], scalar_prefetch = 0 : i64, scratch_operands = 0 : i64, tpu.core_type = #tpu.core_type<tc>} {
    %get3A = arith.constant 0 : index
    %get3A_0 = arith.constant 0 : index
    %get3A_1 = vector.load %arg3[%get3A, %get3A_0] : memref<10000x128xf32, #tpu.memory_space<vmem>>, vector<10000x128xf32>
    %get3A_2 = arith.constant 0 : index
    %get3A_3 = arith.constant 0 : index
    %get3A_4 = vector.load %arg0[%get3A_2, %get3A_3] : memref<10000x128xf32, #tpu.memory_space<vmem>>, vector<10000x128xf32>
    %get3A_5 = arith.constant 0 : index
    %get3A_6 = arith.constant 0 : index
    %get3A_7 = vector.load %arg1[%get3A_5, %get3A_6] : memref<10000x128xf32, #tpu.memory_space<vmem>>, vector<10000x128xf32>
    %add3A = arith.addf %get3A_4, %get3A_7 : vector<10000x128xf32>
    %get3A_8 = arith.constant 0 : index
    %get3A_9 = arith.constant 0 : index
    %get3A_10 = vector.load %arg2[%get3A_8, %get3A_9] : memref<10000x128xf32, #tpu.memory_space<vmem>>, vector<10000x128xf32>
    %add3A_11 = arith.addf %add3A, %get3A_10 : vector<10000x128xf32>
    %mul3A = arith.mulf %get3A_1, %add3A_11 : vector<10000x128xf32>
    %get3A_12 = arith.constant 0 : index
    %get3A_13 = arith.constant 0 : index
    %get3A_14 = vector.load %arg4[%get3A_12, %get3A_13] : memref<1x128xf32, #tpu.memory_space<vmem>>, vector<1x128xf32>
    %add3A_15 = vector.broadcast %get3A_14 : vector<1x128xf32> to vector<10000x128xf32>
    %add3A_16 = arith.addf %mul3A, %add3A_15 : vector<10000x128xf32>
    %reduce_sum3A = arith.constant dense<0.000000e+00> : vector<128xf32>
    %reduce_sum3A_17 = vector.multi_reduction <add>, %add3A_16, %reduce_sum3A [0] : vector<10000x128xf32> to vector<128xf32>
    %broadcast_in_dim3A = vector.shape_cast %reduce_sum3A_17 : vector<128xf32> to vector<1x128xf32>
    %div3A = arith.constant 1.000000e+04 : f32
    %div3A_18 = vector.broadcast %div3A : f32 to vector<1x128xf32>
    %div3A_19 = arith.divf %broadcast_in_dim3A, %div3A_18 : vector<1x128xf32>
    %sub3A = vector.broadcast %div3A_19 : vector<1x128xf32> to vector<10000x128xf32>
    %sub3A_20 = arith.subf %add3A_16, %sub3A : vector<10000x128xf32>
    %mul3A_21 = arith.mulf %sub3A_20, %sub3A_20 : vector<10000x128xf32>
    %reduce_sum3A_22 = arith.constant dense<0.000000e+00> : vector<128xf32>
    %reduce_sum3A_23 = vector.multi_reduction <add>, %mul3A_21, %reduce_sum3A_22 [0] : vector<10000x128xf32> to vector<128xf32>
    %broadcast_in_dim3A_24 = vector.shape_cast %reduce_sum3A_23 : vector<128xf32> to vector<1x128xf32>
    %div3A_25 = arith.constant 1.000000e+04 : f32
    %div3A_26 = vector.broadcast %div3A_25 : f32 to vector<1x128xf32>
    %div3A_27 = arith.divf %broadcast_in_dim3A_24, %div3A_26 : vector<1x128xf32>
    %add3A_28 = arith.constant 9.99999974E-6 : f32
    %add3A_29 = vector.broadcast %add3A_28 : f32 to vector<1x128xf32>
    %add3A_30 = arith.addf %div3A_27, %add3A_29 : vector<1x128xf32>
    %rsqrt3A = math.rsqrt %add3A_30 : vector<1x128xf32>
    %mul3A_31 = vector.broadcast %rsqrt3A : vector<1x128xf32> to vector<10000x128xf32>
    %mul3A_32 = arith.mulf %sub3A_20, %mul3A_31 : vector<10000x128xf32>
    %get3A_33 = arith.constant 0 : index
    %get3A_34 = arith.constant 0 : index
    %get3A_35 = vector.load %arg5[%get3A_33, %get3A_34] : memref<1x128xf32, #tpu.memory_space<vmem>>, vector<1x128xf32>
    %mul3A_36 = vector.broadcast %get3A_35 : vector<1x128xf32> to vector<10000x128xf32>
    %mul3A_37 = arith.mulf %mul3A_32, %mul3A_36 : vector<10000x128xf32>
    %get3A_38 = arith.constant 0 : index
    %get3A_39 = arith.constant 0 : index
    %get3A_40 = vector.load %arg6[%get3A_38, %get3A_39] : memref<1x128xf32, #tpu.memory_space<vmem>>, vector<1x128xf32>
    %add3A_41 = vector.broadcast %get3A_40 : vector<1x128xf32> to vector<10000x128xf32>
    %add3A_42 = arith.addf %mul3A_37, %add3A_41 : vector<10000x128xf32>
    %max3A = arith.constant 0.000000e+00 : f32
    %max3A_43 = vector.broadcast %max3A : f32 to vector<10000x128xf32>
    %max3A_44 = arith.maximumf %add3A_42, %max3A_43 : vector<10000x128xf32>
    %get3A_45 = arith.constant 0 : index
    %get3A_46 = arith.constant 0 : index
    %get3A_47 = vector.load %arg7[%get3A_45, %get3A_46] : memref<128x128xf32, #tpu.memory_space<vmem>>, vector<128x128xf32>
    %dot_general3A = arith.constant dense<0.000000e+00> : vector<10000x128xf32>
    %dot_general3A_48 = tpu.matmul %max3A_44, %get3A_47, %dot_general3A {dimension_numbers = #tpu.dot_dimension_numbers<[1], [1], [0], [0], [0, 0, 1, 0], [], []>, transpose_lhs_hint = false} : vector<10000x128xf32>, vector<128x128xf32>, vector<10000x128xf32> -> vector<10000x128xf32>
    %mul3A_49 = arith.mulf %get3A_1, %dot_general3A_48 : vector<10000x128xf32>
    %swap3A = arith.constant 0 : index
    %swap3A_50 = arith.constant 0 : index
    %swap3A_51 = vector.load %arg8[%swap3A, %swap3A_50] : memref<10000x128xf32, #tpu.memory_space<vmem>>, vector<10000x128xf32>
    tpu.vector_store %arg8[%swap3A, %swap3A_50], %mul3A_49 {strides = array<i32>} : memref<10000x128xf32, #tpu.memory_space<vmem>>, vector<10000x128xf32>,
    return
  }
}

module attributes {stable_mosaic.version = 14 : i64} {
  func.func @_out_body(%arg0: memref<10000x128xf32, #tpu.memory_space<vmem>>, %arg1: memref<10000x128xf32, #tpu.memory_space<vmem>>, %arg2: memref<10000x128xf32, #tpu.memory_space<vmem>>, %arg3: memref<10000x128xf32, #tpu.memory_space<vmem>>, %arg4: memref<1x128xf32, #tpu.memory_space<vmem>>, %arg5: memref<10000x128xf32, #tpu.memory_space<vmem>>) attributes {dimension_semantics = [], scalar_prefetch = 0 : i64, scratch_operands = 0 : i64, tpu.core_type = #tpu.core_type<tc>} {
    %get3A = arith.constant 0 : index
    %get3A_0 = arith.constant 0 : index
    %get3A_1 = vector.load %arg3[%get3A, %get3A_0] : memref<10000x128xf32, #tpu.memory_space<vmem>>, vector<10000x128xf32>
    %get3A_2 = arith.constant 0 : index
    %get3A_3 = arith.constant 0 : index
    %get3A_4 = vector.load %arg0[%get3A_2, %get3A_3] : memref<10000x128xf32, #tpu.memory_space<vmem>>, vector<10000x128xf32>
    %get3A_5 = arith.constant 0 : index
    %get3A_6 = arith.constant 0 : index
    %get3A_7 = vector.load %arg1[%get3A_5, %get3A_6] : memref<10000x128xf32, #tpu.memory_space<vmem>>, vector<10000x128xf32>
    %add3A = arith.addf %get3A_4, %get3A_7 : vector<10000x128xf32>
    %get3A_8 = arith.constant 0 : index
    %get3A_9 = arith.constant 0 : index
    %get3A_10 = vector.load %arg2[%get3A_8, %get3A_9] : memref<10000x128xf32, #tpu.memory_space<vmem>>, vector<10000x128xf32>
    %add3A_11 = arith.addf %add3A, %get3A_10 : vector<10000x128xf32>
    %mul3A = arith.mulf %get3A_1, %add3A_11 : vector<10000x128xf32>
    %get3A_12 = arith.constant 0 : index
    %get3A_13 = arith.constant 0 : index
    %get3A_14 = vector.load %arg4[%get3A_12, %get3A_13] : memref<1x128xf32, #tpu.memory_space<vmem>>, vector<1x128xf32>
    %add3A_15 = vector.broadcast %get3A_14 : vector<1x128xf32> to vector<10000x128xf32>
    %add3A_16 = arith.addf %mul3A, %add3A_15 : vector<10000x128xf32>
    %swap3A = arith.constant 0 : index
    %swap3A_17 = arith.constant 0 : index
    %swap3A_18 = vector.load %arg5[%swap3A, %swap3A_17] : memref<10000x128xf32, #tpu.memory_space<vmem>>, vector<10000x128xf32>
    tpu.vector_store %arg5[%swap3A, %swap3A_17], %add3A_16 {strides = array<i32>} : memref<10000x128xf32, #tpu.memory_space<vmem>>, vector<10000x128xf32>,
    return
  }
}

</mosaic_0001>

<sc_bundles>
// kernel: kernel.12.cloned.1.call-start
scs
__scs_entry_jumppad:
0x0: {  	(pc) =	sbr.rel $0x88, $3  }
0x1: {  	(tag) =	ssettag $0x0;
	lr =	simm.s32 $0x1  }
0x2: {  	[smem:$0x3F98] =	sst lr;
	_ =	strace $0xD0000000  }
0x3: {  	_ = 	snop  }
0x4: {  	_ = 	snop  }
0x5: {  	_ = 	snop  }
0x6: {  	_ = 	snop  }
0x7: {  	_ = 	snop  }
__scs_overlays_trampoline_lowered:
0x8: {  	[smem:$0x3FA7] =	sst s0  }
0x9: {  	[smem:$0x3FA8] =	sst s1  }
0xa: {  	[smem:$0x3FA9] =	sst s2  }
0xb: {  	[smem:$0x3FAA] =	sst s3  }
0xc: {  	[smem:$0x3FAB] =	sst s4  }
0xd: {  	[smem:$0x3FAC] =	sst s5  }
0xe: {  	[smem:$0x3FAD] =	sst s6  }
0xf: {  	[smem:$0x3FAE] =	sst s7  }
0x10: {  	[smem:$0x3FAF] =	sst s8  }
0x11: {  	[smem:$0x3FB0] =	sst s9;
	s0 =	simm.s32 @!p0 $0x0  }
0x12: {  	s1 =	sld [smem:$0x3F96];
	s0 =	simm.s32 @p0 $0x1  }
0x13: {  	[smem:$0x3FB1] =	sst s0;
	s0 =	simm.s32 @!p1 $0x0  }
0x14: {  	s2 =	sld [smem:$0x3F95];
	s0 =	simm.s32 @p1 $0x1  }
0x15: {  	[smem:$0x3FB2] =	sst s0;
	s0 =	simm.s32 @!p2 $0x0  }
0x16: {  	s3 =	sld [smem:$0x3FDB];
	s0 =	simm.s32 @p2 $0x1  }
0x17: {  	s4 =	simm.s32 $0x1BF5;
	[smem:$0x3FB4] =	sst s0  }
0x18: {  	s0 =	sld [smem:$0x3F97];
	_ =	swait.ge [sflag:s4], $0x0  }
0x19: {  	s7 =	sld [smem:$0x3F98]  }
0x1a: {  	s8 =	sadd.s32 $0xFFFFE003, lr  }
0x1b: {  	s9 =	sadd.s32 $0xFFFFFEF7, lr;
	s5 =	simm.s32 $0xFFFFFFFF;
	p2 =	slt.u32 s8, $0xFFFFF086  }
0x1c: {  	p1 =	slt.u32 s9, $0xF7A;
	s5 =	simm.s32 @!p2 $0x0  }
0x1d: {  	s5 =	simm.s32 @p1 $0x1;
	p0 =	seq.s32 s7, s2  }
0x1e: {  	s7 =	smul.u32 @!p0 $0xF7A, s2;
	p2 =	seq.s32 @!p0 s5, $0x0  }
0x1f: {  	s9 =	smul.u32 $0xF7A, s1;
	s8 =	simm.s32 @!p0 $0x1BF5;
	p2 =	por !p2, p0  }
0x20: {  	[sflag:s8] =	ssyncset.s32 @!p0 $0xFFFFF086;
	s6 =	sadd.s32 @!p0 s3, s7;
	s7 =	simm.s32 @!p0 $0x108  }
0x21: {  	s3 =	sadd.s32 s3, s9;
	s6 =	sadd.s32 @!p0 $0x88, s6;
	s7 =	simm.s32 @p2 $0x1082  }
0x22: {  	[simem:s7], [sflag:s8] =	dma.local @!p0 [hbm:s6], $0xF7A  }
0x23: {  	s9 =	sor.u32 $0xD0000000, s2;
	s6 =	simm.s32 $0x108;
	_ =	swait.ge @!p0 [sflag:s8], $0x0  }
0x24: {  	s3 =	sadd.s32 $0x88, s3;
	s6 =	simm.s32 @!p1 $0x1082;
	[sflag:s4] =	ssyncset.s32 $0xFFFFF086  }
0x25: {  	[simem:s6], [sflag:s4] =	dma.local [hbm:s3], $0xF7A  }
0x26: {  	[smem:$0x3F98] =	sst s1;
	(tag) =	ssettag s2;
	_ =	strace s9  }
0x27: {  	s1 =	sld [smem:$0x3FA8]  }
0x28: {  	s2 =	sld [smem:$0x3FA9]  }
0x29: {  	s4 =	sld [smem:$0x3FAB]  }
0x2a: {  	p0 =	seq.s32 s5, $0x0;
	s5 =	sld [smem:$0x3FAC]  }
0x2b: {  	s6 =	sld [smem:$0x3FAD]  }
0x2c: {  	s7 =	sld [smem:$0x3FAE]  }
0x2d: {  	s3 =	simm.s32 $0x108;
	s8 =	sld [smem:$0x3FAF]  }
0x2e: {  	s3 =	simm.s32 @!p0 $0x1082;
	s9 =	sld [smem:$0x3FB0]  }
0x2f: {  	lr =	sadd.s32 s0, s3;
	s0 =	sld [smem:$0x3FA7]  }
0x30: {  	s3 =	sld [smem:$0x3FAA]  }
0x31: {  	[smem:$0x3FB3] =	sst s10  }
0x32: {  	s10 =	sld [smem:$0x3FB1];
	_ =	sdelay $0x3  }
0x33: {  	p0 =	seq.s32 s10, $0x1;
	s10 =	sld [smem:$0x3FB3];
	_ =	sdelay $0x3  }
0x34: {  	[smem:$0x3FB3] =	sst s10  }
0x35: {  	s10 =	sld [smem:$0x3FB2];
	_ =	sdelay $0x3  }
0x36: {  	p1 =	seq.s32 s10, $0x1;
	s10 =	sld [smem:$0x3FB3];
	_ =	sdelay $0x3  }
0x37: {  	[smem:$0x3FB3] =	sst s10  }
0x38: {  	s10 =	sld [smem:$0x3FB4]  }
0x39: {  	_ = 	snop;
	(pc) =	sbr.ind lr, $3  }
0x3a: {  	_ = 	snop  }
0x3b: {  	_ = 	snop  }
0x3c: {  	p2 =	seq.s32 s10, $0x1;
	s10 =	sld [smem:$0x3FB3]  }
0x3d: {  	_ =	shalt  }
0x3e: {  	_ =	shalt  }
0x3f: {  	_ =	shalt  }
0x40: {  	_ =	shalt  }
0x41: {  	_ =	shalt  }
0x42: {  	_ =	shalt  }
0x43: {  	_ =	shalt  }
0x44: {  	_ =	shalt  }
0x45: {  	_ =	shalt  }
0x46: {  	_ =	shalt  }
0x47: {  	_ =	shalt  }
0x48: {  	_ =	shalt  }
0x49: {  	_ =	shalt  }
0x4a: {  	_ =	shalt  }
0x4b: {  	_ =	shalt  }
0x4c: {  	_ =	shalt  }
0x4d: {  	_ =	shalt  }
0x4e: {  	_ =	shalt  }
0x4f: {  	_ =	shalt  }
0x50: {  	_ =	shalt  }
0x51: {  	_ =	shalt  }
0x52: {  	_ =	shalt  }
0x53: {  	_ =	shalt  }
0x54: {  	_ =	shalt  }
0x55: {  	_ =	shalt  }
0x56: {  	_ =	shalt  }
0x57: {  	_ =	shalt  }
0x58: {  	_ =	shalt  }
0x59: {  	_ =	shalt  }
0x5a: {  	_ =	shalt  }
0x5b: {  	_ =	shalt  }
0x5c: {  	_ =	shalt  }
0x5d: {  	_ =	shalt  }
0x5e: {  	_ =	shalt  }
0x5f: {  	_ =	shalt  }
0x60: {  	_ =	shalt  }
0x61: {  	_ =	shalt  }
0x62: {  	_ =	shalt  }
0x63: {  	_ =	shalt  }
0x64: {  	_ =	shalt  }
0x65: {  	_ =	shalt  }
0x66: {  	_ =	shalt  }
0x67: {  	_ =	shalt  }
0x68: {  	_ =	shalt  }
0x69: {  	_ =	shalt  }
0x6a: {  	_ =	shalt  }
0x6b: {  	_ =	shalt  }
0x6c: {  	_ =	shalt  }
0x6d: {  	_ =	shalt  }
0x6e: {  	_ =	shalt  }
0x6f: {  	_ =	shalt  }
0x70: {  	_ =	shalt  }
0x71: {  	_ =	shalt  }
0x72: {  	_ =	shalt  }
0x73: {  	_ =	shalt  }
0x74: {  	_ =	shalt  }
0x75: {  	_ =	shalt  }
0x76: {  	_ =	shalt  }
0x77: {  	_ =	shalt  }
0x78: {  	_ =	shalt  }
0x79: {  	_ =	shalt  }
0x7a: {  	_ =	shalt  }
0x7b: {  	_ =	shalt  }
0x7c: {  	_ =	shalt  }
0x7d: {  	_ =	shalt  }
0x7e: {  	_ =	shalt  }
0x7f: {  	_ =	shalt  }
0x80: {  	_ =	shalt  }
0x81: {  	_ =	shalt  }
0x82: {  	_ =	shalt  }
0x83: {  	_ =	shalt  }
0x84: {  	_ =	shalt  }
0x85: {  	_ =	shalt  }
0x86: {  	_ =	shalt  }
0x87: {  	_ =	shalt  }
.Lfunc_end0:
.L_simem_size_0:
called_computation.1_lowered:
.L_overlay_start_0:
0x88: {  	s2 =	sld [smem:$0x3FD9]  }
0x89: {  	s3 =	sld [smem:$0x3FFE];
	_ =	sdelay $0x1  }
0x8a: {  	s1 =	srdreg.scid  }
0x8b: {  	s0 =	sand.u32 $0x1, s1  }
0x8c: {  	s17 =	sshll.u32 s0, $0xA;
	s2 =	sadd.s32 s3, s2  }
0x8d: {  	s2 =	sadd.s32 s2, s17  }
0x8e: {  	[smem:$0x3FBF] =	sst s2  }
0x8f: {  	_ = 	snop  }
0x90: {  	s2 =	sld [smem:$0x3FD0];
	(tm) =	ssettm $0x1  }
0x91: {  	s18 =	sld [smem:$0x3FFB];
	_ =	sdelay $0x3  }
0x92: {  	_ =	strace s18  }
0x93: {  	s3 =	sld [smem:$0x3FFC];
	_ =	sdelay $0x3  }
0x94: {  	_ =	strace s3  }
0x95: {  	s3 =	sld [smem:$0x3FFD];
	_ =	sdelay $0x3  }
0x96: {  	_ =	strace s3  }
0x97: {  	_ =	strace $0x8FFFFFFF  }
0x98: {  	s19 =	sld [smem:$0x3FDB];
	_ =	sdelay $0x1  }
0x99: {  	s4 =	simm.s32 $_scs_section_size  }
0x9a: {  	s5 =	simm.s32 $_size__tile_overlayer_lowered;
	s6 =	simm.s32 $_tile_overlayer_lowered  }
0x9b: {  	s22 =	simm.s32 $0x1BFF;
	s21 =	sshll.u32 s6, $0x1;
	s3 =	sadd.s32 s4, s19  }
0x9c: {  	s7 =	simm.s32 $0x0;
	s20 =	sshll.u32 s5, $0x1;
	s5 =	sadd.s32 s21, s3  }
0x9d: {  	[timem:s7], [sflag:s22] =	dma.local [hbm:s5], s20  }
0x9e: {  	_ =	swait.ge [sflag:s22], s20  }
0x9f: {  	s4 =	ssub.s32 $0x0, s20;
	[sflag:s22] =	ssyncset.done $0x0  }
0xa0: {  	[sflag:s22] =	ssyncadd.s32 s4;
	_ =	sdelay $0x1  }
0xa1: {  	s23 =	simm.s32 $0x1B8B  }
0xa2: {  	_ =	swait.ge [sflag:s23], $0x1  }
0xa3: {  	[sflag:s23] =	ssyncset.done $0x0  }
0xa4: {  	s25 =	simm.s32 $0x1B8E;
	s24 =	sld [smem:$0x3FFE];
	[sflag:s23] =	ssyncadd.s32 $0xFFFFFFFF  }
0xa5: {  	s26 =	simm.s32 $execute0_lowered;
	[smem:$0x3FD2] =	sst s25  }
0xa6: {  	s5 =	sshll.u32 s26, $0x1;
	_ =	strace $0x80000049;
	[dreg:$0x1] =	wrdreg $0xFFFFFFFF  }
0xa7: {  	s28 =	simm.s32 $_size_execute0_lowered;
	s3 =	sadd.s32 s3, s5;
	[dreg:$0x0] =	wrdreg $0x0  }
0xa8: {  	s5 =	sshll.u32 s28, $0x1;
	[dreg:$0x2] =	wrdreg s3  }
0xa9: {  	[dreg:$0x3] =	wrdreg s5  }
0xaa: {  	[dreg:$0x4] =	wrdreg $0xC0  }
0xab: {  	_ =	task [dreg:s7], $0x5FFFF  }
0xac: {  	[dreg:$0x1] =	wrdreg $0xFFFFFFFF  }
0xad: {  	[dreg:$0x0] =	wrdreg $0x60  }
0xae: {  	[dreg:$0x2] =	wrdreg s2  }
0xaf: {  	[dreg:$0x3] =	wrdreg s24  }
0xb0: {  	[dreg:$0x4] =	wrdreg $0x41800  }
0xb1: {  	[dreg:$0x5] =	wrdreg $0x9  }
0xb2: {  	_ =	task.clear_ibuf [dreg:s7], $0x6FFFF;
	_ =	strace $0x90000049  }
0xb3: {  	s29 =	simm.s32 $0x9;
	_ =	strace $0x8000004B  }
0xb4: {  	_ =	swait.ge [sflag:s29], $0x1  }
0xb5: {  	[sflag:s29] =	ssyncadd.s32 $0xFFFFFFFF  }
0xb6: {  	_ =	strace $0x9000004B  }
0xb7: {  	_ =	sfence  }
0xb8: {  	s30 =	sld [smem:$0x0];
	_ =	sdelay $0x2  }
0xb9: {  	s31 =	sshll.u32 s1, $0xD;
	s1 =	sshrl.u32 s1, $0x2  }
0xba: {  	s3 =	sand.u32 $0x4000, s31;
	s1 =	sadd.s32 s1, s30  }
0xbb: {  	s0 =	sor.u32 s3, s0;
	s1 =	sshll.u32 s1, $0x11  }
0xbc: {  	s0 =	sor.u32 s1, s0  }
0xbd: {  	s0 =	sadd.s32 $0x8F2B, s0  }
0xbe: {  	[sflag:s0] =	ssyncadd.remote.s32 $0x1  }
0xbf: {  	_ =	sfence.sel $0xFFFF  }
0xc0: {  	[dreg:$0x0] =	wrdreg $0xFFFFFFFF;
	(pc) =	sbr.abs _section_cstart, $3  }
0xc1: {  	[dreg:$0x1] =	wrdreg $0xFFFFFFFF  }
0xc2: {  	_ =	task.clear_ibuf [dreg:s7], $0x2FFFF;
	_ =	strace $0x9FFFFFFF  }
0xc3: {  	(tm) =	ssettm $0x7FFFFFFF  }
tec
execute0_lowered:
.L_overlay_start_1:
0x0: {  	(tag) =	ssettag $0x1  }
0x1: {  	s1 =	rddreg [dreg:$0x0]  }
0x2: {  	s8 =	rddreg [dreg:$0x1]  }
0x3: {  	s2 =	rddreg [dreg:$0x2]  }
0x4: {  	s3 =	srdreg.scid;
	s0 =	rddreg [dreg:$0x3];
	s4 =	simm.s32 $0x0  }
0x5: {  	s16 =	simm.s32 $0x2;
	s17 =	simm.s32 $0x4000;
	s18 =	simm.s32 $0x4080  }
0x6: {  	s19 =	simm.s32 $0x4100;
	s20 =	simm.s32 $0x80;
	s9 =	sand.u32 $0x1, s3  }
0x7: {  	s21 =	simm.s32 $0x1;
	s3 =	stileid.u32;
	s6 =	smul.u32 $0x140000, s9  }
0x8: {  	s23 =	simm.s32 $0x0;
	[smem:$0x7FF] =	sst s4;
	s7 =	smul.u32 $0x14000, s3  }
0x9: {  	s5 =	sadd.s32 $0xD800, s8;
	_ =	strace $0x8000004A;
	s11 =	smul.u32 $0x50000, s3  }
0xa: {  	s29 =	ssub.s32 $0x2, s9;
	s9 =	sshll.u32 s9, $0x4;
	s22 =	sshll.u32 s3, $0x6  }
0xb: {  	v0 =	vimm.f32 $0.0e+00;
	v1 =	vimm.s32 $0x0;
	s31 =	sshrl.u32 s29, $0x1;
	s13 =	sor.u32 s3, s9;
	s22 =	sor.u32 $0x1C02, s22  }
0xc: {  	v2 =	vimm.s32 $0x1;
	v3 =	vimm.s32 $0x2;
	v4 =	vimm.s32 $0x3;
	s10 =	sadd.s32 s7, s6;
	s6 =	sadd.s32 $0x17600, s8;
	s7 =	sadd.s32 $0x3A00, s8  }
0xd: {  	v5 =	vimm.s32 $0x4;
	v6 =	vimm.s32 $0x5;
	v7 =	vimm.s32 $0x6;
	s30 =	sshrl.u32 s11, $0x2;
	s15 =	ssub.s32 s29, s31;
	s10 =	sshrl.u32 s10, $0x3  }
0xe: {  	v8 =	vimm.s32 $0x7;
	v9 =	vimm.s32 $0x8;
	v10 =	vimm.s32 $0x9;
	s13 =	smul.u32 $0x4F, s13;
	s14 =	sadd.s32 s10, s8;
	s8 =	sadd.s32 s30, s2  }
0xf: {  	v11 =	vimm.s32 $0xA;
	v12 =	vimm.s32 $0xB;
	v13 =	vimm.s32 $0xC;
	s15 =	smax.u32 s15, $0x1;
	s9 =	sadd.s32 $0x4000, s8;
	s10 =	sadd.s32 $0x8000, s8  }
0x10: {  	v14 =	vimm.s32 $0xD;
	v15 =	vimm.s32 $0xE;
	v16 =	vimm.s32 $0xF;
	s11 =	sadd.s32 $0xC000, s8;
	s12 =	sadd.s32 $0x10000, s8;
	s14 =	sadd.s32 $0x48600, s14  }
.LBB2_1:
0x11: {  	s24 =	simm.s32 $0x0;
	s25 =	simm.s32 $0x200  }
.LBB2_2:
0x12: {  	p0 =	sne.s32 s25, $0xFE00;
	[tilespmem:s24+$0x70] =	vst v0  }
0x13: {  	[tilespmem:s24+$0x0] =	vst v0  }
0x14: {  	[tilespmem:s24+$0x10] =	vst v0  }
.Ltmp0:
0x15: {  	[tilespmem:s24+$0x20] =	vst v0;
	(pc) =	sbr.rel @p0 .LBB2_2-.Ltmp0, $4  }
0x16: {  	[tilespmem:s24+$0x30] =	vst v0  }
0x17: {  	[tilespmem:s24+$0x40] =	vst v0  }
0x18: {  	[tilespmem:s24+$0x50] =	vst v0  }
0x19: {  	[tilespmem:s24+$0x60] =	vst v0;
	s24 =	sshra.s32 s25, $0x2;
	s25 =	sadd.s32 $0x200, s25  }
0x1a: {  	[tilespmem:s24+$0x70] =	vst v0  }
0x1b: {  	[tilespmem:s24+$0x0] =	vst v0  }
0x1c: {  	[tilespmem:s24+$0x10] =	vst v0  }
0x1d: {  	[tilespmem:s24+$0x20] =	vst v0  }
0x1e: {  	[tilespmem:s24+$0x30] =	vst v0  }
0x1f: {  	[tilespmem:s24+$0x40] =	vst v0  }
0x20: {  	[tilespmem:s24+$0x50] =	vst v0  }
0x21: {  	[tilespmem:s24+$0x60] =	vst v0;
	s24 =	simm.s32 $0x0  }
0x22: {  	[spmem:s8] =	stream.linear.scatter [tilespmem:s24], [sflag:$0x2], $0x4000, $0x38;
	[tilespmem:$0x18180] =	vst v63  }
0x23: {  	_ =	swait.ge [sflag:s16], $0x4000  }
0x24: {  	[sflag:s16] =	ssyncset.done $0x0  }
0x25: {  	[sflag:s16] =	ssyncadd.s32 $0xFFFFC000  }
0x26: {  	[spmem:s9] =	stream.linear.scatter [tilespmem:s24], [sflag:$0x2], $0x4000, $0x38;
	[tilespmem:$0x18180] =	vst v63  }
0x27: {  	_ =	swait.ge [sflag:s16], $0x4000  }
0x28: {  	[sflag:s16] =	ssyncset.done $0x0  }
0x29: {  	[sflag:s16] =	ssyncadd.s32 $0xFFFFC000  }
0x2a: {  	[spmem:s10] =	stream.linear.scatter [tilespmem:s24], [sflag:$0x2], $0x4000, $0x38;
	[tilespmem:$0x18180] =	vst v63  }
0x2b: {  	_ =	swait.ge [sflag:s16], $0x4000  }
0x2c: {  	[sflag:s16] =	ssyncset.done $0x0  }
0x2d: {  	[sflag:s16] =	ssyncadd.s32 $0xFFFFC000  }
0x2e: {  	[spmem:s11] =	stream.linear.scatter [tilespmem:s24], [sflag:$0x2], $0x4000, $0x38;
	[tilespmem:$0x18180] =	vst v63  }
0x2f: {  	_ =	swait.ge [sflag:s16], $0x4000  }
0x30: {  	[sflag:s16] =	ssyncset.done $0x0  }
0x31: {  	[sflag:s16] =	ssyncadd.s32 $0xFFFFC000  }
0x32: {  	[spmem:s12] =	stream.linear.scatter [tilespmem:s24], [sflag:$0x2], $0x4000, $0x38;
	[tilespmem:$0x18180] =	vst v63  }
0x33: {  	_ =	swait.ge [sflag:s16], $0x4000  }
0x34: {  	[sflag:s16] =	ssyncset.done $0x0  }
0x35: {  	[sflag:s16] =	ssyncadd.s32 $0xFFFFC000  }
0x36: {  	s25 =	simm.s32 $0x0;
	[bflag:$0x0] =	sbarrier.arrive $0xFFFF  }
.LBB2_4:
0x37: {  	s26 =	sadd.s32 s13, s25  }
0x38: {  	s26 =	sshll.u32 s26, $0x4  }
0x39: {  	s28 =	sadd.s32 s5, s26  }
0x3a: {  	[tilespmem:s17], [sflag:$0x2] =	stream.linear.gather [hbm4b:s28+s24], $0x80, $0x38;
	[tilespmem:$0x18180] =	vst v63  }
0x3b: {  	_ =	swait.ge [sflag:s16], $0x80  }
0x3c: {  	[sflag:s16] =	ssyncset.done $0x0  }
0x3d: {  	s31 =	sadd.s32 s6, s26;
	[sflag:s16] =	ssyncadd.s32 $0xFFFFFF80  }
0x3e: {  	[tilespmem:s18], [sflag:$0x2] =	stream.linear.gather [hbm4b:s31+s24], $0x80, $0x38;
	[tilespmem:$0x18180] =	vst v63  }
0x3f: {  	_ =	swait.ge [sflag:s16], $0x80  }
0x40: {  	[sflag:s16] =	ssyncset.done $0x0  }
0x41: {  	s26 =	sadd.s32 s7, s26;
	[sflag:s16] =	ssyncadd.s32 $0xFFFFFF80  }
0x42: {  	[tilespmem:s19], [sflag:$0x2] =	stream.linear.gather [hbm4b:s26+s24], $0x80, $0x38;
	[tilespmem:$0x18180] =	vst v63  }
0x43: {  	_ =	swait.ge [sflag:s16], $0x80  }
0x44: {  	[sflag:s16] =	ssyncset.done $0x0  }
0x45: {  	[sflag:s16] =	ssyncadd.s32 $0xFFFFFF80  }
0x46: {  	[tilespmem:s24], [sflag:$0x1] =	stream.indirect.gather [hbm4b:s1+s20], $0x80, s17, s20, $0xb8;
	[tilespmem:$0x18180] =	vst v63  }
0x47: {  	_ =	swait.ge [sflag:s21], $0x4000  }
0x48: {  	[sflag:s21] =	ssyncset.done $0x0  }
0x49: {  	s26 =	simm.s32 $0x0;
	[sflag:s21] =	ssyncadd.s32 $0xFFFFC000  }
.LBB2_5:
0x4a: {  	s28 =	sshll.u32 s26, $0x4  }
0x4b: {  	s28 =	sand.u32 $0x3FFFFFF0, s28  }
0x4c: {  	s31 =	sshll.u32 s26, $0xB;
	v17 =	vld [tilespmem:s28+$0x4100]  }
0x4d: {  	s28 =	sand.u32 $0x3FFFF800, s31  }
0x4e: {  	v18 =	vld [tilespmem:s28+$0x0]  }
0x4f: {  	v19 =	vld [tilespmem:s28+$0x10]  }
0x50: {  	v20 =	vld [tilespmem:s28+$0x20]  }
0x51: {  	v22 =	vld [tilespmem:s28+$0x30];
	v21 =	vperm.xlane v17, v1  }
0x52: {  	v23 =	vld [tilespmem:s28+$0x40]  }
0x53: {  	v24 =	vld [tilespmem:s28+$0x50];
	v18 =	vmul.f32 v18, v21  }
0x54: {  	v25 =	vld [tilespmem:s28+$0x60];
	v19 =	vmul.f32 v19, v21  }
0x55: {  	v38 =	vld [tilespmem:s28+$0x70];
	[tilespmem:s28+$0x0] =	vst v18;
	v18 =	vmul.f32 v20, v21  }
0x56: {  	v39 =	vld [tilespmem:s28+$0x80];
	[tilespmem:s28+$0x10] =	vst v19;
	v19 =	vmul.f32 v22, v21  }
0x57: {  	v40 =	vld [tilespmem:s28+$0x90];
	[tilespmem:s28+$0x20] =	vst v18;
	v18 =	vmul.f32 v23, v21  }
0x58: {  	v41 =	vld [tilespmem:s28+$0xA0];
	[tilespmem:s28+$0x30] =	vst v19;
	v19 =	vmul.f32 v24, v21  }
0x59: {  	v26 =	vld [tilespmem:s28+$0xB0];
	v42 =	vperm.xlane v17, v2;
	[tilespmem:s28+$0x40] =	vst v18;
	v18 =	vmul.f32 v25, v21  }
0x5a: {  	v43 =	vld [tilespmem:s28+$0xC0];
	[tilespmem:s28+$0x50] =	vst v19;
	v19 =	vmul.f32 v38, v21  }
0x5b: {  	v44 =	vld [tilespmem:s28+$0xD0];
	[tilespmem:s28+$0x60] =	vst v18;
	v18 =	vmul.f32 v39, v42  }
0x5c: {  	v45 =	vld [tilespmem:s28+$0xE0];
	[tilespmem:s28+$0x70] =	vst v19;
	v19 =	vmul.f32 v40, v42  }
0x5d: {  	v46 =	vld [tilespmem:s28+$0xF0];
	[tilespmem:s28+$0x80] =	vst v18;
	v18 =	vmul.f32 v41, v42  }
0x5e: {  	v47 =	vld [tilespmem:s28+$0x100];
	[tilespmem:s28+$0x90] =	vst v19;
	v19 =	vmul.f32 v26, v42  }
0x5f: {  	v48 =	vld [tilespmem:s28+$0x110];
	[tilespmem:s28+$0xA0] =	vst v18;
	v18 =	vmul.f32 v43, v42  }
0x60: {  	v49 =	vld [tilespmem:s28+$0x120];
	[tilespmem:s28+$0xB0] =	vst v19;
	v19 =	vmul.f32 v44, v42  }
0x61: {  	v51 =	vld [tilespmem:s28+$0x130];
	v50 =	vperm.xlane v17, v3;
	[tilespmem:s28+$0xC0] =	vst v18;
	v18 =	vmul.f32 v45, v42  }
0x62: {  	v52 =	vld [tilespmem:s28+$0x140];
	[tilespmem:s28+$0xD0] =	vst v19;
	v19 =	vmul.f32 v46, v42  }
0x63: {  	v53 =	vld [tilespmem:s28+$0x150];
	[tilespmem:s28+$0xE0] =	vst v18;
	v18 =	vmul.f32 v47, v50  }
0x64: {  	v54 =	vld [tilespmem:s28+$0x160];
	[tilespmem:s28+$0xF0] =	vst v19;
	v19 =	vmul.f32 v48, v50  }
0x65: {  	v55 =	vld [tilespmem:s28+$0x170];
	[tilespmem:s28+$0x100] =	vst v18;
	v18 =	vmul.f32 v49, v50  }
0x66: {  	v56 =	vld [tilespmem:s28+$0x180];
	[tilespmem:s28+$0x110] =	vst v19;
	v19 =	vmul.f32 v51, v50  }
0x67: {  	v57 =	vld [tilespmem:s28+$0x190];
	[tilespmem:s28+$0x120] =	vst v18;
	v18 =	vmul.f32 v52, v50  }
0x68: {  	v58 =	vld [tilespmem:s28+$0x1A0];
	[tilespmem:s28+$0x130] =	vst v19;
	v19 =	vmul.f32 v53, v50  }
0x69: {  	v60 =	vld [tilespmem:s28+$0x1B0];
	v59 =	vperm.xlane v17, v4;
	[tilespmem:s28+$0x140] =	vst v18;
	v18 =	vmul.f32 v54, v50  }
0x6a: {  	v61 =	vld [tilespmem:s28+$0x1C0];
	[tilespmem:s28+$0x150] =	vst v19;
	v19 =	vmul.f32 v55, v50  }
0x6b: {  	v62 =	vld [tilespmem:s28+$0x1D0];
	[tilespmem:s28+$0x160] =	vst v18;
	v18 =	vmul.f32 v56, v59  }
0x6c: {  	v63 =	vld [tilespmem:s28+$0x1E0];
	[tilespmem:s28+$0x170] =	vst v19;
	v19 =	vmul.f32 v57, v59  }
0x6d: {  	v28 =	vld [tilespmem:s28+$0x1F0];
	[tilespmem:s28+$0x180] =	vst v18;
	v18 =	vmul.f32 v58, v59  }
0x6e: {  	v29 =	vld [tilespmem:s28+$0x200];
	[tilespmem:s28+$0x190] =	vst v19;
	v19 =	vmul.f32 v60, v59  }
0x6f: {  	v30 =	vld [tilespmem:s28+$0x210];
	[tilespmem:s28+$0x1A0] =	vst v18;
	v18 =	vmul.f32 v61, v59  }
0x70: {  	v31 =	vld [tilespmem:s28+$0x220];
	[tilespmem:s28+$0x1B0] =	vst v19;
	v19 =	vmul.f32 v62, v59  }
0x71: {  	v33 =	vld [tilespmem:s28+$0x230];
	v32 =	vperm.xlane v17, v5;
	[tilespmem:s28+$0x1C0] =	vst v18;
	v18 =	vmul.f32 v63, v59  }
0x72: {  	v34 =	vld [tilespmem:s28+$0x240];
	[tilespmem:s28+$0x1D0] =	vst v19;
	v19 =	vmul.f32 v28, v59  }
0x73: {  	v35 =	vld [tilespmem:s28+$0x250];
	[tilespmem:s28+$0x1E0] =	vst v18;
	v18 =	vmul.f32 v29, v32  }
0x74: {  	v36 =	vld [tilespmem:s28+$0x260];
	[tilespmem:s28+$0x1F0] =	vst v19;
	v19 =	vmul.f32 v30, v32  }
0x75: {  	v37 =	vld [tilespmem:s28+$0x270];
	[tilespmem:s28+$0x200] =	vst v18;
	v18 =	vmul.f32 v31, v32  }
0x76: {  	v38 =	vld [tilespmem:s28+$0x280];
	[tilespmem:s28+$0x210] =	vst v19;
	v19 =	vmul.f32 v33, v32  }
0x77: {  	v39 =	vld [tilespmem:s28+$0x290];
	[tilespmem:s28+$0x220] =	vst v18;
	v18 =	vmul.f32 v34, v32  }
0x78: {  	v40 =	vld [tilespmem:s28+$0x2A0];
	[tilespmem:s28+$0x230] =	vst v19;
	v19 =	vmul.f32 v35, v32  }
0x79: {  	v41 =	vperm.xlane v17, v6;
	v42 =	vld [tilespmem:s28+$0x2B0];
	[tilespmem:s28+$0x240] =	vst v18;
	v18 =	vmul.f32 v36, v32  }
0x7a: {  	v43 =	vld [tilespmem:s28+$0x2C0];
	[tilespmem:s28+$0x250] =	vst v19;
	v19 =	vmul.f32 v37, v32  }
0x7b: {  	v44 =	vld [tilespmem:s28+$0x2D0];
	[tilespmem:s28+$0x260] =	vst v18;
	v18 =	vmul.f32 v38, v41  }
0x7c: {  	v45 =	vld [tilespmem:s28+$0x2E0];
	[tilespmem:s28+$0x270] =	vst v19;
	v19 =	vmul.f32 v39, v41  }
0x7d: {  	v46 =	vld [tilespmem:s28+$0x2F0];
	[tilespmem:s28+$0x280] =	vst v18;
	v18 =	vmul.f32 v40, v41  }
0x7e: {  	v47 =	vld [tilespmem:s28+$0x300];
	[tilespmem:s28+$0x290] =	vst v19;
	v19 =	vmul.f32 v42, v41  }
0x7f: {  	v48 =	vld [tilespmem:s28+$0x310];
	[tilespmem:s28+$0x2A0] =	vst v18;
	v18 =	vmul.f32 v43, v41  }
0x80: {  	v49 =	vld [tilespmem:s28+$0x320];
	[tilespmem:s28+$0x2B0] =	vst v19;
	v19 =	vmul.f32 v44, v41  }
0x81: {  	v51 =	vld [tilespmem:s28+$0x330];
	v50 =	vperm.xlane v17, v7;
	[tilespmem:s28+$0x2C0] =	vst v18;
	v18 =	vmul.f32 v45, v41  }
0x82: {  	v52 =	vld [tilespmem:s28+$0x340];
	[tilespmem:s28+$0x2D0] =	vst v19;
	v19 =	vmul.f32 v46, v41  }
0x83: {  	v53 =	vld [tilespmem:s28+$0x350];
	[tilespmem:s28+$0x2E0] =	vst v18;
	v18 =	vmul.f32 v47, v50  }
0x84: {  	v54 =	vld [tilespmem:s28+$0x360];
	[tilespmem:s28+$0x2F0] =	vst v19;
	v19 =	vmul.f32 v48, v50  }
0x85: {  	v55 =	vld [tilespmem:s28+$0x370];
	[tilespmem:s28+$0x300] =	vst v18;
	v18 =	vmul.f32 v49, v50  }
0x86: {  	v56 =	vld [tilespmem:s28+$0x380];
	[tilespmem:s28+$0x310] =	vst v19;
	v19 =	vmul.f32 v51, v50  }
0x87: {  	v57 =	vld [tilespmem:s28+$0x390];
	[tilespmem:s28+$0x320] =	vst v18;
	v18 =	vmul.f32 v52, v50  }
0x88: {  	v58 =	vld [tilespmem:s28+$0x3A0];
	[tilespmem:s28+$0x330] =	vst v19;
	v19 =	vmul.f32 v53, v50  }
0x89: {  	v60 =	vld [tilespmem:s28+$0x3B0];
	v59 =	vperm.xlane v17, v8;
	[tilespmem:s28+$0x340] =	vst v18;
	v18 =	vmul.f32 v54, v50  }
0x8a: {  	v61 =	vld [tilespmem:s28+$0x3C0];
	[tilespmem:s28+$0x350] =	vst v19;
	v19 =	vmul.f32 v55, v50  }
0x8b: {  	v62 =	vld [tilespmem:s28+$0x3D0];
	[tilespmem:s28+$0x360] =	vst v18;
	v18 =	vmul.f32 v56, v59  }
0x8c: {  	v63 =	vld [tilespmem:s28+$0x3E0];
	[tilespmem:s28+$0x370] =	vst v19;
	v19 =	vmul.f32 v57, v59  }
0x8d: {  	v28 =	vld [tilespmem:s28+$0x3F0];
	[tilespmem:s28+$0x380] =	vst v18;
	v18 =	vmul.f32 v58, v59  }
0x8e: {  	v29 =	vld [tilespmem:s28+$0x400];
	[tilespmem:s28+$0x390] =	vst v19;
	v19 =	vmul.f32 v60, v59  }
0x8f: {  	v30 =	vld [tilespmem:s28+$0x410];
	[tilespmem:s28+$0x3A0] =	vst v18;
	v18 =	vmul.f32 v61, v59  }
0x90: {  	v31 =	vld [tilespmem:s28+$0x420];
	[tilespmem:s28+$0x3B0] =	vst v19;
	v19 =	vmul.f32 v62, v59  }
0x91: {  	v33 =	vld [tilespmem:s28+$0x430];
	v32 =	vperm.xlane v17, v9;
	[tilespmem:s28+$0x3C0] =	vst v18;
	v18 =	vmul.f32 v63, v59  }
0x92: {  	v34 =	vld [tilespmem:s28+$0x440];
	[tilespmem:s28+$0x3D0] =	vst v19;
	v19 =	vmul.f32 v28, v59  }
0x93: {  	v35 =	vld [tilespmem:s28+$0x450];
	[tilespmem:s28+$0x3E0] =	vst v18;
	v18 =	vmul.f32 v29, v32  }
0x94: {  	v36 =	vld [tilespmem:s28+$0x460];
	[tilespmem:s28+$0x3F0] =	vst v19;
	v19 =	vmul.f32 v30, v32  }
0x95: {  	v37 =	vld [tilespmem:s28+$0x470];
	[tilespmem:s28+$0x400] =	vst v18;
	v18 =	vmul.f32 v31, v32  }
0x96: {  	v38 =	vld [tilespmem:s28+$0x480];
	[tilespmem:s28+$0x410] =	vst v19;
	v19 =	vmul.f32 v33, v32  }
0x97: {  	v39 =	vld [tilespmem:s28+$0x490];
	[tilespmem:s28+$0x420] =	vst v18;
	v18 =	vmul.f32 v34, v32  }
0x98: {  	v40 =	vld [tilespmem:s28+$0x4A0];
	[tilespmem:s28+$0x430] =	vst v19;
	v19 =	vmul.f32 v35, v32  }
0x99: {  	v42 =	vld [tilespmem:s28+$0x4B0];
	v41 =	vperm.xlane v17, v10;
	[tilespmem:s28+$0x440] =	vst v18;
	v18 =	vmul.f32 v36, v32  }
0x9a: {  	v43 =	vld [tilespmem:s28+$0x4C0];
	[tilespmem:s28+$0x450] =	vst v19;
	v19 =	vmul.f32 v37, v32  }
0x9b: {  	v44 =	vld [tilespmem:s28+$0x4D0];
	[tilespmem:s28+$0x460] =	vst v18;
	v18 =	vmul.f32 v38, v41  }
0x9c: {  	v45 =	vld [tilespmem:s28+$0x4E0];
	[tilespmem:s28+$0x470] =	vst v19;
	v19 =	vmul.f32 v39, v41  }
0x9d: {  	v46 =	vld [tilespmem:s28+$0x4F0];
	[tilespmem:s28+$0x480] =	vst v18;
	v18 =	vmul.f32 v40, v41  }
0x9e: {  	v47 =	vld [tilespmem:s28+$0x500];
	[tilespmem:s28+$0x490] =	vst v19;
	v19 =	vmul.f32 v42, v41  }
0x9f: {  	v48 =	vld [tilespmem:s28+$0x510];
	[tilespmem:s28+$0x4A0] =	vst v18;
	v18 =	vmul.f32 v43, v41  }
0xa0: {  	v49 =	vld [tilespmem:s28+$0x520];
	[tilespmem:s28+$0x4B0] =	vst v19;
	v19 =	vmul.f32 v44, v41  }
0xa1: {  	v51 =	vld [tilespmem:s28+$0x530];
	v50 =	vperm.xlane v17, v11;
	[tilespmem:s28+$0x4C0] =	vst v18;
	v18 =	vmul.f32 v45, v41  }
0xa2: {  	v52 =	vld [tilespmem:s28+$0x540];
	[tilespmem:s28+$0x4D0] =	vst v19;
	v19 =	vmul.f32 v46, v41  }
0xa3: {  	v53 =	vld [tilespmem:s28+$0x550];
	[tilespmem:s28+$0x4E0] =	vst v18;
	v18 =	vmul.f32 v47, v50  }
0xa4: {  	v54 =	vld [tilespmem:s28+$0x560];
	[tilespmem:s28+$0x4F0] =	vst v19;
	v19 =	vmul.f32 v48, v50  }
0xa5: {  	v55 =	vld [tilespmem:s28+$0x570];
	[tilespmem:s28+$0x500] =	vst v18;
	v18 =	vmul.f32 v49, v50  }
0xa6: {  	v56 =	vld [tilespmem:s28+$0x580];
	[tilespmem:s28+$0x510] =	vst v19;
	v19 =	vmul.f32 v51, v50  }
0xa7: {  	v57 =	vld [tilespmem:s28+$0x590];
	[tilespmem:s28+$0x520] =	vst v18;
	v18 =	vmul.f32 v52, v50  }
0xa8: {  	v58 =	vld [tilespmem:s28+$0x5A0];
	[tilespmem:s28+$0x530] =	vst v19;
	v19 =	vmul.f32 v53, v50  }
0xa9: {  	v60 =	vld [tilespmem:s28+$0x5B0];
	v59 =	vperm.xlane v17, v12;
	[tilespmem:s28+$0x540] =	vst v18;
	v18 =	vmul.f32 v54, v50  }
0xaa: {  	v61 =	vld [tilespmem:s28+$0x5C0];
	[tilespmem:s28+$0x550] =	vst v19;
	v19 =	vmul.f32 v55, v50  }
0xab: {  	v62 =	vld [tilespmem:s28+$0x5D0];
	[tilespmem:s28+$0x560] =	vst v18;
	v18 =	vmul.f32 v56, v59  }
0xac: {  	v63 =	vld [tilespmem:s28+$0x5E0];
	[tilespmem:s28+$0x570] =	vst v19;
	v19 =	vmul.f32 v57, v59  }
0xad: {  	v28 =	vld [tilespmem:s28+$0x5F0];
	[tilespmem:s28+$0x580] =	vst v18;
	v18 =	vmul.f32 v58, v59  }
0xae: {  	v29 =	vld [tilespmem:s28+$0x600];
	[tilespmem:s28+$0x590] =	vst v19;
	v19 =	vmul.f32 v60, v59  }
0xaf: {  	v30 =	vld [tilespmem:s28+$0x610];
	[tilespmem:s28+$0x5A0] =	vst v18;
	v18 =	vmul.f32 v61, v59  }
0xb0: {  	v31 =	vld [tilespmem:s28+$0x620];
	[tilespmem:s28+$0x5B0] =	vst v19;
	v19 =	vmul.f32 v62, v59  }
0xb1: {  	v33 =	vld [tilespmem:s28+$0x630];
	v32 =	vperm.xlane v17, v13;
	[tilespmem:s28+$0x5C0] =	vst v18;
	v18 =	vmul.f32 v63, v59  }
0xb2: {  	v34 =	vld [tilespmem:s28+$0x640];
	[tilespmem:s28+$0x5D0] =	vst v19;
	v19 =	vmul.f32 v28, v59  }
0xb3: {  	v35 =	vld [tilespmem:s28+$0x650];
	[tilespmem:s28+$0x5E0] =	vst v18;
	v18 =	vmul.f32 v29, v32  }
0xb4: {  	v36 =	vld [tilespmem:s28+$0x660];
	[tilespmem:s28+$0x5F0] =	vst v19;
	v19 =	vmul.f32 v30, v32  }
0xb5: {  	v37 =	vld [tilespmem:s28+$0x670];
	[tilespmem:s28+$0x600] =	vst v18;
	v18 =	vmul.f32 v31, v32  }
0xb6: {  	v38 =	vld [tilespmem:s28+$0x680];
	[tilespmem:s28+$0x610] =	vst v19;
	v19 =	vmul.f32 v33, v32  }
0xb7: {  	v39 =	vld [tilespmem:s28+$0x690];
	[tilespmem:s28+$0x620] =	vst v18;
	v18 =	vmul.f32 v34, v32  }
0xb8: {  	v40 =	vld [tilespmem:s28+$0x6A0];
	[tilespmem:s28+$0x630] =	vst v19;
	v19 =	vmul.f32 v35, v32  }
0xb9: {  	v42 =	vld [tilespmem:s28+$0x6B0];
	v41 =	vperm.xlane v17, v14;
	[tilespmem:s28+$0x640] =	vst v18;
	v18 =	vmul.f32 v36, v32  }
0xba: {  	v43 =	vld [tilespmem:s28+$0x6C0];
	[tilespmem:s28+$0x650] =	vst v19;
	v19 =	vmul.f32 v37, v32  }
0xbb: {  	v44 =	vld [tilespmem:s28+$0x6D0];
	[tilespmem:s28+$0x660] =	vst v18;
	v18 =	vmul.f32 v38, v41  }
0xbc: {  	v45 =	vld [tilespmem:s28+$0x6E0];
	[tilespmem:s28+$0x670] =	vst v19;
	v19 =	vmul.f32 v39, v41  }
0xbd: {  	v46 =	vld [tilespmem:s28+$0x6F0];
	[tilespmem:s28+$0x680] =	vst v18;
	v18 =	vmul.f32 v40, v41  }
0xbe: {  	v47 =	vld [tilespmem:s28+$0x700];
	[tilespmem:s28+$0x690] =	vst v19;
	v19 =	vmul.f32 v42, v41  }
0xbf: {  	v48 =	vld [tilespmem:s28+$0x710];
	[tilespmem:s28+$0x6A0] =	vst v18;
	v18 =	vmul.f32 v43, v41  }
0xc0: {  	v49 =	vld [tilespmem:s28+$0x720];
	[tilespmem:s28+$0x6B0] =	vst v19;
	v19 =	vmul.f32 v44, v41  }
0xc1: {  	v51 =	vld [tilespmem:s28+$0x730];
	v50 =	vperm.xlane v17, v15;
	[tilespmem:s28+$0x6C0] =	vst v18;
	v18 =	vmul.f32 v45, v41  }
0xc2: {  	v52 =	vld [tilespmem:s28+$0x740];
	[tilespmem:s28+$0x6D0] =	vst v19;
	v19 =	vmul.f32 v46, v41  }
0xc3: {  	v53 =	vld [tilespmem:s28+$0x750];
	[tilespmem:s28+$0x6E0] =	vst v18;
	v18 =	vmul.f32 v47, v50  }
0xc4: {  	v54 =	vld [tilespmem:s28+$0x760];
	[tilespmem:s28+$0x6F0] =	vst v19;
	v19 =	vmul.f32 v48, v50  }
0xc5: {  	v55 =	vld [tilespmem:s28+$0x770];
	[tilespmem:s28+$0x700] =	vst v18;
	v18 =	vmul.f32 v49, v50  }
0xc6: {  	v56 =	vld [tilespmem:s28+$0x780];
	[tilespmem:s28+$0x710] =	vst v19;
	v19 =	vmul.f32 v51, v50  }
0xc7: {  	v57 =	vld [tilespmem:s28+$0x790];
	[tilespmem:s28+$0x720] =	vst v18;
	v18 =	vmul.f32 v52, v50  }
0xc8: {  	v58 =	vld [tilespmem:s28+$0x7A0];
	[tilespmem:s28+$0x730] =	vst v19;
	v19 =	vmul.f32 v53, v50  }
0xc9: {  	v17 =	vperm.xlane v17, v16;
	v59 =	vld [tilespmem:s28+$0x7B0];
	[tilespmem:s28+$0x740] =	vst v18;
	v18 =	vmul.f32 v54, v50  }
0xca: {  	v60 =	vld [tilespmem:s28+$0x7C0];
	[tilespmem:s28+$0x750] =	vst v19;
	v19 =	vmul.f32 v55, v50  }
0xcb: {  	v61 =	vld [tilespmem:s28+$0x7D0];
	[tilespmem:s28+$0x760] =	vst v18;
	v18 =	vmul.f32 v56, v17  }
0xcc: {  	v62 =	vld [tilespmem:s28+$0x7E0];
	[tilespmem:s28+$0x770] =	vst v19;
	v19 =	vmul.f32 v57, v17  }
0xcd: {  	v63 =	vld [tilespmem:s28+$0x7F0];
	[tilespmem:s28+$0x780] =	vst v18;
	v18 =	vmul.f32 v58, v17  }
0xce: {  	[tilespmem:s28+$0x790] =	vst v19;
	v19 =	vmul.f32 v59, v17  }
0xcf: {  	p0 =	sne.s32 s26, $0x7;
	[tilespmem:s28+$0x7A0] =	vst v18;
	v18 =	vmul.f32 v60, v17  }
.Ltmp1:
0xd0: {  	[tilespmem:s28+$0x7B0] =	vst v19;
	v19 =	vmul.f32 v61, v17;
	(pc) =	sbr.rel @p0 .LBB2_5-.Ltmp1, $4  }
0xd1: {  	[tilespmem:s28+$0x7C0] =	vst v18;
	v18 =	vmul.f32 v62, v17  }
0xd2: {  	[tilespmem:s28+$0x7D0] =	vst v19;
	v17 =	vmul.f32 v63, v17  }
0xd3: {  	[tilespmem:s28+$0x7E0] =	vst v18  }
0xd4: {  	s26 =	sadd.s32 $0x1, s26;
	[tilespmem:s28+$0x7F0] =	vst v17  }
0xd5: {  	s25 =	sadd.s32 $0x1, s25  }
0xd6: {  	p0 =	sne.s32 s25, $0x4F  }
.Ltmp2:
0xd7: {  	_ = 	snop;
	(pc) =	sbr.rel @p0 .LBB2_4-.Ltmp2, $4  }
0xd8: {  	[spmem:s2] =	stream.indirect.scatter.add.f32 [tilespmem:s4], [sflag:$0x2], $0x80, s18, s20, $0xb8;
	[tilespmem:$0x18180] =	vst v63  }
0xd9: {  	_ =	swait.ge [sflag:s16], $0x4000  }
0xda: {  	[sflag:s16] =	ssyncset.done $0x0  }
0xdb: {  	[sflag:s16] =	ssyncadd.s32 $0xFFFFC000  }
0xdc: {  	s23 =	sadd.s32 $0x1, s23  }
0xdd: {  	p0 =	sne.s32 s23, s15  }
.Ltmp3:
0xde: {  	[bflag:$0x0] =	sbarrier.arrive $0xFFFF;
	s24 =	sshrl.u32 s8, $0x3;
	(pc) =	sbr.rel @p0 .LBB2_1-.Ltmp3, $4  }
0xdf: {  	[hbm:s14], [sflag:s22] =	dma.local [spmem:s24], $0x2800  }
0xe0: {  	_ =	swait.ge [sflag:s16], $0x2800  }
0xe1: {  	[sflag:s16] =	ssyncset.done $0x0  }
0xe2: {  	[sflag:s16] =	ssyncadd.s32 $0xFFFFD800  }
0xe3: {  	_ =	sfence.sel $0x180000  }
0xe4: {  	[bflag:$0x0] =	sbarrier.arrive $0xFFFF  }
0xe5: {  	p0 =	sne.s32 s3, $0x0;
	_ =	strace $0x9000004A  }
0xe6: {  	s0 =	sadd.s32 @!p0 $0x100000, s0;
	[bflag:$0x2] =	sbarrier.arrive $0xFFFF  }
0xe7: {  	[sflag:s0] =	ssyncadd.tile.s32 @!p0 $0x1;
	_ =	shalt  }
.Lfunc_end2:
_tile_overlayer_lowered:
.L_overlay_start_2:
0xe8: {  	(tag) =	ssettag $0x2  }
0xe9: {  	s0 =	rddreg [dreg:$0x0];
	s2 =	stileid.u32  }
0xea: {  	s1 =	rddreg [dreg:$0x1];
	p0 =	sne.s32 s2, $0x0  }
0xeb: {  	s3 =	rddreg [dreg:$0x2];
	[bflag:$0x3] =	sbarrier.arrive $0xFFFF;
	s2 =	simm.s32 @!p0 $0x1C02  }
0xec: {  	[timem:s3], [sflag:s2] =	dma.local @!p0 [hbm:s0], s1  }
0xed: {  	s0 =	simm.s32 @!p0 $0x2  }
0xee: {  	_ =	swait.ge @!p0 [sflag:s0], s1  }
0xef: {  	s1 =	ssub.s32 @!p0 $0x0, s1;
	[sflag:s0] =	ssyncset.done @!p0 $0x0  }
0xf0: {  	[sflag:s0] =	ssyncadd.s32 @!p0 s1  }
0xf1: {  	[bflag:$0x3] =	sbarrier.arrive $0xFFFF  }
0xf2: {  	_ =	shalt  }

// kernel: kernel.15.cloned.1.call-start
scs
__scs_entry_jumppad:
0x0: {  	(pc) =	sbr.rel $0x88, $3  }
0x1: {  	(tag) =	ssettag $0x0;
	lr =	simm.s32 $0x1  }
0x2: {  	[smem:$0x3F98] =	sst lr;
	_ =	strace $0xD0000000  }
0x3: {  	_ = 	snop  }
0x4: {  	_ = 	snop  }
0x5: {  	_ = 	snop  }
0x6: {  	_ = 	snop  }
0x7: {  	_ = 	snop  }
__scs_overlays_trampoline_lowered:
0x8: {  	[smem:$0x3FA7] =	sst s0  }
0x9: {  	[smem:$0x3FA8] =	sst s1  }
0xa: {  	[smem:$0x3FA9] =	sst s2  }
0xb: {  	[smem:$0x3FAA] =	sst s3  }
0xc: {  	[smem:$0x3FAB] =	sst s4  }
0xd: {  	[smem:$0x3FAC] =	sst s5  }
0xe: {  	[smem:$0x3FAD] =	sst s6  }
0xf: {  	[smem:$0x3FAE] =	sst s7  }
0x10: {  	[smem:$0x3FAF] =	sst s8  }
0x11: {  	[smem:$0x3FB0] =	sst s9;
	s0 =	simm.s32 @!p0 $0x0  }
0x12: {  	s1 =	sld [smem:$0x3F96];
	s0 =	simm.s32 @p0 $0x1  }
0x13: {  	[smem:$0x3FB1] =	sst s0;
	s0 =	simm.s32 @!p1 $0x0  }
0x14: {  	s2 =	sld [smem:$0x3F95];
	s0 =	simm.s32 @p1 $0x1  }
0x15: {  	[smem:$0x3FB2] =	sst s0;
	s0 =	simm.s32 @!p2 $0x0  }
0x16: {  	s3 =	sld [smem:$0x3FDB];
	s0 =	simm.s32 @p2 $0x1  }
0x17: {  	s4 =	simm.s32 $0x1BF5;
	[smem:$0x3FB4] =	sst s0  }
0x18: {  	s0 =	sld [smem:$0x3F97];
	_ =	swait.ge [sflag:s4], $0x0  }
0x19: {  	s7 =	sld [smem:$0x3F98]  }
0x1a: {  	s8 =	sadd.s32 $0xFFFFE003, lr  }
0x1b: {  	s9 =	sadd.s32 $0xFFFFFEF7, lr;
	s5 =	simm.s32 $0xFFFFFFFF;
	p2 =	slt.u32 s8, $0xFFFFF086  }
0x1c: {  	p1 =	slt.u32 s9, $0xF7A;
	s5 =	simm.s32 @!p2 $0x0  }
0x1d: {  	s5 =	simm.s32 @p1 $0x1;
	p0 =	seq.s32 s7, s2  }
0x1e: {  	s7 =	smul.u32 @!p0 $0xF7A, s2;
	p2 =	seq.s32 @!p0 s5, $0x0  }
0x1f: {  	s9 =	smul.u32 $0xF7A, s1;
	s8 =	simm.s32 @!p0 $0x1BF5;
	p2 =	por !p2, p0  }
0x20: {  	[sflag:s8] =	ssyncset.s32 @!p0 $0xFFFFF086;
	s6 =	sadd.s32 @!p0 s3, s7;
	s7 =	simm.s32 @!p0 $0x108  }
0x21: {  	s3 =	sadd.s32 s3, s9;
	s6 =	sadd.s32 @!p0 $0x88, s6;
	s7 =	simm.s32 @p2 $0x1082  }
0x22: {  	[simem:s7], [sflag:s8] =	dma.local @!p0 [hbm:s6], $0xF7A  }
0x23: {  	s9 =	sor.u32 $0xD0000000, s2;
	s6 =	simm.s32 $0x108;
	_ =	swait.ge @!p0 [sflag:s8], $0x0  }
0x24: {  	s3 =	sadd.s32 $0x88, s3;
	s6 =	simm.s32 @!p1 $0x1082;
	[sflag:s4] =	ssyncset.s32 $0xFFFFF086  }
0x25: {  	[simem:s6], [sflag:s4] =	dma.local [hbm:s3], $0xF7A  }
0x26: {  	[smem:$0x3F98] =	sst s1;
	(tag) =	ssettag s2;
	_ =	strace s9  }
0x27: {  	s1 =	sld [smem:$0x3FA8]  }
0x28: {  	s2 =	sld [smem:$0x3FA9]  }
0x29: {  	s4 =	sld [smem:$0x3FAB]  }
0x2a: {  	p0 =	seq.s32 s5, $0x0;
	s5 =	sld [smem:$0x3FAC]  }
0x2b: {  	s6 =	sld [smem:$0x3FAD]  }
0x2c: {  	s7 =	sld [smem:$0x3FAE]  }
0x2d: {  	s3 =	simm.s32 $0x108;
	s8 =	sld [smem:$0x3FAF]  }
0x2e: {  	s3 =	simm.s32 @!p0 $0x1082;
	s9 =	sld [smem:$0x3FB0]  }
0x2f: {  	lr =	sadd.s32 s0, s3;
	s0 =	sld [smem:$0x3FA7]  }
0x30: {  	s3 =	sld [smem:$0x3FAA]  }
0x31: {  	[smem:$0x3FB3] =	sst s10  }
0x32: {  	s10 =	sld [smem:$0x3FB1];
	_ =	sdelay $0x3  }
0x33: {  	p0 =	seq.s32 s10, $0x1;
	s10 =	sld [smem:$0x3FB3];
	_ =	sdelay $0x3  }
0x34: {  	[smem:$0x3FB3] =	sst s10  }
0x35: {  	s10 =	sld [smem:$0x3FB2];
	_ =	sdelay $0x3  }
0x36: {  	p1 =	seq.s32 s10, $0x1;
	s10 =	sld [smem:$0x3FB3];
	_ =	sdelay $0x3  }
0x37: {  	[smem:$0x3FB3] =	sst s10  }
0x38: {  	s10 =	sld [smem:$0x3FB4]  }
0x39: {  	_ = 	snop;
	(pc) =	sbr.ind lr, $3  }
0x3a: {  	_ = 	snop  }
0x3b: {  	_ = 	snop  }
0x3c: {  	p2 =	seq.s32 s10, $0x1;
	s10 =	sld [smem:$0x3FB3]  }
0x3d: {  	_ =	shalt  }
0x3e: {  	_ =	shalt  }
0x3f: {  	_ =	shalt  }
0x40: {  	_ =	shalt  }
0x41: {  	_ =	shalt  }
0x42: {  	_ =	shalt  }
0x43: {  	_ =	shalt  }
0x44: {  	_ =	shalt  }
0x45: {  	_ =	shalt  }
0x46: {  	_ =	shalt  }
0x47: {  	_ =	shalt  }
0x48: {  	_ =	shalt  }
0x49: {  	_ =	shalt  }
0x4a: {  	_ =	shalt  }
0x4b: {  	_ =	shalt  }
0x4c: {  	_ =	shalt  }
0x4d: {  	_ =	shalt  }
0x4e: {  	_ =	shalt  }
0x4f: {  	_ =	shalt  }
0x50: {  	_ =	shalt  }
0x51: {  	_ =	shalt  }
0x52: {  	_ =	shalt  }
0x53: {  	_ =	shalt  }
0x54: {  	_ =	shalt  }
0x55: {  	_ =	shalt  }
0x56: {  	_ =	shalt  }
0x57: {  	_ =	shalt  }
0x58: {  	_ =	shalt  }
0x59: {  	_ =	shalt  }
0x5a: {  	_ =	shalt  }
0x5b: {  	_ =	shalt  }
0x5c: {  	_ =	shalt  }
0x5d: {  	_ =	shalt  }
0x5e: {  	_ =	shalt  }
0x5f: {  	_ =	shalt  }
0x60: {  	_ =	shalt  }
0x61: {  	_ =	shalt  }
0x62: {  	_ =	shalt  }
0x63: {  	_ =	shalt  }
0x64: {  	_ =	shalt  }
0x65: {  	_ =	shalt  }
0x66: {  	_ =	shalt  }
0x67: {  	_ =	shalt  }
0x68: {  	_ =	shalt  }
0x69: {  	_ =	shalt  }
0x6a: {  	_ =	shalt  }
0x6b: {  	_ =	shalt  }
0x6c: {  	_ =	shalt  }
0x6d: {  	_ =	shalt  }
0x6e: {  	_ =	shalt  }
0x6f: {  	_ =	shalt  }
0x70: {  	_ =	shalt  }
0x71: {  	_ =	shalt  }
0x72: {  	_ =	shalt  }
0x73: {  	_ =	shalt  }
0x74: {  	_ =	shalt  }
0x75: {  	_ =	shalt  }
0x76: {  	_ =	shalt  }
0x77: {  	_ =	shalt  }
0x78: {  	_ =	shalt  }
0x79: {  	_ =	shalt  }
0x7a: {  	_ =	shalt  }
0x7b: {  	_ =	shalt  }
0x7c: {  	_ =	shalt  }
0x7d: {  	_ =	shalt  }
0x7e: {  	_ =	shalt  }
0x7f: {  	_ =	shalt  }
0x80: {  	_ =	shalt  }
0x81: {  	_ =	shalt  }
0x82: {  	_ =	shalt  }
0x83: {  	_ =	shalt  }
0x84: {  	_ =	shalt  }
0x85: {  	_ =	shalt  }
0x86: {  	_ =	shalt  }
0x87: {  	_ =	shalt  }
.Lfunc_end0:
.L_simem_size_0:
called_computation.2_lowered:
.L_overlay_start_0:
0x88: {  	s2 =	sld [smem:$0x3FD9]  }
0x89: {  	s3 =	sld [smem:$0x3FFE];
	_ =	sdelay $0x1  }
0x8a: {  	s1 =	srdreg.scid  }
0x8b: {  	s0 =	sand.u32 $0x1, s1  }
0x8c: {  	s17 =	sshll.u32 s0, $0xA;
	s2 =	sadd.s32 s3, s2  }
0x8d: {  	s2 =	sadd.s32 s2, s17  }
0x8e: {  	[smem:$0x3FBF] =	sst s2  }
0x8f: {  	_ = 	snop  }
0x90: {  	s2 =	sld [smem:$0x3FD0];
	(tm) =	ssettm $0x1  }
0x91: {  	s18 =	sld [smem:$0x3FFB];
	_ =	sdelay $0x3  }
0x92: {  	_ =	strace s18  }
0x93: {  	s3 =	sld [smem:$0x3FFC];
	_ =	sdelay $0x3  }
0x94: {  	_ =	strace s3  }
0x95: {  	s3 =	sld [smem:$0x3FFD];
	_ =	sdelay $0x3  }
0x96: {  	_ =	strace s3  }
0x97: {  	_ =	strace $0x8FFFFFFF  }
0x98: {  	s19 =	sld [smem:$0x3FDB];
	_ =	sdelay $0x1  }
0x99: {  	s4 =	simm.s32 $_scs_section_size  }
0x9a: {  	s5 =	simm.s32 $_size__tile_overlayer_lowered;
	s6 =	simm.s32 $_tile_overlayer_lowered  }
0x9b: {  	s22 =	simm.s32 $0x1BFF;
	s21 =	sshll.u32 s6, $0x1;
	s3 =	sadd.s32 s4, s19  }
0x9c: {  	s7 =	simm.s32 $0x0;
	s20 =	sshll.u32 s5, $0x1;
	s5 =	sadd.s32 s21, s3  }
0x9d: {  	[timem:s7], [sflag:s22] =	dma.local [hbm:s5], s20  }
0x9e: {  	_ =	swait.ge [sflag:s22], s20  }
0x9f: {  	s4 =	ssub.s32 $0x0, s20;
	[sflag:s22] =	ssyncset.done $0x0  }
0xa0: {  	[sflag:s22] =	ssyncadd.s32 s4;
	_ =	sdelay $0x1  }
0xa1: {  	s23 =	simm.s32 $0x1B8B  }
0xa2: {  	_ =	swait.ge [sflag:s23], $0x1  }
0xa3: {  	[sflag:s23] =	ssyncset.done $0x0  }
0xa4: {  	s25 =	simm.s32 $0x1B8E;
	s24 =	sld [smem:$0x3FFE];
	[sflag:s23] =	ssyncadd.s32 $0xFFFFFFFF  }
0xa5: {  	s26 =	simm.s32 $execute0_lowered;
	[smem:$0x3FD2] =	sst s25  }
0xa6: {  	s5 =	sshll.u32 s26, $0x1;
	_ =	strace $0x8000004C;
	[dreg:$0x1] =	wrdreg $0xFFFFFFFF  }
0xa7: {  	s28 =	simm.s32 $_size_execute0_lowered;
	s3 =	sadd.s32 s3, s5;
	[dreg:$0x0] =	wrdreg $0x0  }
0xa8: {  	s5 =	sshll.u32 s28, $0x1;
	[dreg:$0x2] =	wrdreg s3  }
0xa9: {  	[dreg:$0x3] =	wrdreg s5  }
0xaa: {  	[dreg:$0x4] =	wrdreg $0xC0  }
0xab: {  	_ =	task [dreg:s7], $0x5FFFF  }
0xac: {  	[dreg:$0x1] =	wrdreg $0xFFFFFFFF  }
0xad: {  	[dreg:$0x0] =	wrdreg $0x60  }
0xae: {  	[dreg:$0x2] =	wrdreg s2  }
0xaf: {  	[dreg:$0x3] =	wrdreg s24  }
0xb0: {  	[dreg:$0x4] =	wrdreg $0x41800  }
0xb1: {  	[dreg:$0x5] =	wrdreg $0x9  }
0xb2: {  	_ =	task.clear_ibuf [dreg:s7], $0x6FFFF;
	_ =	strace $0x9000004C  }
0xb3: {  	s29 =	simm.s32 $0x9;
	_ =	strace $0x8000004E  }
0xb4: {  	_ =	swait.ge [sflag:s29], $0x1  }
0xb5: {  	[sflag:s29] =	ssyncadd.s32 $0xFFFFFFFF  }
0xb6: {  	_ =	strace $0x9000004E  }
0xb7: {  	_ =	sfence  }
0xb8: {  	s30 =	sld [smem:$0x0];
	_ =	sdelay $0x2  }
0xb9: {  	s31 =	sshll.u32 s1, $0xD;
	s1 =	sshrl.u32 s1, $0x2  }
0xba: {  	s3 =	sand.u32 $0x4000, s31;
	s1 =	sadd.s32 s1, s30  }
0xbb: {  	s0 =	sor.u32 s3, s0;
	s1 =	sshll.u32 s1, $0x11  }
0xbc: {  	s0 =	sor.u32 s1, s0  }
0xbd: {  	s0 =	sadd.s32 $0x8F2B, s0  }
0xbe: {  	[sflag:s0] =	ssyncadd.remote.s32 $0x1  }
0xbf: {  	_ =	sfence.sel $0xFFFF  }
0xc0: {  	[dreg:$0x0] =	wrdreg $0xFFFFFFFF;
	(pc) =	sbr.abs _section_cstart, $3  }
0xc1: {  	[dreg:$0x1] =	wrdreg $0xFFFFFFFF  }
0xc2: {  	_ =	task.clear_ibuf [dreg:s7], $0x2FFFF;
	_ =	strace $0x9FFFFFFF  }
0xc3: {  	(tm) =	ssettm $0x7FFFFFFF  }
tec
execute0_lowered:
.L_overlay_start_1:
0x0: {  	(tag) =	ssettag $0x1  }
0x1: {  	s1 =	rddreg [dreg:$0x0]  }
0x2: {  	s8 =	rddreg [dreg:$0x1]  }
0x3: {  	s2 =	rddreg [dreg:$0x2]  }
0x4: {  	s3 =	srdreg.scid;
	s0 =	rddreg [dreg:$0x3];
	s4 =	simm.s32 $0x0  }
0x5: {  	s16 =	simm.s32 $0x2;
	s17 =	simm.s32 $0x4000;
	s18 =	simm.s32 $0x4080  }
0x6: {  	s19 =	simm.s32 $0x4100;
	s20 =	simm.s32 $0x80;
	s9 =	sand.u32 $0x1, s3  }
0x7: {  	s21 =	simm.s32 $0x1;
	s3 =	stileid.u32;
	s6 =	smul.u32 $0x140000, s9  }
0x8: {  	s23 =	simm.s32 $0x0;
	[smem:$0x7FF] =	sst s4;
	s7 =	smul.u32 $0x14000, s3  }
0x9: {  	s5 =	sadd.s32 $0xD800, s8;
	_ =	strace $0x8000004D;
	s11 =	smul.u32 $0x50000, s3  }
0xa: {  	s29 =	ssub.s32 $0x2, s9;
	s9 =	sshll.u32 s9, $0x4;
	s22 =	sshll.u32 s3, $0x6  }
0xb: {  	v0 =	vimm.f32 $0.0e+00;
	v1 =	vimm.s32 $0x0;
	s31 =	sshrl.u32 s29, $0x1;
	s13 =	sor.u32 s3, s9;
	s22 =	sor.u32 $0x1C02, s22  }
0xc: {  	v2 =	vimm.s32 $0x1;
	v3 =	vimm.s32 $0x2;
	v4 =	vimm.s32 $0x3;
	s10 =	sadd.s32 s7, s6;
	s6 =	sadd.s32 $0x17600, s8;
	s7 =	sadd.s32 $0x3A00, s8  }
0xd: {  	v5 =	vimm.s32 $0x4;
	v6 =	vimm.s32 $0x5;
	v7 =	vimm.s32 $0x6;
	s30 =	sshrl.u32 s11, $0x2;
	s15 =	ssub.s32 s29, s31;
	s10 =	sshrl.u32 s10, $0x3  }
0xe: {  	v8 =	vimm.s32 $0x7;
	v9 =	vimm.s32 $0x8;
	v10 =	vimm.s32 $0x9;
	s13 =	smul.u32 $0x4F, s13;
	s14 =	sadd.s32 s10, s8;
	s8 =	sadd.s32 s30, s2  }
0xf: {  	v11 =	vimm.s32 $0xA;
	v12 =	vimm.s32 $0xB;
	v13 =	vimm.s32 $0xC;
	s15 =	smax.u32 s15, $0x1;
	s9 =	sadd.s32 $0x4000, s8;
	s10 =	sadd.s32 $0x8000, s8  }
0x10: {  	v14 =	vimm.s32 $0xD;
	v15 =	vimm.s32 $0xE;
	v16 =	vimm.s32 $0xF;
	s11 =	sadd.s32 $0xC000, s8;
	s12 =	sadd.s32 $0x10000, s8;
	s14 =	sadd.s32 $0x48600, s14  }
.LBB2_1:
0x11: {  	s24 =	simm.s32 $0x0;
	s25 =	simm.s32 $0x200  }
.LBB2_2:
0x12: {  	p0 =	sne.s32 s25, $0xFE00;
	[tilespmem:s24+$0x70] =	vst v0  }
0x13: {  	[tilespmem:s24+$0x0] =	vst v0  }
0x14: {  	[tilespmem:s24+$0x10] =	vst v0  }
.Ltmp0:
0x15: {  	[tilespmem:s24+$0x20] =	vst v0;
	(pc) =	sbr.rel @p0 .LBB2_2-.Ltmp0, $4  }
0x16: {  	[tilespmem:s24+$0x30] =	vst v0  }
0x17: {  	[tilespmem:s24+$0x40] =	vst v0  }
0x18: {  	[tilespmem:s24+$0x50] =	vst v0  }
0x19: {  	[tilespmem:s24+$0x60] =	vst v0;
	s24 =	sshra.s32 s25, $0x2;
	s25 =	sadd.s32 $0x200, s25  }
0x1a: {  	[tilespmem:s24+$0x70] =	vst v0  }
0x1b: {  	[tilespmem:s24+$0x0] =	vst v0  }
0x1c: {  	[tilespmem:s24+$0x10] =	vst v0  }
0x1d: {  	[tilespmem:s24+$0x20] =	vst v0  }
0x1e: {  	[tilespmem:s24+$0x30] =	vst v0  }
0x1f: {  	[tilespmem:s24+$0x40] =	vst v0  }
0x20: {  	[tilespmem:s24+$0x50] =	vst v0  }
0x21: {  	[tilespmem:s24+$0x60] =	vst v0;
	s24 =	simm.s32 $0x0  }
0x22: {  	[spmem:s8] =	stream.linear.scatter [tilespmem:s24], [sflag:$0x2], $0x4000, $0x38;
	[tilespmem:$0x18180] =	vst v63  }
0x23: {  	_ =	swait.ge [sflag:s16], $0x4000  }
0x24: {  	[sflag:s16] =	ssyncset.done $0x0  }
0x25: {  	[sflag:s16] =	ssyncadd.s32 $0xFFFFC000  }
0x26: {  	[spmem:s9] =	stream.linear.scatter [tilespmem:s24], [sflag:$0x2], $0x4000, $0x38;
	[tilespmem:$0x18180] =	vst v63  }
0x27: {  	_ =	swait.ge [sflag:s16], $0x4000  }
0x28: {  	[sflag:s16] =	ssyncset.done $0x0  }
0x29: {  	[sflag:s16] =	ssyncadd.s32 $0xFFFFC000  }
0x2a: {  	[spmem:s10] =	stream.linear.scatter [tilespmem:s24], [sflag:$0x2], $0x4000, $0x38;
	[tilespmem:$0x18180] =	vst v63  }
0x2b: {  	_ =	swait.ge [sflag:s16], $0x4000  }
0x2c: {  	[sflag:s16] =	ssyncset.done $0x0  }
0x2d: {  	[sflag:s16] =	ssyncadd.s32 $0xFFFFC000  }
0x2e: {  	[spmem:s11] =	stream.linear.scatter [tilespmem:s24], [sflag:$0x2], $0x4000, $0x38;
	[tilespmem:$0x18180] =	vst v63  }
0x2f: {  	_ =	swait.ge [sflag:s16], $0x4000  }
0x30: {  	[sflag:s16] =	ssyncset.done $0x0  }
0x31: {  	[sflag:s16] =	ssyncadd.s32 $0xFFFFC000  }
0x32: {  	[spmem:s12] =	stream.linear.scatter [tilespmem:s24], [sflag:$0x2], $0x4000, $0x38;
	[tilespmem:$0x18180] =	vst v63  }
0x33: {  	_ =	swait.ge [sflag:s16], $0x4000  }
0x34: {  	[sflag:s16] =	ssyncset.done $0x0  }
0x35: {  	[sflag:s16] =	ssyncadd.s32 $0xFFFFC000  }
0x36: {  	s25 =	simm.s32 $0x0;
	[bflag:$0x0] =	sbarrier.arrive $0xFFFF  }
.LBB2_4:
0x37: {  	s26 =	sadd.s32 s13, s25  }
0x38: {  	s26 =	sshll.u32 s26, $0x4  }
0x39: {  	s28 =	sadd.s32 s5, s26  }
0x3a: {  	[tilespmem:s17], [sflag:$0x2] =	stream.linear.gather [hbm4b:s28+s24], $0x80, $0x38;
	[tilespmem:$0x18180] =	vst v63  }
0x3b: {  	_ =	swait.ge [sflag:s16], $0x80  }
0x3c: {  	[sflag:s16] =	ssyncset.done $0x0  }
0x3d: {  	s31 =	sadd.s32 s6, s26;
	[sflag:s16] =	ssyncadd.s32 $0xFFFFFF80  }
0x3e: {  	[tilespmem:s18], [sflag:$0x2] =	stream.linear.gather [hbm4b:s31+s24], $0x80, $0x38;
	[tilespmem:$0x18180] =	vst v63  }
0x3f: {  	_ =	swait.ge [sflag:s16], $0x80  }
0x40: {  	[sflag:s16] =	ssyncset.done $0x0  }
0x41: {  	s26 =	sadd.s32 s7, s26;
	[sflag:s16] =	ssyncadd.s32 $0xFFFFFF80  }
0x42: {  	[tilespmem:s19], [sflag:$0x2] =	stream.linear.gather [hbm4b:s26+s24], $0x80, $0x38;
	[tilespmem:$0x18180] =	vst v63  }
0x43: {  	_ =	swait.ge [sflag:s16], $0x80  }
0x44: {  	[sflag:s16] =	ssyncset.done $0x0  }
0x45: {  	[sflag:s16] =	ssyncadd.s32 $0xFFFFFF80  }
0x46: {  	[tilespmem:s24], [sflag:$0x1] =	stream.indirect.gather [hbm4b:s1+s20], $0x80, s17, s20, $0xb8;
	[tilespmem:$0x18180] =	vst v63  }
0x47: {  	_ =	swait.ge [sflag:s21], $0x4000  }
0x48: {  	[sflag:s21] =	ssyncset.done $0x0  }
0x49: {  	s26 =	simm.s32 $0x0;
	[sflag:s21] =	ssyncadd.s32 $0xFFFFC000  }
.LBB2_5:
0x4a: {  	s28 =	sshll.u32 s26, $0x4  }
0x4b: {  	s28 =	sand.u32 $0x3FFFFFF0, s28  }
0x4c: {  	s31 =	sshll.u32 s26, $0xB;
	v17 =	vld [tilespmem:s28+$0x4100]  }
0x4d: {  	s28 =	sand.u32 $0x3FFFF800, s31  }
0x4e: {  	v18 =	vld [tilespmem:s28+$0x0]  }
0x4f: {  	v19 =	vld [tilespmem:s28+$0x10]  }
0x50: {  	v20 =	vld [tilespmem:s28+$0x20]  }
0x51: {  	v22 =	vld [tilespmem:s28+$0x30];
	v21 =	vperm.xlane v17, v1  }
0x52: {  	v23 =	vld [tilespmem:s28+$0x40]  }
0x53: {  	v24 =	vld [tilespmem:s28+$0x50];
	v18 =	vmul.f32 v18, v21  }
0x54: {  	v25 =	vld [tilespmem:s28+$0x60];
	v19 =	vmul.f32 v19, v21  }
0x55: {  	v38 =	vld [tilespmem:s28+$0x70];
	[tilespmem:s28+$0x0] =	vst v18;
	v18 =	vmul.f32 v20, v21  }
0x56: {  	v39 =	vld [tilespmem:s28+$0x80];
	[tilespmem:s28+$0x10] =	vst v19;
	v19 =	vmul.f32 v22, v21  }
0x57: {  	v40 =	vld [tilespmem:s28+$0x90];
	[tilespmem:s28+$0x20] =	vst v18;
	v18 =	vmul.f32 v23, v21  }
0x58: {  	v41 =	vld [tilespmem:s28+$0xA0];
	[tilespmem:s28+$0x30] =	vst v19;
	v19 =	vmul.f32 v24, v21  }
0x59: {  	v26 =	vld [tilespmem:s28+$0xB0];
	v42 =	vperm.xlane v17, v2;
	[tilespmem:s28+$0x40] =	vst v18;
	v18 =	vmul.f32 v25, v21  }
0x5a: {  	v43 =	vld [tilespmem:s28+$0xC0];
	[tilespmem:s28+$0x50] =	vst v19;
	v19 =	vmul.f32 v38, v21  }
0x5b: {  	v44 =	vld [tilespmem:s28+$0xD0];
	[tilespmem:s28+$0x60] =	vst v18;
	v18 =	vmul.f32 v39, v42  }
0x5c: {  	v45 =	vld [tilespmem:s28+$0xE0];
	[tilespmem:s28+$0x70] =	vst v19;
	v19 =	vmul.f32 v40, v42  }
0x5d: {  	v46 =	vld [tilespmem:s28+$0xF0];
	[tilespmem:s28+$0x80] =	vst v18;
	v18 =	vmul.f32 v41, v42  }
0x5e: {  	v47 =	vld [tilespmem:s28+$0x100];
	[tilespmem:s28+$0x90] =	vst v19;
	v19 =	vmul.f32 v26, v42  }
0x5f: {  	v48 =	vld [tilespmem:s28+$0x110];
	[tilespmem:s28+$0xA0] =	vst v18;
	v18 =	vmul.f32 v43, v42  }
0x60: {  	v49 =	vld [tilespmem:s28+$0x120];
	[tilespmem:s28+$0xB0] =	vst v19;
	v19 =	vmul.f32 v44, v42  }
0x61: {  	v51 =	vld [tilespmem:s28+$0x130];
	v50 =	vperm.xlane v17, v3;
	[tilespmem:s28+$0xC0] =	vst v18;
	v18 =	vmul.f32 v45, v42  }
0x62: {  	v52 =	vld [tilespmem:s28+$0x140];
	[tilespmem:s28+$0xD0] =	vst v19;
	v19 =	vmul.f32 v46, v42  }
0x63: {  	v53 =	vld [tilespmem:s28+$0x150];
	[tilespmem:s28+$0xE0] =	vst v18;
	v18 =	vmul.f32 v47, v50  }
0x64: {  	v54 =	vld [tilespmem:s28+$0x160];
	[tilespmem:s28+$0xF0] =	vst v19;
	v19 =	vmul.f32 v48, v50  }
0x65: {  	v55 =	vld [tilespmem:s28+$0x170];
	[tilespmem:s28+$0x100] =	vst v18;
	v18 =	vmul.f32 v49, v50  }
0x66: {  	v56 =	vld [tilespmem:s28+$0x180];
	[tilespmem:s28+$0x110] =	vst v19;
	v19 =	vmul.f32 v51, v50  }
0x67: {  	v57 =	vld [tilespmem:s28+$0x190];
	[tilespmem:s28+$0x120] =	vst v18;
	v18 =	vmul.f32 v52, v50  }
0x68: {  	v58 =	vld [tilespmem:s28+$0x1A0];
	[tilespmem:s28+$0x130] =	vst v19;
	v19 =	vmul.f32 v53, v50  }
0x69: {  	v60 =	vld [tilespmem:s28+$0x1B0];
	v59 =	vperm.xlane v17, v4;
	[tilespmem:s28+$0x140] =	vst v18;
	v18 =	vmul.f32 v54, v50  }
0x6a: {  	v61 =	vld [tilespmem:s28+$0x1C0];
	[tilespmem:s28+$0x150] =	vst v19;
	v19 =	vmul.f32 v55, v50  }
0x6b: {  	v62 =	vld [tilespmem:s28+$0x1D0];
	[tilespmem:s28+$0x160] =	vst v18;
	v18 =	vmul.f32 v56, v59  }
0x6c: {  	v63 =	vld [tilespmem:s28+$0x1E0];
	[tilespmem:s28+$0x170] =	vst v19;
	v19 =	vmul.f32 v57, v59  }
0x6d: {  	v28 =	vld [tilespmem:s28+$0x1F0];
	[tilespmem:s28+$0x180] =	vst v18;
	v18 =	vmul.f32 v58, v59  }
0x6e: {  	v29 =	vld [tilespmem:s28+$0x200];
	[tilespmem:s28+$0x190] =	vst v19;
	v19 =	vmul.f32 v60, v59  }
0x6f: {  	v30 =	vld [tilespmem:s28+$0x210];
	[tilespmem:s28+$0x1A0] =	vst v18;
	v18 =	vmul.f32 v61, v59  }
0x70: {  	v31 =	vld [tilespmem:s28+$0x220];
	[tilespmem:s28+$0x1B0] =	vst v19;
	v19 =	vmul.f32 v62, v59  }
0x71: {  	v33 =	vld [tilespmem:s28+$0x230];
	v32 =	vperm.xlane v17, v5;
	[tilespmem:s28+$0x1C0] =	vst v18;
	v18 =	vmul.f32 v63, v59  }
0x72: {  	v34 =	vld [tilespmem:s28+$0x240];
	[tilespmem:s28+$0x1D0] =	vst v19;
	v19 =	vmul.f32 v28, v59  }
0x73: {  	v35 =	vld [tilespmem:s28+$0x250];
	[tilespmem:s28+$0x1E0] =	vst v18;
	v18 =	vmul.f32 v29, v32  }
0x74: {  	v36 =	vld [tilespmem:s28+$0x260];
	[tilespmem:s28+$0x1F0] =	vst v19;
	v19 =	vmul.f32 v30, v32  }
0x75: {  	v37 =	vld [tilespmem:s28+$0x270];
	[tilespmem:s28+$0x200] =	vst v18;
	v18 =	vmul.f32 v31, v32  }
0x76: {  	v38 =	vld [tilespmem:s28+$0x280];
	[tilespmem:s28+$0x210] =	vst v19;
	v19 =	vmul.f32 v33, v32  }
0x77: {  	v39 =	vld [tilespmem:s28+$0x290];
	[tilespmem:s28+$0x220] =	vst v18;
	v18 =	vmul.f32 v34, v32  }
0x78: {  	v40 =	vld [tilespmem:s28+$0x2A0];
	[tilespmem:s28+$0x230] =	vst v19;
	v19 =	vmul.f32 v35, v32  }
0x79: {  	v41 =	vperm.xlane v17, v6;
	v42 =	vld [tilespmem:s28+$0x2B0];
	[tilespmem:s28+$0x240] =	vst v18;
	v18 =	vmul.f32 v36, v32  }
0x7a: {  	v43 =	vld [tilespmem:s28+$0x2C0];
	[tilespmem:s28+$0x250] =	vst v19;
	v19 =	vmul.f32 v37, v32  }
0x7b: {  	v44 =	vld [tilespmem:s28+$0x2D0];
	[tilespmem:s28+$0x260] =	vst v18;
	v18 =	vmul.f32 v38, v41  }
0x7c: {  	v45 =	vld [tilespmem:s28+$0x2E0];
	[tilespmem:s28+$0x270] =	vst v19;
	v19 =	vmul.f32 v39, v41  }
0x7d: {  	v46 =	vld [tilespmem:s28+$0x2F0];
	[tilespmem:s28+$0x280] =	vst v18;
	v18 =	vmul.f32 v40, v41  }
0x7e: {  	v47 =	vld [tilespmem:s28+$0x300];
	[tilespmem:s28+$0x290] =	vst v19;
	v19 =	vmul.f32 v42, v41  }
0x7f: {  	v48 =	vld [tilespmem:s28+$0x310];
	[tilespmem:s28+$0x2A0] =	vst v18;
	v18 =	vmul.f32 v43, v41  }
0x80: {  	v49 =	vld [tilespmem:s28+$0x320];
	[tilespmem:s28+$0x2B0] =	vst v19;
	v19 =	vmul.f32 v44, v41  }
0x81: {  	v51 =	vld [tilespmem:s28+$0x330];
	v50 =	vperm.xlane v17, v7;
	[tilespmem:s28+$0x2C0] =	vst v18;
	v18 =	vmul.f32 v45, v41  }
0x82: {  	v52 =	vld [tilespmem:s28+$0x340];
	[tilespmem:s28+$0x2D0] =	vst v19;
	v19 =	vmul.f32 v46, v41  }
0x83: {  	v53 =	vld [tilespmem:s28+$0x350];
	[tilespmem:s28+$0x2E0] =	vst v18;
	v18 =	vmul.f32 v47, v50  }
0x84: {  	v54 =	vld [tilespmem:s28+$0x360];
	[tilespmem:s28+$0x2F0] =	vst v19;
	v19 =	vmul.f32 v48, v50  }
0x85: {  	v55 =	vld [tilespmem:s28+$0x370];
	[tilespmem:s28+$0x300] =	vst v18;
	v18 =	vmul.f32 v49, v50  }
0x86: {  	v56 =	vld [tilespmem:s28+$0x380];
	[tilespmem:s28+$0x310] =	vst v19;
	v19 =	vmul.f32 v51, v50  }
0x87: {  	v57 =	vld [tilespmem:s28+$0x390];
	[tilespmem:s28+$0x320] =	vst v18;
	v18 =	vmul.f32 v52, v50  }
0x88: {  	v58 =	vld [tilespmem:s28+$0x3A0];
	[tilespmem:s28+$0x330] =	vst v19;
	v19 =	vmul.f32 v53, v50  }
0x89: {  	v60 =	vld [tilespmem:s28+$0x3B0];
	v59 =	vperm.xlane v17, v8;
	[tilespmem:s28+$0x340] =	vst v18;
	v18 =	vmul.f32 v54, v50  }
0x8a: {  	v61 =	vld [tilespmem:s28+$0x3C0];
	[tilespmem:s28+$0x350] =	vst v19;
	v19 =	vmul.f32 v55, v50  }
0x8b: {  	v62 =	vld [tilespmem:s28+$0x3D0];
	[tilespmem:s28+$0x360] =	vst v18;
	v18 =	vmul.f32 v56, v59  }
0x8c: {  	v63 =	vld [tilespmem:s28+$0x3E0];
	[tilespmem:s28+$0x370] =	vst v19;
	v19 =	vmul.f32 v57, v59  }
0x8d: {  	v28 =	vld [tilespmem:s28+$0x3F0];
	[tilespmem:s28+$0x380] =	vst v18;
	v18 =	vmul.f32 v58, v59  }
0x8e: {  	v29 =	vld [tilespmem:s28+$0x400];
	[tilespmem:s28+$0x390] =	vst v19;
	v19 =	vmul.f32 v60, v59  }
0x8f: {  	v30 =	vld [tilespmem:s28+$0x410];
	[tilespmem:s28+$0x3A0] =	vst v18;
	v18 =	vmul.f32 v61, v59  }
0x90: {  	v31 =	vld [tilespmem:s28+$0x420];
	[tilespmem:s28+$0x3B0] =	vst v19;
	v19 =	vmul.f32 v62, v59  }
0x91: {  	v33 =	vld [tilespmem:s28+$0x430];
	v32 =	vperm.xlane v17, v9;
	[tilespmem:s28+$0x3C0] =	vst v18;
	v18 =	vmul.f32 v63, v59  }
0x92: {  	v34 =	vld [tilespmem:s28+$0x440];
	[tilespmem:s28+$0x3D0] =	vst v19;
	v19 =	vmul.f32 v28, v59  }
0x93: {  	v35 =	vld [tilespmem:s28+$0x450];
	[tilespmem:s28+$0x3E0] =	vst v18;
	v18 =	vmul.f32 v29, v32  }
0x94: {  	v36 =	vld [tilespmem:s28+$0x460];
	[tilespmem:s28+$0x3F0] =	vst v19;
	v19 =	vmul.f32 v30, v32  }
0x95: {  	v37 =	vld [tilespmem:s28+$0x470];
	[tilespmem:s28+$0x400] =	vst v18;
	v18 =	vmul.f32 v31, v32  }
0x96: {  	v38 =	vld [tilespmem:s28+$0x480];
	[tilespmem:s28+$0x410] =	vst v19;
	v19 =	vmul.f32 v33, v32  }
0x97: {  	v39 =	vld [tilespmem:s28+$0x490];
	[tilespmem:s28+$0x420] =	vst v18;
	v18 =	vmul.f32 v34, v32  }
0x98: {  	v40 =	vld [tilespmem:s28+$0x4A0];
	[tilespmem:s28+$0x430] =	vst v19;
	v19 =	vmul.f32 v35, v32  }
0x99: {  	v42 =	vld [tilespmem:s28+$0x4B0];
	v41 =	vperm.xlane v17, v10;
	[tilespmem:s28+$0x440] =	vst v18;
	v18 =	vmul.f32 v36, v32  }
0x9a: {  	v43 =	vld [tilespmem:s28+$0x4C0];
	[tilespmem:s28+$0x450] =	vst v19;
	v19 =	vmul.f32 v37, v32  }
0x9b: {  	v44 =	vld [tilespmem:s28+$0x4D0];
	[tilespmem:s28+$0x460] =	vst v18;
	v18 =	vmul.f32 v38, v41  }
0x9c: {  	v45 =	vld [tilespmem:s28+$0x4E0];
	[tilespmem:s28+$0x470] =	vst v19;
	v19 =	vmul.f32 v39, v41  }
0x9d: {  	v46 =	vld [tilespmem:s28+$0x4F0];
	[tilespmem:s28+$0x480] =	vst v18;
	v18 =	vmul.f32 v40, v41  }
0x9e: {  	v47 =	vld [tilespmem:s28+$0x500];
	[tilespmem:s28+$0x490] =	vst v19;
	v19 =	vmul.f32 v42, v41  }
0x9f: {  	v48 =	vld [tilespmem:s28+$0x510];
	[tilespmem:s28+$0x4A0] =	vst v18;
	v18 =	vmul.f32 v43, v41  }
0xa0: {  	v49 =	vld [tilespmem:s28+$0x520];
	[tilespmem:s28+$0x4B0] =	vst v19;
	v19 =	vmul.f32 v44, v41  }
0xa1: {  	v51 =	vld [tilespmem:s28+$0x530];
	v50 =	vperm.xlane v17, v11;
	[tilespmem:s28+$0x4C0] =	vst v18;
	v18 =	vmul.f32 v45, v41  }
0xa2: {  	v52 =	vld [tilespmem:s28+$0x540];
	[tilespmem:s28+$0x4D0] =	vst v19;
	v19 =	vmul.f32 v46, v41  }
0xa3: {  	v53 =	vld [tilespmem:s28+$0x550];
	[tilespmem:s28+$0x4E0] =	vst v18;
	v18 =	vmul.f32 v47, v50  }
0xa4: {  	v54 =	vld [tilespmem:s28+$0x560];
	[tilespmem:s28+$0x4F0] =	vst v19;
	v19 =	vmul.f32 v48, v50  }
0xa5: {  	v55 =	vld [tilespmem:s28+$0x570];
	[tilespmem:s28+$0x500] =	vst v18;
	v18 =	vmul.f32 v49, v50  }
0xa6: {  	v56 =	vld [tilespmem:s28+$0x580];
	[tilespmem:s28+$0x510] =	vst v19;
	v19 =	vmul.f32 v51, v50  }
0xa7: {  	v57 =	vld [tilespmem:s28+$0x590];
	[tilespmem:s28+$0x520] =	vst v18;
	v18 =	vmul.f32 v52, v50  }
0xa8: {  	v58 =	vld [tilespmem:s28+$0x5A0];
	[tilespmem:s28+$0x530] =	vst v19;
	v19 =	vmul.f32 v53, v50  }
0xa9: {  	v60 =	vld [tilespmem:s28+$0x5B0];
	v59 =	vperm.xlane v17, v12;
	[tilespmem:s28+$0x540] =	vst v18;
	v18 =	vmul.f32 v54, v50  }
0xaa: {  	v61 =	vld [tilespmem:s28+$0x5C0];
	[tilespmem:s28+$0x550] =	vst v19;
	v19 =	vmul.f32 v55, v50  }
0xab: {  	v62 =	vld [tilespmem:s28+$0x5D0];
	[tilespmem:s28+$0x560] =	vst v18;
	v18 =	vmul.f32 v56, v59  }
0xac: {  	v63 =	vld [tilespmem:s28+$0x5E0];
	[tilespmem:s28+$0x570] =	vst v19;
	v19 =	vmul.f32 v57, v59  }
0xad: {  	v28 =	vld [tilespmem:s28+$0x5F0];
	[tilespmem:s28+$0x580] =	vst v18;
	v18 =	vmul.f32 v58, v59  }
0xae: {  	v29 =	vld [tilespmem:s28+$0x600];
	[tilespmem:s28+$0x590] =	vst v19;
	v19 =	vmul.f32 v60, v59  }
0xaf: {  	v30 =	vld [tilespmem:s28+$0x610];
	[tilespmem:s28+$0x5A0] =	vst v18;
	v18 =	vmul.f32 v61, v59  }
0xb0: {  	v31 =	vld [tilespmem:s28+$0x620];
	[tilespmem:s28+$0x5B0] =	vst v19;
	v19 =	vmul.f32 v62, v59  }
0xb1: {  	v33 =	vld [tilespmem:s28+$0x630];
	v32 =	vperm.xlane v17, v13;
	[tilespmem:s28+$0x5C0] =	vst v18;
	v18 =	vmul.f32 v63, v59  }
0xb2: {  	v34 =	vld [tilespmem:s28+$0x640];
	[tilespmem:s28+$0x5D0] =	vst v19;
	v19 =	vmul.f32 v28, v59  }
0xb3: {  	v35 =	vld [tilespmem:s28+$0x650];
	[tilespmem:s28+$0x5E0] =	vst v18;
	v18 =	vmul.f32 v29, v32  }
0xb4: {  	v36 =	vld [tilespmem:s28+$0x660];
	[tilespmem:s28+$0x5F0] =	vst v19;
	v19 =	vmul.f32 v30, v32  }
0xb5: {  	v37 =	vld [tilespmem:s28+$0x670];
	[tilespmem:s28+$0x600] =	vst v18;
	v18 =	vmul.f32 v31, v32  }
0xb6: {  	v38 =	vld [tilespmem:s28+$0x680];
	[tilespmem:s28+$0x610] =	vst v19;
	v19 =	vmul.f32 v33, v32  }
0xb7: {  	v39 =	vld [tilespmem:s28+$0x690];
	[tilespmem:s28+$0x620] =	vst v18;
	v18 =	vmul.f32 v34, v32  }
0xb8: {  	v40 =	vld [tilespmem:s28+$0x6A0];
	[tilespmem:s28+$0x630] =	vst v19;
	v19 =	vmul.f32 v35, v32  }
0xb9: {  	v42 =	vld [tilespmem:s28+$0x6B0];
	v41 =	vperm.xlane v17, v14;
	[tilespmem:s28+$0x640] =	vst v18;
	v18 =	vmul.f32 v36, v32  }
0xba: {  	v43 =	vld [tilespmem:s28+$0x6C0];
	[tilespmem:s28+$0x650] =	vst v19;
	v19 =	vmul.f32 v37, v32  }
0xbb: {  	v44 =	vld [tilespmem:s28+$0x6D0];
	[tilespmem:s28+$0x660] =	vst v18;
	v18 =	vmul.f32 v38, v41  }
0xbc: {  	v45 =	vld [tilespmem:s28+$0x6E0];
	[tilespmem:s28+$0x670] =	vst v19;
	v19 =	vmul.f32 v39, v41  }
0xbd: {  	v46 =	vld [tilespmem:s28+$0x6F0];
	[tilespmem:s28+$0x680] =	vst v18;
	v18 =	vmul.f32 v40, v41  }
0xbe: {  	v47 =	vld [tilespmem:s28+$0x700];
	[tilespmem:s28+$0x690] =	vst v19;
	v19 =	vmul.f32 v42, v41  }
0xbf: {  	v48 =	vld [tilespmem:s28+$0x710];
	[tilespmem:s28+$0x6A0] =	vst v18;
	v18 =	vmul.f32 v43, v41  }
0xc0: {  	v49 =	vld [tilespmem:s28+$0x720];
	[tilespmem:s28+$0x6B0] =	vst v19;
	v19 =	vmul.f32 v44, v41  }
0xc1: {  	v51 =	vld [tilespmem:s28+$0x730];
	v50 =	vperm.xlane v17, v15;
	[tilespmem:s28+$0x6C0] =	vst v18;
	v18 =	vmul.f32 v45, v41  }
0xc2: {  	v52 =	vld [tilespmem:s28+$0x740];
	[tilespmem:s28+$0x6D0] =	vst v19;
	v19 =	vmul.f32 v46, v41  }
0xc3: {  	v53 =	vld [tilespmem:s28+$0x750];
	[tilespmem:s28+$0x6E0] =	vst v18;
	v18 =	vmul.f32 v47, v50  }
0xc4: {  	v54 =	vld [tilespmem:s28+$0x760];
	[tilespmem:s28+$0x6F0] =	vst v19;
	v19 =	vmul.f32 v48, v50  }
0xc5: {  	v55 =	vld [tilespmem:s28+$0x770];
	[tilespmem:s28+$0x700] =	vst v18;
	v18 =	vmul.f32 v49, v50  }
0xc6: {  	v56 =	vld [tilespmem:s28+$0x780];
	[tilespmem:s28+$0x710] =	vst v19;
	v19 =	vmul.f32 v51, v50  }
0xc7: {  	v57 =	vld [tilespmem:s28+$0x790];
	[tilespmem:s28+$0x720] =	vst v18;
	v18 =	vmul.f32 v52, v50  }
0xc8: {  	v58 =	vld [tilespmem:s28+$0x7A0];
	[tilespmem:s28+$0x730] =	vst v19;
	v19 =	vmul.f32 v53, v50  }
0xc9: {  	v17 =	vperm.xlane v17, v16;
	v59 =	vld [tilespmem:s28+$0x7B0];
	[tilespmem:s28+$0x740] =	vst v18;
	v18 =	vmul.f32 v54, v50  }
0xca: {  	v60 =	vld [tilespmem:s28+$0x7C0];
	[tilespmem:s28+$0x750] =	vst v19;
	v19 =	vmul.f32 v55, v50  }
0xcb: {  	v61 =	vld [tilespmem:s28+$0x7D0];
	[tilespmem:s28+$0x760] =	vst v18;
	v18 =	vmul.f32 v56, v17  }
0xcc: {  	v62 =	vld [tilespmem:s28+$0x7E0];
	[tilespmem:s28+$0x770] =	vst v19;
	v19 =	vmul.f32 v57, v17  }
0xcd: {  	v63 =	vld [tilespmem:s28+$0x7F0];
	[tilespmem:s28+$0x780] =	vst v18;
	v18 =	vmul.f32 v58, v17  }
0xce: {  	[tilespmem:s28+$0x790] =	vst v19;
	v19 =	vmul.f32 v59, v17  }
0xcf: {  	p0 =	sne.s32 s26, $0x7;
	[tilespmem:s28+$0x7A0] =	vst v18;
	v18 =	vmul.f32 v60, v17  }
.Ltmp1:
0xd0: {  	[tilespmem:s28+$0x7B0] =	vst v19;
	v19 =	vmul.f32 v61, v17;
	(pc) =	sbr.rel @p0 .LBB2_5-.Ltmp1, $4  }
0xd1: {  	[tilespmem:s28+$0x7C0] =	vst v18;
	v18 =	vmul.f32 v62, v17  }
0xd2: {  	[tilespmem:s28+$0x7D0] =	vst v19;
	v17 =	vmul.f32 v63, v17  }
0xd3: {  	[tilespmem:s28+$0x7E0] =	vst v18  }
0xd4: {  	s26 =	sadd.s32 $0x1, s26;
	[tilespmem:s28+$0x7F0] =	vst v17  }
0xd5: {  	s25 =	sadd.s32 $0x1, s25  }
0xd6: {  	p0 =	sne.s32 s25, $0x4F  }
.Ltmp2:
0xd7: {  	_ = 	snop;
	(pc) =	sbr.rel @p0 .LBB2_4-.Ltmp2, $4  }
0xd8: {  	[spmem:s2] =	stream.indirect.scatter.add.f32 [tilespmem:s4], [sflag:$0x2], $0x80, s18, s20, $0xb8;
	[tilespmem:$0x18180] =	vst v63  }
0xd9: {  	_ =	swait.ge [sflag:s16], $0x4000  }
0xda: {  	[sflag:s16] =	ssyncset.done $0x0  }
0xdb: {  	[sflag:s16] =	ssyncadd.s32 $0xFFFFC000  }
0xdc: {  	s23 =	sadd.s32 $0x1, s23  }
0xdd: {  	p0 =	sne.s32 s23, s15  }
.Ltmp3:
0xde: {  	[bflag:$0x0] =	sbarrier.arrive $0xFFFF;
	s24 =	sshrl.u32 s8, $0x3;
	(pc) =	sbr.rel @p0 .LBB2_1-.Ltmp3, $4  }
0xdf: {  	[hbm:s14], [sflag:s22] =	dma.local [spmem:s24], $0x2800  }
0xe0: {  	_ =	swait.ge [sflag:s16], $0x2800  }
0xe1: {  	[sflag:s16] =	ssyncset.done $0x0  }
0xe2: {  	[sflag:s16] =	ssyncadd.s32 $0xFFFFD800  }
0xe3: {  	_ =	sfence.sel $0x180000  }
0xe4: {  	[bflag:$0x0] =	sbarrier.arrive $0xFFFF  }
0xe5: {  	p0 =	sne.s32 s3, $0x0;
	_ =	strace $0x9000004D  }
0xe6: {  	s0 =	sadd.s32 @!p0 $0x100000, s0;
	[bflag:$0x2] =	sbarrier.arrive $0xFFFF  }
0xe7: {  	[sflag:s0] =	ssyncadd.tile.s32 @!p0 $0x1;
	_ =	shalt  }
.Lfunc_end2:
_tile_overlayer_lowered:
.L_overlay_start_2:
0xe8: {  	(tag) =	ssettag $0x2  }
0xe9: {  	s0 =	rddreg [dreg:$0x0];
	s2 =	stileid.u32  }
0xea: {  	s1 =	rddreg [dreg:$0x1];
	p0 =	sne.s32 s2, $0x0  }
0xeb: {  	s3 =	rddreg [dreg:$0x2];
	[bflag:$0x3] =	sbarrier.arrive $0xFFFF;
	s2 =	simm.s32 @!p0 $0x1C02  }
0xec: {  	[timem:s3], [sflag:s2] =	dma.local @!p0 [hbm:s0], s1  }
0xed: {  	s0 =	simm.s32 @!p0 $0x2  }
0xee: {  	_ =	swait.ge @!p0 [sflag:s0], s1  }
0xef: {  	s1 =	ssub.s32 @!p0 $0x0, s1;
	[sflag:s0] =	ssyncset.done @!p0 $0x0  }
0xf0: {  	[sflag:s0] =	ssyncadd.s32 @!p0 s1  }
0xf1: {  	[bflag:$0x3] =	sbarrier.arrive $0xFFFF  }
0xf2: {  	_ =	shalt  }

// kernel: kernel.9.cloned.1.call-start
scs
__scs_entry_jumppad:
0x0: {  	(pc) =	sbr.rel $0x88, $3  }
0x1: {  	(tag) =	ssettag $0x0;
	lr =	simm.s32 $0x1  }
0x2: {  	[smem:$0x3F98] =	sst lr;
	_ =	strace $0xD0000000  }
0x3: {  	_ = 	snop  }
0x4: {  	_ = 	snop  }
0x5: {  	_ = 	snop  }
0x6: {  	_ = 	snop  }
0x7: {  	_ = 	snop  }
__scs_overlays_trampoline_lowered:
0x8: {  	[smem:$0x3FA7] =	sst s0  }
0x9: {  	[smem:$0x3FA8] =	sst s1  }
0xa: {  	[smem:$0x3FA9] =	sst s2  }
0xb: {  	[smem:$0x3FAA] =	sst s3  }
0xc: {  	[smem:$0x3FAB] =	sst s4  }
0xd: {  	[smem:$0x3FAC] =	sst s5  }
0xe: {  	[smem:$0x3FAD] =	sst s6  }
0xf: {  	[smem:$0x3FAE] =	sst s7  }
0x10: {  	[smem:$0x3FAF] =	sst s8  }
0x11: {  	[smem:$0x3FB0] =	sst s9;
	s0 =	simm.s32 @!p0 $0x0  }
0x12: {  	s1 =	sld [smem:$0x3F96];
	s0 =	simm.s32 @p0 $0x1  }
0x13: {  	[smem:$0x3FB1] =	sst s0;
	s0 =	simm.s32 @!p1 $0x0  }
0x14: {  	s2 =	sld [smem:$0x3F95];
	s0 =	simm.s32 @p1 $0x1  }
0x15: {  	[smem:$0x3FB2] =	sst s0;
	s0 =	simm.s32 @!p2 $0x0  }
0x16: {  	s3 =	sld [smem:$0x3FDB];
	s0 =	simm.s32 @p2 $0x1  }
0x17: {  	s4 =	simm.s32 $0x1BF5;
	[smem:$0x3FB4] =	sst s0  }
0x18: {  	s0 =	sld [smem:$0x3F97];
	_ =	swait.ge [sflag:s4], $0x0  }
0x19: {  	s7 =	sld [smem:$0x3F98]  }
0x1a: {  	s8 =	sadd.s32 $0xFFFFE003, lr  }
0x1b: {  	s9 =	sadd.s32 $0xFFFFFEF7, lr;
	s5 =	simm.s32 $0xFFFFFFFF;
	p2 =	slt.u32 s8, $0xFFFFF086  }
0x1c: {  	p1 =	slt.u32 s9, $0xF7A;
	s5 =	simm.s32 @!p2 $0x0  }
0x1d: {  	s5 =	simm.s32 @p1 $0x1;
	p0 =	seq.s32 s7, s2  }
0x1e: {  	s7 =	smul.u32 @!p0 $0xF7A, s2;
	p2 =	seq.s32 @!p0 s5, $0x0  }
0x1f: {  	s9 =	smul.u32 $0xF7A, s1;
	s8 =	simm.s32 @!p0 $0x1BF5;
	p2 =	por !p2, p0  }
0x20: {  	[sflag:s8] =	ssyncset.s32 @!p0 $0xFFFFF086;
	s6 =	sadd.s32 @!p0 s3, s7;
	s7 =	simm.s32 @!p0 $0x108  }
0x21: {  	s3 =	sadd.s32 s3, s9;
	s6 =	sadd.s32 @!p0 $0x88, s6;
	s7 =	simm.s32 @p2 $0x1082  }
0x22: {  	[simem:s7], [sflag:s8] =	dma.local @!p0 [hbm:s6], $0xF7A  }
0x23: {  	s9 =	sor.u32 $0xD0000000, s2;
	s6 =	simm.s32 $0x108;
	_ =	swait.ge @!p0 [sflag:s8], $0x0  }
0x24: {  	s3 =	sadd.s32 $0x88, s3;
	s6 =	simm.s32 @!p1 $0x1082;
	[sflag:s4] =	ssyncset.s32 $0xFFFFF086  }
0x25: {  	[simem:s6], [sflag:s4] =	dma.local [hbm:s3], $0xF7A  }
0x26: {  	[smem:$0x3F98] =	sst s1;
	(tag) =	ssettag s2;
	_ =	strace s9  }
0x27: {  	s1 =	sld [smem:$0x3FA8]  }
0x28: {  	s2 =	sld [smem:$0x3FA9]  }
0x29: {  	s4 =	sld [smem:$0x3FAB]  }
0x2a: {  	p0 =	seq.s32 s5, $0x0;
	s5 =	sld [smem:$0x3FAC]  }
0x2b: {  	s6 =	sld [smem:$0x3FAD]  }
0x2c: {  	s7 =	sld [smem:$0x3FAE]  }
0x2d: {  	s3 =	simm.s32 $0x108;
	s8 =	sld [smem:$0x3FAF]  }
0x2e: {  	s3 =	simm.s32 @!p0 $0x1082;
	s9 =	sld [smem:$0x3FB0]  }
0x2f: {  	lr =	sadd.s32 s0, s3;
	s0 =	sld [smem:$0x3FA7]  }
0x30: {  	s3 =	sld [smem:$0x3FAA]  }
0x31: {  	[smem:$0x3FB3] =	sst s10  }
0x32: {  	s10 =	sld [smem:$0x3FB1];
	_ =	sdelay $0x3  }
0x33: {  	p0 =	seq.s32 s10, $0x1;
	s10 =	sld [smem:$0x3FB3];
	_ =	sdelay $0x3  }
0x34: {  	[smem:$0x3FB3] =	sst s10  }
0x35: {  	s10 =	sld [smem:$0x3FB2];
	_ =	sdelay $0x3  }
0x36: {  	p1 =	seq.s32 s10, $0x1;
	s10 =	sld [smem:$0x3FB3];
	_ =	sdelay $0x3  }
0x37: {  	[smem:$0x3FB3] =	sst s10  }
0x38: {  	s10 =	sld [smem:$0x3FB4]  }
0x39: {  	_ = 	snop;
	(pc) =	sbr.ind lr, $3  }
0x3a: {  	_ = 	snop  }
0x3b: {  	_ = 	snop  }
0x3c: {  	p2 =	seq.s32 s10, $0x1;
	s10 =	sld [smem:$0x3FB3]  }
0x3d: {  	_ =	shalt  }
0x3e: {  	_ =	shalt  }
0x3f: {  	_ =	shalt  }
0x40: {  	_ =	shalt  }
0x41: {  	_ =	shalt  }
0x42: {  	_ =	shalt  }
0x43: {  	_ =	shalt  }
0x44: {  	_ =	shalt  }
0x45: {  	_ =	shalt  }
0x46: {  	_ =	shalt  }
0x47: {  	_ =	shalt  }
0x48: {  	_ =	shalt  }
0x49: {  	_ =	shalt  }
0x4a: {  	_ =	shalt  }
0x4b: {  	_ =	shalt  }
0x4c: {  	_ =	shalt  }
0x4d: {  	_ =	shalt  }
0x4e: {  	_ =	shalt  }
0x4f: {  	_ =	shalt  }
0x50: {  	_ =	shalt  }
0x51: {  	_ =	shalt  }
0x52: {  	_ =	shalt  }
0x53: {  	_ =	shalt  }
0x54: {  	_ =	shalt  }
0x55: {  	_ =	shalt  }
0x56: {  	_ =	shalt  }
0x57: {  	_ =	shalt  }
0x58: {  	_ =	shalt  }
0x59: {  	_ =	shalt  }
0x5a: {  	_ =	shalt  }
0x5b: {  	_ =	shalt  }
0x5c: {  	_ =	shalt  }
0x5d: {  	_ =	shalt  }
0x5e: {  	_ =	shalt  }
0x5f: {  	_ =	shalt  }
0x60: {  	_ =	shalt  }
0x61: {  	_ =	shalt  }
0x62: {  	_ =	shalt  }
0x63: {  	_ =	shalt  }
0x64: {  	_ =	shalt  }
0x65: {  	_ =	shalt  }
0x66: {  	_ =	shalt  }
0x67: {  	_ =	shalt  }
0x68: {  	_ =	shalt  }
0x69: {  	_ =	shalt  }
0x6a: {  	_ =	shalt  }
0x6b: {  	_ =	shalt  }
0x6c: {  	_ =	shalt  }
0x6d: {  	_ =	shalt  }
0x6e: {  	_ =	shalt  }
0x6f: {  	_ =	shalt  }
0x70: {  	_ =	shalt  }
0x71: {  	_ =	shalt  }
0x72: {  	_ =	shalt  }
0x73: {  	_ =	shalt  }
0x74: {  	_ =	shalt  }
0x75: {  	_ =	shalt  }
0x76: {  	_ =	shalt  }
0x77: {  	_ =	shalt  }
0x78: {  	_ =	shalt  }
0x79: {  	_ =	shalt  }
0x7a: {  	_ =	shalt  }
0x7b: {  	_ =	shalt  }
0x7c: {  	_ =	shalt  }
0x7d: {  	_ =	shalt  }
0x7e: {  	_ =	shalt  }
0x7f: {  	_ =	shalt  }
0x80: {  	_ =	shalt  }
0x81: {  	_ =	shalt  }
0x82: {  	_ =	shalt  }
0x83: {  	_ =	shalt  }
0x84: {  	_ =	shalt  }
0x85: {  	_ =	shalt  }
0x86: {  	_ =	shalt  }
0x87: {  	_ =	shalt  }
.Lfunc_end0:
.L_simem_size_0:
called_computation_lowered:
.L_overlay_start_0:
0x88: {  	s2 =	sld [smem:$0x3FD9]  }
0x89: {  	s3 =	sld [smem:$0x3FFE];
	_ =	sdelay $0x1  }
0x8a: {  	s1 =	srdreg.scid  }
0x8b: {  	s0 =	sand.u32 $0x1, s1  }
0x8c: {  	s17 =	sshll.u32 s0, $0xA;
	s2 =	sadd.s32 s3, s2  }
0x8d: {  	s2 =	sadd.s32 s2, s17  }
0x8e: {  	[smem:$0x3FBF] =	sst s2  }
0x8f: {  	_ = 	snop  }
0x90: {  	s2 =	sld [smem:$0x3FD0];
	(tm) =	ssettm $0x1  }
0x91: {  	s18 =	sld [smem:$0x3FFB];
	_ =	sdelay $0x3  }
0x92: {  	_ =	strace s18  }
0x93: {  	s3 =	sld [smem:$0x3FFC];
	_ =	sdelay $0x3  }
0x94: {  	_ =	strace s3  }
0x95: {  	s3 =	sld [smem:$0x3FFD];
	_ =	sdelay $0x3  }
0x96: {  	_ =	strace s3  }
0x97: {  	_ =	strace $0x8FFFFFFF  }
0x98: {  	s19 =	sld [smem:$0x3FDB];
	_ =	sdelay $0x1  }
0x99: {  	s4 =	simm.s32 $_scs_section_size  }
0x9a: {  	s5 =	simm.s32 $_size__tile_overlayer_lowered;
	s6 =	simm.s32 $_tile_overlayer_lowered  }
0x9b: {  	s22 =	simm.s32 $0x1BFF;
	s21 =	sshll.u32 s6, $0x1;
	s3 =	sadd.s32 s4, s19  }
0x9c: {  	s7 =	simm.s32 $0x0;
	s20 =	sshll.u32 s5, $0x1;
	s5 =	sadd.s32 s21, s3  }
0x9d: {  	[timem:s7], [sflag:s22] =	dma.local [hbm:s5], s20  }
0x9e: {  	_ =	swait.ge [sflag:s22], s20  }
0x9f: {  	s4 =	ssub.s32 $0x0, s20;
	[sflag:s22] =	ssyncset.done $0x0  }
0xa0: {  	[sflag:s22] =	ssyncadd.s32 s4;
	_ =	sdelay $0x1  }
0xa1: {  	s23 =	simm.s32 $0x1B8B  }
0xa2: {  	_ =	swait.ge [sflag:s23], $0x1  }
0xa3: {  	[sflag:s23] =	ssyncset.done $0x0  }
0xa4: {  	s25 =	simm.s32 $0x1B8E;
	s24 =	sld [smem:$0x3FFE];
	[sflag:s23] =	ssyncadd.s32 $0xFFFFFFFF  }
0xa5: {  	s26 =	simm.s32 $execute0_lowered;
	[smem:$0x3FD2] =	sst s25  }
0xa6: {  	s5 =	sshll.u32 s26, $0x1;
	_ =	strace $0x80000046;
	[dreg:$0x1] =	wrdreg $0xFFFFFFFF  }
0xa7: {  	s28 =	simm.s32 $_size_execute0_lowered;
	s3 =	sadd.s32 s3, s5;
	[dreg:$0x0] =	wrdreg $0x0  }
0xa8: {  	s5 =	sshll.u32 s28, $0x1;
	[dreg:$0x2] =	wrdreg s3  }
0xa9: {  	[dreg:$0x3] =	wrdreg s5  }
0xaa: {  	[dreg:$0x4] =	wrdreg $0xC0  }
0xab: {  	_ =	task [dreg:s7], $0x5FFFF  }
0xac: {  	[dreg:$0x1] =	wrdreg $0xFFFFFFFF  }
0xad: {  	[dreg:$0x0] =	wrdreg $0x60  }
0xae: {  	[dreg:$0x2] =	wrdreg s24  }
0xaf: {  	[dreg:$0x3] =	wrdreg s2  }
0xb0: {  	[dreg:$0x4] =	wrdreg $0x3800  }
0xb1: {  	[dreg:$0x5] =	wrdreg $0x9  }
0xb2: {  	_ =	task.clear_ibuf [dreg:s7], $0x6FFFF;
	_ =	strace $0x90000046  }
0xb3: {  	s29 =	simm.s32 $0x9;
	_ =	strace $0x80000048  }
0xb4: {  	_ =	swait.ge [sflag:s29], $0x1  }
0xb5: {  	[sflag:s29] =	ssyncadd.s32 $0xFFFFFFFF  }
0xb6: {  	_ =	strace $0x90000048  }
0xb7: {  	_ =	sfence  }
0xb8: {  	s30 =	sld [smem:$0x0];
	_ =	sdelay $0x2  }
0xb9: {  	s31 =	sshll.u32 s1, $0xD;
	s1 =	sshrl.u32 s1, $0x2  }
0xba: {  	s3 =	sand.u32 $0x4000, s31;
	s1 =	sadd.s32 s1, s30  }
0xbb: {  	s0 =	sor.u32 s3, s0;
	s1 =	sshll.u32 s1, $0x11  }
0xbc: {  	s0 =	sor.u32 s1, s0  }
0xbd: {  	s0 =	sadd.s32 $0x8F2B, s0  }
0xbe: {  	[sflag:s0] =	ssyncadd.remote.s32 $0x1  }
0xbf: {  	_ =	sfence.sel $0xFFFF  }
0xc0: {  	[dreg:$0x0] =	wrdreg $0xFFFFFFFF;
	(pc) =	sbr.abs _section_cstart, $3  }
0xc1: {  	[dreg:$0x1] =	wrdreg $0xFFFFFFFF  }
0xc2: {  	_ =	task.clear_ibuf [dreg:s7], $0x2FFFF;
	_ =	strace $0x9FFFFFFF  }
0xc3: {  	(tm) =	ssettm $0x7FFFFFFF  }
tec
execute0_lowered:
.L_overlay_start_1:
0x0: {  	(tag) =	ssettag $0x1  }
0x1: {  	s4 =	rddreg [dreg:$0x0]  }
0x2: {  	s5 =	rddreg [dreg:$0x1]  }
0x3: {  	s1 =	rddreg [dreg:$0x2]  }
0x4: {  	s2 =	srdreg.scid;
	s0 =	rddreg [dreg:$0x3]  }
0x5: {  	s3 =	simm.s32 $0x0;
	s11 =	simm.s32 $0x300;
	s12 =	simm.s32 $0x80  }
0x6: {  	s15 =	simm.s32 $0x20;
	s6 =	sand.u32 $0x1, s2;
	s2 =	stileid.u32  }
0x7: {  	s16 =	simm.s32 $0x10;
	[smem:$0x7FF] =	sst s3;
	s7 =	smul.u32 $0x4F00, s6  }
0x8: {  	s17 =	simm.s32 $0x0;
	s8 =	smul.u32 $0xA00, s2;
	_ =	strace $0x80000047  }
0x9: {  	s9 =	ssub.s32 $0x2, s6;
	s10 =	smul.u32 $0x500, s2;
	s6 =	sshll.u32 s6, $0x7  }
0xa: {  	s30 =	smul.u32 $0x4F0, s2;
	s13 =	sshll.u32 s2, $0x6;
	s29 =	sshrl.u32 s9, $0x1  }
0xb: {  	s13 =	sor.u32 $0x1C01, s13;
	s7 =	sadd.s32 s7, s4;
	s8 =	sshrl.u32 s8, $0x2  }
0xc: {  	s6 =	sor.u32 s6, s10;
	s9 =	ssub.s32 s9, s29;
	s10 =	simm.s32 $0x280  }
0xd: {  	s4 =	sadd.s32 s8, s1;
	s6 =	sshrl.u32 s6, $0x3;
	s31 =	sadd.s32 s30, s7  }
0xe: {  	s5 =	sadd.s32 s5, s6;
	s6 =	smax.u32 s9, $0x1;
	s7 =	sadd.s32 $0x3A00, s31  }
0xf: {  	v0 =	vimm.f32 $0.0e+00;
	s8 =	sadd.s32 $0x17600, s31;
	s9 =	simm.s32 $0x1;
	s14 =	sshrl.u32 s4, $0x3  }
.LBB2_1:
0x10: {  	[tilespmem:$0x0] =	vst v0  }
0x11: {  	[tilespmem:$0x10] =	vst v0  }
0x12: {  	[tilespmem:$0x20] =	vst v0  }
0x13: {  	[tilespmem:$0x30] =	vst v0  }
0x14: {  	[tilespmem:$0x40] =	vst v0  }
0x15: {  	[tilespmem:$0x50] =	vst v0  }
0x16: {  	[tilespmem:$0x60] =	vst v0  }
0x17: {  	[tilespmem:$0x70] =	vst v0  }
0x18: {  	[tilespmem:$0x80] =	vst v0  }
0x19: {  	[tilespmem:$0x90] =	vst v0  }
0x1a: {  	[tilespmem:$0xA0] =	vst v0  }
0x1b: {  	[tilespmem:$0xB0] =	vst v0  }
0x1c: {  	[tilespmem:$0xC0] =	vst v0  }
0x1d: {  	[tilespmem:$0xD0] =	vst v0  }
0x1e: {  	[tilespmem:$0xE0] =	vst v0  }
0x1f: {  	[tilespmem:$0xF0] =	vst v0  }
0x20: {  	[tilespmem:$0x100] =	vst v0  }
0x21: {  	[tilespmem:$0x110] =	vst v0  }
0x22: {  	[tilespmem:$0x120] =	vst v0  }
0x23: {  	[tilespmem:$0x130] =	vst v0  }
0x24: {  	[tilespmem:$0x140] =	vst v0  }
0x25: {  	[tilespmem:$0x150] =	vst v0  }
0x26: {  	[tilespmem:$0x160] =	vst v0  }
0x27: {  	[tilespmem:$0x170] =	vst v0  }
0x28: {  	[tilespmem:$0x180] =	vst v0  }
0x29: {  	[tilespmem:$0x190] =	vst v0  }
0x2a: {  	[tilespmem:$0x1A0] =	vst v0  }
0x2b: {  	[tilespmem:$0x1B0] =	vst v0  }
0x2c: {  	[tilespmem:$0x1C0] =	vst v0  }
0x2d: {  	[tilespmem:$0x1D0] =	vst v0  }
0x2e: {  	[tilespmem:$0x1E0] =	vst v0  }
0x2f: {  	[tilespmem:$0x1F0] =	vst v0  }
0x30: {  	[tilespmem:$0x200] =	vst v0  }
0x31: {  	[tilespmem:$0x210] =	vst v0  }
0x32: {  	[tilespmem:$0x220] =	vst v0  }
0x33: {  	[tilespmem:$0x230] =	vst v0  }
0x34: {  	[tilespmem:$0x240] =	vst v0  }
0x35: {  	[tilespmem:$0x250] =	vst v0  }
0x36: {  	[tilespmem:$0x260] =	vst v0  }
0x37: {  	[tilespmem:$0x270] =	vst v0  }
0x38: {  	[spmem:s4] =	stream.linear.scatter [tilespmem:s3], [sflag:$0x1], $0x280, $0x38;
	[tilespmem:$0x600] =	vst v63  }
0x39: {  	_ =	swait.ge [sflag:s9], $0x280  }
0x3a: {  	[sflag:s9] =	ssyncset.done $0x0  }
0x3b: {  	[sflag:s9] =	ssyncadd.s32 $0xFFFFFD80  }
0x3c: {  	s18 =	sadd.s32 $0x0, s8;
	[bflag:$0x0] =	sbarrier.arrive $0xFFFF  }
0x3d: {  	[tilespmem:s10], [sflag:$0x1] =	stream.linear.gather [hbm4b:s18+s3], $0x80, $0x38;
	[tilespmem:$0x600] =	vst v63  }
0x3e: {  	_ =	swait.ge [sflag:s9], $0x80  }
0x3f: {  	[sflag:s9] =	ssyncset.done $0x0  }
0x40: {  	s31 =	sadd.s32 $0x0, s7;
	[sflag:s9] =	ssyncadd.s32 $0xFFFFFF80  }
0x41: {  	[tilespmem:s11], [sflag:$0x1] =	stream.linear.gather [hbm4b:s31+s3], $0x80, $0x38;
	[tilespmem:$0x600] =	vst v63  }
0x42: {  	_ =	swait.ge [sflag:s9], $0x80  }
0x43: {  	[sflag:s9] =	ssyncset.done $0x0  }
0x44: {  	[sflag:s9] =	ssyncadd.s32 $0xFFFFFF80  }
0x45: {  	[spmem:s1] =	stream.indirect.scatter.add.f32 [tilespmem:s11], [sflag:$0x1], $0x1, s10, s12, $0xb8;
	[tilespmem:$0x600] =	vst v63  }
0x46: {  	_ =	swait.ge [sflag:s9], $0x80  }
0x47: {  	s19 =	simm.s32 $0x20;
	s18 =	simm.s32 $0x10;
	[sflag:s9] =	ssyncset.done $0x0  }
.LBB2_2:
0x48: {  	s20 =	sadd.s32 s18, s8  }
0x49: {  	[sflag:s9] =	ssyncadd.s32 $0xFFFFFF80;
	s21 =	smov.u32 s19;
	s22 =	sadd.s32 $0x10, s19  }
0x4a: {  	[tilespmem:s10], [sflag:$0x1] =	stream.linear.gather [hbm4b:s20+s3], $0x80, $0x38;
	[tilespmem:$0x600] =	vst v63  }
0x4b: {  	p0 =	sne.s32 s19, $0x4E0;
	_ =	swait.ge [sflag:s9], $0x80  }
0x4c: {  	[sflag:s9] =	ssyncset.done $0x0  }
0x4d: {  	s19 =	sadd.s32 s18, s7;
	s18 =	smov.u32 s21;
	[sflag:s9] =	ssyncadd.s32 $0xFFFFFF80  }
0x4e: {  	[tilespmem:s11], [sflag:$0x1] =	stream.linear.gather [hbm4b:s19+s3], $0x80, $0x38;
	[tilespmem:$0x600] =	vst v63  }
0x4f: {  	_ =	swait.ge [sflag:s9], $0x80  }
.Ltmp0:
0x50: {  	[sflag:s9] =	ssyncset.done $0x0;
	(pc) =	sbr.rel @p0 .LBB2_2-.Ltmp0, $4  }
0x51: {  	[sflag:s9] =	ssyncadd.s32 $0xFFFFFF80  }
0x52: {  	[spmem:s1] =	stream.indirect.scatter.add.f32 [tilespmem:s11], [sflag:$0x1], $0x1, s10, s12, $0xb8;
	[tilespmem:$0x600] =	vst v63  }
0x53: {  	_ =	swait.ge [sflag:s9], $0x80  }
0x54: {  	s19 =	smov.u32 s22;
	[sflag:s9] =	ssyncset.done $0x0  }
0x55: {  	s19 =	sadd.s32 s18, s8;
	[sflag:s9] =	ssyncadd.s32 $0xFFFFFF80  }
0x56: {  	[tilespmem:s10], [sflag:$0x1] =	stream.linear.gather [hbm4b:s19+s3], $0x80, $0x38;
	[tilespmem:$0x600] =	vst v63  }
0x57: {  	_ =	swait.ge [sflag:s9], $0x80  }
0x58: {  	[sflag:s9] =	ssyncset.done $0x0  }
0x59: {  	s31 =	sadd.s32 s18, s7;
	[sflag:s9] =	ssyncadd.s32 $0xFFFFFF80  }
0x5a: {  	[tilespmem:s11], [sflag:$0x1] =	stream.linear.gather [hbm4b:s31+s3], $0x80, $0x38;
	[tilespmem:$0x600] =	vst v63  }
0x5b: {  	_ =	swait.ge [sflag:s9], $0x80  }
0x5c: {  	[sflag:s9] =	ssyncset.done $0x0  }
0x5d: {  	[sflag:s9] =	ssyncadd.s32 $0xFFFFFF80  }
0x5e: {  	[spmem:s1] =	stream.indirect.scatter.add.f32 [tilespmem:s11], [sflag:$0x1], $0x1, s10, s12, $0xb8;
	[tilespmem:$0x600] =	vst v63  }
0x5f: {  	_ =	swait.ge [sflag:s9], $0x80  }
0x60: {  	s17 =	sadd.s32 $0x1, s17;
	[sflag:s9] =	ssyncset.done $0x0  }
0x61: {  	p0 =	sne.s32 s17, s6;
	[sflag:s9] =	ssyncadd.s32 $0xFFFFFF80  }
.Ltmp1:
0x62: {  	[bflag:$0x0] =	sbarrier.arrive $0xFFFF;
	(pc) =	sbr.rel @p0 .LBB2_1-.Ltmp1, $4  }
0x63: {  	[hbm:s5@s15], [sflag:s13] =	dma.strided [spmem:s14@s16], $0x50, s9, $0x10   }
0x64: {  	_ =	swait.ge [sflag:s9], $0x50  }
0x65: {  	[sflag:s9] =	ssyncset.done $0x0  }
0x66: {  	[sflag:s9] =	ssyncadd.s32 $0xFFFFFFB0  }
0x67: {  	_ =	sfence.sel $0x180000  }
0x68: {  	[bflag:$0x0] =	sbarrier.arrive $0xFFFF  }
0x69: {  	p0 =	sne.s32 s2, $0x0;
	_ =	strace $0x90000047  }
0x6a: {  	s0 =	sadd.s32 @!p0 $0x100000, s0;
	[bflag:$0x2] =	sbarrier.arrive $0xFFFF  }
0x6b: {  	[sflag:s0] =	ssyncadd.tile.s32 @!p0 $0x1;
	_ =	shalt  }
.Lfunc_end2:
_tile_overlayer_lowered:
.L_overlay_start_2:
0x6c: {  	(tag) =	ssettag $0x2  }
0x6d: {  	s0 =	rddreg [dreg:$0x0];
	s2 =	stileid.u32  }
0x6e: {  	s1 =	rddreg [dreg:$0x1];
	p0 =	sne.s32 s2, $0x0  }
0x6f: {  	s3 =	rddreg [dreg:$0x2];
	[bflag:$0x3] =	sbarrier.arrive $0xFFFF;
	s2 =	simm.s32 @!p0 $0x1C01  }
0x70: {  	[timem:s3], [sflag:s2] =	dma.local @!p0 [hbm:s0], s1  }
0x71: {  	s0 =	simm.s32 @!p0 $0x1  }
0x72: {  	_ =	swait.ge @!p0 [sflag:s0], s1  }
0x73: {  	s1 =	ssub.s32 @!p0 $0x0, s1;
	[sflag:s0] =	ssyncset.done @!p0 $0x0  }
0x74: {  	[sflag:s0] =	ssyncadd.s32 @!p0 s1  }
0x75: {  	[bflag:$0x3] =	sbarrier.arrive $0xFFFF  }
0x76: {  	_ =	shalt  }

</sc_bundles>
